<compile_context>
chip_gen: v7x
topology: tpu7x:2x2x1
jax: 0.10.2.dev20260603
libtpu: 0.0.44.dev20260713+nightly
codegen_flags: <defaults>
</compile_context>

<pallas_src>
import jax
import jax.numpy as jnp
from jax import lax
from jax.experimental import pallas as pl
from jax.experimental.pallas import tpu as pltpu
from jax.experimental.pallas import tpu_sc as plsc

PATCH = 196
EMBED = 768
BATCH = 256
LANES = 16
MPAD = 208
NCHUNK = MPAD // LANES
NRING = 4
NC = 2
NS = 16
NW = NC * NS
B_PER_W = BATCH // NW
ROWS = BATCH * PATCH


def _sc_body(x_hbm, maskp_hbm, zeros_hbm, out_hbm,
             mask_v, keep_v, zero_v, gbuf, zbuf,
             gsems, ssems, zsem):
    wid = lax.axis_index("s") * NC + lax.axis_index("c")

    pltpu.sync_copy(maskp_hbm, mask_v)
    pltpu.sync_copy(zeros_hbm, zbuf)

    ones = jnp.full((LANES,), 1, jnp.int32)
    zeros16 = jnp.full((LANES,), 0, jnp.int32)
    nk_v = zeros16
    nz_v = zeros16
    lastk = jnp.int32(0)
    for j in range(NCHUNK):
        m = mask_v[pl.ds(j * LANES, LANES)]
        p = j * LANES + lax.iota(jnp.int32, LANES)
        valid = p < PATCH
        keep = (m == 0) & (p > 0) & valid
        zero = jnp.logical_not(keep) & valid
        kpos = jnp.maximum(nk_v + lax.cumsum(jnp.where(keep, ones, zeros16)) - 1, 0)
        zpos = jnp.maximum(nz_v + lax.cumsum(jnp.where(zero, ones, zeros16)) - 1, 0)
        plsc.store_scatter(keep_v, [kpos], p, mask=keep)
        plsc.store_scatter(zero_v, [zpos], p, mask=zero)
        nk_v = nk_v + plsc.all_reduce_population_count(keep)
        nz_v = nz_v + plsc.all_reduce_population_count(zero)
        lastk = jnp.maximum(lastk, jnp.max(jnp.where(keep, p, zeros16)))
    lastk_v = jnp.full((LANES,), 1, jnp.int32) * lastk
    for j in range(NCHUNK):
        p = j * LANES + lax.iota(jnp.int32, LANES)
        plsc.store_scatter(keep_v, [p], lastk_v, mask=p >= nk_v)
        plsc.store_scatter(zero_v, [p], zeros16, mask=p >= nz_v)
    n_keep = jnp.max(nk_v)
    n_zero = jnp.max(nz_v)

    def kidx(j, basev):
        return keep_v[pl.ds(j * LANES, LANES)] * BATCH + basev

    def zidx(j, basev):
        return zero_v[pl.ds(j * LANES, LANES)] * BATCH + basev

    def batch_body(bl, carry):
        b = wid * B_PER_W + bl
        basev = jnp.full((LANES,), b, jnp.int32)
        x_b = x_hbm
        out_b = out_hbm

        for j in range(NCHUNK):

            @pl.when(j * LANES < n_zero)
            def _():
                pltpu.async_copy(zbuf, out_b.at[zidx(j, basev)], zsem)

        for j in range(NCHUNK + 1):
            if j < NCHUNK:
                s = j % NRING

                @pl.when(j * LANES < n_keep)
                def _():
                    if j >= NRING:
                        pltpu.make_async_copy(
                            gbuf.at[s], out_b.at[kidx(j - NRING, basev)],
                            ssems.at[s]).wait()
                    pltpu.async_copy(x_b.at[kidx(j, basev)], gbuf.at[s],
                                     gsems.at[s])

            if j >= 1:
                jj = j - 1
                s = jj % NRING

                @pl.when(jj * LANES < n_keep)
                def _():
                    pltpu.make_async_copy(x_b.at[kidx(jj, basev)],
                                          gbuf.at[s], gsems.at[s]).wait()
                    pltpu.async_copy(gbuf.at[s], out_b.at[kidx(jj, basev)],
                                     ssems.at[s])

        for j in range(NCHUNK):
            s = j % NRING

            @pl.when((j * LANES < n_keep) & ((j + NRING) * LANES >= n_keep))
            def _():
                pltpu.make_async_copy(gbuf.at[s],
                                      out_b.at[kidx(j, basev)],
                                      ssems.at[s]).wait()

        for j in range(NCHUNK):

            @pl.when(j * LANES < n_zero)
            def _():
                pltpu.make_async_copy(zbuf, out_b.at[zidx(j, basev)],
                                      zsem).wait()

        return carry

    lax.fori_loop(0, B_PER_W, batch_body, 0)


def kernel(x, mask):
    xt = jnp.transpose(x, (1, 0, 2)).reshape(ROWS, EMBED)
    maskp = jnp.concatenate(
        [mask.reshape(-1), jnp.ones((MPAD - PATCH,), mask.dtype)]
    )
    zeros = jnp.zeros((LANES, EMBED), x.dtype)
    mesh = plsc.VectorSubcoreMesh(core_axis_name="c", subcore_axis_name="s")
    out = pl.kernel(
        _sc_body,
        out_type=jax.ShapeDtypeStruct((ROWS, EMBED), x.dtype),
        mesh=mesh,
        compiler_params=pltpu.CompilerParams(needs_layout_passes=False),
        scratch_types=[
            pltpu.VMEM((MPAD,), jnp.int32),
            pltpu.VMEM((MPAD,), jnp.int32),
            pltpu.VMEM((MPAD,), jnp.int32),
            pltpu.VMEM((NRING, LANES, EMBED), jnp.float32),
            pltpu.VMEM((LANES, EMBED), jnp.float32),
            pltpu.SemaphoreType.DMA((NRING,)),
            pltpu.SemaphoreType.DMA((NRING,)),
            pltpu.SemaphoreType.DMA,
        ],
    )(xt, maskp, zeros)
    out = jnp.transpose(out.reshape(PATCH, BATCH, EMBED), (1, 0, 2))
    return (out, mask)

# --- scband reference (transcript-rebuilt; emitter-appended) ---
"""Pipeline reference for scband-random-mask-83133386981935 (READ-ONLY COPY).

The authoritative reference and input builder live on the scoring server;
editing this copy changes nothing except your own understanding.
"""

import jax, jax.numpy as jnp
import numpy as np

PATCHS = 14
EMBED_DIM = 768
BATCH = 256


def setup_inputs(seed: int = 0) -> dict:
    key = jax.random.key(seed)
    k1, k2 = jax.random.split(key)
    x = jax.random.normal(k1, (BATCH, PATCHS * PATCHS, EMBED_DIM), dtype=jnp.float32)
    # Buffer created in __init__: torch.randint(2, (patchs*patchs, 1))
    mask = jax.random.randint(k2, (PATCHS * PATCHS, 1), 0, 2, dtype=jnp.int32)
    return {"x": x, "mask": mask}


def reference(x, mask):
    n = mask.shape[0]
    # index = arange(P*P).unsqueeze(1)
    index = jnp.arange(n, dtype=mask.dtype)[:, None]
    # mask_index = (index * mask).flatten()  (positions with mask==0 collapse to index 0)
    mask_index = (index * mask).reshape(-1)
    # out = x.index_fill(1, mask_index, 0): overwrite selected rows along dim 1 with 0.
    # Duplicate indices are fine since all writes are the same constant.
    out = x.at[:, mask_index, :].set(0.0)
    return (out, mask)

if __name__ == "__main__":
    import jax
    _d = setup_inputs()
    print(jax.jit(kernel)(*tuple(_d.values())))

</pallas_src>

<mosaic_0001>
#map = affine_map<(d0, d1) -> (0, 0)>
#map1 = affine_map<(d0, d1) -> (0)>
module attributes {stable_mosaic.version = 14 : i64} {
  func.func @_sc_body(%arg0: i32, %arg1: i32, %arg2: memref<50176x768xf32, #tpu.memory_space<hbm>>, %arg3: memref<208xi32, #tpu.memory_space<hbm>>, %arg4: memref<16x768xf32, #tpu.memory_space<hbm>>, %arg5: memref<50176x768xf32, #tpu.memory_space<hbm>>, %arg6: memref<208xi32, #tpu.memory_space<vmem>>, %arg7: memref<208xi32, #tpu.memory_space<vmem>>, %arg8: memref<208xi32, #tpu.memory_space<vmem>>, %arg9: memref<4x16x768xf32, #tpu.memory_space<vmem>>, %arg10: memref<16x768xf32, #tpu.memory_space<vmem>>, %arg11: memref<4x!tpu.dma_semaphore, #tpu.memory_space<semaphore_mem>>, %arg12: memref<4x!tpu.dma_semaphore, #tpu.memory_space<semaphore_mem>>, %arg13: memref<!tpu.dma_semaphore, #tpu.memory_space<semaphore_mem>>) attributes {dimension_semantics = [#tpu.dimension_semantics<core_parallel>, #tpu.dimension_semantics<subcore_parallel>], iteration_bounds = array<i64: 2, 16>, scalar_prefetch = 0 : i64, scratch_operands = 8 : i64, tpu.core_type = #tpu.core_type<sc_vector_subcore>, window_params = [{transform_indices = #map}, {transform_indices = #map1}, {transform_indices = #map}, {transform_indices = #map}]} {
    %mul3A = arith.constant 2 : i32
    %mul3A_0 = arith.muli %arg1, %mul3A : i32
    %add3A = arith.addi %mul3A_0, %arg0 : i32
    "tpu.region"() ({
      %run_scoped3A = tpu.sem_alloc : memref<!tpu.dma_semaphore, #tpu.memory_space<semaphore_mem>>
      tpu.enqueue_dma source(%arg3 : memref<208xi32, #tpu.memory_space<hbm>>) target(%arg6 : memref<208xi32, #tpu.memory_space<vmem>>) target_semaphore(%run_scoped3A : memref<!tpu.dma_semaphore, #tpu.memory_space<semaphore_mem>>)
      tpu.wait_dma2 semaphore(%run_scoped3A : memref<!tpu.dma_semaphore, #tpu.memory_space<semaphore_mem>>) src(%arg3 : memref<208xi32, #tpu.memory_space<hbm>>) dst(%arg6 : memref<208xi32, #tpu.memory_space<vmem>>)
      tpu.yield
    }) : () -> ()
    "tpu.region"() ({
      %run_scoped3A = tpu.sem_alloc : memref<!tpu.dma_semaphore, #tpu.memory_space<semaphore_mem>>
      tpu.enqueue_dma source(%arg4 : memref<16x768xf32, #tpu.memory_space<hbm>>) target(%arg10 : memref<16x768xf32, #tpu.memory_space<vmem>>) target_semaphore(%run_scoped3A : memref<!tpu.dma_semaphore, #tpu.memory_space<semaphore_mem>>)
      tpu.wait_dma2 semaphore(%run_scoped3A : memref<!tpu.dma_semaphore, #tpu.memory_space<semaphore_mem>>) src(%arg4 : memref<16x768xf32, #tpu.memory_space<hbm>>) dst(%arg10 : memref<16x768xf32, #tpu.memory_space<vmem>>)
      tpu.yield
    }) : () -> ()
    %broadcast_in_dim3A = arith.constant 1 : i32
    %broadcast_in_dim3A_1 = vector.broadcast %broadcast_in_dim3A : i32 to vector<16xi32>
    %broadcast_in_dim3A_2 = arith.constant 0 : i32
    %broadcast_in_dim3A_3 = vector.broadcast %broadcast_in_dim3A_2 : i32 to vector<16xi32>
    %get3A = arith.constant 0 : index
    %get3A_4 = tpu.vector_load %arg6[%get3A] {strides = array<i32>} : memref<208xi32, #tpu.memory_space<vmem>>, vector<16xi32>,
    %iota3A = tpu.iota {dimensions = array<i32: 0>} : vector<16xi32>
    %add3A_5 = arith.constant 0 : i32
    %add3A_6 = vector.broadcast %add3A_5 : i32 to vector<16xi32>
    %add3A_7 = arith.addi %add3A_6, %iota3A : vector<16xi32>
    %lt3A = arith.constant 196 : i32
    %lt3A_8 = vector.broadcast %lt3A : i32 to vector<16xi32>
    %lt3A_9 = arith.cmpi slt, %add3A_7, %lt3A_8 : vector<16xi32>
    %eq3A = arith.constant 0 : i32
    %eq3A_10 = vector.broadcast %eq3A : i32 to vector<16xi32>
    %eq3A_11 = arith.cmpi eq, %get3A_4, %eq3A_10 : vector<16xi32>
    %gt3A = arith.constant 0 : i32
    %gt3A_12 = vector.broadcast %gt3A : i32 to vector<16xi32>
    %gt3A_13 = arith.cmpi sgt, %add3A_7, %gt3A_12 : vector<16xi32>
    %and3A = arith.andi %eq3A_11, %gt3A_13 : vector<16xi1>
    %and3A_14 = arith.andi %and3A, %lt3A_9 : vector<16xi1>
    %not3A = arith.constant dense<true> : vector<16xi1>
    %not3A_15 = arith.xori %and3A_14, %not3A : vector<16xi1>
    %and3A_16 = arith.andi %not3A_15, %lt3A_9 : vector<16xi1>
    %select_n3A = arith.select %and3A_14, %broadcast_in_dim3A_1, %broadcast_in_dim3A_3 : vector<16xi1>, vector<16xi32>
    %cumsum3A = arith.constant true
    %cumsum3A_17 = vector.broadcast %cumsum3A : i1 to vector<16xi1>
    %cumsum3A_18 = tpu.scan <sum>, %select_n3A masked %cumsum3A_17 : vector<16xi32>, vector<16xi1> -> vector<16xi32>
    %add3A_19 = arith.addi %broadcast_in_dim3A_3, %cumsum3A_18 : vector<16xi32>
    %sub3A = arith.constant 1 : i32
    %sub3A_20 = vector.broadcast %sub3A : i32 to vector<16xi32>
    %sub3A_21 = arith.subi %add3A_19, %sub3A_20 : vector<16xi32>
    %max3A = arith.constant 0 : i32
    %max3A_22 = vector.broadcast %max3A : i32 to vector<16xi32>
    %max3A_23 = arith.maxsi %sub3A_21, %max3A_22 : vector<16xi32>
    %select_n3A_24 = arith.select %and3A_16, %broadcast_in_dim3A_1, %broadcast_in_dim3A_3 : vector<16xi1>, vector<16xi32>
    %cumsum3A_25 = arith.constant true
    %cumsum3A_26 = vector.broadcast %cumsum3A_25 : i1 to vector<16xi1>
    %cumsum3A_27 = tpu.scan <sum>, %select_n3A_24 masked %cumsum3A_26 : vector<16xi32>, vector<16xi1> -> vector<16xi32>
    %add3A_28 = arith.addi %broadcast_in_dim3A_3, %cumsum3A_27 : vector<16xi32>
    %sub3A_29 = arith.constant 1 : i32
    %sub3A_30 = vector.broadcast %sub3A_29 : i32 to vector<16xi32>
    %sub3A_31 = arith.subi %add3A_28, %sub3A_30 : vector<16xi32>
    %max3A_32 = arith.constant 0 : i32
    %max3A_33 = vector.broadcast %max3A_32 : i32 to vector<16xi32>
    %max3A_34 = arith.maxsi %sub3A_31, %max3A_33 : vector<16xi32>
    tpu.vector_store_idx %arg7[%max3A_23], %add3A_7 masked %and3A_14 : memref<208xi32, #tpu.memory_space<vmem>>[vector<16xi32>], vector<16xi32>, vector<16xi1>
    tpu.vector_store_idx %arg8[%max3A_34], %add3A_7 masked %and3A_16 : memref<208xi32, #tpu.memory_space<vmem>>[vector<16xi32>], vector<16xi32>, vector<16xi1>
    %all_reduce_population_count3A = tpu.all_reduce %and3A_14 {dim = 0 : i64, kind = #tpu.reduction_kind<sum>} : vector<16xi1> -> vector<16xi32>
    %add3A_35 = arith.addi %broadcast_in_dim3A_3, %all_reduce_population_count3A : vector<16xi32>
    %all_reduce_population_count3A_36 = tpu.all_reduce %and3A_16 {dim = 0 : i64, kind = #tpu.reduction_kind<sum>} : vector<16xi1> -> vector<16xi32>
    %add3A_37 = arith.addi %broadcast_in_dim3A_3, %all_reduce_population_count3A_36 : vector<16xi32>
    %select_n3A_38 = arith.select %and3A_14, %add3A_7, %broadcast_in_dim3A_3 : vector<16xi1>, vector<16xi32>
    %reduce_max3A = arith.constant true
    %reduce_max3A_39 = vector.broadcast %reduce_max3A : i1 to vector<16xi1>
    %reduce_max3A_40 = arith.constant -2147483648 : i32
    %reduce_max3A_41 = vector.broadcast %reduce_max3A_40 : i32 to vector<16xi32>
    %reduce_max3A_42 = arith.xori %select_n3A_38, %reduce_max3A_41 : vector<16xi32>
    %reduce_max3A_43 = tpu.scan <max>, %reduce_max3A_42 masked %reduce_max3A_39 : vector<16xi32>, vector<16xi1> -> vector<16xi32>
    %reduce_max3A_44 = arith.xori %reduce_max3A_43, %reduce_max3A_41 : vector<16xi32>
    %reduce_max3A_45 = vector.extract %reduce_max3A_44[15] : i32 from vector<16xi32>
    %max3A_46 = arith.constant 0 : i32
    %max3A_47 = arith.maxsi %max3A_46, %reduce_max3A_45 : i32
    %get3A_48 = arith.constant 16 : index
    %get3A_49 = tpu.vector_load %arg6[%get3A_48] {strides = array<i32>} : memref<208xi32, #tpu.memory_space<vmem>>, vector<16xi32>,
    %iota3A_50 = tpu.iota {dimensions = array<i32: 0>} : vector<16xi32>
    %add3A_51 = arith.constant 16 : i32
    %add3A_52 = vector.broadcast %add3A_51 : i32 to vector<16xi32>
    %add3A_53 = arith.addi %add3A_52, %iota3A_50 : vector<16xi32>
    %lt3A_54 = arith.constant 196 : i32
    %lt3A_55 = vector.broadcast %lt3A_54 : i32 to vector<16xi32>
    %lt3A_56 = arith.cmpi slt, %add3A_53, %lt3A_55 : vector<16xi32>
    %eq3A_57 = arith.constant 0 : i32
    %eq3A_58 = vector.broadcast %eq3A_57 : i32 to vector<16xi32>
    %eq3A_59 = arith.cmpi eq, %get3A_49, %eq3A_58 : vector<16xi32>
    %gt3A_60 = arith.constant 0 : i32
    %gt3A_61 = vector.broadcast %gt3A_60 : i32 to vector<16xi32>
    %gt3A_62 = arith.cmpi sgt, %add3A_53, %gt3A_61 : vector<16xi32>
    %and3A_63 = arith.andi %eq3A_59, %gt3A_62 : vector<16xi1>
    %and3A_64 = arith.andi %and3A_63, %lt3A_56 : vector<16xi1>
    %not3A_65 = arith.constant dense<true> : vector<16xi1>
    %not3A_66 = arith.xori %and3A_64, %not3A_65 : vector<16xi1>
    %and3A_67 = arith.andi %not3A_66, %lt3A_56 : vector<16xi1>
    %select_n3A_68 = arith.select %and3A_64, %broadcast_in_dim3A_1, %broadcast_in_dim3A_3 : vector<16xi1>, vector<16xi32>
    %cumsum3A_69 = arith.constant true
    %cumsum3A_70 = vector.broadcast %cumsum3A_69 : i1 to vector<16xi1>
    %cumsum3A_71 = tpu.scan <sum>, %select_n3A_68 masked %cumsum3A_70 : vector<16xi32>, vector<16xi1> -> vector<16xi32>
    %add3A_72 = arith.addi %add3A_35, %cumsum3A_71 : vector<16xi32>
    %sub3A_73 = arith.constant 1 : i32
    %sub3A_74 = vector.broadcast %sub3A_73 : i32 to vector<16xi32>
    %sub3A_75 = arith.subi %add3A_72, %sub3A_74 : vector<16xi32>
    %max3A_76 = arith.constant 0 : i32
    %max3A_77 = vector.broadcast %max3A_76 : i32 to vector<16xi32>
    %max3A_78 = arith.maxsi %sub3A_75, %max3A_77 : vector<16xi32>
    %select_n3A_79 = arith.select %and3A_67, %broadcast_in_dim3A_1, %broadcast_in_dim3A_3 : vector<16xi1>, vector<16xi32>
    %cumsum3A_80 = arith.constant true
    %cumsum3A_81 = vector.broadcast %cumsum3A_80 : i1 to vector<16xi1>
    %cumsum3A_82 = tpu.scan <sum>, %select_n3A_79 masked %cumsum3A_81 : vector<16xi32>, vector<16xi1> -> vector<16xi32>
    %add3A_83 = arith.addi %add3A_37, %cumsum3A_82 : vector<16xi32>
    %sub3A_84 = arith.constant 1 : i32
    %sub3A_85 = vector.broadcast %sub3A_84 : i32 to vector<16xi32>
    %sub3A_86 = arith.subi %add3A_83, %sub3A_85 : vector<16xi32>
    %max3A_87 = arith.constant 0 : i32
    %max3A_88 = vector.broadcast %max3A_87 : i32 to vector<16xi32>
    %max3A_89 = arith.maxsi %sub3A_86, %max3A_88 : vector<16xi32>
    tpu.vector_store_idx %arg7[%max3A_78], %add3A_53 masked %and3A_64 : memref<208xi32, #tpu.memory_space<vmem>>[vector<16xi32>], vector<16xi32>, vector<16xi1>
    tpu.vector_store_idx %arg8[%max3A_89], %add3A_53 masked %and3A_67 : memref<208xi32, #tpu.memory_space<vmem>>[vector<16xi32>], vector<16xi32>, vector<16xi1>
    %all_reduce_population_count3A_90 = tpu.all_reduce %and3A_64 {dim = 0 : i64, kind = #tpu.reduction_kind<sum>} : vector<16xi1> -> vector<16xi32>
    %add3A_91 = arith.addi %add3A_35, %all_reduce_population_count3A_90 : vector<16xi32>
    %all_reduce_population_count3A_92 = tpu.all_reduce %and3A_67 {dim = 0 : i64, kind = #tpu.reduction_kind<sum>} : vector<16xi1> -> vector<16xi32>
    %add3A_93 = arith.addi %add3A_37, %all_reduce_population_count3A_92 : vector<16xi32>
    %select_n3A_94 = arith.select %and3A_64, %add3A_53, %broadcast_in_dim3A_3 : vector<16xi1>, vector<16xi32>
    %reduce_max3A_95 = arith.constant true
    %reduce_max3A_96 = vector.broadcast %reduce_max3A_95 : i1 to vector<16xi1>
    %reduce_max3A_97 = arith.constant -2147483648 : i32
    %reduce_max3A_98 = vector.broadcast %reduce_max3A_97 : i32 to vector<16xi32>
    %reduce_max3A_99 = arith.xori %select_n3A_94, %reduce_max3A_98 : vector<16xi32>
    %reduce_max3A_100 = tpu.scan <max>, %reduce_max3A_99 masked %reduce_max3A_96 : vector<16xi32>, vector<16xi1> -> vector<16xi32>
    %reduce_max3A_101 = arith.xori %reduce_max3A_100, %reduce_max3A_98 : vector<16xi32>
    %reduce_max3A_102 = vector.extract %reduce_max3A_101[15] : i32 from vector<16xi32>
    %max3A_103 = arith.maxsi %max3A_47, %reduce_max3A_102 : i32
    %get3A_104 = arith.constant 32 : index
    %get3A_105 = tpu.vector_load %arg6[%get3A_104] {strides = array<i32>} : memref<208xi32, #tpu.memory_space<vmem>>, vector<16xi32>,
    %iota3A_106 = tpu.iota {dimensions = array<i32: 0>} : vector<16xi32>
    %add3A_107 = arith.constant 32 : i32
    %add3A_108 = vector.broadcast %add3A_107 : i32 to vector<16xi32>
    %add3A_109 = arith.addi %add3A_108, %iota3A_106 : vector<16xi32>
    %lt3A_110 = arith.constant 196 : i32
    %lt3A_111 = vector.broadcast %lt3A_110 : i32 to vector<16xi32>
    %lt3A_112 = arith.cmpi slt, %add3A_109, %lt3A_111 : vector<16xi32>
    %eq3A_113 = arith.constant 0 : i32
    %eq3A_114 = vector.broadcast %eq3A_113 : i32 to vector<16xi32>
    %eq3A_115 = arith.cmpi eq, %get3A_105, %eq3A_114 : vector<16xi32>
    %gt3A_116 = arith.constant 0 : i32
    %gt3A_117 = vector.broadcast %gt3A_116 : i32 to vector<16xi32>
    %gt3A_118 = arith.cmpi sgt, %add3A_109, %gt3A_117 : vector<16xi32>
    %and3A_119 = arith.andi %eq3A_115, %gt3A_118 : vector<16xi1>
    %and3A_120 = arith.andi %and3A_119, %lt3A_112 : vector<16xi1>
    %not3A_121 = arith.constant dense<true> : vector<16xi1>
    %not3A_122 = arith.xori %and3A_120, %not3A_121 : vector<16xi1>
    %and3A_123 = arith.andi %not3A_122, %lt3A_112 : vector<16xi1>
    %select_n3A_124 = arith.select %and3A_120, %broadcast_in_dim3A_1, %broadcast_in_dim3A_3 : vector<16xi1>, vector<16xi32>
    %cumsum3A_125 = arith.constant true
    %cumsum3A_126 = vector.broadcast %cumsum3A_125 : i1 to vector<16xi1>
    %cumsum3A_127 = tpu.scan <sum>, %select_n3A_124 masked %cumsum3A_126 : vector<16xi32>, vector<16xi1> -> vector<16xi32>
    %add3A_128 = arith.addi %add3A_91, %cumsum3A_127 : vector<16xi32>
    %sub3A_129 = arith.constant 1 : i32
    %sub3A_130 = vector.broadcast %sub3A_129 : i32 to vector<16xi32>
    %sub3A_131 = arith.subi %add3A_128, %sub3A_130 : vector<16xi32>
    %max3A_132 = arith.constant 0 : i32
    %max3A_133 = vector.broadcast %max3A_132 : i32 to vector<16xi32>
    %max3A_134 = arith.maxsi %sub3A_131, %max3A_133 : vector<16xi32>
    %select_n3A_135 = arith.select %and3A_123, %broadcast_in_dim3A_1, %broadcast_in_dim3A_3 : vector<16xi1>, vector<16xi32>
    %cumsum3A_136 = arith.constant true
    %cumsum3A_137 = vector.broadcast %cumsum3A_136 : i1 to vector<16xi1>
    %cumsum3A_138 = tpu.scan <sum>, %select_n3A_135 masked %cumsum3A_137 : vector<16xi32>, vector<16xi1> -> vector<16xi32>
    %add3A_139 = arith.addi %add3A_93, %cumsum3A_138 : vector<16xi32>
    %sub3A_140 = arith.constant 1 : i32
    %sub3A_141 = vector.broadcast %sub3A_140 : i32 to vector<16xi32>
    %sub3A_142 = arith.subi %add3A_139, %sub3A_141 : vector<16xi32>
    %max3A_143 = arith.constant 0 : i32
    %max3A_144 = vector.broadcast %max3A_143 : i32 to vector<16xi32>
    %max3A_145 = arith.maxsi %sub3A_142, %max3A_144 : vector<16xi32>
    tpu.vector_store_idx %arg7[%max3A_134], %add3A_109 masked %and3A_120 : memref<208xi32, #tpu.memory_space<vmem>>[vector<16xi32>], vector<16xi32>, vector<16xi1>
    tpu.vector_store_idx %arg8[%max3A_145], %add3A_109 masked %and3A_123 : memref<208xi32, #tpu.memory_space<vmem>>[vector<16xi32>], vector<16xi32>, vector<16xi1>
    %all_reduce_population_count3A_146 = tpu.all_reduce %and3A_120 {dim = 0 : i64, kind = #tpu.reduction_kind<sum>} : vector<16xi1> -> vector<16xi32>
    %add3A_147 = arith.addi %add3A_91, %all_reduce_population_count3A_146 : vector<16xi32>
    %all_reduce_population_count3A_148 = tpu.all_reduce %and3A_123 {dim = 0 : i64, kind = #tpu.reduction_kind<sum>} : vector<16xi1> -> vector<16xi32>
    %add3A_149 = arith.addi %add3A_93, %all_reduce_population_count3A_148 : vector<16xi32>
    %select_n3A_150 = arith.select %and3A_120, %add3A_109, %broadcast_in_dim3A_3 : vector<16xi1>, vector<16xi32>
    %reduce_max3A_151 = arith.constant true
    %reduce_max3A_152 = vector.broadcast %reduce_max3A_151 : i1 to vector<16xi1>
    %reduce_max3A_153 = arith.constant -2147483648 : i32
    %reduce_max3A_154 = vector.broadcast %reduce_max3A_153 : i32 to vector<16xi32>
    %reduce_max3A_155 = arith.xori %select_n3A_150, %reduce_max3A_154 : vector<16xi32>
    %reduce_max3A_156 = tpu.scan <max>, %reduce_max3A_155 masked %reduce_max3A_152 : vector<16xi32>, vector<16xi1> -> vector<16xi32>
    %reduce_max3A_157 = arith.xori %reduce_max3A_156, %reduce_max3A_154 : vector<16xi32>
    %reduce_max3A_158 = vector.extract %reduce_max3A_157[15] : i32 from vector<16xi32>
    %max3A_159 = arith.maxsi %max3A_103, %reduce_max3A_158 : i32
    %get3A_160 = arith.constant 48 : index
    %get3A_161 = tpu.vector_load %arg6[%get3A_160] {strides = array<i32>} : memref<208xi32, #tpu.memory_space<vmem>>, vector<16xi32>,
    %iota3A_162 = tpu.iota {dimensions = array<i32: 0>} : vector<16xi32>
    %add3A_163 = arith.constant 48 : i32
    %add3A_164 = vector.broadcast %add3A_163 : i32 to vector<16xi32>
    %add3A_165 = arith.addi %add3A_164, %iota3A_162 : vector<16xi32>
    %lt3A_166 = arith.constant 196 : i32
    %lt3A_167 = vector.broadcast %lt3A_166 : i32 to vector<16xi32>
    %lt3A_168 = arith.cmpi slt, %add3A_165, %lt3A_167 : vector<16xi32>
    %eq3A_169 = arith.constant 0 : i32
    %eq3A_170 = vector.broadcast %eq3A_169 : i32 to vector<16xi32>
    %eq3A_171 = arith.cmpi eq, %get3A_161, %eq3A_170 : vector<16xi32>
    %gt3A_172 = arith.constant 0 : i32
    %gt3A_173 = vector.broadcast %gt3A_172 : i32 to vector<16xi32>
    %gt3A_174 = arith.cmpi sgt, %add3A_165, %gt3A_173 : vector<16xi32>
    %and3A_175 = arith.andi %eq3A_171, %gt3A_174 : vector<16xi1>
    %and3A_176 = arith.andi %and3A_175, %lt3A_168 : vector<16xi1>
    %not3A_177 = arith.constant dense<true> : vector<16xi1>
    %not3A_178 = arith.xori %and3A_176, %not3A_177 : vector<16xi1>
    %and3A_179 = arith.andi %not3A_178, %lt3A_168 : vector<16xi1>
    %select_n3A_180 = arith.select %and3A_176, %broadcast_in_dim3A_1, %broadcast_in_dim3A_3 : vector<16xi1>, vector<16xi32>
    %cumsum3A_181 = arith.constant true
    %cumsum3A_182 = vector.broadcast %cumsum3A_181 : i1 to vector<16xi1>
    %cumsum3A_183 = tpu.scan <sum>, %select_n3A_180 masked %cumsum3A_182 : vector<16xi32>, vector<16xi1> -> vector<16xi32>
    %add3A_184 = arith.addi %add3A_147, %cumsum3A_183 : vector<16xi32>
    %sub3A_185 = arith.constant 1 : i32
    %sub3A_186 = vector.broadcast %sub3A_185 : i32 to vector<16xi32>
    %sub3A_187 = arith.subi %add3A_184, %sub3A_186 : vector<16xi32>
    %max3A_188 = arith.constant 0 : i32
    %max3A_189 = vector.broadcast %max3A_188 : i32 to vector<16xi32>
    %max3A_190 = arith.maxsi %sub3A_187, %max3A_189 : vector<16xi32>
    %select_n3A_191 = arith.select %and3A_179, %broadcast_in_dim3A_1, %broadcast_in_dim3A_3 : vector<16xi1>, vector<16xi32>
    %cumsum3A_192 = arith.constant true
    %cumsum3A_193 = vector.broadcast %cumsum3A_192 : i1 to vector<16xi1>
    %cumsum3A_194 = tpu.scan <sum>, %select_n3A_191 masked %cumsum3A_193 : vector<16xi32>, vector<16xi1> -> vector<16xi32>
    %add3A_195 = arith.addi %add3A_149, %cumsum3A_194 : vector<16xi32>
    %sub3A_196 = arith.constant 1 : i32
    %sub3A_197 = vector.broadcast %sub3A_196 : i32 to vector<16xi32>
    %sub3A_198 = arith.subi %add3A_195, %sub3A_197 : vector<16xi32>
    %max3A_199 = arith.constant 0 : i32
    %max3A_200 = vector.broadcast %max3A_199 : i32 to vector<16xi32>
    %max3A_201 = arith.maxsi %sub3A_198, %max3A_200 : vector<16xi32>
    tpu.vector_store_idx %arg7[%max3A_190], %add3A_165 masked %and3A_176 : memref<208xi32, #tpu.memory_space<vmem>>[vector<16xi32>], vector<16xi32>, vector<16xi1>
    tpu.vector_store_idx %arg8[%max3A_201], %add3A_165 masked %and3A_179 : memref<208xi32, #tpu.memory_space<vmem>>[vector<16xi32>], vector<16xi32>, vector<16xi1>
    %all_reduce_population_count3A_202 = tpu.all_reduce %and3A_176 {dim = 0 : i64, kind = #tpu.reduction_kind<sum>} : vector<16xi1> -> vector<16xi32>
    %add3A_203 = arith.addi %add3A_147, %all_reduce_population_count3A_202 : vector<16xi32>
    %all_reduce_population_count3A_204 = tpu.all_reduce %and3A_179 {dim = 0 : i64, kind = #tpu.reduction_kind<sum>} : vector<16xi1> -> vector<16xi32>
    %add3A_205 = arith.addi %add3A_149, %all_reduce_population_count3A_204 : vector<16xi32>
    %select_n3A_206 = arith.select %and3A_176, %add3A_165, %broadcast_in_dim3A_3 : vector<16xi1>, vector<16xi32>
    %reduce_max3A_207 = arith.constant true
    %reduce_max3A_208 = vector.broadcast %reduce_max3A_207 : i1 to vector<16xi1>
    %reduce_max3A_209 = arith.constant -2147483648 : i32
    %reduce_max3A_210 = vector.broadcast %reduce_max3A_209 : i32 to vector<16xi32>
    %reduce_max3A_211 = arith.xori %select_n3A_206, %reduce_max3A_210 : vector<16xi32>
    %reduce_max3A_212 = tpu.scan <max>, %reduce_max3A_211 masked %reduce_max3A_208 : vector<16xi32>, vector<16xi1> -> vector<16xi32>
    %reduce_max3A_213 = arith.xori %reduce_max3A_212, %reduce_max3A_210 : vector<16xi32>
    %reduce_max3A_214 = vector.extract %reduce_max3A_213[15] : i32 from vector<16xi32>
    %max3A_215 = arith.maxsi %max3A_159, %reduce_max3A_214 : i32
    %get3A_216 = arith.constant 64 : index
    %get3A_217 = tpu.vector_load %arg6[%get3A_216] {strides = array<i32>} : memref<208xi32, #tpu.memory_space<vmem>>, vector<16xi32>,
    %iota3A_218 = tpu.iota {dimensions = array<i32: 0>} : vector<16xi32>
    %add3A_219 = arith.constant 64 : i32
    %add3A_220 = vector.broadcast %add3A_219 : i32 to vector<16xi32>
    %add3A_221 = arith.addi %add3A_220, %iota3A_218 : vector<16xi32>
    %lt3A_222 = arith.constant 196 : i32
    %lt3A_223 = vector.broadcast %lt3A_222 : i32 to vector<16xi32>
    %lt3A_224 = arith.cmpi slt, %add3A_221, %lt3A_223 : vector<16xi32>
    %eq3A_225 = arith.constant 0 : i32
    %eq3A_226 = vector.broadcast %eq3A_225 : i32 to vector<16xi32>
    %eq3A_227 = arith.cmpi eq, %get3A_217, %eq3A_226 : vector<16xi32>
    %gt3A_228 = arith.constant 0 : i32
    %gt3A_229 = vector.broadcast %gt3A_228 : i32 to vector<16xi32>
    %gt3A_230 = arith.cmpi sgt, %add3A_221, %gt3A_229 : vector<16xi32>
    %and3A_231 = arith.andi %eq3A_227, %gt3A_230 : vector<16xi1>
    %and3A_232 = arith.andi %and3A_231, %lt3A_224 : vector<16xi1>
    %not3A_233 = arith.constant dense<true> : vector<16xi1>
    %not3A_234 = arith.xori %and3A_232, %not3A_233 : vector<16xi1>
    %and3A_235 = arith.andi %not3A_234, %lt3A_224 : vector<16xi1>
    %select_n3A_236 = arith.select %and3A_232, %broadcast_in_dim3A_1, %broadcast_in_dim3A_3 : vector<16xi1>, vector<16xi32>
    %cumsum3A_237 = arith.constant true
    %cumsum3A_238 = vector.broadcast %cumsum3A_237 : i1 to vector<16xi1>
    %cumsum3A_239 = tpu.scan <sum>, %select_n3A_236 masked %cumsum3A_238 : vector<16xi32>, vector<16xi1> -> vector<16xi32>
    %add3A_240 = arith.addi %add3A_203, %cumsum3A_239 : vector<16xi32>
    %sub3A_241 = arith.constant 1 : i32
    %sub3A_242 = vector.broadcast %sub3A_241 : i32 to vector<16xi32>
    %sub3A_243 = arith.subi %add3A_240, %sub3A_242 : vector<16xi32>
    %max3A_244 = arith.constant 0 : i32
    %max3A_245 = vector.broadcast %max3A_244 : i32 to vector<16xi32>
    %max3A_246 = arith.maxsi %sub3A_243, %max3A_245 : vector<16xi32>
    %select_n3A_247 = arith.select %and3A_235, %broadcast_in_dim3A_1, %broadcast_in_dim3A_3 : vector<16xi1>, vector<16xi32>
    %cumsum3A_248 = arith.constant true
    %cumsum3A_249 = vector.broadcast %cumsum3A_248 : i1 to vector<16xi1>
    %cumsum3A_250 = tpu.scan <sum>, %select_n3A_247 masked %cumsum3A_249 : vector<16xi32>, vector<16xi1> -> vector<16xi32>
    %add3A_251 = arith.addi %add3A_205, %cumsum3A_250 : vector<16xi32>
    %sub3A_252 = arith.constant 1 : i32
    %sub3A_253 = vector.broadcast %sub3A_252 : i32 to vector<16xi32>
    %sub3A_254 = arith.subi %add3A_251, %sub3A_253 : vector<16xi32>
    %max3A_255 = arith.constant 0 : i32
    %max3A_256 = vector.broadcast %max3A_255 : i32 to vector<16xi32>
    %max3A_257 = arith.maxsi %sub3A_254, %max3A_256 : vector<16xi32>
    tpu.vector_store_idx %arg7[%max3A_246], %add3A_221 masked %and3A_232 : memref<208xi32, #tpu.memory_space<vmem>>[vector<16xi32>], vector<16xi32>, vector<16xi1>
    tpu.vector_store_idx %arg8[%max3A_257], %add3A_221 masked %and3A_235 : memref<208xi32, #tpu.memory_space<vmem>>[vector<16xi32>], vector<16xi32>, vector<16xi1>
    %all_reduce_population_count3A_258 = tpu.all_reduce %and3A_232 {dim = 0 : i64, kind = #tpu.reduction_kind<sum>} : vector<16xi1> -> vector<16xi32>
    %add3A_259 = arith.addi %add3A_203, %all_reduce_population_count3A_258 : vector<16xi32>
    %all_reduce_population_count3A_260 = tpu.all_reduce %and3A_235 {dim = 0 : i64, kind = #tpu.reduction_kind<sum>} : vector<16xi1> -> vector<16xi32>
    %add3A_261 = arith.addi %add3A_205, %all_reduce_population_count3A_260 : vector<16xi32>
    %select_n3A_262 = arith.select %and3A_232, %add3A_221, %broadcast_in_dim3A_3 : vector<16xi1>, vector<16xi32>
    %reduce_max3A_263 = arith.constant true
    %reduce_max3A_264 = vector.broadcast %reduce_max3A_263 : i1 to vector<16xi1>
    %reduce_max3A_265 = arith.constant -2147483648 : i32
    %reduce_max3A_266 = vector.broadcast %reduce_max3A_265 : i32 to vector<16xi32>
    %reduce_max3A_267 = arith.xori %select_n3A_262, %reduce_max3A_266 : vector<16xi32>
    %reduce_max3A_268 = tpu.scan <max>, %reduce_max3A_267 masked %reduce_max3A_264 : vector<16xi32>, vector<16xi1> -> vector<16xi32>
    %reduce_max3A_269 = arith.xori %reduce_max3A_268, %reduce_max3A_266 : vector<16xi32>
    %reduce_max3A_270 = vector.extract %reduce_max3A_269[15] : i32 from vector<16xi32>
    %max3A_271 = arith.maxsi %max3A_215, %reduce_max3A_270 : i32
    %get3A_272 = arith.constant 80 : index
    %get3A_273 = tpu.vector_load %arg6[%get3A_272] {strides = array<i32>} : memref<208xi32, #tpu.memory_space<vmem>>, vector<16xi32>,
    %iota3A_274 = tpu.iota {dimensions = array<i32: 0>} : vector<16xi32>
    %add3A_275 = arith.constant 80 : i32
    %add3A_276 = vector.broadcast %add3A_275 : i32 to vector<16xi32>
    %add3A_277 = arith.addi %add3A_276, %iota3A_274 : vector<16xi32>
    %lt3A_278 = arith.constant 196 : i32
    %lt3A_279 = vector.broadcast %lt3A_278 : i32 to vector<16xi32>
    %lt3A_280 = arith.cmpi slt, %add3A_277, %lt3A_279 : vector<16xi32>
    %eq3A_281 = arith.constant 0 : i32
    %eq3A_282 = vector.broadcast %eq3A_281 : i32 to vector<16xi32>
    %eq3A_283 = arith.cmpi eq, %get3A_273, %eq3A_282 : vector<16xi32>
    %gt3A_284 = arith.constant 0 : i32
    %gt3A_285 = vector.broadcast %gt3A_284 : i32 to vector<16xi32>
    %gt3A_286 = arith.cmpi sgt, %add3A_277, %gt3A_285 : vector<16xi32>
    %and3A_287 = arith.andi %eq3A_283, %gt3A_286 : vector<16xi1>
    %and3A_288 = arith.andi %and3A_287, %lt3A_280 : vector<16xi1>
    %not3A_289 = arith.constant dense<true> : vector<16xi1>
    %not3A_290 = arith.xori %and3A_288, %not3A_289 : vector<16xi1>
    %and3A_291 = arith.andi %not3A_290, %lt3A_280 : vector<16xi1>
    %select_n3A_292 = arith.select %and3A_288, %broadcast_in_dim3A_1, %broadcast_in_dim3A_3 : vector<16xi1>, vector<16xi32>
    %cumsum3A_293 = arith.constant true
    %cumsum3A_294 = vector.broadcast %cumsum3A_293 : i1 to vector<16xi1>
    %cumsum3A_295 = tpu.scan <sum>, %select_n3A_292 masked %cumsum3A_294 : vector<16xi32>, vector<16xi1> -> vector<16xi32>
    %add3A_296 = arith.addi %add3A_259, %cumsum3A_295 : vector<16xi32>
    %sub3A_297 = arith.constant 1 : i32
    %sub3A_298 = vector.broadcast %sub3A_297 : i32 to vector<16xi32>
    %sub3A_299 = arith.subi %add3A_296, %sub3A_298 : vector<16xi32>
    %max3A_300 = arith.constant 0 : i32
    %max3A_301 = vector.broadcast %max3A_300 : i32 to vector<16xi32>
    %max3A_302 = arith.maxsi %sub3A_299, %max3A_301 : vector<16xi32>
    %select_n3A_303 = arith.select %and3A_291, %broadcast_in_dim3A_1, %broadcast_in_dim3A_3 : vector<16xi1>, vector<16xi32>
    %cumsum3A_304 = arith.constant true
    %cumsum3A_305 = vector.broadcast %cumsum3A_304 : i1 to vector<16xi1>
    %cumsum3A_306 = tpu.scan <sum>, %select_n3A_303 masked %cumsum3A_305 : vector<16xi32>, vector<16xi1> -> vector<16xi32>
    %add3A_307 = arith.addi %add3A_261, %cumsum3A_306 : vector<16xi32>
    %sub3A_308 = arith.constant 1 : i32
    %sub3A_309 = vector.broadcast %sub3A_308 : i32 to vector<16xi32>
    %sub3A_310 = arith.subi %add3A_307, %sub3A_309 : vector<16xi32>
    %max3A_311 = arith.constant 0 : i32
    %max3A_312 = vector.broadcast %max3A_311 : i32 to vector<16xi32>
    %max3A_313 = arith.maxsi %sub3A_310, %max3A_312 : vector<16xi32>
    tpu.vector_store_idx %arg7[%max3A_302], %add3A_277 masked %and3A_288 : memref<208xi32, #tpu.memory_space<vmem>>[vector<16xi32>], vector<16xi32>, vector<16xi1>
    tpu.vector_store_idx %arg8[%max3A_313], %add3A_277 masked %and3A_291 : memref<208xi32, #tpu.memory_space<vmem>>[vector<16xi32>], vector<16xi32>, vector<16xi1>
    %all_reduce_population_count3A_314 = tpu.all_reduce %and3A_288 {dim = 0 : i64, kind = #tpu.reduction_kind<sum>} : vector<16xi1> -> vector<16xi32>
    %add3A_315 = arith.addi %add3A_259, %all_reduce_population_count3A_314 : vector<16xi32>
    %all_reduce_population_count3A_316 = tpu.all_reduce %and3A_291 {dim = 0 : i64, kind = #tpu.reduction_kind<sum>} : vector<16xi1> -> vector<16xi32>
    %add3A_317 = arith.addi %add3A_261, %all_reduce_population_count3A_316 : vector<16xi32>
    %select_n3A_318 = arith.select %and3A_288, %add3A_277, %broadcast_in_dim3A_3 : vector<16xi1>, vector<16xi32>
    %reduce_max3A_319 = arith.constant true
    %reduce_max3A_320 = vector.broadcast %reduce_max3A_319 : i1 to vector<16xi1>
    %reduce_max3A_321 = arith.constant -2147483648 : i32
    %reduce_max3A_322 = vector.broadcast %reduce_max3A_321 : i32 to vector<16xi32>
    %reduce_max3A_323 = arith.xori %select_n3A_318, %reduce_max3A_322 : vector<16xi32>
    %reduce_max3A_324 = tpu.scan <max>, %reduce_max3A_323 masked %reduce_max3A_320 : vector<16xi32>, vector<16xi1> -> vector<16xi32>
    %reduce_max3A_325 = arith.xori %reduce_max3A_324, %reduce_max3A_322 : vector<16xi32>
    %reduce_max3A_326 = vector.extract %reduce_max3A_325[15] : i32 from vector<16xi32>
    %max3A_327 = arith.maxsi %max3A_271, %reduce_max3A_326 : i32
    %get3A_328 = arith.constant 96 : index
    %get3A_329 = tpu.vector_load %arg6[%get3A_328] {strides = array<i32>} : memref<208xi32, #tpu.memory_space<vmem>>, vector<16xi32>,
    %iota3A_330 = tpu.iota {dimensions = array<i32: 0>} : vector<16xi32>
    %add3A_331 = arith.constant 96 : i32
    %add3A_332 = vector.broadcast %add3A_331 : i32 to vector<16xi32>
    %add3A_333 = arith.addi %add3A_332, %iota3A_330 : vector<16xi32>
    %lt3A_334 = arith.constant 196 : i32
    %lt3A_335 = vector.broadcast %lt3A_334 : i32 to vector<16xi32>
    %lt3A_336 = arith.cmpi slt, %add3A_333, %lt3A_335 : vector<16xi32>
    %eq3A_337 = arith.constant 0 : i32
    %eq3A_338 = vector.broadcast %eq3A_337 : i32 to vector<16xi32>
    %eq3A_339 = arith.cmpi eq, %get3A_329, %eq3A_338 : vector<16xi32>
    %gt3A_340 = arith.constant 0 : i32
    %gt3A_341 = vector.broadcast %gt3A_340 : i32 to vector<16xi32>
    %gt3A_342 = arith.cmpi sgt, %add3A_333, %gt3A_341 : vector<16xi32>
    %and3A_343 = arith.andi %eq3A_339, %gt3A_342 : vector<16xi1>
    %and3A_344 = arith.andi %and3A_343, %lt3A_336 : vector<16xi1>
    %not3A_345 = arith.constant dense<true> : vector<16xi1>
    %not3A_346 = arith.xori %and3A_344, %not3A_345 : vector<16xi1>
    %and3A_347 = arith.andi %not3A_346, %lt3A_336 : vector<16xi1>
    %select_n3A_348 = arith.select %and3A_344, %broadcast_in_dim3A_1, %broadcast_in_dim3A_3 : vector<16xi1>, vector<16xi32>
    %cumsum3A_349 = arith.constant true
    %cumsum3A_350 = vector.broadcast %cumsum3A_349 : i1 to vector<16xi1>
    %cumsum3A_351 = tpu.scan <sum>, %select_n3A_348 masked %cumsum3A_350 : vector<16xi32>, vector<16xi1> -> vector<16xi32>
    %add3A_352 = arith.addi %add3A_315, %cumsum3A_351 : vector<16xi32>
    %sub3A_353 = arith.constant 1 : i32
    %sub3A_354 = vector.broadcast %sub3A_353 : i32 to vector<16xi32>
    %sub3A_355 = arith.subi %add3A_352, %sub3A_354 : vector<16xi32>
    %max3A_356 = arith.constant 0 : i32
    %max3A_357 = vector.broadcast %max3A_356 : i32 to vector<16xi32>
    %max3A_358 = arith.maxsi %sub3A_355, %max3A_357 : vector<16xi32>
    %select_n3A_359 = arith.select %and3A_347, %broadcast_in_dim3A_1, %broadcast_in_dim3A_3 : vector<16xi1>, vector<16xi32>
    %cumsum3A_360 = arith.constant true
    %cumsum3A_361 = vector.broadcast %cumsum3A_360 : i1 to vector<16xi1>
    %cumsum3A_362 = tpu.scan <sum>, %select_n3A_359 masked %cumsum3A_361 : vector<16xi32>, vector<16xi1> -> vector<16xi32>
    %add3A_363 = arith.addi %add3A_317, %cumsum3A_362 : vector<16xi32>
    %sub3A_364 = arith.constant 1 : i32
    %sub3A_365 = vector.broadcast %sub3A_364 : i32 to vector<16xi32>
    %sub3A_366 = arith.subi %add3A_363, %sub3A_365 : vector<16xi32>
    %max3A_367 = arith.constant 0 : i32
    %max3A_368 = vector.broadcast %max3A_367 : i32 to vector<16xi32>
    %max3A_369 = arith.maxsi %sub3A_366, %max3A_368 : vector<16xi32>
    tpu.vector_store_idx %arg7[%max3A_358], %add3A_333 masked %and3A_344 : memref<208xi32, #tpu.memory_space<vmem>>[vector<16xi32>], vector<16xi32>, vector<16xi1>
    tpu.vector_store_idx %arg8[%max3A_369], %add3A_333 masked %and3A_347 : memref<208xi32, #tpu.memory_space<vmem>>[vector<16xi32>], vector<16xi32>, vector<16xi1>
    %all_reduce_population_count3A_370 = tpu.all_reduce %and3A_344 {dim = 0 : i64, kind = #tpu.reduction_kind<sum>} : vector<16xi1> -> vector<16xi32>
    %add3A_371 = arith.addi %add3A_315, %all_reduce_population_count3A_370 : vector<16xi32>
    %all_reduce_population_count3A_372 = tpu.all_reduce %and3A_347 {dim = 0 : i64, kind = #tpu.reduction_kind<sum>} : vector<16xi1> -> vector<16xi32>
    %add3A_373 = arith.addi %add3A_317, %all_reduce_population_count3A_372 : vector<16xi32>
    %select_n3A_374 = arith.select %and3A_344, %add3A_333, %broadcast_in_dim3A_3 : vector<16xi1>, vector<16xi32>
    %reduce_max3A_375 = arith.constant true
    %reduce_max3A_376 = vector.broadcast %reduce_max3A_375 : i1 to vector<16xi1>
    %reduce_max3A_377 = arith.constant -2147483648 : i32
    %reduce_max3A_378 = vector.broadcast %reduce_max3A_377 : i32 to vector<16xi32>
    %reduce_max3A_379 = arith.xori %select_n3A_374, %reduce_max3A_378 : vector<16xi32>
    %reduce_max3A_380 = tpu.scan <max>, %reduce_max3A_379 masked %reduce_max3A_376 : vector<16xi32>, vector<16xi1> -> vector<16xi32>
    %reduce_max3A_381 = arith.xori %reduce_max3A_380, %reduce_max3A_378 : vector<16xi32>
    %reduce_max3A_382 = vector.extract %reduce_max3A_381[15] : i32 from vector<16xi32>
    %max3A_383 = arith.maxsi %max3A_327, %reduce_max3A_382 : i32
    %get3A_384 = arith.constant 112 : index
    %get3A_385 = tpu.vector_load %arg6[%get3A_384] {strides = array<i32>} : memref<208xi32, #tpu.memory_space<vmem>>, vector<16xi32>,
    %iota3A_386 = tpu.iota {dimensions = array<i32: 0>} : vector<16xi32>
    %add3A_387 = arith.constant 112 : i32
    %add3A_388 = vector.broadcast %add3A_387 : i32 to vector<16xi32>
    %add3A_389 = arith.addi %add3A_388, %iota3A_386 : vector<16xi32>
    %lt3A_390 = arith.constant 196 : i32
    %lt3A_391 = vector.broadcast %lt3A_390 : i32 to vector<16xi32>
    %lt3A_392 = arith.cmpi slt, %add3A_389, %lt3A_391 : vector<16xi32>
    %eq3A_393 = arith.constant 0 : i32
    %eq3A_394 = vector.broadcast %eq3A_393 : i32 to vector<16xi32>
    %eq3A_395 = arith.cmpi eq, %get3A_385, %eq3A_394 : vector<16xi32>
    %gt3A_396 = arith.constant 0 : i32
    %gt3A_397 = vector.broadcast %gt3A_396 : i32 to vector<16xi32>
    %gt3A_398 = arith.cmpi sgt, %add3A_389, %gt3A_397 : vector<16xi32>
    %and3A_399 = arith.andi %eq3A_395, %gt3A_398 : vector<16xi1>
    %and3A_400 = arith.andi %and3A_399, %lt3A_392 : vector<16xi1>
    %not3A_401 = arith.constant dense<true> : vector<16xi1>
    %not3A_402 = arith.xori %and3A_400, %not3A_401 : vector<16xi1>
    %and3A_403 = arith.andi %not3A_402, %lt3A_392 : vector<16xi1>
    %select_n3A_404 = arith.select %and3A_400, %broadcast_in_dim3A_1, %broadcast_in_dim3A_3 : vector<16xi1>, vector<16xi32>
    %cumsum3A_405 = arith.constant true
    %cumsum3A_406 = vector.broadcast %cumsum3A_405 : i1 to vector<16xi1>
    %cumsum3A_407 = tpu.scan <sum>, %select_n3A_404 masked %cumsum3A_406 : vector<16xi32>, vector<16xi1> -> vector<16xi32>
    %add3A_408 = arith.addi %add3A_371, %cumsum3A_407 : vector<16xi32>
    %sub3A_409 = arith.constant 1 : i32
    %sub3A_410 = vector.broadcast %sub3A_409 : i32 to vector<16xi32>
    %sub3A_411 = arith.subi %add3A_408, %sub3A_410 : vector<16xi32>
    %max3A_412 = arith.constant 0 : i32
    %max3A_413 = vector.broadcast %max3A_412 : i32 to vector<16xi32>
    %max3A_414 = arith.maxsi %sub3A_411, %max3A_413 : vector<16xi32>
    %select_n3A_415 = arith.select %and3A_403, %broadcast_in_dim3A_1, %broadcast_in_dim3A_3 : vector<16xi1>, vector<16xi32>
    %cumsum3A_416 = arith.constant true
    %cumsum3A_417 = vector.broadcast %cumsum3A_416 : i1 to vector<16xi1>
    %cumsum3A_418 = tpu.scan <sum>, %select_n3A_415 masked %cumsum3A_417 : vector<16xi32>, vector<16xi1> -> vector<16xi32>
    %add3A_419 = arith.addi %add3A_373, %cumsum3A_418 : vector<16xi32>
    %sub3A_420 = arith.constant 1 : i32
    %sub3A_421 = vector.broadcast %sub3A_420 : i32 to vector<16xi32>
    %sub3A_422 = arith.subi %add3A_419, %sub3A_421 : vector<16xi32>
    %max3A_423 = arith.constant 0 : i32
    %max3A_424 = vector.broadcast %max3A_423 : i32 to vector<16xi32>
    %max3A_425 = arith.maxsi %sub3A_422, %max3A_424 : vector<16xi32>
    tpu.vector_store_idx %arg7[%max3A_414], %add3A_389 masked %and3A_400 : memref<208xi32, #tpu.memory_space<vmem>>[vector<16xi32>], vector<16xi32>, vector<16xi1>
    tpu.vector_store_idx %arg8[%max3A_425], %add3A_389 masked %and3A_403 : memref<208xi32, #tpu.memory_space<vmem>>[vector<16xi32>], vector<16xi32>, vector<16xi1>
    %all_reduce_population_count3A_426 = tpu.all_reduce %and3A_400 {dim = 0 : i64, kind = #tpu.reduction_kind<sum>} : vector<16xi1> -> vector<16xi32>
    %add3A_427 = arith.addi %add3A_371, %all_reduce_population_count3A_426 : vector<16xi32>
    %all_reduce_population_count3A_428 = tpu.all_reduce %and3A_403 {dim = 0 : i64, kind = #tpu.reduction_kind<sum>} : vector<16xi1> -> vector<16xi32>
    %add3A_429 = arith.addi %add3A_373, %all_reduce_population_count3A_428 : vector<16xi32>
    %select_n3A_430 = arith.select %and3A_400, %add3A_389, %broadcast_in_dim3A_3 : vector<16xi1>, vector<16xi32>
    %reduce_max3A_431 = arith.constant true
    %reduce_max3A_432 = vector.broadcast %reduce_max3A_431 : i1 to vector<16xi1>
    %reduce_max3A_433 = arith.constant -2147483648 : i32
    %reduce_max3A_434 = vector.broadcast %reduce_max3A_433 : i32 to vector<16xi32>
    %reduce_max3A_435 = arith.xori %select_n3A_430, %reduce_max3A_434 : vector<16xi32>
    %reduce_max3A_436 = tpu.scan <max>, %reduce_max3A_435 masked %reduce_max3A_432 : vector<16xi32>, vector<16xi1> -> vector<16xi32>
    %reduce_max3A_437 = arith.xori %reduce_max3A_436, %reduce_max3A_434 : vector<16xi32>
    %reduce_max3A_438 = vector.extract %reduce_max3A_437[15] : i32 from vector<16xi32>
    %max3A_439 = arith.maxsi %max3A_383, %reduce_max3A_438 : i32
    %get3A_440 = arith.constant 128 : index
    %get3A_441 = tpu.vector_load %arg6[%get3A_440] {strides = array<i32>} : memref<208xi32, #tpu.memory_space<vmem>>, vector<16xi32>,
    %iota3A_442 = tpu.iota {dimensions = array<i32: 0>} : vector<16xi32>
    %add3A_443 = arith.constant 128 : i32
    %add3A_444 = vector.broadcast %add3A_443 : i32 to vector<16xi32>
    %add3A_445 = arith.addi %add3A_444, %iota3A_442 : vector<16xi32>
    %lt3A_446 = arith.constant 196 : i32
    %lt3A_447 = vector.broadcast %lt3A_446 : i32 to vector<16xi32>
    %lt3A_448 = arith.cmpi slt, %add3A_445, %lt3A_447 : vector<16xi32>
    %eq3A_449 = arith.constant 0 : i32
    %eq3A_450 = vector.broadcast %eq3A_449 : i32 to vector<16xi32>
    %eq3A_451 = arith.cmpi eq, %get3A_441, %eq3A_450 : vector<16xi32>
    %gt3A_452 = arith.constant 0 : i32
    %gt3A_453 = vector.broadcast %gt3A_452 : i32 to vector<16xi32>
    %gt3A_454 = arith.cmpi sgt, %add3A_445, %gt3A_453 : vector<16xi32>
    %and3A_455 = arith.andi %eq3A_451, %gt3A_454 : vector<16xi1>
    %and3A_456 = arith.andi %and3A_455, %lt3A_448 : vector<16xi1>
    %not3A_457 = arith.constant dense<true> : vector<16xi1>
    %not3A_458 = arith.xori %and3A_456, %not3A_457 : vector<16xi1>
    %and3A_459 = arith.andi %not3A_458, %lt3A_448 : vector<16xi1>
    %select_n3A_460 = arith.select %and3A_456, %broadcast_in_dim3A_1, %broadcast_in_dim3A_3 : vector<16xi1>, vector<16xi32>
    %cumsum3A_461 = arith.constant true
    %cumsum3A_462 = vector.broadcast %cumsum3A_461 : i1 to vector<16xi1>
    %cumsum3A_463 = tpu.scan <sum>, %select_n3A_460 masked %cumsum3A_462 : vector<16xi32>, vector<16xi1> -> vector<16xi32>
    %add3A_464 = arith.addi %add3A_427, %cumsum3A_463 : vector<16xi32>
    %sub3A_465 = arith.constant 1 : i32
    %sub3A_466 = vector.broadcast %sub3A_465 : i32 to vector<16xi32>
    %sub3A_467 = arith.subi %add3A_464, %sub3A_466 : vector<16xi32>
    %max3A_468 = arith.constant 0 : i32
    %max3A_469 = vector.broadcast %max3A_468 : i32 to vector<16xi32>
    %max3A_470 = arith.maxsi %sub3A_467, %max3A_469 : vector<16xi32>
    %select_n3A_471 = arith.select %and3A_459, %broadcast_in_dim3A_1, %broadcast_in_dim3A_3 : vector<16xi1>, vector<16xi32>
    %cumsum3A_472 = arith.constant true
    %cumsum3A_473 = vector.broadcast %cumsum3A_472 : i1 to vector<16xi1>
    %cumsum3A_474 = tpu.scan <sum>, %select_n3A_471 masked %cumsum3A_473 : vector<16xi32>, vector<16xi1> -> vector<16xi32>
    %add3A_475 = arith.addi %add3A_429, %cumsum3A_474 : vector<16xi32>
    %sub3A_476 = arith.constant 1 : i32
    %sub3A_477 = vector.broadcast %sub3A_476 : i32 to vector<16xi32>
    %sub3A_478 = arith.subi %add3A_475, %sub3A_477 : vector<16xi32>
    %max3A_479 = arith.constant 0 : i32
    %max3A_480 = vector.broadcast %max3A_479 : i32 to vector<16xi32>
    %max3A_481 = arith.maxsi %sub3A_478, %max3A_480 : vector<16xi32>
    tpu.vector_store_idx %arg7[%max3A_470], %add3A_445 masked %and3A_456 : memref<208xi32, #tpu.memory_space<vmem>>[vector<16xi32>], vector<16xi32>, vector<16xi1>
    tpu.vector_store_idx %arg8[%max3A_481], %add3A_445 masked %and3A_459 : memref<208xi32, #tpu.memory_space<vmem>>[vector<16xi32>], vector<16xi32>, vector<16xi1>
    %all_reduce_population_count3A_482 = tpu.all_reduce %and3A_456 {dim = 0 : i64, kind = #tpu.reduction_kind<sum>} : vector<16xi1> -> vector<16xi32>
    %add3A_483 = arith.addi %add3A_427, %all_reduce_population_count3A_482 : vector<16xi32>
    %all_reduce_population_count3A_484 = tpu.all_reduce %and3A_459 {dim = 0 : i64, kind = #tpu.reduction_kind<sum>} : vector<16xi1> -> vector<16xi32>
    %add3A_485 = arith.addi %add3A_429, %all_reduce_population_count3A_484 : vector<16xi32>
    %select_n3A_486 = arith.select %and3A_456, %add3A_445, %broadcast_in_dim3A_3 : vector<16xi1>, vector<16xi32>
    %reduce_max3A_487 = arith.constant true
    %reduce_max3A_488 = vector.broadcast %reduce_max3A_487 : i1 to vector<16xi1>
    %reduce_max3A_489 = arith.constant -2147483648 : i32
    %reduce_max3A_490 = vector.broadcast %reduce_max3A_489 : i32 to vector<16xi32>
    %reduce_max3A_491 = arith.xori %select_n3A_486, %reduce_max3A_490 : vector<16xi32>
    %reduce_max3A_492 = tpu.scan <max>, %reduce_max3A_491 masked %reduce_max3A_488 : vector<16xi32>, vector<16xi1> -> vector<16xi32>
    %reduce_max3A_493 = arith.xori %reduce_max3A_492, %reduce_max3A_490 : vector<16xi32>
    %reduce_max3A_494 = vector.extract %reduce_max3A_493[15] : i32 from vector<16xi32>
    %max3A_495 = arith.maxsi %max3A_439, %reduce_max3A_494 : i32
    %get3A_496 = arith.constant 144 : index
    %get3A_497 = tpu.vector_load %arg6[%get3A_496] {strides = array<i32>} : memref<208xi32, #tpu.memory_space<vmem>>, vector<16xi32>,
    %iota3A_498 = tpu.iota {dimensions = array<i32: 0>} : vector<16xi32>
    %add3A_499 = arith.constant 144 : i32
    %add3A_500 = vector.broadcast %add3A_499 : i32 to vector<16xi32>
    %add3A_501 = arith.addi %add3A_500, %iota3A_498 : vector<16xi32>
    %lt3A_502 = arith.constant 196 : i32
    %lt3A_503 = vector.broadcast %lt3A_502 : i32 to vector<16xi32>
    %lt3A_504 = arith.cmpi slt, %add3A_501, %lt3A_503 : vector<16xi32>
    %eq3A_505 = arith.constant 0 : i32
    %eq3A_506 = vector.broadcast %eq3A_505 : i32 to vector<16xi32>
    %eq3A_507 = arith.cmpi eq, %get3A_497, %eq3A_506 : vector<16xi32>
    %gt3A_508 = arith.constant 0 : i32
    %gt3A_509 = vector.broadcast %gt3A_508 : i32 to vector<16xi32>
    %gt3A_510 = arith.cmpi sgt, %add3A_501, %gt3A_509 : vector<16xi32>
    %and3A_511 = arith.andi %eq3A_507, %gt3A_510 : vector<16xi1>
    %and3A_512 = arith.andi %and3A_511, %lt3A_504 : vector<16xi1>
    %not3A_513 = arith.constant dense<true> : vector<16xi1>
    %not3A_514 = arith.xori %and3A_512, %not3A_513 : vector<16xi1>
    %and3A_515 = arith.andi %not3A_514, %lt3A_504 : vector<16xi1>
    %select_n3A_516 = arith.select %and3A_512, %broadcast_in_dim3A_1, %broadcast_in_dim3A_3 : vector<16xi1>, vector<16xi32>
    %cumsum3A_517 = arith.constant true
    %cumsum3A_518 = vector.broadcast %cumsum3A_517 : i1 to vector<16xi1>
    %cumsum3A_519 = tpu.scan <sum>, %select_n3A_516 masked %cumsum3A_518 : vector<16xi32>, vector<16xi1> -> vector<16xi32>
    %add3A_520 = arith.addi %add3A_483, %cumsum3A_519 : vector<16xi32>
    %sub3A_521 = arith.constant 1 : i32
    %sub3A_522 = vector.broadcast %sub3A_521 : i32 to vector<16xi32>
    %sub3A_523 = arith.subi %add3A_520, %sub3A_522 : vector<16xi32>
    %max3A_524 = arith.constant 0 : i32
    %max3A_525 = vector.broadcast %max3A_524 : i32 to vector<16xi32>
    %max3A_526 = arith.maxsi %sub3A_523, %max3A_525 : vector<16xi32>
    %select_n3A_527 = arith.select %and3A_515, %broadcast_in_dim3A_1, %broadcast_in_dim3A_3 : vector<16xi1>, vector<16xi32>
    %cumsum3A_528 = arith.constant true
    %cumsum3A_529 = vector.broadcast %cumsum3A_528 : i1 to vector<16xi1>
    %cumsum3A_530 = tpu.scan <sum>, %select_n3A_527 masked %cumsum3A_529 : vector<16xi32>, vector<16xi1> -> vector<16xi32>
    %add3A_531 = arith.addi %add3A_485, %cumsum3A_530 : vector<16xi32>
    %sub3A_532 = arith.constant 1 : i32
    %sub3A_533 = vector.broadcast %sub3A_532 : i32 to vector<16xi32>
    %sub3A_534 = arith.subi %add3A_531, %sub3A_533 : vector<16xi32>
    %max3A_535 = arith.constant 0 : i32
    %max3A_536 = vector.broadcast %max3A_535 : i32 to vector<16xi32>
    %max3A_537 = arith.maxsi %sub3A_534, %max3A_536 : vector<16xi32>
    tpu.vector_store_idx %arg7[%max3A_526], %add3A_501 masked %and3A_512 : memref<208xi32, #tpu.memory_space<vmem>>[vector<16xi32>], vector<16xi32>, vector<16xi1>
    tpu.vector_store_idx %arg8[%max3A_537], %add3A_501 masked %and3A_515 : memref<208xi32, #tpu.memory_space<vmem>>[vector<16xi32>], vector<16xi32>, vector<16xi1>
    %all_reduce_population_count3A_538 = tpu.all_reduce %and3A_512 {dim = 0 : i64, kind = #tpu.reduction_kind<sum>} : vector<16xi1> -> vector<16xi32>
    %add3A_539 = arith.addi %add3A_483, %all_reduce_population_count3A_538 : vector<16xi32>
    %all_reduce_population_count3A_540 = tpu.all_reduce %and3A_515 {dim = 0 : i64, kind = #tpu.reduction_kind<sum>} : vector<16xi1> -> vector<16xi32>
    %add3A_541 = arith.addi %add3A_485, %all_reduce_population_count3A_540 : vector<16xi32>
    %select_n3A_542 = arith.select %and3A_512, %add3A_501, %broadcast_in_dim3A_3 : vector<16xi1>, vector<16xi32>
    %reduce_max3A_543 = arith.constant true
    %reduce_max3A_544 = vector.broadcast %reduce_max3A_543 : i1 to vector<16xi1>
    %reduce_max3A_545 = arith.constant -2147483648 : i32
    %reduce_max3A_546 = vector.broadcast %reduce_max3A_545 : i32 to vector<16xi32>
    %reduce_max3A_547 = arith.xori %select_n3A_542, %reduce_max3A_546 : vector<16xi32>
    %reduce_max3A_548 = tpu.scan <max>, %reduce_max3A_547 masked %reduce_max3A_544 : vector<16xi32>, vector<16xi1> -> vector<16xi32>
    %reduce_max3A_549 = arith.xori %reduce_max3A_548, %reduce_max3A_546 : vector<16xi32>
    %reduce_max3A_550 = vector.extract %reduce_max3A_549[15] : i32 from vector<16xi32>
    %max3A_551 = arith.maxsi %max3A_495, %reduce_max3A_550 : i32
    %get3A_552 = arith.constant 160 : index
    %get3A_553 = tpu.vector_load %arg6[%get3A_552] {strides = array<i32>} : memref<208xi32, #tpu.memory_space<vmem>>, vector<16xi32>,
    %iota3A_554 = tpu.iota {dimensions = array<i32: 0>} : vector<16xi32>
    %add3A_555 = arith.constant 160 : i32
    %add3A_556 = vector.broadcast %add3A_555 : i32 to vector<16xi32>
    %add3A_557 = arith.addi %add3A_556, %iota3A_554 : vector<16xi32>
    %lt3A_558 = arith.constant 196 : i32
    %lt3A_559 = vector.broadcast %lt3A_558 : i32 to vector<16xi32>
    %lt3A_560 = arith.cmpi slt, %add3A_557, %lt3A_559 : vector<16xi32>
    %eq3A_561 = arith.constant 0 : i32
    %eq3A_562 = vector.broadcast %eq3A_561 : i32 to vector<16xi32>
    %eq3A_563 = arith.cmpi eq, %get3A_553, %eq3A_562 : vector<16xi32>
    %gt3A_564 = arith.constant 0 : i32
    %gt3A_565 = vector.broadcast %gt3A_564 : i32 to vector<16xi32>
    %gt3A_566 = arith.cmpi sgt, %add3A_557, %gt3A_565 : vector<16xi32>
    %and3A_567 = arith.andi %eq3A_563, %gt3A_566 : vector<16xi1>
    %and3A_568 = arith.andi %and3A_567, %lt3A_560 : vector<16xi1>
    %not3A_569 = arith.constant dense<true> : vector<16xi1>
    %not3A_570 = arith.xori %and3A_568, %not3A_569 : vector<16xi1>
    %and3A_571 = arith.andi %not3A_570, %lt3A_560 : vector<16xi1>
    %select_n3A_572 = arith.select %and3A_568, %broadcast_in_dim3A_1, %broadcast_in_dim3A_3 : vector<16xi1>, vector<16xi32>
    %cumsum3A_573 = arith.constant true
    %cumsum3A_574 = vector.broadcast %cumsum3A_573 : i1 to vector<16xi1>
    %cumsum3A_575 = tpu.scan <sum>, %select_n3A_572 masked %cumsum3A_574 : vector<16xi32>, vector<16xi1> -> vector<16xi32>
    %add3A_576 = arith.addi %add3A_539, %cumsum3A_575 : vector<16xi32>
    %sub3A_577 = arith.constant 1 : i32
    %sub3A_578 = vector.broadcast %sub3A_577 : i32 to vector<16xi32>
    %sub3A_579 = arith.subi %add3A_576, %sub3A_578 : vector<16xi32>
    %max3A_580 = arith.constant 0 : i32
    %max3A_581 = vector.broadcast %max3A_580 : i32 to vector<16xi32>
    %max3A_582 = arith.maxsi %sub3A_579, %max3A_581 : vector<16xi32>
    %select_n3A_583 = arith.select %and3A_571, %broadcast_in_dim3A_1, %broadcast_in_dim3A_3 : vector<16xi1>, vector<16xi32>
    %cumsum3A_584 = arith.constant true
    %cumsum3A_585 = vector.broadcast %cumsum3A_584 : i1 to vector<16xi1>
    %cumsum3A_586 = tpu.scan <sum>, %select_n3A_583 masked %cumsum3A_585 : vector<16xi32>, vector<16xi1> -> vector<16xi32>
    %add3A_587 = arith.addi %add3A_541, %cumsum3A_586 : vector<16xi32>
    %sub3A_588 = arith.constant 1 : i32
    %sub3A_589 = vector.broadcast %sub3A_588 : i32 to vector<16xi32>
    %sub3A_590 = arith.subi %add3A_587, %sub3A_589 : vector<16xi32>
    %max3A_591 = arith.constant 0 : i32
    %max3A_592 = vector.broadcast %max3A_591 : i32 to vector<16xi32>
    %max3A_593 = arith.maxsi %sub3A_590, %max3A_592 : vector<16xi32>
    tpu.vector_store_idx %arg7[%max3A_582], %add3A_557 masked %and3A_568 : memref<208xi32, #tpu.memory_space<vmem>>[vector<16xi32>], vector<16xi32>, vector<16xi1>
    tpu.vector_store_idx %arg8[%max3A_593], %add3A_557 masked %and3A_571 : memref<208xi32, #tpu.memory_space<vmem>>[vector<16xi32>], vector<16xi32>, vector<16xi1>
    %all_reduce_population_count3A_594 = tpu.all_reduce %and3A_568 {dim = 0 : i64, kind = #tpu.reduction_kind<sum>} : vector<16xi1> -> vector<16xi32>
    %add3A_595 = arith.addi %add3A_539, %all_reduce_population_count3A_594 : vector<16xi32>
    %all_reduce_population_count3A_596 = tpu.all_reduce %and3A_571 {dim = 0 : i64, kind = #tpu.reduction_kind<sum>} : vector<16xi1> -> vector<16xi32>
    %add3A_597 = arith.addi %add3A_541, %all_reduce_population_count3A_596 : vector<16xi32>
    %select_n3A_598 = arith.select %and3A_568, %add3A_557, %broadcast_in_dim3A_3 : vector<16xi1>, vector<16xi32>
    %reduce_max3A_599 = arith.constant true
    %reduce_max3A_600 = vector.broadcast %reduce_max3A_599 : i1 to vector<16xi1>
    %reduce_max3A_601 = arith.constant -2147483648 : i32
    %reduce_max3A_602 = vector.broadcast %reduce_max3A_601 : i32 to vector<16xi32>
    %reduce_max3A_603 = arith.xori %select_n3A_598, %reduce_max3A_602 : vector<16xi32>
    %reduce_max3A_604 = tpu.scan <max>, %reduce_max3A_603 masked %reduce_max3A_600 : vector<16xi32>, vector<16xi1> -> vector<16xi32>
    %reduce_max3A_605 = arith.xori %reduce_max3A_604, %reduce_max3A_602 : vector<16xi32>
    %reduce_max3A_606 = vector.extract %reduce_max3A_605[15] : i32 from vector<16xi32>
    %max3A_607 = arith.maxsi %max3A_551, %reduce_max3A_606 : i32
    %get3A_608 = arith.constant 176 : index
    %get3A_609 = tpu.vector_load %arg6[%get3A_608] {strides = array<i32>} : memref<208xi32, #tpu.memory_space<vmem>>, vector<16xi32>,
    %iota3A_610 = tpu.iota {dimensions = array<i32: 0>} : vector<16xi32>
    %add3A_611 = arith.constant 176 : i32
    %add3A_612 = vector.broadcast %add3A_611 : i32 to vector<16xi32>
    %add3A_613 = arith.addi %add3A_612, %iota3A_610 : vector<16xi32>
    %lt3A_614 = arith.constant 196 : i32
    %lt3A_615 = vector.broadcast %lt3A_614 : i32 to vector<16xi32>
    %lt3A_616 = arith.cmpi slt, %add3A_613, %lt3A_615 : vector<16xi32>
    %eq3A_617 = arith.constant 0 : i32
    %eq3A_618 = vector.broadcast %eq3A_617 : i32 to vector<16xi32>
    %eq3A_619 = arith.cmpi eq, %get3A_609, %eq3A_618 : vector<16xi32>
    %gt3A_620 = arith.constant 0 : i32
    %gt3A_621 = vector.broadcast %gt3A_620 : i32 to vector<16xi32>
    %gt3A_622 = arith.cmpi sgt, %add3A_613, %gt3A_621 : vector<16xi32>
    %and3A_623 = arith.andi %eq3A_619, %gt3A_622 : vector<16xi1>
    %and3A_624 = arith.andi %and3A_623, %lt3A_616 : vector<16xi1>
    %not3A_625 = arith.constant dense<true> : vector<16xi1>
    %not3A_626 = arith.xori %and3A_624, %not3A_625 : vector<16xi1>
    %and3A_627 = arith.andi %not3A_626, %lt3A_616 : vector<16xi1>
    %select_n3A_628 = arith.select %and3A_624, %broadcast_in_dim3A_1, %broadcast_in_dim3A_3 : vector<16xi1>, vector<16xi32>
    %cumsum3A_629 = arith.constant true
    %cumsum3A_630 = vector.broadcast %cumsum3A_629 : i1 to vector<16xi1>
    %cumsum3A_631 = tpu.scan <sum>, %select_n3A_628 masked %cumsum3A_630 : vector<16xi32>, vector<16xi1> -> vector<16xi32>
    %add3A_632 = arith.addi %add3A_595, %cumsum3A_631 : vector<16xi32>
    %sub3A_633 = arith.constant 1 : i32
    %sub3A_634 = vector.broadcast %sub3A_633 : i32 to vector<16xi32>
    %sub3A_635 = arith.subi %add3A_632, %sub3A_634 : vector<16xi32>
    %max3A_636 = arith.constant 0 : i32
    %max3A_637 = vector.broadcast %max3A_636 : i32 to vector<16xi32>
    %max3A_638 = arith.maxsi %sub3A_635, %max3A_637 : vector<16xi32>
    %select_n3A_639 = arith.select %and3A_627, %broadcast_in_dim3A_1, %broadcast_in_dim3A_3 : vector<16xi1>, vector<16xi32>
    %cumsum3A_640 = arith.constant true
    %cumsum3A_641 = vector.broadcast %cumsum3A_640 : i1 to vector<16xi1>
    %cumsum3A_642 = tpu.scan <sum>, %select_n3A_639 masked %cumsum3A_641 : vector<16xi32>, vector<16xi1> -> vector<16xi32>
    %add3A_643 = arith.addi %add3A_597, %cumsum3A_642 : vector<16xi32>
    %sub3A_644 = arith.constant 1 : i32
    %sub3A_645 = vector.broadcast %sub3A_644 : i32 to vector<16xi32>
    %sub3A_646 = arith.subi %add3A_643, %sub3A_645 : vector<16xi32>
    %max3A_647 = arith.constant 0 : i32
    %max3A_648 = vector.broadcast %max3A_647 : i32 to vector<16xi32>
    %max3A_649 = arith.maxsi %sub3A_646, %max3A_648 : vector<16xi32>
    tpu.vector_store_idx %arg7[%max3A_638], %add3A_613 masked %and3A_624 : memref<208xi32, #tpu.memory_space<vmem>>[vector<16xi32>], vector<16xi32>, vector<16xi1>
    tpu.vector_store_idx %arg8[%max3A_649], %add3A_613 masked %and3A_627 : memref<208xi32, #tpu.memory_space<vmem>>[vector<16xi32>], vector<16xi32>, vector<16xi1>
    %all_reduce_population_count3A_650 = tpu.all_reduce %and3A_624 {dim = 0 : i64, kind = #tpu.reduction_kind<sum>} : vector<16xi1> -> vector<16xi32>
    %add3A_651 = arith.addi %add3A_595, %all_reduce_population_count3A_650 : vector<16xi32>
    %all_reduce_population_count3A_652 = tpu.all_reduce %and3A_627 {dim = 0 : i64, kind = #tpu.reduction_kind<sum>} : vector<16xi1> -> vector<16xi32>
    %add3A_653 = arith.addi %add3A_597, %all_reduce_population_count3A_652 : vector<16xi32>
    %select_n3A_654 = arith.select %and3A_624, %add3A_613, %broadcast_in_dim3A_3 : vector<16xi1>, vector<16xi32>
    %reduce_max3A_655 = arith.constant true
    %reduce_max3A_656 = vector.broadcast %reduce_max3A_655 : i1 to vector<16xi1>
    %reduce_max3A_657 = arith.constant -2147483648 : i32
    %reduce_max3A_658 = vector.broadcast %reduce_max3A_657 : i32 to vector<16xi32>
    %reduce_max3A_659 = arith.xori %select_n3A_654, %reduce_max3A_658 : vector<16xi32>
    %reduce_max3A_660 = tpu.scan <max>, %reduce_max3A_659 masked %reduce_max3A_656 : vector<16xi32>, vector<16xi1> -> vector<16xi32>
    %reduce_max3A_661 = arith.xori %reduce_max3A_660, %reduce_max3A_658 : vector<16xi32>
    %reduce_max3A_662 = vector.extract %reduce_max3A_661[15] : i32 from vector<16xi32>
    %max3A_663 = arith.maxsi %max3A_607, %reduce_max3A_662 : i32
    %get3A_664 = arith.constant 192 : index
    %get3A_665 = tpu.vector_load %arg6[%get3A_664] {strides = array<i32>} : memref<208xi32, #tpu.memory_space<vmem>>, vector<16xi32>,
    %iota3A_666 = tpu.iota {dimensions = array<i32: 0>} : vector<16xi32>
    %add3A_667 = arith.constant 192 : i32
    %add3A_668 = vector.broadcast %add3A_667 : i32 to vector<16xi32>
    %add3A_669 = arith.addi %add3A_668, %iota3A_666 : vector<16xi32>
    %lt3A_670 = arith.constant 196 : i32
    %lt3A_671 = vector.broadcast %lt3A_670 : i32 to vector<16xi32>
    %lt3A_672 = arith.cmpi slt, %add3A_669, %lt3A_671 : vector<16xi32>
    %eq3A_673 = arith.constant 0 : i32
    %eq3A_674 = vector.broadcast %eq3A_673 : i32 to vector<16xi32>
    %eq3A_675 = arith.cmpi eq, %get3A_665, %eq3A_674 : vector<16xi32>
    %gt3A_676 = arith.constant 0 : i32
    %gt3A_677 = vector.broadcast %gt3A_676 : i32 to vector<16xi32>
    %gt3A_678 = arith.cmpi sgt, %add3A_669, %gt3A_677 : vector<16xi32>
    %and3A_679 = arith.andi %eq3A_675, %gt3A_678 : vector<16xi1>
    %and3A_680 = arith.andi %and3A_679, %lt3A_672 : vector<16xi1>
    %not3A_681 = arith.constant dense<true> : vector<16xi1>
    %not3A_682 = arith.xori %and3A_680, %not3A_681 : vector<16xi1>
    %and3A_683 = arith.andi %not3A_682, %lt3A_672 : vector<16xi1>
    %select_n3A_684 = arith.select %and3A_680, %broadcast_in_dim3A_1, %broadcast_in_dim3A_3 : vector<16xi1>, vector<16xi32>
    %cumsum3A_685 = arith.constant true
    %cumsum3A_686 = vector.broadcast %cumsum3A_685 : i1 to vector<16xi1>
    %cumsum3A_687 = tpu.scan <sum>, %select_n3A_684 masked %cumsum3A_686 : vector<16xi32>, vector<16xi1> -> vector<16xi32>
    %add3A_688 = arith.addi %add3A_651, %cumsum3A_687 : vector<16xi32>
    %sub3A_689 = arith.constant 1 : i32
    %sub3A_690 = vector.broadcast %sub3A_689 : i32 to vector<16xi32>
    %sub3A_691 = arith.subi %add3A_688, %sub3A_690 : vector<16xi32>
    %max3A_692 = arith.constant 0 : i32
    %max3A_693 = vector.broadcast %max3A_692 : i32 to vector<16xi32>
    %max3A_694 = arith.maxsi %sub3A_691, %max3A_693 : vector<16xi32>
    %select_n3A_695 = arith.select %and3A_683, %broadcast_in_dim3A_1, %broadcast_in_dim3A_3 : vector<16xi1>, vector<16xi32>
    %cumsum3A_696 = arith.constant true
    %cumsum3A_697 = vector.broadcast %cumsum3A_696 : i1 to vector<16xi1>
    %cumsum3A_698 = tpu.scan <sum>, %select_n3A_695 masked %cumsum3A_697 : vector<16xi32>, vector<16xi1> -> vector<16xi32>
    %add3A_699 = arith.addi %add3A_653, %cumsum3A_698 : vector<16xi32>
    %sub3A_700 = arith.constant 1 : i32
    %sub3A_701 = vector.broadcast %sub3A_700 : i32 to vector<16xi32>
    %sub3A_702 = arith.subi %add3A_699, %sub3A_701 : vector<16xi32>
    %max3A_703 = arith.constant 0 : i32
    %max3A_704 = vector.broadcast %max3A_703 : i32 to vector<16xi32>
    %max3A_705 = arith.maxsi %sub3A_702, %max3A_704 : vector<16xi32>
    tpu.vector_store_idx %arg7[%max3A_694], %add3A_669 masked %and3A_680 : memref<208xi32, #tpu.memory_space<vmem>>[vector<16xi32>], vector<16xi32>, vector<16xi1>
    tpu.vector_store_idx %arg8[%max3A_705], %add3A_669 masked %and3A_683 : memref<208xi32, #tpu.memory_space<vmem>>[vector<16xi32>], vector<16xi32>, vector<16xi1>
    %all_reduce_population_count3A_706 = tpu.all_reduce %and3A_680 {dim = 0 : i64, kind = #tpu.reduction_kind<sum>} : vector<16xi1> -> vector<16xi32>
    %add3A_707 = arith.addi %add3A_651, %all_reduce_population_count3A_706 : vector<16xi32>
    %all_reduce_population_count3A_708 = tpu.all_reduce %and3A_683 {dim = 0 : i64, kind = #tpu.reduction_kind<sum>} : vector<16xi1> -> vector<16xi32>
    %add3A_709 = arith.addi %add3A_653, %all_reduce_population_count3A_708 : vector<16xi32>
    %select_n3A_710 = arith.select %and3A_680, %add3A_669, %broadcast_in_dim3A_3 : vector<16xi1>, vector<16xi32>
    %reduce_max3A_711 = arith.constant true
    %reduce_max3A_712 = vector.broadcast %reduce_max3A_711 : i1 to vector<16xi1>
    %reduce_max3A_713 = arith.constant -2147483648 : i32
    %reduce_max3A_714 = vector.broadcast %reduce_max3A_713 : i32 to vector<16xi32>
    %reduce_max3A_715 = arith.xori %select_n3A_710, %reduce_max3A_714 : vector<16xi32>
    %reduce_max3A_716 = tpu.scan <max>, %reduce_max3A_715 masked %reduce_max3A_712 : vector<16xi32>, vector<16xi1> -> vector<16xi32>
    %reduce_max3A_717 = arith.xori %reduce_max3A_716, %reduce_max3A_714 : vector<16xi32>
    %reduce_max3A_718 = vector.extract %reduce_max3A_717[15] : i32 from vector<16xi32>
    %max3A_719 = arith.maxsi %max3A_663, %reduce_max3A_718 : i32
    %broadcast_in_dim3A_720 = arith.constant 1 : i32
    %broadcast_in_dim3A_721 = vector.broadcast %broadcast_in_dim3A_720 : i32 to vector<16xi32>
    %mul3A_722 = vector.broadcast %max3A_719 : i32 to vector<16xi32>
    %mul3A_723 = arith.muli %broadcast_in_dim3A_721, %mul3A_722 : vector<16xi32>
    %iota3A_724 = tpu.iota {dimensions = array<i32: 0>} : vector<16xi32>
    %add3A_725 = arith.constant 0 : i32
    %add3A_726 = vector.broadcast %add3A_725 : i32 to vector<16xi32>
    %add3A_727 = arith.addi %add3A_726, %iota3A_724 : vector<16xi32>
    %ge3A = arith.cmpi sge, %add3A_727, %add3A_707 : vector<16xi32>
    tpu.vector_store_idx %arg7[%add3A_727], %mul3A_723 masked %ge3A : memref<208xi32, #tpu.memory_space<vmem>>[vector<16xi32>], vector<16xi32>, vector<16xi1>
    %ge3A_728 = arith.cmpi sge, %add3A_727, %add3A_709 : vector<16xi32>
    tpu.vector_store_idx %arg8[%add3A_727], %broadcast_in_dim3A_3 masked %ge3A_728 : memref<208xi32, #tpu.memory_space<vmem>>[vector<16xi32>], vector<16xi32>, vector<16xi1>
    %iota3A_729 = tpu.iota {dimensions = array<i32: 0>} : vector<16xi32>
    %add3A_730 = arith.constant 16 : i32
    %add3A_731 = vector.broadcast %add3A_730 : i32 to vector<16xi32>
    %add3A_732 = arith.addi %add3A_731, %iota3A_729 : vector<16xi32>
    %ge3A_733 = arith.cmpi sge, %add3A_732, %add3A_707 : vector<16xi32>
    tpu.vector_store_idx %arg7[%add3A_732], %mul3A_723 masked %ge3A_733 : memref<208xi32, #tpu.memory_space<vmem>>[vector<16xi32>], vector<16xi32>, vector<16xi1>
    %ge3A_734 = arith.cmpi sge, %add3A_732, %add3A_709 : vector<16xi32>
    tpu.vector_store_idx %arg8[%add3A_732], %broadcast_in_dim3A_3 masked %ge3A_734 : memref<208xi32, #tpu.memory_space<vmem>>[vector<16xi32>], vector<16xi32>, vector<16xi1>
    %iota3A_735 = tpu.iota {dimensions = array<i32: 0>} : vector<16xi32>
    %add3A_736 = arith.constant 32 : i32
    %add3A_737 = vector.broadcast %add3A_736 : i32 to vector<16xi32>
    %add3A_738 = arith.addi %add3A_737, %iota3A_735 : vector<16xi32>
    %ge3A_739 = arith.cmpi sge, %add3A_738, %add3A_707 : vector<16xi32>
    tpu.vector_store_idx %arg7[%add3A_738], %mul3A_723 masked %ge3A_739 : memref<208xi32, #tpu.memory_space<vmem>>[vector<16xi32>], vector<16xi32>, vector<16xi1>
    %ge3A_740 = arith.cmpi sge, %add3A_738, %add3A_709 : vector<16xi32>
    tpu.vector_store_idx %arg8[%add3A_738], %broadcast_in_dim3A_3 masked %ge3A_740 : memref<208xi32, #tpu.memory_space<vmem>>[vector<16xi32>], vector<16xi32>, vector<16xi1>
    %iota3A_741 = tpu.iota {dimensions = array<i32: 0>} : vector<16xi32>
    %add3A_742 = arith.constant 48 : i32
    %add3A_743 = vector.broadcast %add3A_742 : i32 to vector<16xi32>
    %add3A_744 = arith.addi %add3A_743, %iota3A_741 : vector<16xi32>
    %ge3A_745 = arith.cmpi sge, %add3A_744, %add3A_707 : vector<16xi32>
    tpu.vector_store_idx %arg7[%add3A_744], %mul3A_723 masked %ge3A_745 : memref<208xi32, #tpu.memory_space<vmem>>[vector<16xi32>], vector<16xi32>, vector<16xi1>
    %ge3A_746 = arith.cmpi sge, %add3A_744, %add3A_709 : vector<16xi32>
    tpu.vector_store_idx %arg8[%add3A_744], %broadcast_in_dim3A_3 masked %ge3A_746 : memref<208xi32, #tpu.memory_space<vmem>>[vector<16xi32>], vector<16xi32>, vector<16xi1>
    %iota3A_747 = tpu.iota {dimensions = array<i32: 0>} : vector<16xi32>
    %add3A_748 = arith.constant 64 : i32
    %add3A_749 = vector.broadcast %add3A_748 : i32 to vector<16xi32>
    %add3A_750 = arith.addi %add3A_749, %iota3A_747 : vector<16xi32>
    %ge3A_751 = arith.cmpi sge, %add3A_750, %add3A_707 : vector<16xi32>
    tpu.vector_store_idx %arg7[%add3A_750], %mul3A_723 masked %ge3A_751 : memref<208xi32, #tpu.memory_space<vmem>>[vector<16xi32>], vector<16xi32>, vector<16xi1>
    %ge3A_752 = arith.cmpi sge, %add3A_750, %add3A_709 : vector<16xi32>
    tpu.vector_store_idx %arg8[%add3A_750], %broadcast_in_dim3A_3 masked %ge3A_752 : memref<208xi32, #tpu.memory_space<vmem>>[vector<16xi32>], vector<16xi32>, vector<16xi1>
    %iota3A_753 = tpu.iota {dimensions = array<i32: 0>} : vector<16xi32>
    %add3A_754 = arith.constant 80 : i32
    %add3A_755 = vector.broadcast %add3A_754 : i32 to vector<16xi32>
    %add3A_756 = arith.addi %add3A_755, %iota3A_753 : vector<16xi32>
    %ge3A_757 = arith.cmpi sge, %add3A_756, %add3A_707 : vector<16xi32>
    tpu.vector_store_idx %arg7[%add3A_756], %mul3A_723 masked %ge3A_757 : memref<208xi32, #tpu.memory_space<vmem>>[vector<16xi32>], vector<16xi32>, vector<16xi1>
    %ge3A_758 = arith.cmpi sge, %add3A_756, %add3A_709 : vector<16xi32>
    tpu.vector_store_idx %arg8[%add3A_756], %broadcast_in_dim3A_3 masked %ge3A_758 : memref<208xi32, #tpu.memory_space<vmem>>[vector<16xi32>], vector<16xi32>, vector<16xi1>
    %iota3A_759 = tpu.iota {dimensions = array<i32: 0>} : vector<16xi32>
    %add3A_760 = arith.constant 96 : i32
    %add3A_761 = vector.broadcast %add3A_760 : i32 to vector<16xi32>
    %add3A_762 = arith.addi %add3A_761, %iota3A_759 : vector<16xi32>
    %ge3A_763 = arith.cmpi sge, %add3A_762, %add3A_707 : vector<16xi32>
    tpu.vector_store_idx %arg7[%add3A_762], %mul3A_723 masked %ge3A_763 : memref<208xi32, #tpu.memory_space<vmem>>[vector<16xi32>], vector<16xi32>, vector<16xi1>
    %ge3A_764 = arith.cmpi sge, %add3A_762, %add3A_709 : vector<16xi32>
    tpu.vector_store_idx %arg8[%add3A_762], %broadcast_in_dim3A_3 masked %ge3A_764 : memref<208xi32, #tpu.memory_space<vmem>>[vector<16xi32>], vector<16xi32>, vector<16xi1>
    %iota3A_765 = tpu.iota {dimensions = array<i32: 0>} : vector<16xi32>
    %add3A_766 = arith.constant 112 : i32
    %add3A_767 = vector.broadcast %add3A_766 : i32 to vector<16xi32>
    %add3A_768 = arith.addi %add3A_767, %iota3A_765 : vector<16xi32>
    %ge3A_769 = arith.cmpi sge, %add3A_768, %add3A_707 : vector<16xi32>
    tpu.vector_store_idx %arg7[%add3A_768], %mul3A_723 masked %ge3A_769 : memref<208xi32, #tpu.memory_space<vmem>>[vector<16xi32>], vector<16xi32>, vector<16xi1>
    %ge3A_770 = arith.cmpi sge, %add3A_768, %add3A_709 : vector<16xi32>
    tpu.vector_store_idx %arg8[%add3A_768], %broadcast_in_dim3A_3 masked %ge3A_770 : memref<208xi32, #tpu.memory_space<vmem>>[vector<16xi32>], vector<16xi32>, vector<16xi1>
    %iota3A_771 = tpu.iota {dimensions = array<i32: 0>} : vector<16xi32>
    %add3A_772 = arith.constant 128 : i32
    %add3A_773 = vector.broadcast %add3A_772 : i32 to vector<16xi32>
    %add3A_774 = arith.addi %add3A_773, %iota3A_771 : vector<16xi32>
    %ge3A_775 = arith.cmpi sge, %add3A_774, %add3A_707 : vector<16xi32>
    tpu.vector_store_idx %arg7[%add3A_774], %mul3A_723 masked %ge3A_775 : memref<208xi32, #tpu.memory_space<vmem>>[vector<16xi32>], vector<16xi32>, vector<16xi1>
    %ge3A_776 = arith.cmpi sge, %add3A_774, %add3A_709 : vector<16xi32>
    tpu.vector_store_idx %arg8[%add3A_774], %broadcast_in_dim3A_3 masked %ge3A_776 : memref<208xi32, #tpu.memory_space<vmem>>[vector<16xi32>], vector<16xi32>, vector<16xi1>
    %iota3A_777 = tpu.iota {dimensions = array<i32: 0>} : vector<16xi32>
    %add3A_778 = arith.constant 144 : i32
    %add3A_779 = vector.broadcast %add3A_778 : i32 to vector<16xi32>
    %add3A_780 = arith.addi %add3A_779, %iota3A_777 : vector<16xi32>
    %ge3A_781 = arith.cmpi sge, %add3A_780, %add3A_707 : vector<16xi32>
    tpu.vector_store_idx %arg7[%add3A_780], %mul3A_723 masked %ge3A_781 : memref<208xi32, #tpu.memory_space<vmem>>[vector<16xi32>], vector<16xi32>, vector<16xi1>
    %ge3A_782 = arith.cmpi sge, %add3A_780, %add3A_709 : vector<16xi32>
    tpu.vector_store_idx %arg8[%add3A_780], %broadcast_in_dim3A_3 masked %ge3A_782 : memref<208xi32, #tpu.memory_space<vmem>>[vector<16xi32>], vector<16xi32>, vector<16xi1>
    %iota3A_783 = tpu.iota {dimensions = array<i32: 0>} : vector<16xi32>
    %add3A_784 = arith.constant 160 : i32
    %add3A_785 = vector.broadcast %add3A_784 : i32 to vector<16xi32>
    %add3A_786 = arith.addi %add3A_785, %iota3A_783 : vector<16xi32>
    %ge3A_787 = arith.cmpi sge, %add3A_786, %add3A_707 : vector<16xi32>
    tpu.vector_store_idx %arg7[%add3A_786], %mul3A_723 masked %ge3A_787 : memref<208xi32, #tpu.memory_space<vmem>>[vector<16xi32>], vector<16xi32>, vector<16xi1>
    %ge3A_788 = arith.cmpi sge, %add3A_786, %add3A_709 : vector<16xi32>
    tpu.vector_store_idx %arg8[%add3A_786], %broadcast_in_dim3A_3 masked %ge3A_788 : memref<208xi32, #tpu.memory_space<vmem>>[vector<16xi32>], vector<16xi32>, vector<16xi1>
    %iota3A_789 = tpu.iota {dimensions = array<i32: 0>} : vector<16xi32>
    %add3A_790 = arith.constant 176 : i32
    %add3A_791 = vector.broadcast %add3A_790 : i32 to vector<16xi32>
    %add3A_792 = arith.addi %add3A_791, %iota3A_789 : vector<16xi32>
    %ge3A_793 = arith.cmpi sge, %add3A_792, %add3A_707 : vector<16xi32>
    tpu.vector_store_idx %arg7[%add3A_792], %mul3A_723 masked %ge3A_793 : memref<208xi32, #tpu.memory_space<vmem>>[vector<16xi32>], vector<16xi32>, vector<16xi1>
    %ge3A_794 = arith.cmpi sge, %add3A_792, %add3A_709 : vector<16xi32>
    tpu.vector_store_idx %arg8[%add3A_792], %broadcast_in_dim3A_3 masked %ge3A_794 : memref<208xi32, #tpu.memory_space<vmem>>[vector<16xi32>], vector<16xi32>, vector<16xi1>
    %iota3A_795 = tpu.iota {dimensions = array<i32: 0>} : vector<16xi32>
    %add3A_796 = arith.constant 192 : i32
    %add3A_797 = vector.broadcast %add3A_796 : i32 to vector<16xi32>
    %add3A_798 = arith.addi %add3A_797, %iota3A_795 : vector<16xi32>
    %ge3A_799 = arith.cmpi sge, %add3A_798, %add3A_707 : vector<16xi32>
    tpu.vector_store_idx %arg7[%add3A_798], %mul3A_723 masked %ge3A_799 : memref<208xi32, #tpu.memory_space<vmem>>[vector<16xi32>], vector<16xi32>, vector<16xi1>
    %ge3A_800 = arith.cmpi sge, %add3A_798, %add3A_709 : vector<16xi32>
    tpu.vector_store_idx %arg8[%add3A_798], %broadcast_in_dim3A_3 masked %ge3A_800 : memref<208xi32, #tpu.memory_space<vmem>>[vector<16xi32>], vector<16xi32>, vector<16xi1>
    %reduce_max3A_801 = arith.constant true
    %reduce_max3A_802 = vector.broadcast %reduce_max3A_801 : i1 to vector<16xi1>
    %reduce_max3A_803 = arith.constant -2147483648 : i32
    %reduce_max3A_804 = vector.broadcast %reduce_max3A_803 : i32 to vector<16xi32>
    %reduce_max3A_805 = arith.xori %add3A_707, %reduce_max3A_804 : vector<16xi32>
    %reduce_max3A_806 = tpu.scan <max>, %reduce_max3A_805 masked %reduce_max3A_802 : vector<16xi32>, vector<16xi1> -> vector<16xi32>
    %reduce_max3A_807 = arith.xori %reduce_max3A_806, %reduce_max3A_804 : vector<16xi32>
    %reduce_max3A_808 = vector.extract %reduce_max3A_807[15] : i32 from vector<16xi32>
    %reduce_max3A_809 = arith.constant true
    %reduce_max3A_810 = vector.broadcast %reduce_max3A_809 : i1 to vector<16xi1>
    %reduce_max3A_811 = arith.constant -2147483648 : i32
    %reduce_max3A_812 = vector.broadcast %reduce_max3A_811 : i32 to vector<16xi32>
    %reduce_max3A_813 = arith.xori %add3A_709, %reduce_max3A_812 : vector<16xi32>
    %reduce_max3A_814 = tpu.scan <max>, %reduce_max3A_813 masked %reduce_max3A_810 : vector<16xi32>, vector<16xi1> -> vector<16xi32>
    %reduce_max3A_815 = arith.xori %reduce_max3A_814, %reduce_max3A_812 : vector<16xi32>
    %reduce_max3A_816 = vector.extract %reduce_max3A_815[15] : i32 from vector<16xi32>
    %scan3A = arith.constant 0 : i32
    %scan3A_817 = arith.constant 0 : i32
    %scan3A_818 = arith.constant 8 : i32
    %scan3A_819 = arith.addi %scan3A_817, %scan3A_818 : i32
    %scan3A_820 = arith.constant 1 : i32
    scf.for %scan3A_822 = %scan3A_817 to %scan3A_819 step %scan3A_820  : i32 {
      %mul3A_823 = arith.constant 8 : i32
      %mul3A_824 = arith.muli %add3A, %mul3A_823 : i32
      %add3A_825 = arith.addi %mul3A_824, %scan3A_822 : i32
      %broadcast_in_dim3A_826 = vector.broadcast %add3A_825 : i32 to vector<16xi32>
      %gt3A_827 = arith.constant 0 : i32
      %gt3A_828 = arith.cmpi sgt, %reduce_max3A_816, %gt3A_827 : i32
      %convert_element_type3A = arith.extui %gt3A_828 : i1 to i32
      %cond3A = arith.constant 0 : i32
      %cond3A_829 = arith.cmpi ne, %convert_element_type3A, %cond3A : i32
      scf.if %cond3A_829 {
        %get3A_1188 = arith.constant 0 : index
        %get3A_1189 = tpu.vector_load %arg8[%get3A_1188] {strides = array<i32>} : memref<208xi32, #tpu.memory_space<vmem>>, vector<16xi32>,
        %mul3A_1190 = arith.constant 256 : i32
        %mul3A_1191 = vector.broadcast %mul3A_1190 : i32 to vector<16xi32>
        %mul3A_1192 = arith.muli %get3A_1189, %mul3A_1191 : vector<16xi32>
        %add3A_1193 = arith.addi %mul3A_1192, %broadcast_in_dim3A_826 : vector<16xi32>
        %dma_start3A = arith.constant 0 : i32
        %dma_start3A_1194 = arith.constant 0 : i32
        %dma_start3A_1195 = tpu.memref_slice %arg5[%dma_start3A, %dma_start3A_1194] : memref<50176x768xf32, #tpu.memory_space<hbm>> -> memref<50176x768xf32, #tpu.memory_space<hbm>>
        tpu.enqueue_indirect_dma source(%arg10 : memref<16x768xf32, #tpu.memory_space<vmem>>) target(%dma_start3A_1195 : memref<50176x768xf32, #tpu.memory_space<hbm>>) offsets(%add3A_1193 : vector<16xi32>) semaphore(%arg13 : memref<!tpu.dma_semaphore, #tpu.memory_space<semaphore_mem>>)
      } else {
      }
      %gt3A_830 = arith.constant 16 : i32
      %gt3A_831 = arith.cmpi sgt, %reduce_max3A_816, %gt3A_830 : i32
      %convert_element_type3A_832 = arith.extui %gt3A_831 : i1 to i32
      %cond3A_833 = arith.constant 0 : i32
      %cond3A_834 = arith.cmpi ne, %convert_element_type3A_832, %cond3A_833 : i32
      scf.if %cond3A_834 {
        %get3A_1188 = arith.constant 16 : index
        %get3A_1189 = tpu.vector_load %arg8[%get3A_1188] {strides = array<i32>} : memref<208xi32, #tpu.memory_space<vmem>>, vector<16xi32>,
        %mul3A_1190 = arith.constant 256 : i32
        %mul3A_1191 = vector.broadcast %mul3A_1190 : i32 to vector<16xi32>
        %mul3A_1192 = arith.muli %get3A_1189, %mul3A_1191 : vector<16xi32>
        %add3A_1193 = arith.addi %mul3A_1192, %broadcast_in_dim3A_826 : vector<16xi32>
        %dma_start3A = arith.constant 0 : i32
        %dma_start3A_1194 = arith.constant 0 : i32
        %dma_start3A_1195 = tpu.memref_slice %arg5[%dma_start3A, %dma_start3A_1194] : memref<50176x768xf32, #tpu.memory_space<hbm>> -> memref<50176x768xf32, #tpu.memory_space<hbm>>
        tpu.enqueue_indirect_dma source(%arg10 : memref<16x768xf32, #tpu.memory_space<vmem>>) target(%dma_start3A_1195 : memref<50176x768xf32, #tpu.memory_space<hbm>>) offsets(%add3A_1193 : vector<16xi32>) semaphore(%arg13 : memref<!tpu.dma_semaphore, #tpu.memory_space<semaphore_mem>>)
      } else {
      }
      %gt3A_835 = arith.constant 32 : i32
      %gt3A_836 = arith.cmpi sgt, %reduce_max3A_816, %gt3A_835 : i32
      %convert_element_type3A_837 = arith.extui %gt3A_836 : i1 to i32
      %cond3A_838 = arith.constant 0 : i32
      %cond3A_839 = arith.cmpi ne, %convert_element_type3A_837, %cond3A_838 : i32
      scf.if %cond3A_839 {
        %get3A_1188 = arith.constant 32 : index
        %get3A_1189 = tpu.vector_load %arg8[%get3A_1188] {strides = array<i32>} : memref<208xi32, #tpu.memory_space<vmem>>, vector<16xi32>,
        %mul3A_1190 = arith.constant 256 : i32
        %mul3A_1191 = vector.broadcast %mul3A_1190 : i32 to vector<16xi32>
        %mul3A_1192 = arith.muli %get3A_1189, %mul3A_1191 : vector<16xi32>
        %add3A_1193 = arith.addi %mul3A_1192, %broadcast_in_dim3A_826 : vector<16xi32>
        %dma_start3A = arith.constant 0 : i32
        %dma_start3A_1194 = arith.constant 0 : i32
        %dma_start3A_1195 = tpu.memref_slice %arg5[%dma_start3A, %dma_start3A_1194] : memref<50176x768xf32, #tpu.memory_space<hbm>> -> memref<50176x768xf32, #tpu.memory_space<hbm>>
        tpu.enqueue_indirect_dma source(%arg10 : memref<16x768xf32, #tpu.memory_space<vmem>>) target(%dma_start3A_1195 : memref<50176x768xf32, #tpu.memory_space<hbm>>) offsets(%add3A_1193 : vector<16xi32>) semaphore(%arg13 : memref<!tpu.dma_semaphore, #tpu.memory_space<semaphore_mem>>)
      } else {
      }
      %gt3A_840 = arith.constant 48 : i32
      %gt3A_841 = arith.cmpi sgt, %reduce_max3A_816, %gt3A_840 : i32
      %convert_element_type3A_842 = arith.extui %gt3A_841 : i1 to i32
      %cond3A_843 = arith.constant 0 : i32
      %cond3A_844 = arith.cmpi ne, %convert_element_type3A_842, %cond3A_843 : i32
      scf.if %cond3A_844 {
        %get3A_1188 = arith.constant 48 : index
        %get3A_1189 = tpu.vector_load %arg8[%get3A_1188] {strides = array<i32>} : memref<208xi32, #tpu.memory_space<vmem>>, vector<16xi32>,
        %mul3A_1190 = arith.constant 256 : i32
        %mul3A_1191 = vector.broadcast %mul3A_1190 : i32 to vector<16xi32>
        %mul3A_1192 = arith.muli %get3A_1189, %mul3A_1191 : vector<16xi32>
        %add3A_1193 = arith.addi %mul3A_1192, %broadcast_in_dim3A_826 : vector<16xi32>
        %dma_start3A = arith.constant 0 : i32
        %dma_start3A_1194 = arith.constant 0 : i32
        %dma_start3A_1195 = tpu.memref_slice %arg5[%dma_start3A, %dma_start3A_1194] : memref<50176x768xf32, #tpu.memory_space<hbm>> -> memref<50176x768xf32, #tpu.memory_space<hbm>>
        tpu.enqueue_indirect_dma source(%arg10 : memref<16x768xf32, #tpu.memory_space<vmem>>) target(%dma_start3A_1195 : memref<50176x768xf32, #tpu.memory_space<hbm>>) offsets(%add3A_1193 : vector<16xi32>) semaphore(%arg13 : memref<!tpu.dma_semaphore, #tpu.memory_space<semaphore_mem>>)
      } else {
      }
      %gt3A_845 = arith.constant 64 : i32
      %gt3A_846 = arith.cmpi sgt, %reduce_max3A_816, %gt3A_845 : i32
      %convert_element_type3A_847 = arith.extui %gt3A_846 : i1 to i32
      %cond3A_848 = arith.constant 0 : i32
      %cond3A_849 = arith.cmpi ne, %convert_element_type3A_847, %cond3A_848 : i32
      scf.if %cond3A_849 {
        %get3A_1188 = arith.constant 64 : index
        %get3A_1189 = tpu.vector_load %arg8[%get3A_1188] {strides = array<i32>} : memref<208xi32, #tpu.memory_space<vmem>>, vector<16xi32>,
        %mul3A_1190 = arith.constant 256 : i32
        %mul3A_1191 = vector.broadcast %mul3A_1190 : i32 to vector<16xi32>
        %mul3A_1192 = arith.muli %get3A_1189, %mul3A_1191 : vector<16xi32>
        %add3A_1193 = arith.addi %mul3A_1192, %broadcast_in_dim3A_826 : vector<16xi32>
        %dma_start3A = arith.constant 0 : i32
        %dma_start3A_1194 = arith.constant 0 : i32
        %dma_start3A_1195 = tpu.memref_slice %arg5[%dma_start3A, %dma_start3A_1194] : memref<50176x768xf32, #tpu.memory_space<hbm>> -> memref<50176x768xf32, #tpu.memory_space<hbm>>
        tpu.enqueue_indirect_dma source(%arg10 : memref<16x768xf32, #tpu.memory_space<vmem>>) target(%dma_start3A_1195 : memref<50176x768xf32, #tpu.memory_space<hbm>>) offsets(%add3A_1193 : vector<16xi32>) semaphore(%arg13 : memref<!tpu.dma_semaphore, #tpu.memory_space<semaphore_mem>>)
      } else {
      }
      %gt3A_850 = arith.constant 80 : i32
      %gt3A_851 = arith.cmpi sgt, %reduce_max3A_816, %gt3A_850 : i32
      %convert_element_type3A_852 = arith.extui %gt3A_851 : i1 to i32
      %cond3A_853 = arith.constant 0 : i32
      %cond3A_854 = arith.cmpi ne, %convert_element_type3A_852, %cond3A_853 : i32
      scf.if %cond3A_854 {
        %get3A_1188 = arith.constant 80 : index
        %get3A_1189 = tpu.vector_load %arg8[%get3A_1188] {strides = array<i32>} : memref<208xi32, #tpu.memory_space<vmem>>, vector<16xi32>,
        %mul3A_1190 = arith.constant 256 : i32
        %mul3A_1191 = vector.broadcast %mul3A_1190 : i32 to vector<16xi32>
        %mul3A_1192 = arith.muli %get3A_1189, %mul3A_1191 : vector<16xi32>
        %add3A_1193 = arith.addi %mul3A_1192, %broadcast_in_dim3A_826 : vector<16xi32>
        %dma_start3A = arith.constant 0 : i32
        %dma_start3A_1194 = arith.constant 0 : i32
        %dma_start3A_1195 = tpu.memref_slice %arg5[%dma_start3A, %dma_start3A_1194] : memref<50176x768xf32, #tpu.memory_space<hbm>> -> memref<50176x768xf32, #tpu.memory_space<hbm>>
        tpu.enqueue_indirect_dma source(%arg10 : memref<16x768xf32, #tpu.memory_space<vmem>>) target(%dma_start3A_1195 : memref<50176x768xf32, #tpu.memory_space<hbm>>) offsets(%add3A_1193 : vector<16xi32>) semaphore(%arg13 : memref<!tpu.dma_semaphore, #tpu.memory_space<semaphore_mem>>)
      } else {
      }
      %gt3A_855 = arith.constant 96 : i32
      %gt3A_856 = arith.cmpi sgt, %reduce_max3A_816, %gt3A_855 : i32
      %convert_element_type3A_857 = arith.extui %gt3A_856 : i1 to i32
      %cond3A_858 = arith.constant 0 : i32
      %cond3A_859 = arith.cmpi ne, %convert_element_type3A_857, %cond3A_858 : i32
      scf.if %cond3A_859 {
        %get3A_1188 = arith.constant 96 : index
        %get3A_1189 = tpu.vector_load %arg8[%get3A_1188] {strides = array<i32>} : memref<208xi32, #tpu.memory_space<vmem>>, vector<16xi32>,
        %mul3A_1190 = arith.constant 256 : i32
        %mul3A_1191 = vector.broadcast %mul3A_1190 : i32 to vector<16xi32>
        %mul3A_1192 = arith.muli %get3A_1189, %mul3A_1191 : vector<16xi32>
        %add3A_1193 = arith.addi %mul3A_1192, %broadcast_in_dim3A_826 : vector<16xi32>
        %dma_start3A = arith.constant 0 : i32
        %dma_start3A_1194 = arith.constant 0 : i32
        %dma_start3A_1195 = tpu.memref_slice %arg5[%dma_start3A, %dma_start3A_1194] : memref<50176x768xf32, #tpu.memory_space<hbm>> -> memref<50176x768xf32, #tpu.memory_space<hbm>>
        tpu.enqueue_indirect_dma source(%arg10 : memref<16x768xf32, #tpu.memory_space<vmem>>) target(%dma_start3A_1195 : memref<50176x768xf32, #tpu.memory_space<hbm>>) offsets(%add3A_1193 : vector<16xi32>) semaphore(%arg13 : memref<!tpu.dma_semaphore, #tpu.memory_space<semaphore_mem>>)
      } else {
      }
      %gt3A_860 = arith.constant 112 : i32
      %gt3A_861 = arith.cmpi sgt, %reduce_max3A_816, %gt3A_860 : i32
      %convert_element_type3A_862 = arith.extui %gt3A_861 : i1 to i32
      %cond3A_863 = arith.constant 0 : i32
      %cond3A_864 = arith.cmpi ne, %convert_element_type3A_862, %cond3A_863 : i32
      scf.if %cond3A_864 {
        %get3A_1188 = arith.constant 112 : index
        %get3A_1189 = tpu.vector_load %arg8[%get3A_1188] {strides = array<i32>} : memref<208xi32, #tpu.memory_space<vmem>>, vector<16xi32>,
        %mul3A_1190 = arith.constant 256 : i32
        %mul3A_1191 = vector.broadcast %mul3A_1190 : i32 to vector<16xi32>
        %mul3A_1192 = arith.muli %get3A_1189, %mul3A_1191 : vector<16xi32>
        %add3A_1193 = arith.addi %mul3A_1192, %broadcast_in_dim3A_826 : vector<16xi32>
        %dma_start3A = arith.constant 0 : i32
        %dma_start3A_1194 = arith.constant 0 : i32
        %dma_start3A_1195 = tpu.memref_slice %arg5[%dma_start3A, %dma_start3A_1194] : memref<50176x768xf32, #tpu.memory_space<hbm>> -> memref<50176x768xf32, #tpu.memory_space<hbm>>
        tpu.enqueue_indirect_dma source(%arg10 : memref<16x768xf32, #tpu.memory_space<vmem>>) target(%dma_start3A_1195 : memref<50176x768xf32, #tpu.memory_space<hbm>>) offsets(%add3A_1193 : vector<16xi32>) semaphore(%arg13 : memref<!tpu.dma_semaphore, #tpu.memory_space<semaphore_mem>>)
      } else {
      }
      %gt3A_865 = arith.constant 128 : i32
      %gt3A_866 = arith.cmpi sgt, %reduce_max3A_816, %gt3A_865 : i32
      %convert_element_type3A_867 = arith.extui %gt3A_866 : i1 to i32
      %cond3A_868 = arith.constant 0 : i32
      %cond3A_869 = arith.cmpi ne, %convert_element_type3A_867, %cond3A_868 : i32
      scf.if %cond3A_869 {
        %get3A_1188 = arith.constant 128 : index
        %get3A_1189 = tpu.vector_load %arg8[%get3A_1188] {strides = array<i32>} : memref<208xi32, #tpu.memory_space<vmem>>, vector<16xi32>,
        %mul3A_1190 = arith.constant 256 : i32
        %mul3A_1191 = vector.broadcast %mul3A_1190 : i32 to vector<16xi32>
        %mul3A_1192 = arith.muli %get3A_1189, %mul3A_1191 : vector<16xi32>
        %add3A_1193 = arith.addi %mul3A_1192, %broadcast_in_dim3A_826 : vector<16xi32>
        %dma_start3A = arith.constant 0 : i32
        %dma_start3A_1194 = arith.constant 0 : i32
        %dma_start3A_1195 = tpu.memref_slice %arg5[%dma_start3A, %dma_start3A_1194] : memref<50176x768xf32, #tpu.memory_space<hbm>> -> memref<50176x768xf32, #tpu.memory_space<hbm>>
        tpu.enqueue_indirect_dma source(%arg10 : memref<16x768xf32, #tpu.memory_space<vmem>>) target(%dma_start3A_1195 : memref<50176x768xf32, #tpu.memory_space<hbm>>) offsets(%add3A_1193 : vector<16xi32>) semaphore(%arg13 : memref<!tpu.dma_semaphore, #tpu.memory_space<semaphore_mem>>)
      } else {
      }
      %gt3A_870 = arith.constant 144 : i32
      %gt3A_871 = arith.cmpi sgt, %reduce_max3A_816, %gt3A_870 : i32
      %convert_element_type3A_872 = arith.extui %gt3A_871 : i1 to i32
      %cond3A_873 = arith.constant 0 : i32
      %cond3A_874 = arith.cmpi ne, %convert_element_type3A_872, %cond3A_873 : i32
      scf.if %cond3A_874 {
        %get3A_1188 = arith.constant 144 : index
        %get3A_1189 = tpu.vector_load %arg8[%get3A_1188] {strides = array<i32>} : memref<208xi32, #tpu.memory_space<vmem>>, vector<16xi32>,
        %mul3A_1190 = arith.constant 256 : i32
        %mul3A_1191 = vector.broadcast %mul3A_1190 : i32 to vector<16xi32>
        %mul3A_1192 = arith.muli %get3A_1189, %mul3A_1191 : vector<16xi32>
        %add3A_1193 = arith.addi %mul3A_1192, %broadcast_in_dim3A_826 : vector<16xi32>
        %dma_start3A = arith.constant 0 : i32
        %dma_start3A_1194 = arith.constant 0 : i32
        %dma_start3A_1195 = tpu.memref_slice %arg5[%dma_start3A, %dma_start3A_1194] : memref<50176x768xf32, #tpu.memory_space<hbm>> -> memref<50176x768xf32, #tpu.memory_space<hbm>>
        tpu.enqueue_indirect_dma source(%arg10 : memref<16x768xf32, #tpu.memory_space<vmem>>) target(%dma_start3A_1195 : memref<50176x768xf32, #tpu.memory_space<hbm>>) offsets(%add3A_1193 : vector<16xi32>) semaphore(%arg13 : memref<!tpu.dma_semaphore, #tpu.memory_space<semaphore_mem>>)
      } else {
      }
      %gt3A_875 = arith.constant 160 : i32
      %gt3A_876 = arith.cmpi sgt, %reduce_max3A_816, %gt3A_875 : i32
      %convert_element_type3A_877 = arith.extui %gt3A_876 : i1 to i32
      %cond3A_878 = arith.constant 0 : i32
      %cond3A_879 = arith.cmpi ne, %convert_element_type3A_877, %cond3A_878 : i32
      scf.if %cond3A_879 {
        %get3A_1188 = arith.constant 160 : index
        %get3A_1189 = tpu.vector_load %arg8[%get3A_1188] {strides = array<i32>} : memref<208xi32, #tpu.memory_space<vmem>>, vector<16xi32>,
        %mul3A_1190 = arith.constant 256 : i32
        %mul3A_1191 = vector.broadcast %mul3A_1190 : i32 to vector<16xi32>
        %mul3A_1192 = arith.muli %get3A_1189, %mul3A_1191 : vector<16xi32>
        %add3A_1193 = arith.addi %mul3A_1192, %broadcast_in_dim3A_826 : vector<16xi32>
        %dma_start3A = arith.constant 0 : i32
        %dma_start3A_1194 = arith.constant 0 : i32
        %dma_start3A_1195 = tpu.memref_slice %arg5[%dma_start3A, %dma_start3A_1194] : memref<50176x768xf32, #tpu.memory_space<hbm>> -> memref<50176x768xf32, #tpu.memory_space<hbm>>
        tpu.enqueue_indirect_dma source(%arg10 : memref<16x768xf32, #tpu.memory_space<vmem>>) target(%dma_start3A_1195 : memref<50176x768xf32, #tpu.memory_space<hbm>>) offsets(%add3A_1193 : vector<16xi32>) semaphore(%arg13 : memref<!tpu.dma_semaphore, #tpu.memory_space<semaphore_mem>>)
      } else {
      }
      %gt3A_880 = arith.constant 176 : i32
      %gt3A_881 = arith.cmpi sgt, %reduce_max3A_816, %gt3A_880 : i32
      %convert_element_type3A_882 = arith.extui %gt3A_881 : i1 to i32
      %cond3A_883 = arith.constant 0 : i32
      %cond3A_884 = arith.cmpi ne, %convert_element_type3A_882, %cond3A_883 : i32
      scf.if %cond3A_884 {
        %get3A_1188 = arith.constant 176 : index
        %get3A_1189 = tpu.vector_load %arg8[%get3A_1188] {strides = array<i32>} : memref<208xi32, #tpu.memory_space<vmem>>, vector<16xi32>,
        %mul3A_1190 = arith.constant 256 : i32
        %mul3A_1191 = vector.broadcast %mul3A_1190 : i32 to vector<16xi32>
        %mul3A_1192 = arith.muli %get3A_1189, %mul3A_1191 : vector<16xi32>
        %add3A_1193 = arith.addi %mul3A_1192, %broadcast_in_dim3A_826 : vector<16xi32>
        %dma_start3A = arith.constant 0 : i32
        %dma_start3A_1194 = arith.constant 0 : i32
        %dma_start3A_1195 = tpu.memref_slice %arg5[%dma_start3A, %dma_start3A_1194] : memref<50176x768xf32, #tpu.memory_space<hbm>> -> memref<50176x768xf32, #tpu.memory_space<hbm>>
        tpu.enqueue_indirect_dma source(%arg10 : memref<16x768xf32, #tpu.memory_space<vmem>>) target(%dma_start3A_1195 : memref<50176x768xf32, #tpu.memory_space<hbm>>) offsets(%add3A_1193 : vector<16xi32>) semaphore(%arg13 : memref<!tpu.dma_semaphore, #tpu.memory_space<semaphore_mem>>)
      } else {
      }
      %gt3A_885 = arith.constant 192 : i32
      %gt3A_886 = arith.cmpi sgt, %reduce_max3A_816, %gt3A_885 : i32
      %convert_element_type3A_887 = arith.extui %gt3A_886 : i1 to i32
      %cond3A_888 = arith.constant 0 : i32
      %cond3A_889 = arith.cmpi ne, %convert_element_type3A_887, %cond3A_888 : i32
      scf.if %cond3A_889 {
        %get3A_1188 = arith.constant 192 : index
        %get3A_1189 = tpu.vector_load %arg8[%get3A_1188] {strides = array<i32>} : memref<208xi32, #tpu.memory_space<vmem>>, vector<16xi32>,
        %mul3A_1190 = arith.constant 256 : i32
        %mul3A_1191 = vector.broadcast %mul3A_1190 : i32 to vector<16xi32>
        %mul3A_1192 = arith.muli %get3A_1189, %mul3A_1191 : vector<16xi32>
        %add3A_1193 = arith.addi %mul3A_1192, %broadcast_in_dim3A_826 : vector<16xi32>
        %dma_start3A = arith.constant 0 : i32
        %dma_start3A_1194 = arith.constant 0 : i32
        %dma_start3A_1195 = tpu.memref_slice %arg5[%dma_start3A, %dma_start3A_1194] : memref<50176x768xf32, #tpu.memory_space<hbm>> -> memref<50176x768xf32, #tpu.memory_space<hbm>>
        tpu.enqueue_indirect_dma source(%arg10 : memref<16x768xf32, #tpu.memory_space<vmem>>) target(%dma_start3A_1195 : memref<50176x768xf32, #tpu.memory_space<hbm>>) offsets(%add3A_1193 : vector<16xi32>) semaphore(%arg13 : memref<!tpu.dma_semaphore, #tpu.memory_space<semaphore_mem>>)
      } else {
      }
      %gt3A_890 = arith.constant 0 : i32
      %gt3A_891 = arith.cmpi sgt, %reduce_max3A_808, %gt3A_890 : i32
      %convert_element_type3A_892 = arith.extui %gt3A_891 : i1 to i32
      %cond3A_893 = arith.constant 0 : i32
      %cond3A_894 = arith.cmpi ne, %convert_element_type3A_892, %cond3A_893 : i32
      scf.if %cond3A_894 {
        %get3A_1188 = arith.constant 0 : index
        %get3A_1189 = tpu.vector_load %arg7[%get3A_1188] {strides = array<i32>} : memref<208xi32, #tpu.memory_space<vmem>>, vector<16xi32>,
        %mul3A_1190 = arith.constant 256 : i32
        %mul3A_1191 = vector.broadcast %mul3A_1190 : i32 to vector<16xi32>
        %mul3A_1192 = arith.muli %get3A_1189, %mul3A_1191 : vector<16xi32>
        %add3A_1193 = arith.addi %mul3A_1192, %broadcast_in_dim3A_826 : vector<16xi32>
        %dma_start3A = arith.constant 0 : i32
        %dma_start3A_1194 = arith.constant 0 : i32
        %dma_start3A_1195 = arith.constant 0 : i32
        %dma_start3A_1196 = arith.constant 0 : i32
        %dma_start3A_1197 = tpu.memref_slice %arg9[%dma_start3A, %dma_start3A_1195, %dma_start3A_1196] : memref<4x16x768xf32, #tpu.memory_space<vmem>> -> memref<1x16x768xf32, #tpu.memory_space<vmem>>
        %dma_start3A_1198 = tpu.memref_squeeze %dma_start3A_1197 : memref<1x16x768xf32, #tpu.memory_space<vmem>> -> memref<16x768xf32, #tpu.memory_space<vmem>>
        %dma_start3A_1199 = arith.constant 0 : i32
        %dma_start3A_1200 = arith.constant 0 : i32
        %dma_start3A_1201 = tpu.memref_slice %arg2[%dma_start3A_1199, %dma_start3A_1200] : memref<50176x768xf32, #tpu.memory_space<hbm>> -> memref<50176x768xf32, #tpu.memory_space<hbm>>
        %dma_start3A_1202 = tpu.memref_slice %arg11[%dma_start3A_1194] : memref<4x!tpu.dma_semaphore, #tpu.memory_space<semaphore_mem>> -> memref<1x!tpu.dma_semaphore, #tpu.memory_space<semaphore_mem>>
        %dma_start3A_1203 = tpu.memref_squeeze %dma_start3A_1202 : memref<1x!tpu.dma_semaphore, #tpu.memory_space<semaphore_mem>> -> memref<!tpu.dma_semaphore, #tpu.memory_space<semaphore_mem>>
        tpu.enqueue_indirect_dma source(%dma_start3A_1201 : memref<50176x768xf32, #tpu.memory_space<hbm>>) target(%dma_start3A_1198 : memref<16x768xf32, #tpu.memory_space<vmem>>) offsets(%add3A_1193 : vector<16xi32>) semaphore(%dma_start3A_1203 : memref<!tpu.dma_semaphore, #tpu.memory_space<semaphore_mem>>)
      } else {
      }
      %gt3A_895 = arith.constant 16 : i32
      %gt3A_896 = arith.cmpi sgt, %reduce_max3A_808, %gt3A_895 : i32
      %convert_element_type3A_897 = arith.extui %gt3A_896 : i1 to i32
      %cond3A_898 = arith.constant 0 : i32
      %cond3A_899 = arith.cmpi ne, %convert_element_type3A_897, %cond3A_898 : i32
      scf.if %cond3A_899 {
        %get3A_1188 = arith.constant 16 : index
        %get3A_1189 = tpu.vector_load %arg7[%get3A_1188] {strides = array<i32>} : memref<208xi32, #tpu.memory_space<vmem>>, vector<16xi32>,
        %mul3A_1190 = arith.constant 256 : i32
        %mul3A_1191 = vector.broadcast %mul3A_1190 : i32 to vector<16xi32>
        %mul3A_1192 = arith.muli %get3A_1189, %mul3A_1191 : vector<16xi32>
        %add3A_1193 = arith.addi %mul3A_1192, %broadcast_in_dim3A_826 : vector<16xi32>
        %dma_start3A = arith.constant 1 : i32
        %dma_start3A_1194 = arith.constant 1 : i32
        %dma_start3A_1195 = arith.constant 0 : i32
        %dma_start3A_1196 = arith.constant 0 : i32
        %dma_start3A_1197 = tpu.memref_slice %arg9[%dma_start3A, %dma_start3A_1195, %dma_start3A_1196] : memref<4x16x768xf32, #tpu.memory_space<vmem>> -> memref<1x16x768xf32, #tpu.memory_space<vmem>>
        %dma_start3A_1198 = tpu.memref_squeeze %dma_start3A_1197 : memref<1x16x768xf32, #tpu.memory_space<vmem>> -> memref<16x768xf32, #tpu.memory_space<vmem>>
        %dma_start3A_1199 = arith.constant 0 : i32
        %dma_start3A_1200 = arith.constant 0 : i32
        %dma_start3A_1201 = tpu.memref_slice %arg2[%dma_start3A_1199, %dma_start3A_1200] : memref<50176x768xf32, #tpu.memory_space<hbm>> -> memref<50176x768xf32, #tpu.memory_space<hbm>>
        %dma_start3A_1202 = tpu.memref_slice %arg11[%dma_start3A_1194] : memref<4x!tpu.dma_semaphore, #tpu.memory_space<semaphore_mem>> -> memref<1x!tpu.dma_semaphore, #tpu.memory_space<semaphore_mem>>
        %dma_start3A_1203 = tpu.memref_squeeze %dma_start3A_1202 : memref<1x!tpu.dma_semaphore, #tpu.memory_space<semaphore_mem>> -> memref<!tpu.dma_semaphore, #tpu.memory_space<semaphore_mem>>
        tpu.enqueue_indirect_dma source(%dma_start3A_1201 : memref<50176x768xf32, #tpu.memory_space<hbm>>) target(%dma_start3A_1198 : memref<16x768xf32, #tpu.memory_space<vmem>>) offsets(%add3A_1193 : vector<16xi32>) semaphore(%dma_start3A_1203 : memref<!tpu.dma_semaphore, #tpu.memory_space<semaphore_mem>>)
      } else {
      }
      %gt3A_900 = arith.constant 0 : i32
      %gt3A_901 = arith.cmpi sgt, %reduce_max3A_808, %gt3A_900 : i32
      %convert_element_type3A_902 = arith.extui %gt3A_901 : i1 to i32
      %cond3A_903 = arith.constant 0 : i32
      %cond3A_904 = arith.cmpi ne, %convert_element_type3A_902, %cond3A_903 : i32
      scf.if %cond3A_904 {
        %get3A_1188 = arith.constant 0 : index
        %get3A_1189 = tpu.vector_load %arg7[%get3A_1188] {strides = array<i32>} : memref<208xi32, #tpu.memory_space<vmem>>, vector<16xi32>,
        %mul3A_1190 = arith.constant 256 : i32
        %mul3A_1191 = vector.broadcast %mul3A_1190 : i32 to vector<16xi32>
        %mul3A_1192 = arith.muli %get3A_1189, %mul3A_1191 : vector<16xi32>
        %add3A_1193 = arith.addi %mul3A_1192, %broadcast_in_dim3A_826 : vector<16xi32>
        %dma_wait3A = arith.constant 0 : i32
        %dma_wait3A_1194 = arith.constant 0 : i32
        %dma_wait3A_1195 = arith.constant 0 : i32
        %dma_wait3A_1196 = arith.constant 0 : i32
        %dma_wait3A_1197 = tpu.memref_slice %arg9[%dma_wait3A, %dma_wait3A_1195, %dma_wait3A_1196] : memref<4x16x768xf32, #tpu.memory_space<vmem>> -> memref<1x16x768xf32, #tpu.memory_space<vmem>>
        %dma_wait3A_1198 = tpu.memref_squeeze %dma_wait3A_1197 : memref<1x16x768xf32, #tpu.memory_space<vmem>> -> memref<16x768xf32, #tpu.memory_space<vmem>>
        %dma_wait3A_1199 = arith.constant 0 : i32
        %dma_wait3A_1200 = arith.constant 0 : i32
        %dma_wait3A_1201 = tpu.memref_slice %arg2[%dma_wait3A_1199, %dma_wait3A_1200] : memref<50176x768xf32, #tpu.memory_space<hbm>> -> memref<50176x768xf32, #tpu.memory_space<hbm>>
        %dma_wait3A_1202 = tpu.memref_slice %arg11[%dma_wait3A_1194] : memref<4x!tpu.dma_semaphore, #tpu.memory_space<semaphore_mem>> -> memref<1x!tpu.dma_semaphore, #tpu.memory_space<semaphore_mem>>
        %dma_wait3A_1203 = tpu.memref_squeeze %dma_wait3A_1202 : memref<1x!tpu.dma_semaphore, #tpu.memory_space<semaphore_mem>> -> memref<!tpu.dma_semaphore, #tpu.memory_space<semaphore_mem>>
        tpu.wait_indirect_dma semaphore(%dma_wait3A_1203 : memref<!tpu.dma_semaphore, #tpu.memory_space<semaphore_mem>>) src(%dma_wait3A_1201 : memref<50176x768xf32, #tpu.memory_space<hbm>>) dst(%dma_wait3A_1198 : memref<16x768xf32, #tpu.memory_space<vmem>>)
        %get3A_1204 = arith.constant 0 : index
        %get3A_1205 = tpu.vector_load %arg7[%get3A_1204] {strides = array<i32>} : memref<208xi32, #tpu.memory_space<vmem>>, vector<16xi32>,
        %mul3A_1206 = arith.constant 256 : i32
        %mul3A_1207 = vector.broadcast %mul3A_1206 : i32 to vector<16xi32>
        %mul3A_1208 = arith.muli %get3A_1205, %mul3A_1207 : vector<16xi32>
        %add3A_1209 = arith.addi %mul3A_1208, %broadcast_in_dim3A_826 : vector<16xi32>
        %dma_start3A = arith.constant 0 : i32
        %dma_start3A_1210 = arith.constant 0 : i32
        %dma_start3A_1211 = arith.constant 0 : i32
        %dma_start3A_1212 = arith.constant 0 : i32
        %dma_start3A_1213 = tpu.memref_slice %arg9[%dma_start3A, %dma_start3A_1211, %dma_start3A_1212] : memref<4x16x768xf32, #tpu.memory_space<vmem>> -> memref<1x16x768xf32, #tpu.memory_space<vmem>>
        %dma_start3A_1214 = tpu.memref_squeeze %dma_start3A_1213 : memref<1x16x768xf32, #tpu.memory_space<vmem>> -> memref<16x768xf32, #tpu.memory_space<vmem>>
        %dma_start3A_1215 = arith.constant 0 : i32
        %dma_start3A_1216 = arith.constant 0 : i32
        %dma_start3A_1217 = tpu.memref_slice %arg5[%dma_start3A_1215, %dma_start3A_1216] : memref<50176x768xf32, #tpu.memory_space<hbm>> -> memref<50176x768xf32, #tpu.memory_space<hbm>>
        %dma_start3A_1218 = tpu.memref_slice %arg12[%dma_start3A_1210] : memref<4x!tpu.dma_semaphore, #tpu.memory_space<semaphore_mem>> -> memref<1x!tpu.dma_semaphore, #tpu.memory_space<semaphore_mem>>
        %dma_start3A_1219 = tpu.memref_squeeze %dma_start3A_1218 : memref<1x!tpu.dma_semaphore, #tpu.memory_space<semaphore_mem>> -> memref<!tpu.dma_semaphore, #tpu.memory_space<semaphore_mem>>
        tpu.enqueue_indirect_dma source(%dma_start3A_1214 : memref<16x768xf32, #tpu.memory_space<vmem>>) target(%dma_start3A_1217 : memref<50176x768xf32, #tpu.memory_space<hbm>>) offsets(%add3A_1209 : vector<16xi32>) semaphore(%dma_start3A_1219 : memref<!tpu.dma_semaphore, #tpu.memory_space<semaphore_mem>>)
      } else {
      }
      %gt3A_905 = arith.constant 32 : i32
      %gt3A_906 = arith.cmpi sgt, %reduce_max3A_808, %gt3A_905 : i32
      %convert_element_type3A_907 = arith.extui %gt3A_906 : i1 to i32
      %cond3A_908 = arith.constant 0 : i32
      %cond3A_909 = arith.cmpi ne, %convert_element_type3A_907, %cond3A_908 : i32
      scf.if %cond3A_909 {
        %get3A_1188 = arith.constant 32 : index
        %get3A_1189 = tpu.vector_load %arg7[%get3A_1188] {strides = array<i32>} : memref<208xi32, #tpu.memory_space<vmem>>, vector<16xi32>,
        %mul3A_1190 = arith.constant 256 : i32
        %mul3A_1191 = vector.broadcast %mul3A_1190 : i32 to vector<16xi32>
        %mul3A_1192 = arith.muli %get3A_1189, %mul3A_1191 : vector<16xi32>
        %add3A_1193 = arith.addi %mul3A_1192, %broadcast_in_dim3A_826 : vector<16xi32>
        %dma_start3A = arith.constant 2 : i32
        %dma_start3A_1194 = arith.constant 2 : i32
        %dma_start3A_1195 = arith.constant 0 : i32
        %dma_start3A_1196 = arith.constant 0 : i32
        %dma_start3A_1197 = tpu.memref_slice %arg9[%dma_start3A, %dma_start3A_1195, %dma_start3A_1196] : memref<4x16x768xf32, #tpu.memory_space<vmem>> -> memref<1x16x768xf32, #tpu.memory_space<vmem>>
        %dma_start3A_1198 = tpu.memref_squeeze %dma_start3A_1197 : memref<1x16x768xf32, #tpu.memory_space<vmem>> -> memref<16x768xf32, #tpu.memory_space<vmem>>
        %dma_start3A_1199 = arith.constant 0 : i32
        %dma_start3A_1200 = arith.constant 0 : i32
        %dma_start3A_1201 = tpu.memref_slice %arg2[%dma_start3A_1199, %dma_start3A_1200] : memref<50176x768xf32, #tpu.memory_space<hbm>> -> memref<50176x768xf32, #tpu.memory_space<hbm>>
        %dma_start3A_1202 = tpu.memref_slice %arg11[%dma_start3A_1194] : memref<4x!tpu.dma_semaphore, #tpu.memory_space<semaphore_mem>> -> memref<1x!tpu.dma_semaphore, #tpu.memory_space<semaphore_mem>>
        %dma_start3A_1203 = tpu.memref_squeeze %dma_start3A_1202 : memref<1x!tpu.dma_semaphore, #tpu.memory_space<semaphore_mem>> -> memref<!tpu.dma_semaphore, #tpu.memory_space<semaphore_mem>>
        tpu.enqueue_indirect_dma source(%dma_start3A_1201 : memref<50176x768xf32, #tpu.memory_space<hbm>>) target(%dma_start3A_1198 : memref<16x768xf32, #tpu.memory_space<vmem>>) offsets(%add3A_1193 : vector<16xi32>) semaphore(%dma_start3A_1203 : memref<!tpu.dma_semaphore, #tpu.memory_space<semaphore_mem>>)
      } else {
      }
      %gt3A_910 = arith.constant 16 : i32
      %gt3A_911 = arith.cmpi sgt, %reduce_max3A_808, %gt3A_910 : i32
      %convert_element_type3A_912 = arith.extui %gt3A_911 : i1 to i32
      %cond3A_913 = arith.constant 0 : i32
      %cond3A_914 = arith.cmpi ne, %convert_element_type3A_912, %cond3A_913 : i32
      scf.if %cond3A_914 {
        %get3A_1188 = arith.constant 16 : index
        %get3A_1189 = tpu.vector_load %arg7[%get3A_1188] {strides = array<i32>} : memref<208xi32, #tpu.memory_space<vmem>>, vector<16xi32>,
        %mul3A_1190 = arith.constant 256 : i32
        %mul3A_1191 = vector.broadcast %mul3A_1190 : i32 to vector<16xi32>
        %mul3A_1192 = arith.muli %get3A_1189, %mul3A_1191 : vector<16xi32>
        %add3A_1193 = arith.addi %mul3A_1192, %broadcast_in_dim3A_826 : vector<16xi32>
        %dma_wait3A = arith.constant 1 : i32
        %dma_wait3A_1194 = arith.constant 1 : i32
        %dma_wait3A_1195 = arith.constant 0 : i32
        %dma_wait3A_1196 = arith.constant 0 : i32
        %dma_wait3A_1197 = tpu.memref_slice %arg9[%dma_wait3A, %dma_wait3A_1195, %dma_wait3A_1196] : memref<4x16x768xf32, #tpu.memory_space<vmem>> -> memref<1x16x768xf32, #tpu.memory_space<vmem>>
        %dma_wait3A_1198 = tpu.memref_squeeze %dma_wait3A_1197 : memref<1x16x768xf32, #tpu.memory_space<vmem>> -> memref<16x768xf32, #tpu.memory_space<vmem>>
        %dma_wait3A_1199 = arith.constant 0 : i32
        %dma_wait3A_1200 = arith.constant 0 : i32
        %dma_wait3A_1201 = tpu.memref_slice %arg2[%dma_wait3A_1199, %dma_wait3A_1200] : memref<50176x768xf32, #tpu.memory_space<hbm>> -> memref<50176x768xf32, #tpu.memory_space<hbm>>
        %dma_wait3A_1202 = tpu.memref_slice %arg11[%dma_wait3A_1194] : memref<4x!tpu.dma_semaphore, #tpu.memory_space<semaphore_mem>> -> memref<1x!tpu.dma_semaphore, #tpu.memory_space<semaphore_mem>>
        %dma_wait3A_1203 = tpu.memref_squeeze %dma_wait3A_1202 : memref<1x!tpu.dma_semaphore, #tpu.memory_space<semaphore_mem>> -> memref<!tpu.dma_semaphore, #tpu.memory_space<semaphore_mem>>
        tpu.wait_indirect_dma semaphore(%dma_wait3A_1203 : memref<!tpu.dma_semaphore, #tpu.memory_space<semaphore_mem>>) src(%dma_wait3A_1201 : memref<50176x768xf32, #tpu.memory_space<hbm>>) dst(%dma_wait3A_1198 : memref<16x768xf32, #tpu.memory_space<vmem>>)
        %get3A_1204 = arith.constant 16 : index
        %get3A_1205 = tpu.vector_load %arg7[%get3A_1204] {strides = array<i32>} : memref<208xi32, #tpu.memory_space<vmem>>, vector<16xi32>,
        %mul3A_1206 = arith.constant 256 : i32
        %mul3A_1207 = vector.broadcast %mul3A_1206 : i32 to vector<16xi32>
        %mul3A_1208 = arith.muli %get3A_1205, %mul3A_1207 : vector<16xi32>
        %add3A_1209 = arith.addi %mul3A_1208, %broadcast_in_dim3A_826 : vector<16xi32>
        %dma_start3A = arith.constant 1 : i32
        %dma_start3A_1210 = arith.constant 1 : i32
        %dma_start3A_1211 = arith.constant 0 : i32
        %dma_start3A_1212 = arith.constant 0 : i32
        %dma_start3A_1213 = tpu.memref_slice %arg9[%dma_start3A, %dma_start3A_1211, %dma_start3A_1212] : memref<4x16x768xf32, #tpu.memory_space<vmem>> -> memref<1x16x768xf32, #tpu.memory_space<vmem>>
        %dma_start3A_1214 = tpu.memref_squeeze %dma_start3A_1213 : memref<1x16x768xf32, #tpu.memory_space<vmem>> -> memref<16x768xf32, #tpu.memory_space<vmem>>
        %dma_start3A_1215 = arith.constant 0 : i32
        %dma_start3A_1216 = arith.constant 0 : i32
        %dma_start3A_1217 = tpu.memref_slice %arg5[%dma_start3A_1215, %dma_start3A_1216] : memref<50176x768xf32, #tpu.memory_space<hbm>> -> memref<50176x768xf32, #tpu.memory_space<hbm>>
        %dma_start3A_1218 = tpu.memref_slice %arg12[%dma_start3A_1210] : memref<4x!tpu.dma_semaphore, #tpu.memory_space<semaphore_mem>> -> memref<1x!tpu.dma_semaphore, #tpu.memory_space<semaphore_mem>>
        %dma_start3A_1219 = tpu.memref_squeeze %dma_start3A_1218 : memref<1x!tpu.dma_semaphore, #tpu.memory_space<semaphore_mem>> -> memref<!tpu.dma_semaphore, #tpu.memory_space<semaphore_mem>>
        tpu.enqueue_indirect_dma source(%dma_start3A_1214 : memref<16x768xf32, #tpu.memory_space<vmem>>) target(%dma_start3A_1217 : memref<50176x768xf32, #tpu.memory_space<hbm>>) offsets(%add3A_1209 : vector<16xi32>) semaphore(%dma_start3A_1219 : memref<!tpu.dma_semaphore, #tpu.memory_space<semaphore_mem>>)
      } else {
      }
      %gt3A_915 = arith.constant 48 : i32
      %gt3A_916 = arith.cmpi sgt, %reduce_max3A_808, %gt3A_915 : i32
      %convert_element_type3A_917 = arith.extui %gt3A_916 : i1 to i32
      %cond3A_918 = arith.constant 0 : i32
      %cond3A_919 = arith.cmpi ne, %convert_element_type3A_917, %cond3A_918 : i32
      scf.if %cond3A_919 {
        %get3A_1188 = arith.constant 48 : index
        %get3A_1189 = tpu.vector_load %arg7[%get3A_1188] {strides = array<i32>} : memref<208xi32, #tpu.memory_space<vmem>>, vector<16xi32>,
        %mul3A_1190 = arith.constant 256 : i32
        %mul3A_1191 = vector.broadcast %mul3A_1190 : i32 to vector<16xi32>
        %mul3A_1192 = arith.muli %get3A_1189, %mul3A_1191 : vector<16xi32>
        %add3A_1193 = arith.addi %mul3A_1192, %broadcast_in_dim3A_826 : vector<16xi32>
        %dma_start3A = arith.constant 3 : i32
        %dma_start3A_1194 = arith.constant 3 : i32
        %dma_start3A_1195 = arith.constant 0 : i32
        %dma_start3A_1196 = arith.constant 0 : i32
        %dma_start3A_1197 = tpu.memref_slice %arg9[%dma_start3A, %dma_start3A_1195, %dma_start3A_1196] : memref<4x16x768xf32, #tpu.memory_space<vmem>> -> memref<1x16x768xf32, #tpu.memory_space<vmem>>
        %dma_start3A_1198 = tpu.memref_squeeze %dma_start3A_1197 : memref<1x16x768xf32, #tpu.memory_space<vmem>> -> memref<16x768xf32, #tpu.memory_space<vmem>>
        %dma_start3A_1199 = arith.constant 0 : i32
        %dma_start3A_1200 = arith.constant 0 : i32
        %dma_start3A_1201 = tpu.memref_slice %arg2[%dma_start3A_1199, %dma_start3A_1200] : memref<50176x768xf32, #tpu.memory_space<hbm>> -> memref<50176x768xf32, #tpu.memory_space<hbm>>
        %dma_start3A_1202 = tpu.memref_slice %arg11[%dma_start3A_1194] : memref<4x!tpu.dma_semaphore, #tpu.memory_space<semaphore_mem>> -> memref<1x!tpu.dma_semaphore, #tpu.memory_space<semaphore_mem>>
        %dma_start3A_1203 = tpu.memref_squeeze %dma_start3A_1202 : memref<1x!tpu.dma_semaphore, #tpu.memory_space<semaphore_mem>> -> memref<!tpu.dma_semaphore, #tpu.memory_space<semaphore_mem>>
        tpu.enqueue_indirect_dma source(%dma_start3A_1201 : memref<50176x768xf32, #tpu.memory_space<hbm>>) target(%dma_start3A_1198 : memref<16x768xf32, #tpu.memory_space<vmem>>) offsets(%add3A_1193 : vector<16xi32>) semaphore(%dma_start3A_1203 : memref<!tpu.dma_semaphore, #tpu.memory_space<semaphore_mem>>)
      } else {
      }
      %gt3A_920 = arith.constant 32 : i32
      %gt3A_921 = arith.cmpi sgt, %reduce_max3A_808, %gt3A_920 : i32
      %convert_element_type3A_922 = arith.extui %gt3A_921 : i1 to i32
      %cond3A_923 = arith.constant 0 : i32
      %cond3A_924 = arith.cmpi ne, %convert_element_type3A_922, %cond3A_923 : i32
      scf.if %cond3A_924 {
        %get3A_1188 = arith.constant 32 : index
        %get3A_1189 = tpu.vector_load %arg7[%get3A_1188] {strides = array<i32>} : memref<208xi32, #tpu.memory_space<vmem>>, vector<16xi32>,
        %mul3A_1190 = arith.constant 256 : i32
        %mul3A_1191 = vector.broadcast %mul3A_1190 : i32 to vector<16xi32>
        %mul3A_1192 = arith.muli %get3A_1189, %mul3A_1191 : vector<16xi32>
        %add3A_1193 = arith.addi %mul3A_1192, %broadcast_in_dim3A_826 : vector<16xi32>
        %dma_wait3A = arith.constant 2 : i32
        %dma_wait3A_1194 = arith.constant 2 : i32
        %dma_wait3A_1195 = arith.constant 0 : i32
        %dma_wait3A_1196 = arith.constant 0 : i32
        %dma_wait3A_1197 = tpu.memref_slice %arg9[%dma_wait3A, %dma_wait3A_1195, %dma_wait3A_1196] : memref<4x16x768xf32, #tpu.memory_space<vmem>> -> memref<1x16x768xf32, #tpu.memory_space<vmem>>
        %dma_wait3A_1198 = tpu.memref_squeeze %dma_wait3A_1197 : memref<1x16x768xf32, #tpu.memory_space<vmem>> -> memref<16x768xf32, #tpu.memory_space<vmem>>
        %dma_wait3A_1199 = arith.constant 0 : i32
        %dma_wait3A_1200 = arith.constant 0 : i32
        %dma_wait3A_1201 = tpu.memref_slice %arg2[%dma_wait3A_1199, %dma_wait3A_1200] : memref<50176x768xf32, #tpu.memory_space<hbm>> -> memref<50176x768xf32, #tpu.memory_space<hbm>>
        %dma_wait3A_1202 = tpu.memref_slice %arg11[%dma_wait3A_1194] : memref<4x!tpu.dma_semaphore, #tpu.memory_space<semaphore_mem>> -> memref<1x!tpu.dma_semaphore, #tpu.memory_space<semaphore_mem>>
        %dma_wait3A_1203 = tpu.memref_squeeze %dma_wait3A_1202 : memref<1x!tpu.dma_semaphore, #tpu.memory_space<semaphore_mem>> -> memref<!tpu.dma_semaphore, #tpu.memory_space<semaphore_mem>>
        tpu.wait_indirect_dma semaphore(%dma_wait3A_1203 : memref<!tpu.dma_semaphore, #tpu.memory_space<semaphore_mem>>) src(%dma_wait3A_1201 : memref<50176x768xf32, #tpu.memory_space<hbm>>) dst(%dma_wait3A_1198 : memref<16x768xf32, #tpu.memory_space<vmem>>)
        %get3A_1204 = arith.constant 32 : index
        %get3A_1205 = tpu.vector_load %arg7[%get3A_1204] {strides = array<i32>} : memref<208xi32, #tpu.memory_space<vmem>>, vector<16xi32>,
        %mul3A_1206 = arith.constant 256 : i32
        %mul3A_1207 = vector.broadcast %mul3A_1206 : i32 to vector<16xi32>
        %mul3A_1208 = arith.muli %get3A_1205, %mul3A_1207 : vector<16xi32>
        %add3A_1209 = arith.addi %mul3A_1208, %broadcast_in_dim3A_826 : vector<16xi32>
        %dma_start3A = arith.constant 2 : i32
        %dma_start3A_1210 = arith.constant 2 : i32
        %dma_start3A_1211 = arith.constant 0 : i32
        %dma_start3A_1212 = arith.constant 0 : i32
        %dma_start3A_1213 = tpu.memref_slice %arg9[%dma_start3A, %dma_start3A_1211, %dma_start3A_1212] : memref<4x16x768xf32, #tpu.memory_space<vmem>> -> memref<1x16x768xf32, #tpu.memory_space<vmem>>
        %dma_start3A_1214 = tpu.memref_squeeze %dma_start3A_1213 : memref<1x16x768xf32, #tpu.memory_space<vmem>> -> memref<16x768xf32, #tpu.memory_space<vmem>>
        %dma_start3A_1215 = arith.constant 0 : i32
        %dma_start3A_1216 = arith.constant 0 : i32
        %dma_start3A_1217 = tpu.memref_slice %arg5[%dma_start3A_1215, %dma_start3A_1216] : memref<50176x768xf32, #tpu.memory_space<hbm>> -> memref<50176x768xf32, #tpu.memory_space<hbm>>
        %dma_start3A_1218 = tpu.memref_slice %arg12[%dma_start3A_1210] : memref<4x!tpu.dma_semaphore, #tpu.memory_space<semaphore_mem>> -> memref<1x!tpu.dma_semaphore, #tpu.memory_space<semaphore_mem>>
        %dma_start3A_1219 = tpu.memref_squeeze %dma_start3A_1218 : memref<1x!tpu.dma_semaphore, #tpu.memory_space<semaphore_mem>> -> memref<!tpu.dma_semaphore, #tpu.memory_space<semaphore_mem>>
        tpu.enqueue_indirect_dma source(%dma_start3A_1214 : memref<16x768xf32, #tpu.memory_space<vmem>>) target(%dma_start3A_1217 : memref<50176x768xf32, #tpu.memory_space<hbm>>) offsets(%add3A_1209 : vector<16xi32>) semaphore(%dma_start3A_1219 : memref<!tpu.dma_semaphore, #tpu.memory_space<semaphore_mem>>)
      } else {
      }
      %gt3A_925 = arith.constant 64 : i32
      %gt3A_926 = arith.cmpi sgt, %reduce_max3A_808, %gt3A_925 : i32
      %convert_element_type3A_927 = arith.extui %gt3A_926 : i1 to i32
      %cond3A_928 = arith.constant 0 : i32
      %cond3A_929 = arith.cmpi ne, %convert_element_type3A_927, %cond3A_928 : i32
      scf.if %cond3A_929 {
        %get3A_1188 = arith.constant 0 : index
        %get3A_1189 = tpu.vector_load %arg7[%get3A_1188] {strides = array<i32>} : memref<208xi32, #tpu.memory_space<vmem>>, vector<16xi32>,
        %mul3A_1190 = arith.constant 256 : i32
        %mul3A_1191 = vector.broadcast %mul3A_1190 : i32 to vector<16xi32>
        %mul3A_1192 = arith.muli %get3A_1189, %mul3A_1191 : vector<16xi32>
        %add3A_1193 = arith.addi %mul3A_1192, %broadcast_in_dim3A_826 : vector<16xi32>
        %dma_wait3A = arith.constant 0 : i32
        %dma_wait3A_1194 = arith.constant 0 : i32
        %dma_wait3A_1195 = arith.constant 0 : i32
        %dma_wait3A_1196 = arith.constant 0 : i32
        %dma_wait3A_1197 = tpu.memref_slice %arg9[%dma_wait3A, %dma_wait3A_1195, %dma_wait3A_1196] : memref<4x16x768xf32, #tpu.memory_space<vmem>> -> memref<1x16x768xf32, #tpu.memory_space<vmem>>
        %dma_wait3A_1198 = tpu.memref_squeeze %dma_wait3A_1197 : memref<1x16x768xf32, #tpu.memory_space<vmem>> -> memref<16x768xf32, #tpu.memory_space<vmem>>
        %dma_wait3A_1199 = arith.constant 0 : i32
        %dma_wait3A_1200 = arith.constant 0 : i32
        %dma_wait3A_1201 = tpu.memref_slice %arg5[%dma_wait3A_1199, %dma_wait3A_1200] : memref<50176x768xf32, #tpu.memory_space<hbm>> -> memref<50176x768xf32, #tpu.memory_space<hbm>>
        %dma_wait3A_1202 = tpu.memref_slice %arg12[%dma_wait3A_1194] : memref<4x!tpu.dma_semaphore, #tpu.memory_space<semaphore_mem>> -> memref<1x!tpu.dma_semaphore, #tpu.memory_space<semaphore_mem>>
        %dma_wait3A_1203 = tpu.memref_squeeze %dma_wait3A_1202 : memref<1x!tpu.dma_semaphore, #tpu.memory_space<semaphore_mem>> -> memref<!tpu.dma_semaphore, #tpu.memory_space<semaphore_mem>>
        tpu.wait_indirect_dma semaphore(%dma_wait3A_1203 : memref<!tpu.dma_semaphore, #tpu.memory_space<semaphore_mem>>) src(%dma_wait3A_1198 : memref<16x768xf32, #tpu.memory_space<vmem>>) dst(%dma_wait3A_1201 : memref<50176x768xf32, #tpu.memory_space<hbm>>)
        %get3A_1204 = arith.constant 64 : index
        %get3A_1205 = tpu.vector_load %arg7[%get3A_1204] {strides = array<i32>} : memref<208xi32, #tpu.memory_space<vmem>>, vector<16xi32>,
        %mul3A_1206 = arith.constant 256 : i32
        %mul3A_1207 = vector.broadcast %mul3A_1206 : i32 to vector<16xi32>
        %mul3A_1208 = arith.muli %get3A_1205, %mul3A_1207 : vector<16xi32>
        %add3A_1209 = arith.addi %mul3A_1208, %broadcast_in_dim3A_826 : vector<16xi32>
        %dma_start3A = arith.constant 0 : i32
        %dma_start3A_1210 = arith.constant 0 : i32
        %dma_start3A_1211 = arith.constant 0 : i32
        %dma_start3A_1212 = arith.constant 0 : i32
        %dma_start3A_1213 = tpu.memref_slice %arg9[%dma_start3A, %dma_start3A_1211, %dma_start3A_1212] : memref<4x16x768xf32, #tpu.memory_space<vmem>> -> memref<1x16x768xf32, #tpu.memory_space<vmem>>
        %dma_start3A_1214 = tpu.memref_squeeze %dma_start3A_1213 : memref<1x16x768xf32, #tpu.memory_space<vmem>> -> memref<16x768xf32, #tpu.memory_space<vmem>>
        %dma_start3A_1215 = arith.constant 0 : i32
        %dma_start3A_1216 = arith.constant 0 : i32
        %dma_start3A_1217 = tpu.memref_slice %arg2[%dma_start3A_1215, %dma_start3A_1216] : memref<50176x768xf32, #tpu.memory_space<hbm>> -> memref<50176x768xf32, #tpu.memory_space<hbm>>
        %dma_start3A_1218 = tpu.memref_slice %arg11[%dma_start3A_1210] : memref<4x!tpu.dma_semaphore, #tpu.memory_space<semaphore_mem>> -> memref<1x!tpu.dma_semaphore, #tpu.memory_space<semaphore_mem>>
        %dma_start3A_1219 = tpu.memref_squeeze %dma_start3A_1218 : memref<1x!tpu.dma_semaphore, #tpu.memory_space<semaphore_mem>> -> memref<!tpu.dma_semaphore, #tpu.memory_space<semaphore_mem>>
        tpu.enqueue_indirect_dma source(%dma_start3A_1217 : memref<50176x768xf32, #tpu.memory_space<hbm>>) target(%dma_start3A_1214 : memref<16x768xf32, #tpu.memory_space<vmem>>) offsets(%add3A_1209 : vector<16xi32>) semaphore(%dma_start3A_1219 : memref<!tpu.dma_semaphore, #tpu.memory_space<semaphore_mem>>)
      } else {
      }
      %gt3A_930 = arith.constant 48 : i32
      %gt3A_931 = arith.cmpi sgt, %reduce_max3A_808, %gt3A_930 : i32
      %convert_element_type3A_932 = arith.extui %gt3A_931 : i1 to i32
      %cond3A_933 = arith.constant 0 : i32
      %cond3A_934 = arith.cmpi ne, %convert_element_type3A_932, %cond3A_933 : i32
      scf.if %cond3A_934 {
        %get3A_1188 = arith.constant 48 : index
        %get3A_1189 = tpu.vector_load %arg7[%get3A_1188] {strides = array<i32>} : memref<208xi32, #tpu.memory_space<vmem>>, vector<16xi32>,
        %mul3A_1190 = arith.constant 256 : i32
        %mul3A_1191 = vector.broadcast %mul3A_1190 : i32 to vector<16xi32>
        %mul3A_1192 = arith.muli %get3A_1189, %mul3A_1191 : vector<16xi32>
        %add3A_1193 = arith.addi %mul3A_1192, %broadcast_in_dim3A_826 : vector<16xi32>
        %dma_wait3A = arith.constant 3 : i32
        %dma_wait3A_1194 = arith.constant 3 : i32
        %dma_wait3A_1195 = arith.constant 0 : i32
        %dma_wait3A_1196 = arith.constant 0 : i32
        %dma_wait3A_1197 = tpu.memref_slice %arg9[%dma_wait3A, %dma_wait3A_1195, %dma_wait3A_1196] : memref<4x16x768xf32, #tpu.memory_space<vmem>> -> memref<1x16x768xf32, #tpu.memory_space<vmem>>
        %dma_wait3A_1198 = tpu.memref_squeeze %dma_wait3A_1197 : memref<1x16x768xf32, #tpu.memory_space<vmem>> -> memref<16x768xf32, #tpu.memory_space<vmem>>
        %dma_wait3A_1199 = arith.constant 0 : i32
        %dma_wait3A_1200 = arith.constant 0 : i32
        %dma_wait3A_1201 = tpu.memref_slice %arg2[%dma_wait3A_1199, %dma_wait3A_1200] : memref<50176x768xf32, #tpu.memory_space<hbm>> -> memref<50176x768xf32, #tpu.memory_space<hbm>>
        %dma_wait3A_1202 = tpu.memref_slice %arg11[%dma_wait3A_1194] : memref<4x!tpu.dma_semaphore, #tpu.memory_space<semaphore_mem>> -> memref<1x!tpu.dma_semaphore, #tpu.memory_space<semaphore_mem>>
        %dma_wait3A_1203 = tpu.memref_squeeze %dma_wait3A_1202 : memref<1x!tpu.dma_semaphore, #tpu.memory_space<semaphore_mem>> -> memref<!tpu.dma_semaphore, #tpu.memory_space<semaphore_mem>>
        tpu.wait_indirect_dma semaphore(%dma_wait3A_1203 : memref<!tpu.dma_semaphore, #tpu.memory_space<semaphore_mem>>) src(%dma_wait3A_1201 : memref<50176x768xf32, #tpu.memory_space<hbm>>) dst(%dma_wait3A_1198 : memref<16x768xf32, #tpu.memory_space<vmem>>)
        %get3A_1204 = arith.constant 48 : index
        %get3A_1205 = tpu.vector_load %arg7[%get3A_1204] {strides = array<i32>} : memref<208xi32, #tpu.memory_space<vmem>>, vector<16xi32>,
        %mul3A_1206 = arith.constant 256 : i32
        %mul3A_1207 = vector.broadcast %mul3A_1206 : i32 to vector<16xi32>
        %mul3A_1208 = arith.muli %get3A_1205, %mul3A_1207 : vector<16xi32>
        %add3A_1209 = arith.addi %mul3A_1208, %broadcast_in_dim3A_826 : vector<16xi32>
        %dma_start3A = arith.constant 3 : i32
        %dma_start3A_1210 = arith.constant 3 : i32
        %dma_start3A_1211 = arith.constant 0 : i32
        %dma_start3A_1212 = arith.constant 0 : i32
        %dma_start3A_1213 = tpu.memref_slice %arg9[%dma_start3A, %dma_start3A_1211, %dma_start3A_1212] : memref<4x16x768xf32, #tpu.memory_space<vmem>> -> memref<1x16x768xf32, #tpu.memory_space<vmem>>
        %dma_start3A_1214 = tpu.memref_squeeze %dma_start3A_1213 : memref<1x16x768xf32, #tpu.memory_space<vmem>> -> memref<16x768xf32, #tpu.memory_space<vmem>>
        %dma_start3A_1215 = arith.constant 0 : i32
        %dma_start3A_1216 = arith.constant 0 : i32
        %dma_start3A_1217 = tpu.memref_slice %arg5[%dma_start3A_1215, %dma_start3A_1216] : memref<50176x768xf32, #tpu.memory_space<hbm>> -> memref<50176x768xf32, #tpu.memory_space<hbm>>
        %dma_start3A_1218 = tpu.memref_slice %arg12[%dma_start3A_1210] : memref<4x!tpu.dma_semaphore, #tpu.memory_space<semaphore_mem>> -> memref<1x!tpu.dma_semaphore, #tpu.memory_space<semaphore_mem>>
        %dma_start3A_1219 = tpu.memref_squeeze %dma_start3A_1218 : memref<1x!tpu.dma_semaphore, #tpu.memory_space<semaphore_mem>> -> memref<!tpu.dma_semaphore, #tpu.memory_space<semaphore_mem>>
        tpu.enqueue_indirect_dma source(%dma_start3A_1214 : memref<16x768xf32, #tpu.memory_space<vmem>>) target(%dma_start3A_1217 : memref<50176x768xf32, #tpu.memory_space<hbm>>) offsets(%add3A_1209 : vector<16xi32>) semaphore(%dma_start3A_1219 : memref<!tpu.dma_semaphore, #tpu.memory_space<semaphore_mem>>)
      } else {
      }
      %gt3A_935 = arith.constant 80 : i32
      %gt3A_936 = arith.cmpi sgt, %reduce_max3A_808, %gt3A_935 : i32
      %convert_element_type3A_937 = arith.extui %gt3A_936 : i1 to i32
      %cond3A_938 = arith.constant 0 : i32
      %cond3A_939 = arith.cmpi ne, %convert_element_type3A_937, %cond3A_938 : i32
      scf.if %cond3A_939 {
        %get3A_1188 = arith.constant 16 : index
        %get3A_1189 = tpu.vector_load %arg7[%get3A_1188] {strides = array<i32>} : memref<208xi32, #tpu.memory_space<vmem>>, vector<16xi32>,
        %mul3A_1190 = arith.constant 256 : i32
        %mul3A_1191 = vector.broadcast %mul3A_1190 : i32 to vector<16xi32>
        %mul3A_1192 = arith.muli %get3A_1189, %mul3A_1191 : vector<16xi32>
        %add3A_1193 = arith.addi %mul3A_1192, %broadcast_in_dim3A_826 : vector<16xi32>
        %dma_wait3A = arith.constant 1 : i32
        %dma_wait3A_1194 = arith.constant 1 : i32
        %dma_wait3A_1195 = arith.constant 0 : i32
        %dma_wait3A_1196 = arith.constant 0 : i32
        %dma_wait3A_1197 = tpu.memref_slice %arg9[%dma_wait3A, %dma_wait3A_1195, %dma_wait3A_1196] : memref<4x16x768xf32, #tpu.memory_space<vmem>> -> memref<1x16x768xf32, #tpu.memory_space<vmem>>
        %dma_wait3A_1198 = tpu.memref_squeeze %dma_wait3A_1197 : memref<1x16x768xf32, #tpu.memory_space<vmem>> -> memref<16x768xf32, #tpu.memory_space<vmem>>
        %dma_wait3A_1199 = arith.constant 0 : i32
        %dma_wait3A_1200 = arith.constant 0 : i32
        %dma_wait3A_1201 = tpu.memref_slice %arg5[%dma_wait3A_1199, %dma_wait3A_1200] : memref<50176x768xf32, #tpu.memory_space<hbm>> -> memref<50176x768xf32, #tpu.memory_space<hbm>>
        %dma_wait3A_1202 = tpu.memref_slice %arg12[%dma_wait3A_1194] : memref<4x!tpu.dma_semaphore, #tpu.memory_space<semaphore_mem>> -> memref<1x!tpu.dma_semaphore, #tpu.memory_space<semaphore_mem>>
        %dma_wait3A_1203 = tpu.memref_squeeze %dma_wait3A_1202 : memref<1x!tpu.dma_semaphore, #tpu.memory_space<semaphore_mem>> -> memref<!tpu.dma_semaphore, #tpu.memory_space<semaphore_mem>>
        tpu.wait_indirect_dma semaphore(%dma_wait3A_1203 : memref<!tpu.dma_semaphore, #tpu.memory_space<semaphore_mem>>) src(%dma_wait3A_1198 : memref<16x768xf32, #tpu.memory_space<vmem>>) dst(%dma_wait3A_1201 : memref<50176x768xf32, #tpu.memory_space<hbm>>)
        %get3A_1204 = arith.constant 80 : index
        %get3A_1205 = tpu.vector_load %arg7[%get3A_1204] {strides = array<i32>} : memref<208xi32, #tpu.memory_space<vmem>>, vector<16xi32>,
        %mul3A_1206 = arith.constant 256 : i32
        %mul3A_1207 = vector.broadcast %mul3A_1206 : i32 to vector<16xi32>
        %mul3A_1208 = arith.muli %get3A_1205, %mul3A_1207 : vector<16xi32>
        %add3A_1209 = arith.addi %mul3A_1208, %broadcast_in_dim3A_826 : vector<16xi32>
        %dma_start3A = arith.constant 1 : i32
        %dma_start3A_1210 = arith.constant 1 : i32
        %dma_start3A_1211 = arith.constant 0 : i32
        %dma_start3A_1212 = arith.constant 0 : i32
        %dma_start3A_1213 = tpu.memref_slice %arg9[%dma_start3A, %dma_start3A_1211, %dma_start3A_1212] : memref<4x16x768xf32, #tpu.memory_space<vmem>> -> memref<1x16x768xf32, #tpu.memory_space<vmem>>
        %dma_start3A_1214 = tpu.memref_squeeze %dma_start3A_1213 : memref<1x16x768xf32, #tpu.memory_space<vmem>> -> memref<16x768xf32, #tpu.memory_space<vmem>>
        %dma_start3A_1215 = arith.constant 0 : i32
        %dma_start3A_1216 = arith.constant 0 : i32
        %dma_start3A_1217 = tpu.memref_slice %arg2[%dma_start3A_1215, %dma_start3A_1216] : memref<50176x768xf32, #tpu.memory_space<hbm>> -> memref<50176x768xf32, #tpu.memory_space<hbm>>
        %dma_start3A_1218 = tpu.memref_slice %arg11[%dma_start3A_1210] : memref<4x!tpu.dma_semaphore, #tpu.memory_space<semaphore_mem>> -> memref<1x!tpu.dma_semaphore, #tpu.memory_space<semaphore_mem>>
        %dma_start3A_1219 = tpu.memref_squeeze %dma_start3A_1218 : memref<1x!tpu.dma_semaphore, #tpu.memory_space<semaphore_mem>> -> memref<!tpu.dma_semaphore, #tpu.memory_space<semaphore_mem>>
        tpu.enqueue_indirect_dma source(%dma_start3A_1217 : memref<50176x768xf32, #tpu.memory_space<hbm>>) target(%dma_start3A_1214 : memref<16x768xf32, #tpu.memory_space<vmem>>) offsets(%add3A_1209 : vector<16xi32>) semaphore(%dma_start3A_1219 : memref<!tpu.dma_semaphore, #tpu.memory_space<semaphore_mem>>)
      } else {
      }
      %gt3A_940 = arith.constant 64 : i32
      %gt3A_941 = arith.cmpi sgt, %reduce_max3A_808, %gt3A_940 : i32
      %convert_element_type3A_942 = arith.extui %gt3A_941 : i1 to i32
      %cond3A_943 = arith.constant 0 : i32
      %cond3A_944 = arith.cmpi ne, %convert_element_type3A_942, %cond3A_943 : i32
      scf.if %cond3A_944 {
        %get3A_1188 = arith.constant 64 : index
        %get3A_1189 = tpu.vector_load %arg7[%get3A_1188] {strides = array<i32>} : memref<208xi32, #tpu.memory_space<vmem>>, vector<16xi32>,
        %mul3A_1190 = arith.constant 256 : i32
        %mul3A_1191 = vector.broadcast %mul3A_1190 : i32 to vector<16xi32>
        %mul3A_1192 = arith.muli %get3A_1189, %mul3A_1191 : vector<16xi32>
        %add3A_1193 = arith.addi %mul3A_1192, %broadcast_in_dim3A_826 : vector<16xi32>
        %dma_wait3A = arith.constant 0 : i32
        %dma_wait3A_1194 = arith.constant 0 : i32
        %dma_wait3A_1195 = arith.constant 0 : i32
        %dma_wait3A_1196 = arith.constant 0 : i32
        %dma_wait3A_1197 = tpu.memref_slice %arg9[%dma_wait3A, %dma_wait3A_1195, %dma_wait3A_1196] : memref<4x16x768xf32, #tpu.memory_space<vmem>> -> memref<1x16x768xf32, #tpu.memory_space<vmem>>
        %dma_wait3A_1198 = tpu.memref_squeeze %dma_wait3A_1197 : memref<1x16x768xf32, #tpu.memory_space<vmem>> -> memref<16x768xf32, #tpu.memory_space<vmem>>
        %dma_wait3A_1199 = arith.constant 0 : i32
        %dma_wait3A_1200 = arith.constant 0 : i32
        %dma_wait3A_1201 = tpu.memref_slice %arg2[%dma_wait3A_1199, %dma_wait3A_1200] : memref<50176x768xf32, #tpu.memory_space<hbm>> -> memref<50176x768xf32, #tpu.memory_space<hbm>>
        %dma_wait3A_1202 = tpu.memref_slice %arg11[%dma_wait3A_1194] : memref<4x!tpu.dma_semaphore, #tpu.memory_space<semaphore_mem>> -> memref<1x!tpu.dma_semaphore, #tpu.memory_space<semaphore_mem>>
        %dma_wait3A_1203 = tpu.memref_squeeze %dma_wait3A_1202 : memref<1x!tpu.dma_semaphore, #tpu.memory_space<semaphore_mem>> -> memref<!tpu.dma_semaphore, #tpu.memory_space<semaphore_mem>>
        tpu.wait_indirect_dma semaphore(%dma_wait3A_1203 : memref<!tpu.dma_semaphore, #tpu.memory_space<semaphore_mem>>) src(%dma_wait3A_1201 : memref<50176x768xf32, #tpu.memory_space<hbm>>) dst(%dma_wait3A_1198 : memref<16x768xf32, #tpu.memory_space<vmem>>)
        %get3A_1204 = arith.constant 64 : index
        %get3A_1205 = tpu.vector_load %arg7[%get3A_1204] {strides = array<i32>} : memref<208xi32, #tpu.memory_space<vmem>>, vector<16xi32>,
        %mul3A_1206 = arith.constant 256 : i32
        %mul3A_1207 = vector.broadcast %mul3A_1206 : i32 to vector<16xi32>
        %mul3A_1208 = arith.muli %get3A_1205, %mul3A_1207 : vector<16xi32>
        %add3A_1209 = arith.addi %mul3A_1208, %broadcast_in_dim3A_826 : vector<16xi32>
        %dma_start3A = arith.constant 0 : i32
        %dma_start3A_1210 = arith.constant 0 : i32
        %dma_start3A_1211 = arith.constant 0 : i32
        %dma_start3A_1212 = arith.constant 0 : i32
        %dma_start3A_1213 = tpu.memref_slice %arg9[%dma_start3A, %dma_start3A_1211, %dma_start3A_1212] : memref<4x16x768xf32, #tpu.memory_space<vmem>> -> memref<1x16x768xf32, #tpu.memory_space<vmem>>
        %dma_start3A_1214 = tpu.memref_squeeze %dma_start3A_1213 : memref<1x16x768xf32, #tpu.memory_space<vmem>> -> memref<16x768xf32, #tpu.memory_space<vmem>>
        %dma_start3A_1215 = arith.constant 0 : i32
        %dma_start3A_1216 = arith.constant 0 : i32
        %dma_start3A_1217 = tpu.memref_slice %arg5[%dma_start3A_1215, %dma_start3A_1216] : memref<50176x768xf32, #tpu.memory_space<hbm>> -> memref<50176x768xf32, #tpu.memory_space<hbm>>
        %dma_start3A_1218 = tpu.memref_slice %arg12[%dma_start3A_1210] : memref<4x!tpu.dma_semaphore, #tpu.memory_space<semaphore_mem>> -> memref<1x!tpu.dma_semaphore, #tpu.memory_space<semaphore_mem>>
        %dma_start3A_1219 = tpu.memref_squeeze %dma_start3A_1218 : memref<1x!tpu.dma_semaphore, #tpu.memory_space<semaphore_mem>> -> memref<!tpu.dma_semaphore, #tpu.memory_space<semaphore_mem>>
        tpu.enqueue_indirect_dma source(%dma_start3A_1214 : memref<16x768xf32, #tpu.memory_space<vmem>>) target(%dma_start3A_1217 : memref<50176x768xf32, #tpu.memory_space<hbm>>) offsets(%add3A_1209 : vector<16xi32>) semaphore(%dma_start3A_1219 : memref<!tpu.dma_semaphore, #tpu.memory_space<semaphore_mem>>)
      } else {
      }
      %gt3A_945 = arith.constant 96 : i32
      %gt3A_946 = arith.cmpi sgt, %reduce_max3A_808, %gt3A_945 : i32
      %convert_element_type3A_947 = arith.extui %gt3A_946 : i1 to i32
      %cond3A_948 = arith.constant 0 : i32
      %cond3A_949 = arith.cmpi ne, %convert_element_type3A_947, %cond3A_948 : i32
      scf.if %cond3A_949 {
        %get3A_1188 = arith.constant 32 : index
        %get3A_1189 = tpu.vector_load %arg7[%get3A_1188] {strides = array<i32>} : memref<208xi32, #tpu.memory_space<vmem>>, vector<16xi32>,
        %mul3A_1190 = arith.constant 256 : i32
        %mul3A_1191 = vector.broadcast %mul3A_1190 : i32 to vector<16xi32>
        %mul3A_1192 = arith.muli %get3A_1189, %mul3A_1191 : vector<16xi32>
        %add3A_1193 = arith.addi %mul3A_1192, %broadcast_in_dim3A_826 : vector<16xi32>
        %dma_wait3A = arith.constant 2 : i32
        %dma_wait3A_1194 = arith.constant 2 : i32
        %dma_wait3A_1195 = arith.constant 0 : i32
        %dma_wait3A_1196 = arith.constant 0 : i32
        %dma_wait3A_1197 = tpu.memref_slice %arg9[%dma_wait3A, %dma_wait3A_1195, %dma_wait3A_1196] : memref<4x16x768xf32, #tpu.memory_space<vmem>> -> memref<1x16x768xf32, #tpu.memory_space<vmem>>
        %dma_wait3A_1198 = tpu.memref_squeeze %dma_wait3A_1197 : memref<1x16x768xf32, #tpu.memory_space<vmem>> -> memref<16x768xf32, #tpu.memory_space<vmem>>
        %dma_wait3A_1199 = arith.constant 0 : i32
        %dma_wait3A_1200 = arith.constant 0 : i32
        %dma_wait3A_1201 = tpu.memref_slice %arg5[%dma_wait3A_1199, %dma_wait3A_1200] : memref<50176x768xf32, #tpu.memory_space<hbm>> -> memref<50176x768xf32, #tpu.memory_space<hbm>>
        %dma_wait3A_1202 = tpu.memref_slice %arg12[%dma_wait3A_1194] : memref<4x!tpu.dma_semaphore, #tpu.memory_space<semaphore_mem>> -> memref<1x!tpu.dma_semaphore, #tpu.memory_space<semaphore_mem>>
        %dma_wait3A_1203 = tpu.memref_squeeze %dma_wait3A_1202 : memref<1x!tpu.dma_semaphore, #tpu.memory_space<semaphore_mem>> -> memref<!tpu.dma_semaphore, #tpu.memory_space<semaphore_mem>>
        tpu.wait_indirect_dma semaphore(%dma_wait3A_1203 : memref<!tpu.dma_semaphore, #tpu.memory_space<semaphore_mem>>) src(%dma_wait3A_1198 : memref<16x768xf32, #tpu.memory_space<vmem>>) dst(%dma_wait3A_1201 : memref<50176x768xf32, #tpu.memory_space<hbm>>)
        %get3A_1204 = arith.constant 96 : index
        %get3A_1205 = tpu.vector_load %arg7[%get3A_1204] {strides = array<i32>} : memref<208xi32, #tpu.memory_space<vmem>>, vector<16xi32>,
        %mul3A_1206 = arith.constant 256 : i32
        %mul3A_1207 = vector.broadcast %mul3A_1206 : i32 to vector<16xi32>
        %mul3A_1208 = arith.muli %get3A_1205, %mul3A_1207 : vector<16xi32>
        %add3A_1209 = arith.addi %mul3A_1208, %broadcast_in_dim3A_826 : vector<16xi32>
        %dma_start3A = arith.constant 2 : i32
        %dma_start3A_1210 = arith.constant 2 : i32
        %dma_start3A_1211 = arith.constant 0 : i32
        %dma_start3A_1212 = arith.constant 0 : i32
        %dma_start3A_1213 = tpu.memref_slice %arg9[%dma_start3A, %dma_start3A_1211, %dma_start3A_1212] : memref<4x16x768xf32, #tpu.memory_space<vmem>> -> memref<1x16x768xf32, #tpu.memory_space<vmem>>
        %dma_start3A_1214 = tpu.memref_squeeze %dma_start3A_1213 : memref<1x16x768xf32, #tpu.memory_space<vmem>> -> memref<16x768xf32, #tpu.memory_space<vmem>>
        %dma_start3A_1215 = arith.constant 0 : i32
        %dma_start3A_1216 = arith.constant 0 : i32
        %dma_start3A_1217 = tpu.memref_slice %arg2[%dma_start3A_1215, %dma_start3A_1216] : memref<50176x768xf32, #tpu.memory_space<hbm>> -> memref<50176x768xf32, #tpu.memory_space<hbm>>
        %dma_start3A_1218 = tpu.memref_slice %arg11[%dma_start3A_1210] : memref<4x!tpu.dma_semaphore, #tpu.memory_space<semaphore_mem>> -> memref<1x!tpu.dma_semaphore, #tpu.memory_space<semaphore_mem>>
        %dma_start3A_1219 = tpu.memref_squeeze %dma_start3A_1218 : memref<1x!tpu.dma_semaphore, #tpu.memory_space<semaphore_mem>> -> memref<!tpu.dma_semaphore, #tpu.memory_space<semaphore_mem>>
        tpu.enqueue_indirect_dma source(%dma_start3A_1217 : memref<50176x768xf32, #tpu.memory_space<hbm>>) target(%dma_start3A_1214 : memref<16x768xf32, #tpu.memory_space<vmem>>) offsets(%add3A_1209 : vector<16xi32>) semaphore(%dma_start3A_1219 : memref<!tpu.dma_semaphore, #tpu.memory_space<semaphore_mem>>)
      } else {
      }
      %gt3A_950 = arith.constant 80 : i32
      %gt3A_951 = arith.cmpi sgt, %reduce_max3A_808, %gt3A_950 : i32
      %convert_element_type3A_952 = arith.extui %gt3A_951 : i1 to i32
      %cond3A_953 = arith.constant 0 : i32
      %cond3A_954 = arith.cmpi ne, %convert_element_type3A_952, %cond3A_953 : i32
      scf.if %cond3A_954 {
        %get3A_1188 = arith.constant 80 : index
        %get3A_1189 = tpu.vector_load %arg7[%get3A_1188] {strides = array<i32>} : memref<208xi32, #tpu.memory_space<vmem>>, vector<16xi32>,
        %mul3A_1190 = arith.constant 256 : i32
        %mul3A_1191 = vector.broadcast %mul3A_1190 : i32 to vector<16xi32>
        %mul3A_1192 = arith.muli %get3A_1189, %mul3A_1191 : vector<16xi32>
        %add3A_1193 = arith.addi %mul3A_1192, %broadcast_in_dim3A_826 : vector<16xi32>
        %dma_wait3A = arith.constant 1 : i32
        %dma_wait3A_1194 = arith.constant 1 : i32
        %dma_wait3A_1195 = arith.constant 0 : i32
        %dma_wait3A_1196 = arith.constant 0 : i32
        %dma_wait3A_1197 = tpu.memref_slice %arg9[%dma_wait3A, %dma_wait3A_1195, %dma_wait3A_1196] : memref<4x16x768xf32, #tpu.memory_space<vmem>> -> memref<1x16x768xf32, #tpu.memory_space<vmem>>
        %dma_wait3A_1198 = tpu.memref_squeeze %dma_wait3A_1197 : memref<1x16x768xf32, #tpu.memory_space<vmem>> -> memref<16x768xf32, #tpu.memory_space<vmem>>
        %dma_wait3A_1199 = arith.constant 0 : i32
        %dma_wait3A_1200 = arith.constant 0 : i32
        %dma_wait3A_1201 = tpu.memref_slice %arg2[%dma_wait3A_1199, %dma_wait3A_1200] : memref<50176x768xf32, #tpu.memory_space<hbm>> -> memref<50176x768xf32, #tpu.memory_space<hbm>>
        %dma_wait3A_1202 = tpu.memref_slice %arg11[%dma_wait3A_1194] : memref<4x!tpu.dma_semaphore, #tpu.memory_space<semaphore_mem>> -> memref<1x!tpu.dma_semaphore, #tpu.memory_space<semaphore_mem>>
        %dma_wait3A_1203 = tpu.memref_squeeze %dma_wait3A_1202 : memref<1x!tpu.dma_semaphore, #tpu.memory_space<semaphore_mem>> -> memref<!tpu.dma_semaphore, #tpu.memory_space<semaphore_mem>>
        tpu.wait_indirect_dma semaphore(%dma_wait3A_1203 : memref<!tpu.dma_semaphore, #tpu.memory_space<semaphore_mem>>) src(%dma_wait3A_1201 : memref<50176x768xf32, #tpu.memory_space<hbm>>) dst(%dma_wait3A_1198 : memref<16x768xf32, #tpu.memory_space<vmem>>)
        %get3A_1204 = arith.constant 80 : index
        %get3A_1205 = tpu.vector_load %arg7[%get3A_1204] {strides = array<i32>} : memref<208xi32, #tpu.memory_space<vmem>>, vector<16xi32>,
        %mul3A_1206 = arith.constant 256 : i32
        %mul3A_1207 = vector.broadcast %mul3A_1206 : i32 to vector<16xi32>
        %mul3A_1208 = arith.muli %get3A_1205, %mul3A_1207 : vector<16xi32>
        %add3A_1209 = arith.addi %mul3A_1208, %broadcast_in_dim3A_826 : vector<16xi32>
        %dma_start3A = arith.constant 1 : i32
        %dma_start3A_1210 = arith.constant 1 : i32
        %dma_start3A_1211 = arith.constant 0 : i32
        %dma_start3A_1212 = arith.constant 0 : i32
        %dma_start3A_1213 = tpu.memref_slice %arg9[%dma_start3A, %dma_start3A_1211, %dma_start3A_1212] : memref<4x16x768xf32, #tpu.memory_space<vmem>> -> memref<1x16x768xf32, #tpu.memory_space<vmem>>
        %dma_start3A_1214 = tpu.memref_squeeze %dma_start3A_1213 : memref<1x16x768xf32, #tpu.memory_space<vmem>> -> memref<16x768xf32, #tpu.memory_space<vmem>>
        %dma_start3A_1215 = arith.constant 0 : i32
        %dma_start3A_1216 = arith.constant 0 : i32
        %dma_start3A_1217 = tpu.memref_slice %arg5[%dma_start3A_1215, %dma_start3A_1216] : memref<50176x768xf32, #tpu.memory_space<hbm>> -> memref<50176x768xf32, #tpu.memory_space<hbm>>
        %dma_start3A_1218 = tpu.memref_slice %arg12[%dma_start3A_1210] : memref<4x!tpu.dma_semaphore, #tpu.memory_space<semaphore_mem>> -> memref<1x!tpu.dma_semaphore, #tpu.memory_space<semaphore_mem>>
        %dma_start3A_1219 = tpu.memref_squeeze %dma_start3A_1218 : memref<1x!tpu.dma_semaphore, #tpu.memory_space<semaphore_mem>> -> memref<!tpu.dma_semaphore, #tpu.memory_space<semaphore_mem>>
        tpu.enqueue_indirect_dma source(%dma_start3A_1214 : memref<16x768xf32, #tpu.memory_space<vmem>>) target(%dma_start3A_1217 : memref<50176x768xf32, #tpu.memory_space<hbm>>) offsets(%add3A_1209 : vector<16xi32>) semaphore(%dma_start3A_1219 : memref<!tpu.dma_semaphore, #tpu.memory_space<semaphore_mem>>)
      } else {
      }
      %gt3A_955 = arith.constant 112 : i32
      %gt3A_956 = arith.cmpi sgt, %reduce_max3A_808, %gt3A_955 : i32
      %convert_element_type3A_957 = arith.extui %gt3A_956 : i1 to i32
      %cond3A_958 = arith.constant 0 : i32
      %cond3A_959 = arith.cmpi ne, %convert_element_type3A_957, %cond3A_958 : i32
      scf.if %cond3A_959 {
        %get3A_1188 = arith.constant 48 : index
        %get3A_1189 = tpu.vector_load %arg7[%get3A_1188] {strides = array<i32>} : memref<208xi32, #tpu.memory_space<vmem>>, vector<16xi32>,
        %mul3A_1190 = arith.constant 256 : i32
        %mul3A_1191 = vector.broadcast %mul3A_1190 : i32 to vector<16xi32>
        %mul3A_1192 = arith.muli %get3A_1189, %mul3A_1191 : vector<16xi32>
        %add3A_1193 = arith.addi %mul3A_1192, %broadcast_in_dim3A_826 : vector<16xi32>
        %dma_wait3A = arith.constant 3 : i32
        %dma_wait3A_1194 = arith.constant 3 : i32
        %dma_wait3A_1195 = arith.constant 0 : i32
        %dma_wait3A_1196 = arith.constant 0 : i32
        %dma_wait3A_1197 = tpu.memref_slice %arg9[%dma_wait3A, %dma_wait3A_1195, %dma_wait3A_1196] : memref<4x16x768xf32, #tpu.memory_space<vmem>> -> memref<1x16x768xf32, #tpu.memory_space<vmem>>
        %dma_wait3A_1198 = tpu.memref_squeeze %dma_wait3A_1197 : memref<1x16x768xf32, #tpu.memory_space<vmem>> -> memref<16x768xf32, #tpu.memory_space<vmem>>
        %dma_wait3A_1199 = arith.constant 0 : i32
        %dma_wait3A_1200 = arith.constant 0 : i32
        %dma_wait3A_1201 = tpu.memref_slice %arg5[%dma_wait3A_1199, %dma_wait3A_1200] : memref<50176x768xf32, #tpu.memory_space<hbm>> -> memref<50176x768xf32, #tpu.memory_space<hbm>>
        %dma_wait3A_1202 = tpu.memref_slice %arg12[%dma_wait3A_1194] : memref<4x!tpu.dma_semaphore, #tpu.memory_space<semaphore_mem>> -> memref<1x!tpu.dma_semaphore, #tpu.memory_space<semaphore_mem>>
        %dma_wait3A_1203 = tpu.memref_squeeze %dma_wait3A_1202 : memref<1x!tpu.dma_semaphore, #tpu.memory_space<semaphore_mem>> -> memref<!tpu.dma_semaphore, #tpu.memory_space<semaphore_mem>>
        tpu.wait_indirect_dma semaphore(%dma_wait3A_1203 : memref<!tpu.dma_semaphore, #tpu.memory_space<semaphore_mem>>) src(%dma_wait3A_1198 : memref<16x768xf32, #tpu.memory_space<vmem>>) dst(%dma_wait3A_1201 : memref<50176x768xf32, #tpu.memory_space<hbm>>)
        %get3A_1204 = arith.constant 112 : index
        %get3A_1205 = tpu.vector_load %arg7[%get3A_1204] {strides = array<i32>} : memref<208xi32, #tpu.memory_space<vmem>>, vector<16xi32>,
        %mul3A_1206 = arith.constant 256 : i32
        %mul3A_1207 = vector.broadcast %mul3A_1206 : i32 to vector<16xi32>
        %mul3A_1208 = arith.muli %get3A_1205, %mul3A_1207 : vector<16xi32>
        %add3A_1209 = arith.addi %mul3A_1208, %broadcast_in_dim3A_826 : vector<16xi32>
        %dma_start3A = arith.constant 3 : i32
        %dma_start3A_1210 = arith.constant 3 : i32
        %dma_start3A_1211 = arith.constant 0 : i32
        %dma_start3A_1212 = arith.constant 0 : i32
        %dma_start3A_1213 = tpu.memref_slice %arg9[%dma_start3A, %dma_start3A_1211, %dma_start3A_1212] : memref<4x16x768xf32, #tpu.memory_space<vmem>> -> memref<1x16x768xf32, #tpu.memory_space<vmem>>
        %dma_start3A_1214 = tpu.memref_squeeze %dma_start3A_1213 : memref<1x16x768xf32, #tpu.memory_space<vmem>> -> memref<16x768xf32, #tpu.memory_space<vmem>>
        %dma_start3A_1215 = arith.constant 0 : i32
        %dma_start3A_1216 = arith.constant 0 : i32
        %dma_start3A_1217 = tpu.memref_slice %arg2[%dma_start3A_1215, %dma_start3A_1216] : memref<50176x768xf32, #tpu.memory_space<hbm>> -> memref<50176x768xf32, #tpu.memory_space<hbm>>
        %dma_start3A_1218 = tpu.memref_slice %arg11[%dma_start3A_1210] : memref<4x!tpu.dma_semaphore, #tpu.memory_space<semaphore_mem>> -> memref<1x!tpu.dma_semaphore, #tpu.memory_space<semaphore_mem>>
        %dma_start3A_1219 = tpu.memref_squeeze %dma_start3A_1218 : memref<1x!tpu.dma_semaphore, #tpu.memory_space<semaphore_mem>> -> memref<!tpu.dma_semaphore, #tpu.memory_space<semaphore_mem>>
        tpu.enqueue_indirect_dma source(%dma_start3A_1217 : memref<50176x768xf32, #tpu.memory_space<hbm>>) target(%dma_start3A_1214 : memref<16x768xf32, #tpu.memory_space<vmem>>) offsets(%add3A_1209 : vector<16xi32>) semaphore(%dma_start3A_1219 : memref<!tpu.dma_semaphore, #tpu.memory_space<semaphore_mem>>)
      } else {
      }
      %gt3A_960 = arith.constant 96 : i32
      %gt3A_961 = arith.cmpi sgt, %reduce_max3A_808, %gt3A_960 : i32
      %convert_element_type3A_962 = arith.extui %gt3A_961 : i1 to i32
      %cond3A_963 = arith.constant 0 : i32
      %cond3A_964 = arith.cmpi ne, %convert_element_type3A_962, %cond3A_963 : i32
      scf.if %cond3A_964 {
        %get3A_1188 = arith.constant 96 : index
        %get3A_1189 = tpu.vector_load %arg7[%get3A_1188] {strides = array<i32>} : memref<208xi32, #tpu.memory_space<vmem>>, vector<16xi32>,
        %mul3A_1190 = arith.constant 256 : i32
        %mul3A_1191 = vector.broadcast %mul3A_1190 : i32 to vector<16xi32>
        %mul3A_1192 = arith.muli %get3A_1189, %mul3A_1191 : vector<16xi32>
        %add3A_1193 = arith.addi %mul3A_1192, %broadcast_in_dim3A_826 : vector<16xi32>
        %dma_wait3A = arith.constant 2 : i32
        %dma_wait3A_1194 = arith.constant 2 : i32
        %dma_wait3A_1195 = arith.constant 0 : i32
        %dma_wait3A_1196 = arith.constant 0 : i32
        %dma_wait3A_1197 = tpu.memref_slice %arg9[%dma_wait3A, %dma_wait3A_1195, %dma_wait3A_1196] : memref<4x16x768xf32, #tpu.memory_space<vmem>> -> memref<1x16x768xf32, #tpu.memory_space<vmem>>
        %dma_wait3A_1198 = tpu.memref_squeeze %dma_wait3A_1197 : memref<1x16x768xf32, #tpu.memory_space<vmem>> -> memref<16x768xf32, #tpu.memory_space<vmem>>
        %dma_wait3A_1199 = arith.constant 0 : i32
        %dma_wait3A_1200 = arith.constant 0 : i32
        %dma_wait3A_1201 = tpu.memref_slice %arg2[%dma_wait3A_1199, %dma_wait3A_1200] : memref<50176x768xf32, #tpu.memory_space<hbm>> -> memref<50176x768xf32, #tpu.memory_space<hbm>>
        %dma_wait3A_1202 = tpu.memref_slice %arg11[%dma_wait3A_1194] : memref<4x!tpu.dma_semaphore, #tpu.memory_space<semaphore_mem>> -> memref<1x!tpu.dma_semaphore, #tpu.memory_space<semaphore_mem>>
        %dma_wait3A_1203 = tpu.memref_squeeze %dma_wait3A_1202 : memref<1x!tpu.dma_semaphore, #tpu.memory_space<semaphore_mem>> -> memref<!tpu.dma_semaphore, #tpu.memory_space<semaphore_mem>>
        tpu.wait_indirect_dma semaphore(%dma_wait3A_1203 : memref<!tpu.dma_semaphore, #tpu.memory_space<semaphore_mem>>) src(%dma_wait3A_1201 : memref<50176x768xf32, #tpu.memory_space<hbm>>) dst(%dma_wait3A_1198 : memref<16x768xf32, #tpu.memory_space<vmem>>)
        %get3A_1204 = arith.constant 96 : index
        %get3A_1205 = tpu.vector_load %arg7[%get3A_1204] {strides = array<i32>} : memref<208xi32, #tpu.memory_space<vmem>>, vector<16xi32>,
        %mul3A_1206 = arith.constant 256 : i32
        %mul3A_1207 = vector.broadcast %mul3A_1206 : i32 to vector<16xi32>
        %mul3A_1208 = arith.muli %get3A_1205, %mul3A_1207 : vector<16xi32>
        %add3A_1209 = arith.addi %mul3A_1208, %broadcast_in_dim3A_826 : vector<16xi32>
        %dma_start3A = arith.constant 2 : i32
        %dma_start3A_1210 = arith.constant 2 : i32
        %dma_start3A_1211 = arith.constant 0 : i32
        %dma_start3A_1212 = arith.constant 0 : i32
        %dma_start3A_1213 = tpu.memref_slice %arg9[%dma_start3A, %dma_start3A_1211, %dma_start3A_1212] : memref<4x16x768xf32, #tpu.memory_space<vmem>> -> memref<1x16x768xf32, #tpu.memory_space<vmem>>
        %dma_start3A_1214 = tpu.memref_squeeze %dma_start3A_1213 : memref<1x16x768xf32, #tpu.memory_space<vmem>> -> memref<16x768xf32, #tpu.memory_space<vmem>>
        %dma_start3A_1215 = arith.constant 0 : i32
        %dma_start3A_1216 = arith.constant 0 : i32
        %dma_start3A_1217 = tpu.memref_slice %arg5[%dma_start3A_1215, %dma_start3A_1216] : memref<50176x768xf32, #tpu.memory_space<hbm>> -> memref<50176x768xf32, #tpu.memory_space<hbm>>
        %dma_start3A_1218 = tpu.memref_slice %arg12[%dma_start3A_1210] : memref<4x!tpu.dma_semaphore, #tpu.memory_space<semaphore_mem>> -> memref<1x!tpu.dma_semaphore, #tpu.memory_space<semaphore_mem>>
        %dma_start3A_1219 = tpu.memref_squeeze %dma_start3A_1218 : memref<1x!tpu.dma_semaphore, #tpu.memory_space<semaphore_mem>> -> memref<!tpu.dma_semaphore, #tpu.memory_space<semaphore_mem>>
        tpu.enqueue_indirect_dma source(%dma_start3A_1214 : memref<16x768xf32, #tpu.memory_space<vmem>>) target(%dma_start3A_1217 : memref<50176x768xf32, #tpu.memory_space<hbm>>) offsets(%add3A_1209 : vector<16xi32>) semaphore(%dma_start3A_1219 : memref<!tpu.dma_semaphore, #tpu.memory_space<semaphore_mem>>)
      } else {
      }
      %gt3A_965 = arith.constant 128 : i32
      %gt3A_966 = arith.cmpi sgt, %reduce_max3A_808, %gt3A_965 : i32
      %convert_element_type3A_967 = arith.extui %gt3A_966 : i1 to i32
      %cond3A_968 = arith.constant 0 : i32
      %cond3A_969 = arith.cmpi ne, %convert_element_type3A_967, %cond3A_968 : i32
      scf.if %cond3A_969 {
        %get3A_1188 = arith.constant 64 : index
        %get3A_1189 = tpu.vector_load %arg7[%get3A_1188] {strides = array<i32>} : memref<208xi32, #tpu.memory_space<vmem>>, vector<16xi32>,
        %mul3A_1190 = arith.constant 256 : i32
        %mul3A_1191 = vector.broadcast %mul3A_1190 : i32 to vector<16xi32>
        %mul3A_1192 = arith.muli %get3A_1189, %mul3A_1191 : vector<16xi32>
        %add3A_1193 = arith.addi %mul3A_1192, %broadcast_in_dim3A_826 : vector<16xi32>
        %dma_wait3A = arith.constant 0 : i32
        %dma_wait3A_1194 = arith.constant 0 : i32
        %dma_wait3A_1195 = arith.constant 0 : i32
        %dma_wait3A_1196 = arith.constant 0 : i32
        %dma_wait3A_1197 = tpu.memref_slice %arg9[%dma_wait3A, %dma_wait3A_1195, %dma_wait3A_1196] : memref<4x16x768xf32, #tpu.memory_space<vmem>> -> memref<1x16x768xf32, #tpu.memory_space<vmem>>
        %dma_wait3A_1198 = tpu.memref_squeeze %dma_wait3A_1197 : memref<1x16x768xf32, #tpu.memory_space<vmem>> -> memref<16x768xf32, #tpu.memory_space<vmem>>
        %dma_wait3A_1199 = arith.constant 0 : i32
        %dma_wait3A_1200 = arith.constant 0 : i32
        %dma_wait3A_1201 = tpu.memref_slice %arg5[%dma_wait3A_1199, %dma_wait3A_1200] : memref<50176x768xf32, #tpu.memory_space<hbm>> -> memref<50176x768xf32, #tpu.memory_space<hbm>>
        %dma_wait3A_1202 = tpu.memref_slice %arg12[%dma_wait3A_1194] : memref<4x!tpu.dma_semaphore, #tpu.memory_space<semaphore_mem>> -> memref<1x!tpu.dma_semaphore, #tpu.memory_space<semaphore_mem>>
        %dma_wait3A_1203 = tpu.memref_squeeze %dma_wait3A_1202 : memref<1x!tpu.dma_semaphore, #tpu.memory_space<semaphore_mem>> -> memref<!tpu.dma_semaphore, #tpu.memory_space<semaphore_mem>>
        tpu.wait_indirect_dma semaphore(%dma_wait3A_1203 : memref<!tpu.dma_semaphore, #tpu.memory_space<semaphore_mem>>) src(%dma_wait3A_1198 : memref<16x768xf32, #tpu.memory_space<vmem>>) dst(%dma_wait3A_1201 : memref<50176x768xf32, #tpu.memory_space<hbm>>)
        %get3A_1204 = arith.constant 128 : index
        %get3A_1205 = tpu.vector_load %arg7[%get3A_1204] {strides = array<i32>} : memref<208xi32, #tpu.memory_space<vmem>>, vector<16xi32>,
        %mul3A_1206 = arith.constant 256 : i32
        %mul3A_1207 = vector.broadcast %mul3A_1206 : i32 to vector<16xi32>
        %mul3A_1208 = arith.muli %get3A_1205, %mul3A_1207 : vector<16xi32>
        %add3A_1209 = arith.addi %mul3A_1208, %broadcast_in_dim3A_826 : vector<16xi32>
        %dma_start3A = arith.constant 0 : i32
        %dma_start3A_1210 = arith.constant 0 : i32
        %dma_start3A_1211 = arith.constant 0 : i32
        %dma_start3A_1212 = arith.constant 0 : i32
        %dma_start3A_1213 = tpu.memref_slice %arg9[%dma_start3A, %dma_start3A_1211, %dma_start3A_1212] : memref<4x16x768xf32, #tpu.memory_space<vmem>> -> memref<1x16x768xf32, #tpu.memory_space<vmem>>
        %dma_start3A_1214 = tpu.memref_squeeze %dma_start3A_1213 : memref<1x16x768xf32, #tpu.memory_space<vmem>> -> memref<16x768xf32, #tpu.memory_space<vmem>>
        %dma_start3A_1215 = arith.constant 0 : i32
        %dma_start3A_1216 = arith.constant 0 : i32
        %dma_start3A_1217 = tpu.memref_slice %arg2[%dma_start3A_1215, %dma_start3A_1216] : memref<50176x768xf32, #tpu.memory_space<hbm>> -> memref<50176x768xf32, #tpu.memory_space<hbm>>
        %dma_start3A_1218 = tpu.memref_slice %arg11[%dma_start3A_1210] : memref<4x!tpu.dma_semaphore, #tpu.memory_space<semaphore_mem>> -> memref<1x!tpu.dma_semaphore, #tpu.memory_space<semaphore_mem>>
        %dma_start3A_1219 = tpu.memref_squeeze %dma_start3A_1218 : memref<1x!tpu.dma_semaphore, #tpu.memory_space<semaphore_mem>> -> memref<!tpu.dma_semaphore, #tpu.memory_space<semaphore_mem>>
        tpu.enqueue_indirect_dma source(%dma_start3A_1217 : memref<50176x768xf32, #tpu.memory_space<hbm>>) target(%dma_start3A_1214 : memref<16x768xf32, #tpu.memory_space<vmem>>) offsets(%add3A_1209 : vector<16xi32>) semaphore(%dma_start3A_1219 : memref<!tpu.dma_semaphore, #tpu.memory_space<semaphore_mem>>)
      } else {
      }
      %gt3A_970 = arith.constant 112 : i32
      %gt3A_971 = arith.cmpi sgt, %reduce_max3A_808, %gt3A_970 : i32
      %convert_element_type3A_972 = arith.extui %gt3A_971 : i1 to i32
      %cond3A_973 = arith.constant 0 : i32
      %cond3A_974 = arith.cmpi ne, %convert_element_type3A_972, %cond3A_973 : i32
      scf.if %cond3A_974 {
        %get3A_1188 = arith.constant 112 : index
        %get3A_1189 = tpu.vector_load %arg7[%get3A_1188] {strides = array<i32>} : memref<208xi32, #tpu.memory_space<vmem>>, vector<16xi32>,
        %mul3A_1190 = arith.constant 256 : i32
        %mul3A_1191 = vector.broadcast %mul3A_1190 : i32 to vector<16xi32>
        %mul3A_1192 = arith.muli %get3A_1189, %mul3A_1191 : vector<16xi32>
        %add3A_1193 = arith.addi %mul3A_1192, %broadcast_in_dim3A_826 : vector<16xi32>
        %dma_wait3A = arith.constant 3 : i32
        %dma_wait3A_1194 = arith.constant 3 : i32
        %dma_wait3A_1195 = arith.constant 0 : i32
        %dma_wait3A_1196 = arith.constant 0 : i32
        %dma_wait3A_1197 = tpu.memref_slice %arg9[%dma_wait3A, %dma_wait3A_1195, %dma_wait3A_1196] : memref<4x16x768xf32, #tpu.memory_space<vmem>> -> memref<1x16x768xf32, #tpu.memory_space<vmem>>
        %dma_wait3A_1198 = tpu.memref_squeeze %dma_wait3A_1197 : memref<1x16x768xf32, #tpu.memory_space<vmem>> -> memref<16x768xf32, #tpu.memory_space<vmem>>
        %dma_wait3A_1199 = arith.constant 0 : i32
        %dma_wait3A_1200 = arith.constant 0 : i32
        %dma_wait3A_1201 = tpu.memref_slice %arg2[%dma_wait3A_1199, %dma_wait3A_1200] : memref<50176x768xf32, #tpu.memory_space<hbm>> -> memref<50176x768xf32, #tpu.memory_space<hbm>>
        %dma_wait3A_1202 = tpu.memref_slice %arg11[%dma_wait3A_1194] : memref<4x!tpu.dma_semaphore, #tpu.memory_space<semaphore_mem>> -> memref<1x!tpu.dma_semaphore, #tpu.memory_space<semaphore_mem>>
        %dma_wait3A_1203 = tpu.memref_squeeze %dma_wait3A_1202 : memref<1x!tpu.dma_semaphore, #tpu.memory_space<semaphore_mem>> -> memref<!tpu.dma_semaphore, #tpu.memory_space<semaphore_mem>>
        tpu.wait_indirect_dma semaphore(%dma_wait3A_1203 : memref<!tpu.dma_semaphore, #tpu.memory_space<semaphore_mem>>) src(%dma_wait3A_1201 : memref<50176x768xf32, #tpu.memory_space<hbm>>) dst(%dma_wait3A_1198 : memref<16x768xf32, #tpu.memory_space<vmem>>)
        %get3A_1204 = arith.constant 112 : index
        %get3A_1205 = tpu.vector_load %arg7[%get3A_1204] {strides = array<i32>} : memref<208xi32, #tpu.memory_space<vmem>>, vector<16xi32>,
        %mul3A_1206 = arith.constant 256 : i32
        %mul3A_1207 = vector.broadcast %mul3A_1206 : i32 to vector<16xi32>
        %mul3A_1208 = arith.muli %get3A_1205, %mul3A_1207 : vector<16xi32>
        %add3A_1209 = arith.addi %mul3A_1208, %broadcast_in_dim3A_826 : vector<16xi32>
        %dma_start3A = arith.constant 3 : i32
        %dma_start3A_1210 = arith.constant 3 : i32
        %dma_start3A_1211 = arith.constant 0 : i32
        %dma_start3A_1212 = arith.constant 0 : i32
        %dma_start3A_1213 = tpu.memref_slice %arg9[%dma_start3A, %dma_start3A_1211, %dma_start3A_1212] : memref<4x16x768xf32, #tpu.memory_space<vmem>> -> memref<1x16x768xf32, #tpu.memory_space<vmem>>
        %dma_start3A_1214 = tpu.memref_squeeze %dma_start3A_1213 : memref<1x16x768xf32, #tpu.memory_space<vmem>> -> memref<16x768xf32, #tpu.memory_space<vmem>>
        %dma_start3A_1215 = arith.constant 0 : i32
        %dma_start3A_1216 = arith.constant 0 : i32
        %dma_start3A_1217 = tpu.memref_slice %arg5[%dma_start3A_1215, %dma_start3A_1216] : memref<50176x768xf32, #tpu.memory_space<hbm>> -> memref<50176x768xf32, #tpu.memory_space<hbm>>
        %dma_start3A_1218 = tpu.memref_slice %arg12[%dma_start3A_1210] : memref<4x!tpu.dma_semaphore, #tpu.memory_space<semaphore_mem>> -> memref<1x!tpu.dma_semaphore, #tpu.memory_space<semaphore_mem>>
        %dma_start3A_1219 = tpu.memref_squeeze %dma_start3A_1218 : memref<1x!tpu.dma_semaphore, #tpu.memory_space<semaphore_mem>> -> memref<!tpu.dma_semaphore, #tpu.memory_space<semaphore_mem>>
        tpu.enqueue_indirect_dma source(%dma_start3A_1214 : memref<16x768xf32, #tpu.memory_space<vmem>>) target(%dma_start3A_1217 : memref<50176x768xf32, #tpu.memory_space<hbm>>) offsets(%add3A_1209 : vector<16xi32>) semaphore(%dma_start3A_1219 : memref<!tpu.dma_semaphore, #tpu.memory_space<semaphore_mem>>)
      } else {
      }
      %gt3A_975 = arith.constant 144 : i32
      %gt3A_976 = arith.cmpi sgt, %reduce_max3A_808, %gt3A_975 : i32
      %convert_element_type3A_977 = arith.extui %gt3A_976 : i1 to i32
      %cond3A_978 = arith.constant 0 : i32
      %cond3A_979 = arith.cmpi ne, %convert_element_type3A_977, %cond3A_978 : i32
      scf.if %cond3A_979 {
        %get3A_1188 = arith.constant 80 : index
        %get3A_1189 = tpu.vector_load %arg7[%get3A_1188] {strides = array<i32>} : memref<208xi32, #tpu.memory_space<vmem>>, vector<16xi32>,
        %mul3A_1190 = arith.constant 256 : i32
        %mul3A_1191 = vector.broadcast %mul3A_1190 : i32 to vector<16xi32>
        %mul3A_1192 = arith.muli %get3A_1189, %mul3A_1191 : vector<16xi32>
        %add3A_1193 = arith.addi %mul3A_1192, %broadcast_in_dim3A_826 : vector<16xi32>
        %dma_wait3A = arith.constant 1 : i32
        %dma_wait3A_1194 = arith.constant 1 : i32
        %dma_wait3A_1195 = arith.constant 0 : i32
        %dma_wait3A_1196 = arith.constant 0 : i32
        %dma_wait3A_1197 = tpu.memref_slice %arg9[%dma_wait3A, %dma_wait3A_1195, %dma_wait3A_1196] : memref<4x16x768xf32, #tpu.memory_space<vmem>> -> memref<1x16x768xf32, #tpu.memory_space<vmem>>
        %dma_wait3A_1198 = tpu.memref_squeeze %dma_wait3A_1197 : memref<1x16x768xf32, #tpu.memory_space<vmem>> -> memref<16x768xf32, #tpu.memory_space<vmem>>
        %dma_wait3A_1199 = arith.constant 0 : i32
        %dma_wait3A_1200 = arith.constant 0 : i32
        %dma_wait3A_1201 = tpu.memref_slice %arg5[%dma_wait3A_1199, %dma_wait3A_1200] : memref<50176x768xf32, #tpu.memory_space<hbm>> -> memref<50176x768xf32, #tpu.memory_space<hbm>>
        %dma_wait3A_1202 = tpu.memref_slice %arg12[%dma_wait3A_1194] : memref<4x!tpu.dma_semaphore, #tpu.memory_space<semaphore_mem>> -> memref<1x!tpu.dma_semaphore, #tpu.memory_space<semaphore_mem>>
        %dma_wait3A_1203 = tpu.memref_squeeze %dma_wait3A_1202 : memref<1x!tpu.dma_semaphore, #tpu.memory_space<semaphore_mem>> -> memref<!tpu.dma_semaphore, #tpu.memory_space<semaphore_mem>>
        tpu.wait_indirect_dma semaphore(%dma_wait3A_1203 : memref<!tpu.dma_semaphore, #tpu.memory_space<semaphore_mem>>) src(%dma_wait3A_1198 : memref<16x768xf32, #tpu.memory_space<vmem>>) dst(%dma_wait3A_1201 : memref<50176x768xf32, #tpu.memory_space<hbm>>)
        %get3A_1204 = arith.constant 144 : index
        %get3A_1205 = tpu.vector_load %arg7[%get3A_1204] {strides = array<i32>} : memref<208xi32, #tpu.memory_space<vmem>>, vector<16xi32>,
        %mul3A_1206 = arith.constant 256 : i32
        %mul3A_1207 = vector.broadcast %mul3A_1206 : i32 to vector<16xi32>
        %mul3A_1208 = arith.muli %get3A_1205, %mul3A_1207 : vector<16xi32>
        %add3A_1209 = arith.addi %mul3A_1208, %broadcast_in_dim3A_826 : vector<16xi32>
        %dma_start3A = arith.constant 1 : i32
        %dma_start3A_1210 = arith.constant 1 : i32
        %dma_start3A_1211 = arith.constant 0 : i32
        %dma_start3A_1212 = arith.constant 0 : i32
        %dma_start3A_1213 = tpu.memref_slice %arg9[%dma_start3A, %dma_start3A_1211, %dma_start3A_1212] : memref<4x16x768xf32, #tpu.memory_space<vmem>> -> memref<1x16x768xf32, #tpu.memory_space<vmem>>
        %dma_start3A_1214 = tpu.memref_squeeze %dma_start3A_1213 : memref<1x16x768xf32, #tpu.memory_space<vmem>> -> memref<16x768xf32, #tpu.memory_space<vmem>>
        %dma_start3A_1215 = arith.constant 0 : i32
        %dma_start3A_1216 = arith.constant 0 : i32
        %dma_start3A_1217 = tpu.memref_slice %arg2[%dma_start3A_1215, %dma_start3A_1216] : memref<50176x768xf32, #tpu.memory_space<hbm>> -> memref<50176x768xf32, #tpu.memory_space<hbm>>
        %dma_start3A_1218 = tpu.memref_slice %arg11[%dma_start3A_1210] : memref<4x!tpu.dma_semaphore, #tpu.memory_space<semaphore_mem>> -> memref<1x!tpu.dma_semaphore, #tpu.memory_space<semaphore_mem>>
        %dma_start3A_1219 = tpu.memref_squeeze %dma_start3A_1218 : memref<1x!tpu.dma_semaphore, #tpu.memory_space<semaphore_mem>> -> memref<!tpu.dma_semaphore, #tpu.memory_space<semaphore_mem>>
        tpu.enqueue_indirect_dma source(%dma_start3A_1217 : memref<50176x768xf32, #tpu.memory_space<hbm>>) target(%dma_start3A_1214 : memref<16x768xf32, #tpu.memory_space<vmem>>) offsets(%add3A_1209 : vector<16xi32>) semaphore(%dma_start3A_1219 : memref<!tpu.dma_semaphore, #tpu.memory_space<semaphore_mem>>)
      } else {
      }
      %gt3A_980 = arith.constant 128 : i32
      %gt3A_981 = arith.cmpi sgt, %reduce_max3A_808, %gt3A_980 : i32
      %convert_element_type3A_982 = arith.extui %gt3A_981 : i1 to i32
      %cond3A_983 = arith.constant 0 : i32
      %cond3A_984 = arith.cmpi ne, %convert_element_type3A_982, %cond3A_983 : i32
      scf.if %cond3A_984 {
        %get3A_1188 = arith.constant 128 : index
        %get3A_1189 = tpu.vector_load %arg7[%get3A_1188] {strides = array<i32>} : memref<208xi32, #tpu.memory_space<vmem>>, vector<16xi32>,
        %mul3A_1190 = arith.constant 256 : i32
        %mul3A_1191 = vector.broadcast %mul3A_1190 : i32 to vector<16xi32>
        %mul3A_1192 = arith.muli %get3A_1189, %mul3A_1191 : vector<16xi32>
        %add3A_1193 = arith.addi %mul3A_1192, %broadcast_in_dim3A_826 : vector<16xi32>
        %dma_wait3A = arith.constant 0 : i32
        %dma_wait3A_1194 = arith.constant 0 : i32
        %dma_wait3A_1195 = arith.constant 0 : i32
        %dma_wait3A_1196 = arith.constant 0 : i32
        %dma_wait3A_1197 = tpu.memref_slice %arg9[%dma_wait3A, %dma_wait3A_1195, %dma_wait3A_1196] : memref<4x16x768xf32, #tpu.memory_space<vmem>> -> memref<1x16x768xf32, #tpu.memory_space<vmem>>
        %dma_wait3A_1198 = tpu.memref_squeeze %dma_wait3A_1197 : memref<1x16x768xf32, #tpu.memory_space<vmem>> -> memref<16x768xf32, #tpu.memory_space<vmem>>
        %dma_wait3A_1199 = arith.constant 0 : i32
        %dma_wait3A_1200 = arith.constant 0 : i32
        %dma_wait3A_1201 = tpu.memref_slice %arg2[%dma_wait3A_1199, %dma_wait3A_1200] : memref<50176x768xf32, #tpu.memory_space<hbm>> -> memref<50176x768xf32, #tpu.memory_space<hbm>>
        %dma_wait3A_1202 = tpu.memref_slice %arg11[%dma_wait3A_1194] : memref<4x!tpu.dma_semaphore, #tpu.memory_space<semaphore_mem>> -> memref<1x!tpu.dma_semaphore, #tpu.memory_space<semaphore_mem>>
        %dma_wait3A_1203 = tpu.memref_squeeze %dma_wait3A_1202 : memref<1x!tpu.dma_semaphore, #tpu.memory_space<semaphore_mem>> -> memref<!tpu.dma_semaphore, #tpu.memory_space<semaphore_mem>>
        tpu.wait_indirect_dma semaphore(%dma_wait3A_1203 : memref<!tpu.dma_semaphore, #tpu.memory_space<semaphore_mem>>) src(%dma_wait3A_1201 : memref<50176x768xf32, #tpu.memory_space<hbm>>) dst(%dma_wait3A_1198 : memref<16x768xf32, #tpu.memory_space<vmem>>)
        %get3A_1204 = arith.constant 128 : index
        %get3A_1205 = tpu.vector_load %arg7[%get3A_1204] {strides = array<i32>} : memref<208xi32, #tpu.memory_space<vmem>>, vector<16xi32>,
        %mul3A_1206 = arith.constant 256 : i32
        %mul3A_1207 = vector.broadcast %mul3A_1206 : i32 to vector<16xi32>
        %mul3A_1208 = arith.muli %get3A_1205, %mul3A_1207 : vector<16xi32>
        %add3A_1209 = arith.addi %mul3A_1208, %broadcast_in_dim3A_826 : vector<16xi32>
        %dma_start3A = arith.constant 0 : i32
        %dma_start3A_1210 = arith.constant 0 : i32
        %dma_start3A_1211 = arith.constant 0 : i32
        %dma_start3A_1212 = arith.constant 0 : i32
        %dma_start3A_1213 = tpu.memref_slice %arg9[%dma_start3A, %dma_start3A_1211, %dma_start3A_1212] : memref<4x16x768xf32, #tpu.memory_space<vmem>> -> memref<1x16x768xf32, #tpu.memory_space<vmem>>
        %dma_start3A_1214 = tpu.memref_squeeze %dma_start3A_1213 : memref<1x16x768xf32, #tpu.memory_space<vmem>> -> memref<16x768xf32, #tpu.memory_space<vmem>>
        %dma_start3A_1215 = arith.constant 0 : i32
        %dma_start3A_1216 = arith.constant 0 : i32
        %dma_start3A_1217 = tpu.memref_slice %arg5[%dma_start3A_1215, %dma_start3A_1216] : memref<50176x768xf32, #tpu.memory_space<hbm>> -> memref<50176x768xf32, #tpu.memory_space<hbm>>
        %dma_start3A_1218 = tpu.memref_slice %arg12[%dma_start3A_1210] : memref<4x!tpu.dma_semaphore, #tpu.memory_space<semaphore_mem>> -> memref<1x!tpu.dma_semaphore, #tpu.memory_space<semaphore_mem>>
        %dma_start3A_1219 = tpu.memref_squeeze %dma_start3A_1218 : memref<1x!tpu.dma_semaphore, #tpu.memory_space<semaphore_mem>> -> memref<!tpu.dma_semaphore, #tpu.memory_space<semaphore_mem>>
        tpu.enqueue_indirect_dma source(%dma_start3A_1214 : memref<16x768xf32, #tpu.memory_space<vmem>>) target(%dma_start3A_1217 : memref<50176x768xf32, #tpu.memory_space<hbm>>) offsets(%add3A_1209 : vector<16xi32>) semaphore(%dma_start3A_1219 : memref<!tpu.dma_semaphore, #tpu.memory_space<semaphore_mem>>)
      } else {
      }
      %gt3A_985 = arith.constant 160 : i32
      %gt3A_986 = arith.cmpi sgt, %reduce_max3A_808, %gt3A_985 : i32
      %convert_element_type3A_987 = arith.extui %gt3A_986 : i1 to i32
      %cond3A_988 = arith.constant 0 : i32
      %cond3A_989 = arith.cmpi ne, %convert_element_type3A_987, %cond3A_988 : i32
      scf.if %cond3A_989 {
        %get3A_1188 = arith.constant 96 : index
        %get3A_1189 = tpu.vector_load %arg7[%get3A_1188] {strides = array<i32>} : memref<208xi32, #tpu.memory_space<vmem>>, vector<16xi32>,
        %mul3A_1190 = arith.constant 256 : i32
        %mul3A_1191 = vector.broadcast %mul3A_1190 : i32 to vector<16xi32>
        %mul3A_1192 = arith.muli %get3A_1189, %mul3A_1191 : vector<16xi32>
        %add3A_1193 = arith.addi %mul3A_1192, %broadcast_in_dim3A_826 : vector<16xi32>
        %dma_wait3A = arith.constant 2 : i32
        %dma_wait3A_1194 = arith.constant 2 : i32
        %dma_wait3A_1195 = arith.constant 0 : i32
        %dma_wait3A_1196 = arith.constant 0 : i32
        %dma_wait3A_1197 = tpu.memref_slice %arg9[%dma_wait3A, %dma_wait3A_1195, %dma_wait3A_1196] : memref<4x16x768xf32, #tpu.memory_space<vmem>> -> memref<1x16x768xf32, #tpu.memory_space<vmem>>
        %dma_wait3A_1198 = tpu.memref_squeeze %dma_wait3A_1197 : memref<1x16x768xf32, #tpu.memory_space<vmem>> -> memref<16x768xf32, #tpu.memory_space<vmem>>
        %dma_wait3A_1199 = arith.constant 0 : i32
        %dma_wait3A_1200 = arith.constant 0 : i32
        %dma_wait3A_1201 = tpu.memref_slice %arg5[%dma_wait3A_1199, %dma_wait3A_1200] : memref<50176x768xf32, #tpu.memory_space<hbm>> -> memref<50176x768xf32, #tpu.memory_space<hbm>>
        %dma_wait3A_1202 = tpu.memref_slice %arg12[%dma_wait3A_1194] : memref<4x!tpu.dma_semaphore, #tpu.memory_space<semaphore_mem>> -> memref<1x!tpu.dma_semaphore, #tpu.memory_space<semaphore_mem>>
        %dma_wait3A_1203 = tpu.memref_squeeze %dma_wait3A_1202 : memref<1x!tpu.dma_semaphore, #tpu.memory_space<semaphore_mem>> -> memref<!tpu.dma_semaphore, #tpu.memory_space<semaphore_mem>>
        tpu.wait_indirect_dma semaphore(%dma_wait3A_1203 : memref<!tpu.dma_semaphore, #tpu.memory_space<semaphore_mem>>) src(%dma_wait3A_1198 : memref<16x768xf32, #tpu.memory_space<vmem>>) dst(%dma_wait3A_1201 : memref<50176x768xf32, #tpu.memory_space<hbm>>)
        %get3A_1204 = arith.constant 160 : index
        %get3A_1205 = tpu.vector_load %arg7[%get3A_1204] {strides = array<i32>} : memref<208xi32, #tpu.memory_space<vmem>>, vector<16xi32>,
        %mul3A_1206 = arith.constant 256 : i32
        %mul3A_1207 = vector.broadcast %mul3A_1206 : i32 to vector<16xi32>
        %mul3A_1208 = arith.muli %get3A_1205, %mul3A_1207 : vector<16xi32>
        %add3A_1209 = arith.addi %mul3A_1208, %broadcast_in_dim3A_826 : vector<16xi32>
        %dma_start3A = arith.constant 2 : i32
        %dma_start3A_1210 = arith.constant 2 : i32
        %dma_start3A_1211 = arith.constant 0 : i32
        %dma_start3A_1212 = arith.constant 0 : i32
        %dma_start3A_1213 = tpu.memref_slice %arg9[%dma_start3A, %dma_start3A_1211, %dma_start3A_1212] : memref<4x16x768xf32, #tpu.memory_space<vmem>> -> memref<1x16x768xf32, #tpu.memory_space<vmem>>
        %dma_start3A_1214 = tpu.memref_squeeze %dma_start3A_1213 : memref<1x16x768xf32, #tpu.memory_space<vmem>> -> memref<16x768xf32, #tpu.memory_space<vmem>>
        %dma_start3A_1215 = arith.constant 0 : i32
        %dma_start3A_1216 = arith.constant 0 : i32
        %dma_start3A_1217 = tpu.memref_slice %arg2[%dma_start3A_1215, %dma_start3A_1216] : memref<50176x768xf32, #tpu.memory_space<hbm>> -> memref<50176x768xf32, #tpu.memory_space<hbm>>
        %dma_start3A_1218 = tpu.memref_slice %arg11[%dma_start3A_1210] : memref<4x!tpu.dma_semaphore, #tpu.memory_space<semaphore_mem>> -> memref<1x!tpu.dma_semaphore, #tpu.memory_space<semaphore_mem>>
        %dma_start3A_1219 = tpu.memref_squeeze %dma_start3A_1218 : memref<1x!tpu.dma_semaphore, #tpu.memory_space<semaphore_mem>> -> memref<!tpu.dma_semaphore, #tpu.memory_space<semaphore_mem>>
        tpu.enqueue_indirect_dma source(%dma_start3A_1217 : memref<50176x768xf32, #tpu.memory_space<hbm>>) target(%dma_start3A_1214 : memref<16x768xf32, #tpu.memory_space<vmem>>) offsets(%add3A_1209 : vector<16xi32>) semaphore(%dma_start3A_1219 : memref<!tpu.dma_semaphore, #tpu.memory_space<semaphore_mem>>)
      } else {
      }
      %gt3A_990 = arith.constant 144 : i32
      %gt3A_991 = arith.cmpi sgt, %reduce_max3A_808, %gt3A_990 : i32
      %convert_element_type3A_992 = arith.extui %gt3A_991 : i1 to i32
      %cond3A_993 = arith.constant 0 : i32
      %cond3A_994 = arith.cmpi ne, %convert_element_type3A_992, %cond3A_993 : i32
      scf.if %cond3A_994 {
        %get3A_1188 = arith.constant 144 : index
        %get3A_1189 = tpu.vector_load %arg7[%get3A_1188] {strides = array<i32>} : memref<208xi32, #tpu.memory_space<vmem>>, vector<16xi32>,
        %mul3A_1190 = arith.constant 256 : i32
        %mul3A_1191 = vector.broadcast %mul3A_1190 : i32 to vector<16xi32>
        %mul3A_1192 = arith.muli %get3A_1189, %mul3A_1191 : vector<16xi32>
        %add3A_1193 = arith.addi %mul3A_1192, %broadcast_in_dim3A_826 : vector<16xi32>
        %dma_wait3A = arith.constant 1 : i32
        %dma_wait3A_1194 = arith.constant 1 : i32
        %dma_wait3A_1195 = arith.constant 0 : i32
        %dma_wait3A_1196 = arith.constant 0 : i32
        %dma_wait3A_1197 = tpu.memref_slice %arg9[%dma_wait3A, %dma_wait3A_1195, %dma_wait3A_1196] : memref<4x16x768xf32, #tpu.memory_space<vmem>> -> memref<1x16x768xf32, #tpu.memory_space<vmem>>
        %dma_wait3A_1198 = tpu.memref_squeeze %dma_wait3A_1197 : memref<1x16x768xf32, #tpu.memory_space<vmem>> -> memref<16x768xf32, #tpu.memory_space<vmem>>
        %dma_wait3A_1199 = arith.constant 0 : i32
        %dma_wait3A_1200 = arith.constant 0 : i32
        %dma_wait3A_1201 = tpu.memref_slice %arg2[%dma_wait3A_1199, %dma_wait3A_1200] : memref<50176x768xf32, #tpu.memory_space<hbm>> -> memref<50176x768xf32, #tpu.memory_space<hbm>>
        %dma_wait3A_1202 = tpu.memref_slice %arg11[%dma_wait3A_1194] : memref<4x!tpu.dma_semaphore, #tpu.memory_space<semaphore_mem>> -> memref<1x!tpu.dma_semaphore, #tpu.memory_space<semaphore_mem>>
        %dma_wait3A_1203 = tpu.memref_squeeze %dma_wait3A_1202 : memref<1x!tpu.dma_semaphore, #tpu.memory_space<semaphore_mem>> -> memref<!tpu.dma_semaphore, #tpu.memory_space<semaphore_mem>>
        tpu.wait_indirect_dma semaphore(%dma_wait3A_1203 : memref<!tpu.dma_semaphore, #tpu.memory_space<semaphore_mem>>) src(%dma_wait3A_1201 : memref<50176x768xf32, #tpu.memory_space<hbm>>) dst(%dma_wait3A_1198 : memref<16x768xf32, #tpu.memory_space<vmem>>)
        %get3A_1204 = arith.constant 144 : index
        %get3A_1205 = tpu.vector_load %arg7[%get3A_1204] {strides = array<i32>} : memref<208xi32, #tpu.memory_space<vmem>>, vector<16xi32>,
        %mul3A_1206 = arith.constant 256 : i32
        %mul3A_1207 = vector.broadcast %mul3A_1206 : i32 to vector<16xi32>
        %mul3A_1208 = arith.muli %get3A_1205, %mul3A_1207 : vector<16xi32>
        %add3A_1209 = arith.addi %mul3A_1208, %broadcast_in_dim3A_826 : vector<16xi32>
        %dma_start3A = arith.constant 1 : i32
        %dma_start3A_1210 = arith.constant 1 : i32
        %dma_start3A_1211 = arith.constant 0 : i32
        %dma_start3A_1212 = arith.constant 0 : i32
        %dma_start3A_1213 = tpu.memref_slice %arg9[%dma_start3A, %dma_start3A_1211, %dma_start3A_1212] : memref<4x16x768xf32, #tpu.memory_space<vmem>> -> memref<1x16x768xf32, #tpu.memory_space<vmem>>
        %dma_start3A_1214 = tpu.memref_squeeze %dma_start3A_1213 : memref<1x16x768xf32, #tpu.memory_space<vmem>> -> memref<16x768xf32, #tpu.memory_space<vmem>>
        %dma_start3A_1215 = arith.constant 0 : i32
        %dma_start3A_1216 = arith.constant 0 : i32
        %dma_start3A_1217 = tpu.memref_slice %arg5[%dma_start3A_1215, %dma_start3A_1216] : memref<50176x768xf32, #tpu.memory_space<hbm>> -> memref<50176x768xf32, #tpu.memory_space<hbm>>
        %dma_start3A_1218 = tpu.memref_slice %arg12[%dma_start3A_1210] : memref<4x!tpu.dma_semaphore, #tpu.memory_space<semaphore_mem>> -> memref<1x!tpu.dma_semaphore, #tpu.memory_space<semaphore_mem>>
        %dma_start3A_1219 = tpu.memref_squeeze %dma_start3A_1218 : memref<1x!tpu.dma_semaphore, #tpu.memory_space<semaphore_mem>> -> memref<!tpu.dma_semaphore, #tpu.memory_space<semaphore_mem>>
        tpu.enqueue_indirect_dma source(%dma_start3A_1214 : memref<16x768xf32, #tpu.memory_space<vmem>>) target(%dma_start3A_1217 : memref<50176x768xf32, #tpu.memory_space<hbm>>) offsets(%add3A_1209 : vector<16xi32>) semaphore(%dma_start3A_1219 : memref<!tpu.dma_semaphore, #tpu.memory_space<semaphore_mem>>)
      } else {
      }
      %gt3A_995 = arith.constant 176 : i32
      %gt3A_996 = arith.cmpi sgt, %reduce_max3A_808, %gt3A_995 : i32
      %convert_element_type3A_997 = arith.extui %gt3A_996 : i1 to i32
      %cond3A_998 = arith.constant 0 : i32
      %cond3A_999 = arith.cmpi ne, %convert_element_type3A_997, %cond3A_998 : i32
      scf.if %cond3A_999 {
        %get3A_1188 = arith.constant 112 : index
        %get3A_1189 = tpu.vector_load %arg7[%get3A_1188] {strides = array<i32>} : memref<208xi32, #tpu.memory_space<vmem>>, vector<16xi32>,
        %mul3A_1190 = arith.constant 256 : i32
        %mul3A_1191 = vector.broadcast %mul3A_1190 : i32 to vector<16xi32>
        %mul3A_1192 = arith.muli %get3A_1189, %mul3A_1191 : vector<16xi32>
        %add3A_1193 = arith.addi %mul3A_1192, %broadcast_in_dim3A_826 : vector<16xi32>
        %dma_wait3A = arith.constant 3 : i32
        %dma_wait3A_1194 = arith.constant 3 : i32
        %dma_wait3A_1195 = arith.constant 0 : i32
        %dma_wait3A_1196 = arith.constant 0 : i32
        %dma_wait3A_1197 = tpu.memref_slice %arg9[%dma_wait3A, %dma_wait3A_1195, %dma_wait3A_1196] : memref<4x16x768xf32, #tpu.memory_space<vmem>> -> memref<1x16x768xf32, #tpu.memory_space<vmem>>
        %dma_wait3A_1198 = tpu.memref_squeeze %dma_wait3A_1197 : memref<1x16x768xf32, #tpu.memory_space<vmem>> -> memref<16x768xf32, #tpu.memory_space<vmem>>
        %dma_wait3A_1199 = arith.constant 0 : i32
        %dma_wait3A_1200 = arith.constant 0 : i32
        %dma_wait3A_1201 = tpu.memref_slice %arg5[%dma_wait3A_1199, %dma_wait3A_1200] : memref<50176x768xf32, #tpu.memory_space<hbm>> -> memref<50176x768xf32, #tpu.memory_space<hbm>>
        %dma_wait3A_1202 = tpu.memref_slice %arg12[%dma_wait3A_1194] : memref<4x!tpu.dma_semaphore, #tpu.memory_space<semaphore_mem>> -> memref<1x!tpu.dma_semaphore, #tpu.memory_space<semaphore_mem>>
        %dma_wait3A_1203 = tpu.memref_squeeze %dma_wait3A_1202 : memref<1x!tpu.dma_semaphore, #tpu.memory_space<semaphore_mem>> -> memref<!tpu.dma_semaphore, #tpu.memory_space<semaphore_mem>>
        tpu.wait_indirect_dma semaphore(%dma_wait3A_1203 : memref<!tpu.dma_semaphore, #tpu.memory_space<semaphore_mem>>) src(%dma_wait3A_1198 : memref<16x768xf32, #tpu.memory_space<vmem>>) dst(%dma_wait3A_1201 : memref<50176x768xf32, #tpu.memory_space<hbm>>)
        %get3A_1204 = arith.constant 176 : index
        %get3A_1205 = tpu.vector_load %arg7[%get3A_1204] {strides = array<i32>} : memref<208xi32, #tpu.memory_space<vmem>>, vector<16xi32>,
        %mul3A_1206 = arith.constant 256 : i32
        %mul3A_1207 = vector.broadcast %mul3A_1206 : i32 to vector<16xi32>
        %mul3A_1208 = arith.muli %get3A_1205, %mul3A_1207 : vector<16xi32>
        %add3A_1209 = arith.addi %mul3A_1208, %broadcast_in_dim3A_826 : vector<16xi32>
        %dma_start3A = arith.constant 3 : i32
        %dma_start3A_1210 = arith.constant 3 : i32
        %dma_start3A_1211 = arith.constant 0 : i32
        %dma_start3A_1212 = arith.constant 0 : i32
        %dma_start3A_1213 = tpu.memref_slice %arg9[%dma_start3A, %dma_start3A_1211, %dma_start3A_1212] : memref<4x16x768xf32, #tpu.memory_space<vmem>> -> memref<1x16x768xf32, #tpu.memory_space<vmem>>
        %dma_start3A_1214 = tpu.memref_squeeze %dma_start3A_1213 : memref<1x16x768xf32, #tpu.memory_space<vmem>> -> memref<16x768xf32, #tpu.memory_space<vmem>>
        %dma_start3A_1215 = arith.constant 0 : i32
        %dma_start3A_1216 = arith.constant 0 : i32
        %dma_start3A_1217 = tpu.memref_slice %arg2[%dma_start3A_1215, %dma_start3A_1216] : memref<50176x768xf32, #tpu.memory_space<hbm>> -> memref<50176x768xf32, #tpu.memory_space<hbm>>
        %dma_start3A_1218 = tpu.memref_slice %arg11[%dma_start3A_1210] : memref<4x!tpu.dma_semaphore, #tpu.memory_space<semaphore_mem>> -> memref<1x!tpu.dma_semaphore, #tpu.memory_space<semaphore_mem>>
        %dma_start3A_1219 = tpu.memref_squeeze %dma_start3A_1218 : memref<1x!tpu.dma_semaphore, #tpu.memory_space<semaphore_mem>> -> memref<!tpu.dma_semaphore, #tpu.memory_space<semaphore_mem>>
        tpu.enqueue_indirect_dma source(%dma_start3A_1217 : memref<50176x768xf32, #tpu.memory_space<hbm>>) target(%dma_start3A_1214 : memref<16x768xf32, #tpu.memory_space<vmem>>) offsets(%add3A_1209 : vector<16xi32>) semaphore(%dma_start3A_1219 : memref<!tpu.dma_semaphore, #tpu.memory_space<semaphore_mem>>)
      } else {
      }
      %gt3A_1000 = arith.constant 160 : i32
      %gt3A_1001 = arith.cmpi sgt, %reduce_max3A_808, %gt3A_1000 : i32
      %convert_element_type3A_1002 = arith.extui %gt3A_1001 : i1 to i32
      %cond3A_1003 = arith.constant 0 : i32
      %cond3A_1004 = arith.cmpi ne, %convert_element_type3A_1002, %cond3A_1003 : i32
      scf.if %cond3A_1004 {
        %get3A_1188 = arith.constant 160 : index
        %get3A_1189 = tpu.vector_load %arg7[%get3A_1188] {strides = array<i32>} : memref<208xi32, #tpu.memory_space<vmem>>, vector<16xi32>,
        %mul3A_1190 = arith.constant 256 : i32
        %mul3A_1191 = vector.broadcast %mul3A_1190 : i32 to vector<16xi32>
        %mul3A_1192 = arith.muli %get3A_1189, %mul3A_1191 : vector<16xi32>
        %add3A_1193 = arith.addi %mul3A_1192, %broadcast_in_dim3A_826 : vector<16xi32>
        %dma_wait3A = arith.constant 2 : i32
        %dma_wait3A_1194 = arith.constant 2 : i32
        %dma_wait3A_1195 = arith.constant 0 : i32
        %dma_wait3A_1196 = arith.constant 0 : i32
        %dma_wait3A_1197 = tpu.memref_slice %arg9[%dma_wait3A, %dma_wait3A_1195, %dma_wait3A_1196] : memref<4x16x768xf32, #tpu.memory_space<vmem>> -> memref<1x16x768xf32, #tpu.memory_space<vmem>>
        %dma_wait3A_1198 = tpu.memref_squeeze %dma_wait3A_1197 : memref<1x16x768xf32, #tpu.memory_space<vmem>> -> memref<16x768xf32, #tpu.memory_space<vmem>>
        %dma_wait3A_1199 = arith.constant 0 : i32
        %dma_wait3A_1200 = arith.constant 0 : i32
        %dma_wait3A_1201 = tpu.memref_slice %arg2[%dma_wait3A_1199, %dma_wait3A_1200] : memref<50176x768xf32, #tpu.memory_space<hbm>> -> memref<50176x768xf32, #tpu.memory_space<hbm>>
        %dma_wait3A_1202 = tpu.memref_slice %arg11[%dma_wait3A_1194] : memref<4x!tpu.dma_semaphore, #tpu.memory_space<semaphore_mem>> -> memref<1x!tpu.dma_semaphore, #tpu.memory_space<semaphore_mem>>
        %dma_wait3A_1203 = tpu.memref_squeeze %dma_wait3A_1202 : memref<1x!tpu.dma_semaphore, #tpu.memory_space<semaphore_mem>> -> memref<!tpu.dma_semaphore, #tpu.memory_space<semaphore_mem>>
        tpu.wait_indirect_dma semaphore(%dma_wait3A_1203 : memref<!tpu.dma_semaphore, #tpu.memory_space<semaphore_mem>>) src(%dma_wait3A_1201 : memref<50176x768xf32, #tpu.memory_space<hbm>>) dst(%dma_wait3A_1198 : memref<16x768xf32, #tpu.memory_space<vmem>>)
        %get3A_1204 = arith.constant 160 : index
        %get3A_1205 = tpu.vector_load %arg7[%get3A_1204] {strides = array<i32>} : memref<208xi32, #tpu.memory_space<vmem>>, vector<16xi32>,
        %mul3A_1206 = arith.constant 256 : i32
        %mul3A_1207 = vector.broadcast %mul3A_1206 : i32 to vector<16xi32>
        %mul3A_1208 = arith.muli %get3A_1205, %mul3A_1207 : vector<16xi32>
        %add3A_1209 = arith.addi %mul3A_1208, %broadcast_in_dim3A_826 : vector<16xi32>
        %dma_start3A = arith.constant 2 : i32
        %dma_start3A_1210 = arith.constant 2 : i32
        %dma_start3A_1211 = arith.constant 0 : i32
        %dma_start3A_1212 = arith.constant 0 : i32
        %dma_start3A_1213 = tpu.memref_slice %arg9[%dma_start3A, %dma_start3A_1211, %dma_start3A_1212] : memref<4x16x768xf32, #tpu.memory_space<vmem>> -> memref<1x16x768xf32, #tpu.memory_space<vmem>>
        %dma_start3A_1214 = tpu.memref_squeeze %dma_start3A_1213 : memref<1x16x768xf32, #tpu.memory_space<vmem>> -> memref<16x768xf32, #tpu.memory_space<vmem>>
        %dma_start3A_1215 = arith.constant 0 : i32
        %dma_start3A_1216 = arith.constant 0 : i32
        %dma_start3A_1217 = tpu.memref_slice %arg5[%dma_start3A_1215, %dma_start3A_1216] : memref<50176x768xf32, #tpu.memory_space<hbm>> -> memref<50176x768xf32, #tpu.memory_space<hbm>>
        %dma_start3A_1218 = tpu.memref_slice %arg12[%dma_start3A_1210] : memref<4x!tpu.dma_semaphore, #tpu.memory_space<semaphore_mem>> -> memref<1x!tpu.dma_semaphore, #tpu.memory_space<semaphore_mem>>
        %dma_start3A_1219 = tpu.memref_squeeze %dma_start3A_1218 : memref<1x!tpu.dma_semaphore, #tpu.memory_space<semaphore_mem>> -> memref<!tpu.dma_semaphore, #tpu.memory_space<semaphore_mem>>
        tpu.enqueue_indirect_dma source(%dma_start3A_1214 : memref<16x768xf32, #tpu.memory_space<vmem>>) target(%dma_start3A_1217 : memref<50176x768xf32, #tpu.memory_space<hbm>>) offsets(%add3A_1209 : vector<16xi32>) semaphore(%dma_start3A_1219 : memref<!tpu.dma_semaphore, #tpu.memory_space<semaphore_mem>>)
      } else {
      }
      %gt3A_1005 = arith.constant 192 : i32
      %gt3A_1006 = arith.cmpi sgt, %reduce_max3A_808, %gt3A_1005 : i32
      %convert_element_type3A_1007 = arith.extui %gt3A_1006 : i1 to i32
      %cond3A_1008 = arith.constant 0 : i32
      %cond3A_1009 = arith.cmpi ne, %convert_element_type3A_1007, %cond3A_1008 : i32
      scf.if %cond3A_1009 {
        %get3A_1188 = arith.constant 128 : index
        %get3A_1189 = tpu.vector_load %arg7[%get3A_1188] {strides = array<i32>} : memref<208xi32, #tpu.memory_space<vmem>>, vector<16xi32>,
        %mul3A_1190 = arith.constant 256 : i32
        %mul3A_1191 = vector.broadcast %mul3A_1190 : i32 to vector<16xi32>
        %mul3A_1192 = arith.muli %get3A_1189, %mul3A_1191 : vector<16xi32>
        %add3A_1193 = arith.addi %mul3A_1192, %broadcast_in_dim3A_826 : vector<16xi32>
        %dma_wait3A = arith.constant 0 : i32
        %dma_wait3A_1194 = arith.constant 0 : i32
        %dma_wait3A_1195 = arith.constant 0 : i32
        %dma_wait3A_1196 = arith.constant 0 : i32
        %dma_wait3A_1197 = tpu.memref_slice %arg9[%dma_wait3A, %dma_wait3A_1195, %dma_wait3A_1196] : memref<4x16x768xf32, #tpu.memory_space<vmem>> -> memref<1x16x768xf32, #tpu.memory_space<vmem>>
        %dma_wait3A_1198 = tpu.memref_squeeze %dma_wait3A_1197 : memref<1x16x768xf32, #tpu.memory_space<vmem>> -> memref<16x768xf32, #tpu.memory_space<vmem>>
        %dma_wait3A_1199 = arith.constant 0 : i32
        %dma_wait3A_1200 = arith.constant 0 : i32
        %dma_wait3A_1201 = tpu.memref_slice %arg5[%dma_wait3A_1199, %dma_wait3A_1200] : memref<50176x768xf32, #tpu.memory_space<hbm>> -> memref<50176x768xf32, #tpu.memory_space<hbm>>
        %dma_wait3A_1202 = tpu.memref_slice %arg12[%dma_wait3A_1194] : memref<4x!tpu.dma_semaphore, #tpu.memory_space<semaphore_mem>> -> memref<1x!tpu.dma_semaphore, #tpu.memory_space<semaphore_mem>>
        %dma_wait3A_1203 = tpu.memref_squeeze %dma_wait3A_1202 : memref<1x!tpu.dma_semaphore, #tpu.memory_space<semaphore_mem>> -> memref<!tpu.dma_semaphore, #tpu.memory_space<semaphore_mem>>
        tpu.wait_indirect_dma semaphore(%dma_wait3A_1203 : memref<!tpu.dma_semaphore, #tpu.memory_space<semaphore_mem>>) src(%dma_wait3A_1198 : memref<16x768xf32, #tpu.memory_space<vmem>>) dst(%dma_wait3A_1201 : memref<50176x768xf32, #tpu.memory_space<hbm>>)
        %get3A_1204 = arith.constant 192 : index
        %get3A_1205 = tpu.vector_load %arg7[%get3A_1204] {strides = array<i32>} : memref<208xi32, #tpu.memory_space<vmem>>, vector<16xi32>,
        %mul3A_1206 = arith.constant 256 : i32
        %mul3A_1207 = vector.broadcast %mul3A_1206 : i32 to vector<16xi32>
        %mul3A_1208 = arith.muli %get3A_1205, %mul3A_1207 : vector<16xi32>
        %add3A_1209 = arith.addi %mul3A_1208, %broadcast_in_dim3A_826 : vector<16xi32>
        %dma_start3A = arith.constant 0 : i32
        %dma_start3A_1210 = arith.constant 0 : i32
        %dma_start3A_1211 = arith.constant 0 : i32
        %dma_start3A_1212 = arith.constant 0 : i32
        %dma_start3A_1213 = tpu.memref_slice %arg9[%dma_start3A, %dma_start3A_1211, %dma_start3A_1212] : memref<4x16x768xf32, #tpu.memory_space<vmem>> -> memref<1x16x768xf32, #tpu.memory_space<vmem>>
        %dma_start3A_1214 = tpu.memref_squeeze %dma_start3A_1213 : memref<1x16x768xf32, #tpu.memory_space<vmem>> -> memref<16x768xf32, #tpu.memory_space<vmem>>
        %dma_start3A_1215 = arith.constant 0 : i32
        %dma_start3A_1216 = arith.constant 0 : i32
        %dma_start3A_1217 = tpu.memref_slice %arg2[%dma_start3A_1215, %dma_start3A_1216] : memref<50176x768xf32, #tpu.memory_space<hbm>> -> memref<50176x768xf32, #tpu.memory_space<hbm>>
        %dma_start3A_1218 = tpu.memref_slice %arg11[%dma_start3A_1210] : memref<4x!tpu.dma_semaphore, #tpu.memory_space<semaphore_mem>> -> memref<1x!tpu.dma_semaphore, #tpu.memory_space<semaphore_mem>>
        %dma_start3A_1219 = tpu.memref_squeeze %dma_start3A_1218 : memref<1x!tpu.dma_semaphore, #tpu.memory_space<semaphore_mem>> -> memref<!tpu.dma_semaphore, #tpu.memory_space<semaphore_mem>>
        tpu.enqueue_indirect_dma source(%dma_start3A_1217 : memref<50176x768xf32, #tpu.memory_space<hbm>>) target(%dma_start3A_1214 : memref<16x768xf32, #tpu.memory_space<vmem>>) offsets(%add3A_1209 : vector<16xi32>) semaphore(%dma_start3A_1219 : memref<!tpu.dma_semaphore, #tpu.memory_space<semaphore_mem>>)
      } else {
      }
      %gt3A_1010 = arith.constant 176 : i32
      %gt3A_1011 = arith.cmpi sgt, %reduce_max3A_808, %gt3A_1010 : i32
      %convert_element_type3A_1012 = arith.extui %gt3A_1011 : i1 to i32
      %cond3A_1013 = arith.constant 0 : i32
      %cond3A_1014 = arith.cmpi ne, %convert_element_type3A_1012, %cond3A_1013 : i32
      scf.if %cond3A_1014 {
        %get3A_1188 = arith.constant 176 : index
        %get3A_1189 = tpu.vector_load %arg7[%get3A_1188] {strides = array<i32>} : memref<208xi32, #tpu.memory_space<vmem>>, vector<16xi32>,
        %mul3A_1190 = arith.constant 256 : i32
        %mul3A_1191 = vector.broadcast %mul3A_1190 : i32 to vector<16xi32>
        %mul3A_1192 = arith.muli %get3A_1189, %mul3A_1191 : vector<16xi32>
        %add3A_1193 = arith.addi %mul3A_1192, %broadcast_in_dim3A_826 : vector<16xi32>
        %dma_wait3A = arith.constant 3 : i32
        %dma_wait3A_1194 = arith.constant 3 : i32
        %dma_wait3A_1195 = arith.constant 0 : i32
        %dma_wait3A_1196 = arith.constant 0 : i32
        %dma_wait3A_1197 = tpu.memref_slice %arg9[%dma_wait3A, %dma_wait3A_1195, %dma_wait3A_1196] : memref<4x16x768xf32, #tpu.memory_space<vmem>> -> memref<1x16x768xf32, #tpu.memory_space<vmem>>
        %dma_wait3A_1198 = tpu.memref_squeeze %dma_wait3A_1197 : memref<1x16x768xf32, #tpu.memory_space<vmem>> -> memref<16x768xf32, #tpu.memory_space<vmem>>
        %dma_wait3A_1199 = arith.constant 0 : i32
        %dma_wait3A_1200 = arith.constant 0 : i32
        %dma_wait3A_1201 = tpu.memref_slice %arg2[%dma_wait3A_1199, %dma_wait3A_1200] : memref<50176x768xf32, #tpu.memory_space<hbm>> -> memref<50176x768xf32, #tpu.memory_space<hbm>>
        %dma_wait3A_1202 = tpu.memref_slice %arg11[%dma_wait3A_1194] : memref<4x!tpu.dma_semaphore, #tpu.memory_space<semaphore_mem>> -> memref<1x!tpu.dma_semaphore, #tpu.memory_space<semaphore_mem>>
        %dma_wait3A_1203 = tpu.memref_squeeze %dma_wait3A_1202 : memref<1x!tpu.dma_semaphore, #tpu.memory_space<semaphore_mem>> -> memref<!tpu.dma_semaphore, #tpu.memory_space<semaphore_mem>>
        tpu.wait_indirect_dma semaphore(%dma_wait3A_1203 : memref<!tpu.dma_semaphore, #tpu.memory_space<semaphore_mem>>) src(%dma_wait3A_1201 : memref<50176x768xf32, #tpu.memory_space<hbm>>) dst(%dma_wait3A_1198 : memref<16x768xf32, #tpu.memory_space<vmem>>)
        %get3A_1204 = arith.constant 176 : index
        %get3A_1205 = tpu.vector_load %arg7[%get3A_1204] {strides = array<i32>} : memref<208xi32, #tpu.memory_space<vmem>>, vector<16xi32>,
        %mul3A_1206 = arith.constant 256 : i32
        %mul3A_1207 = vector.broadcast %mul3A_1206 : i32 to vector<16xi32>
        %mul3A_1208 = arith.muli %get3A_1205, %mul3A_1207 : vector<16xi32>
        %add3A_1209 = arith.addi %mul3A_1208, %broadcast_in_dim3A_826 : vector<16xi32>
        %dma_start3A = arith.constant 3 : i32
        %dma_start3A_1210 = arith.constant 3 : i32
        %dma_start3A_1211 = arith.constant 0 : i32
        %dma_start3A_1212 = arith.constant 0 : i32
        %dma_start3A_1213 = tpu.memref_slice %arg9[%dma_start3A, %dma_start3A_1211, %dma_start3A_1212] : memref<4x16x768xf32, #tpu.memory_space<vmem>> -> memref<1x16x768xf32, #tpu.memory_space<vmem>>
        %dma_start3A_1214 = tpu.memref_squeeze %dma_start3A_1213 : memref<1x16x768xf32, #tpu.memory_space<vmem>> -> memref<16x768xf32, #tpu.memory_space<vmem>>
        %dma_start3A_1215 = arith.constant 0 : i32
        %dma_start3A_1216 = arith.constant 0 : i32
        %dma_start3A_1217 = tpu.memref_slice %arg5[%dma_start3A_1215, %dma_start3A_1216] : memref<50176x768xf32, #tpu.memory_space<hbm>> -> memref<50176x768xf32, #tpu.memory_space<hbm>>
        %dma_start3A_1218 = tpu.memref_slice %arg12[%dma_start3A_1210] : memref<4x!tpu.dma_semaphore, #tpu.memory_space<semaphore_mem>> -> memref<1x!tpu.dma_semaphore, #tpu.memory_space<semaphore_mem>>
        %dma_start3A_1219 = tpu.memref_squeeze %dma_start3A_1218 : memref<1x!tpu.dma_semaphore, #tpu.memory_space<semaphore_mem>> -> memref<!tpu.dma_semaphore, #tpu.memory_space<semaphore_mem>>
        tpu.enqueue_indirect_dma source(%dma_start3A_1214 : memref<16x768xf32, #tpu.memory_space<vmem>>) target(%dma_start3A_1217 : memref<50176x768xf32, #tpu.memory_space<hbm>>) offsets(%add3A_1209 : vector<16xi32>) semaphore(%dma_start3A_1219 : memref<!tpu.dma_semaphore, #tpu.memory_space<semaphore_mem>>)
      } else {
      }
      %gt3A_1015 = arith.constant 192 : i32
      %gt3A_1016 = arith.cmpi sgt, %reduce_max3A_808, %gt3A_1015 : i32
      %convert_element_type3A_1017 = arith.extui %gt3A_1016 : i1 to i32
      %cond3A_1018 = arith.constant 0 : i32
      %cond3A_1019 = arith.cmpi ne, %convert_element_type3A_1017, %cond3A_1018 : i32
      scf.if %cond3A_1019 {
        %get3A_1188 = arith.constant 192 : index
        %get3A_1189 = tpu.vector_load %arg7[%get3A_1188] {strides = array<i32>} : memref<208xi32, #tpu.memory_space<vmem>>, vector<16xi32>,
        %mul3A_1190 = arith.constant 256 : i32
        %mul3A_1191 = vector.broadcast %mul3A_1190 : i32 to vector<16xi32>
        %mul3A_1192 = arith.muli %get3A_1189, %mul3A_1191 : vector<16xi32>
        %add3A_1193 = arith.addi %mul3A_1192, %broadcast_in_dim3A_826 : vector<16xi32>
        %dma_wait3A = arith.constant 0 : i32
        %dma_wait3A_1194 = arith.constant 0 : i32
        %dma_wait3A_1195 = arith.constant 0 : i32
        %dma_wait3A_1196 = arith.constant 0 : i32
        %dma_wait3A_1197 = tpu.memref_slice %arg9[%dma_wait3A, %dma_wait3A_1195, %dma_wait3A_1196] : memref<4x16x768xf32, #tpu.memory_space<vmem>> -> memref<1x16x768xf32, #tpu.memory_space<vmem>>
        %dma_wait3A_1198 = tpu.memref_squeeze %dma_wait3A_1197 : memref<1x16x768xf32, #tpu.memory_space<vmem>> -> memref<16x768xf32, #tpu.memory_space<vmem>>
        %dma_wait3A_1199 = arith.constant 0 : i32
        %dma_wait3A_1200 = arith.constant 0 : i32
        %dma_wait3A_1201 = tpu.memref_slice %arg2[%dma_wait3A_1199, %dma_wait3A_1200] : memref<50176x768xf32, #tpu.memory_space<hbm>> -> memref<50176x768xf32, #tpu.memory_space<hbm>>
        %dma_wait3A_1202 = tpu.memref_slice %arg11[%dma_wait3A_1194] : memref<4x!tpu.dma_semaphore, #tpu.memory_space<semaphore_mem>> -> memref<1x!tpu.dma_semaphore, #tpu.memory_space<semaphore_mem>>
        %dma_wait3A_1203 = tpu.memref_squeeze %dma_wait3A_1202 : memref<1x!tpu.dma_semaphore, #tpu.memory_space<semaphore_mem>> -> memref<!tpu.dma_semaphore, #tpu.memory_space<semaphore_mem>>
        tpu.wait_indirect_dma semaphore(%dma_wait3A_1203 : memref<!tpu.dma_semaphore, #tpu.memory_space<semaphore_mem>>) src(%dma_wait3A_1201 : memref<50176x768xf32, #tpu.memory_space<hbm>>) dst(%dma_wait3A_1198 : memref<16x768xf32, #tpu.memory_space<vmem>>)
        %get3A_1204 = arith.constant 192 : index
        %get3A_1205 = tpu.vector_load %arg7[%get3A_1204] {strides = array<i32>} : memref<208xi32, #tpu.memory_space<vmem>>, vector<16xi32>,
        %mul3A_1206 = arith.constant 256 : i32
        %mul3A_1207 = vector.broadcast %mul3A_1206 : i32 to vector<16xi32>
        %mul3A_1208 = arith.muli %get3A_1205, %mul3A_1207 : vector<16xi32>
        %add3A_1209 = arith.addi %mul3A_1208, %broadcast_in_dim3A_826 : vector<16xi32>
        %dma_start3A = arith.constant 0 : i32
        %dma_start3A_1210 = arith.constant 0 : i32
        %dma_start3A_1211 = arith.constant 0 : i32
        %dma_start3A_1212 = arith.constant 0 : i32
        %dma_start3A_1213 = tpu.memref_slice %arg9[%dma_start3A, %dma_start3A_1211, %dma_start3A_1212] : memref<4x16x768xf32, #tpu.memory_space<vmem>> -> memref<1x16x768xf32, #tpu.memory_space<vmem>>
        %dma_start3A_1214 = tpu.memref_squeeze %dma_start3A_1213 : memref<1x16x768xf32, #tpu.memory_space<vmem>> -> memref<16x768xf32, #tpu.memory_space<vmem>>
        %dma_start3A_1215 = arith.constant 0 : i32
        %dma_start3A_1216 = arith.constant 0 : i32
        %dma_start3A_1217 = tpu.memref_slice %arg5[%dma_start3A_1215, %dma_start3A_1216] : memref<50176x768xf32, #tpu.memory_space<hbm>> -> memref<50176x768xf32, #tpu.memory_space<hbm>>
        %dma_start3A_1218 = tpu.memref_slice %arg12[%dma_start3A_1210] : memref<4x!tpu.dma_semaphore, #tpu.memory_space<semaphore_mem>> -> memref<1x!tpu.dma_semaphore, #tpu.memory_space<semaphore_mem>>
        %dma_start3A_1219 = tpu.memref_squeeze %dma_start3A_1218 : memref<1x!tpu.dma_semaphore, #tpu.memory_space<semaphore_mem>> -> memref<!tpu.dma_semaphore, #tpu.memory_space<semaphore_mem>>
        tpu.enqueue_indirect_dma source(%dma_start3A_1214 : memref<16x768xf32, #tpu.memory_space<vmem>>) target(%dma_start3A_1217 : memref<50176x768xf32, #tpu.memory_space<hbm>>) offsets(%add3A_1209 : vector<16xi32>) semaphore(%dma_start3A_1219 : memref<!tpu.dma_semaphore, #tpu.memory_space<semaphore_mem>>)
      } else {
      }
      %gt3A_1020 = arith.constant 0 : i32
      %gt3A_1021 = arith.cmpi sgt, %reduce_max3A_808, %gt3A_1020 : i32
      %le3A = arith.constant 64 : i32
      %le3A_1022 = arith.cmpi sle, %reduce_max3A_808, %le3A : i32
      %and3A_1023 = arith.andi %gt3A_1021, %le3A_1022 : i1
      %convert_element_type3A_1024 = arith.extui %and3A_1023 : i1 to i32
      %cond3A_1025 = arith.constant 0 : i32
      %cond3A_1026 = arith.cmpi ne, %convert_element_type3A_1024, %cond3A_1025 : i32
      scf.if %cond3A_1026 {
        %get3A_1188 = arith.constant 0 : index
        %get3A_1189 = tpu.vector_load %arg7[%get3A_1188] {strides = array<i32>} : memref<208xi32, #tpu.memory_space<vmem>>, vector<16xi32>,
        %mul3A_1190 = arith.constant 256 : i32
        %mul3A_1191 = vector.broadcast %mul3A_1190 : i32 to vector<16xi32>
        %mul3A_1192 = arith.muli %get3A_1189, %mul3A_1191 : vector<16xi32>
        %add3A_1193 = arith.addi %mul3A_1192, %broadcast_in_dim3A_826 : vector<16xi32>
        %dma_wait3A = arith.constant 0 : i32
        %dma_wait3A_1194 = arith.constant 0 : i32
        %dma_wait3A_1195 = arith.constant 0 : i32
        %dma_wait3A_1196 = arith.constant 0 : i32
        %dma_wait3A_1197 = tpu.memref_slice %arg9[%dma_wait3A, %dma_wait3A_1195, %dma_wait3A_1196] : memref<4x16x768xf32, #tpu.memory_space<vmem>> -> memref<1x16x768xf32, #tpu.memory_space<vmem>>
        %dma_wait3A_1198 = tpu.memref_squeeze %dma_wait3A_1197 : memref<1x16x768xf32, #tpu.memory_space<vmem>> -> memref<16x768xf32, #tpu.memory_space<vmem>>
        %dma_wait3A_1199 = arith.constant 0 : i32
        %dma_wait3A_1200 = arith.constant 0 : i32
        %dma_wait3A_1201 = tpu.memref_slice %arg5[%dma_wait3A_1199, %dma_wait3A_1200] : memref<50176x768xf32, #tpu.memory_space<hbm>> -> memref<50176x768xf32, #tpu.memory_space<hbm>>
        %dma_wait3A_1202 = tpu.memref_slice %arg12[%dma_wait3A_1194] : memref<4x!tpu.dma_semaphore, #tpu.memory_space<semaphore_mem>> -> memref<1x!tpu.dma_semaphore, #tpu.memory_space<semaphore_mem>>
        %dma_wait3A_1203 = tpu.memref_squeeze %dma_wait3A_1202 : memref<1x!tpu.dma_semaphore, #tpu.memory_space<semaphore_mem>> -> memref<!tpu.dma_semaphore, #tpu.memory_space<semaphore_mem>>
        tpu.wait_indirect_dma semaphore(%dma_wait3A_1203 : memref<!tpu.dma_semaphore, #tpu.memory_space<semaphore_mem>>) src(%dma_wait3A_1198 : memref<16x768xf32, #tpu.memory_space<vmem>>) dst(%dma_wait3A_1201 : memref<50176x768xf32, #tpu.memory_space<hbm>>)
      } else {
      }
      %gt3A_1027 = arith.constant 16 : i32
      %gt3A_1028 = arith.cmpi sgt, %reduce_max3A_808, %gt3A_1027 : i32
      %le3A_1029 = arith.constant 80 : i32
      %le3A_1030 = arith.cmpi sle, %reduce_max3A_808, %le3A_1029 : i32
      %and3A_1031 = arith.andi %gt3A_1028, %le3A_1030 : i1
      %convert_element_type3A_1032 = arith.extui %and3A_1031 : i1 to i32
      %cond3A_1033 = arith.constant 0 : i32
      %cond3A_1034 = arith.cmpi ne, %convert_element_type3A_1032, %cond3A_1033 : i32
      scf.if %cond3A_1034 {
        %get3A_1188 = arith.constant 16 : index
        %get3A_1189 = tpu.vector_load %arg7[%get3A_1188] {strides = array<i32>} : memref<208xi32, #tpu.memory_space<vmem>>, vector<16xi32>,
        %mul3A_1190 = arith.constant 256 : i32
        %mul3A_1191 = vector.broadcast %mul3A_1190 : i32 to vector<16xi32>
        %mul3A_1192 = arith.muli %get3A_1189, %mul3A_1191 : vector<16xi32>
        %add3A_1193 = arith.addi %mul3A_1192, %broadcast_in_dim3A_826 : vector<16xi32>
        %dma_wait3A = arith.constant 1 : i32
        %dma_wait3A_1194 = arith.constant 1 : i32
        %dma_wait3A_1195 = arith.constant 0 : i32
        %dma_wait3A_1196 = arith.constant 0 : i32
        %dma_wait3A_1197 = tpu.memref_slice %arg9[%dma_wait3A, %dma_wait3A_1195, %dma_wait3A_1196] : memref<4x16x768xf32, #tpu.memory_space<vmem>> -> memref<1x16x768xf32, #tpu.memory_space<vmem>>
        %dma_wait3A_1198 = tpu.memref_squeeze %dma_wait3A_1197 : memref<1x16x768xf32, #tpu.memory_space<vmem>> -> memref<16x768xf32, #tpu.memory_space<vmem>>
        %dma_wait3A_1199 = arith.constant 0 : i32
        %dma_wait3A_1200 = arith.constant 0 : i32
        %dma_wait3A_1201 = tpu.memref_slice %arg5[%dma_wait3A_1199, %dma_wait3A_1200] : memref<50176x768xf32, #tpu.memory_space<hbm>> -> memref<50176x768xf32, #tpu.memory_space<hbm>>
        %dma_wait3A_1202 = tpu.memref_slice %arg12[%dma_wait3A_1194] : memref<4x!tpu.dma_semaphore, #tpu.memory_space<semaphore_mem>> -> memref<1x!tpu.dma_semaphore, #tpu.memory_space<semaphore_mem>>
        %dma_wait3A_1203 = tpu.memref_squeeze %dma_wait3A_1202 : memref<1x!tpu.dma_semaphore, #tpu.memory_space<semaphore_mem>> -> memref<!tpu.dma_semaphore, #tpu.memory_space<semaphore_mem>>
        tpu.wait_indirect_dma semaphore(%dma_wait3A_1203 : memref<!tpu.dma_semaphore, #tpu.memory_space<semaphore_mem>>) src(%dma_wait3A_1198 : memref<16x768xf32, #tpu.memory_space<vmem>>) dst(%dma_wait3A_1201 : memref<50176x768xf32, #tpu.memory_space<hbm>>)
      } else {
      }
      %gt3A_1035 = arith.constant 32 : i32
      %gt3A_1036 = arith.cmpi sgt, %reduce_max3A_808, %gt3A_1035 : i32
      %le3A_1037 = arith.constant 96 : i32
      %le3A_1038 = arith.cmpi sle, %reduce_max3A_808, %le3A_1037 : i32
      %and3A_1039 = arith.andi %gt3A_1036, %le3A_1038 : i1
      %convert_element_type3A_1040 = arith.extui %and3A_1039 : i1 to i32
      %cond3A_1041 = arith.constant 0 : i32
      %cond3A_1042 = arith.cmpi ne, %convert_element_type3A_1040, %cond3A_1041 : i32
      scf.if %cond3A_1042 {
        %get3A_1188 = arith.constant 32 : index
        %get3A_1189 = tpu.vector_load %arg7[%get3A_1188] {strides = array<i32>} : memref<208xi32, #tpu.memory_space<vmem>>, vector<16xi32>,
        %mul3A_1190 = arith.constant 256 : i32
        %mul3A_1191 = vector.broadcast %mul3A_1190 : i32 to vector<16xi32>
        %mul3A_1192 = arith.muli %get3A_1189, %mul3A_1191 : vector<16xi32>
        %add3A_1193 = arith.addi %mul3A_1192, %broadcast_in_dim3A_826 : vector<16xi32>
        %dma_wait3A = arith.constant 2 : i32
        %dma_wait3A_1194 = arith.constant 2 : i32
        %dma_wait3A_1195 = arith.constant 0 : i32
        %dma_wait3A_1196 = arith.constant 0 : i32
        %dma_wait3A_1197 = tpu.memref_slice %arg9[%dma_wait3A, %dma_wait3A_1195, %dma_wait3A_1196] : memref<4x16x768xf32, #tpu.memory_space<vmem>> -> memref<1x16x768xf32, #tpu.memory_space<vmem>>
        %dma_wait3A_1198 = tpu.memref_squeeze %dma_wait3A_1197 : memref<1x16x768xf32, #tpu.memory_space<vmem>> -> memref<16x768xf32, #tpu.memory_space<vmem>>
        %dma_wait3A_1199 = arith.constant 0 : i32
        %dma_wait3A_1200 = arith.constant 0 : i32
        %dma_wait3A_1201 = tpu.memref_slice %arg5[%dma_wait3A_1199, %dma_wait3A_1200] : memref<50176x768xf32, #tpu.memory_space<hbm>> -> memref<50176x768xf32, #tpu.memory_space<hbm>>
        %dma_wait3A_1202 = tpu.memref_slice %arg12[%dma_wait3A_1194] : memref<4x!tpu.dma_semaphore, #tpu.memory_space<semaphore_mem>> -> memref<1x!tpu.dma_semaphore, #tpu.memory_space<semaphore_mem>>
        %dma_wait3A_1203 = tpu.memref_squeeze %dma_wait3A_1202 : memref<1x!tpu.dma_semaphore, #tpu.memory_space<semaphore_mem>> -> memref<!tpu.dma_semaphore, #tpu.memory_space<semaphore_mem>>
        tpu.wait_indirect_dma semaphore(%dma_wait3A_1203 : memref<!tpu.dma_semaphore, #tpu.memory_space<semaphore_mem>>) src(%dma_wait3A_1198 : memref<16x768xf32, #tpu.memory_space<vmem>>) dst(%dma_wait3A_1201 : memref<50176x768xf32, #tpu.memory_space<hbm>>)
      } else {
      }
      %gt3A_1043 = arith.constant 48 : i32
      %gt3A_1044 = arith.cmpi sgt, %reduce_max3A_808, %gt3A_1043 : i32
      %le3A_1045 = arith.constant 112 : i32
      %le3A_1046 = arith.cmpi sle, %reduce_max3A_808, %le3A_1045 : i32
      %and3A_1047 = arith.andi %gt3A_1044, %le3A_1046 : i1
      %convert_element_type3A_1048 = arith.extui %and3A_1047 : i1 to i32
      %cond3A_1049 = arith.constant 0 : i32
      %cond3A_1050 = arith.cmpi ne, %convert_element_type3A_1048, %cond3A_1049 : i32
      scf.if %cond3A_1050 {
        %get3A_1188 = arith.constant 48 : index
        %get3A_1189 = tpu.vector_load %arg7[%get3A_1188] {strides = array<i32>} : memref<208xi32, #tpu.memory_space<vmem>>, vector<16xi32>,
        %mul3A_1190 = arith.constant 256 : i32
        %mul3A_1191 = vector.broadcast %mul3A_1190 : i32 to vector<16xi32>
        %mul3A_1192 = arith.muli %get3A_1189, %mul3A_1191 : vector<16xi32>
        %add3A_1193 = arith.addi %mul3A_1192, %broadcast_in_dim3A_826 : vector<16xi32>
        %dma_wait3A = arith.constant 3 : i32
        %dma_wait3A_1194 = arith.constant 3 : i32
        %dma_wait3A_1195 = arith.constant 0 : i32
        %dma_wait3A_1196 = arith.constant 0 : i32
        %dma_wait3A_1197 = tpu.memref_slice %arg9[%dma_wait3A, %dma_wait3A_1195, %dma_wait3A_1196] : memref<4x16x768xf32, #tpu.memory_space<vmem>> -> memref<1x16x768xf32, #tpu.memory_space<vmem>>
        %dma_wait3A_1198 = tpu.memref_squeeze %dma_wait3A_1197 : memref<1x16x768xf32, #tpu.memory_space<vmem>> -> memref<16x768xf32, #tpu.memory_space<vmem>>
        %dma_wait3A_1199 = arith.constant 0 : i32
        %dma_wait3A_1200 = arith.constant 0 : i32
        %dma_wait3A_1201 = tpu.memref_slice %arg5[%dma_wait3A_1199, %dma_wait3A_1200] : memref<50176x768xf32, #tpu.memory_space<hbm>> -> memref<50176x768xf32, #tpu.memory_space<hbm>>
        %dma_wait3A_1202 = tpu.memref_slice %arg12[%dma_wait3A_1194] : memref<4x!tpu.dma_semaphore, #tpu.memory_space<semaphore_mem>> -> memref<1x!tpu.dma_semaphore, #tpu.memory_space<semaphore_mem>>
        %dma_wait3A_1203 = tpu.memref_squeeze %dma_wait3A_1202 : memref<1x!tpu.dma_semaphore, #tpu.memory_space<semaphore_mem>> -> memref<!tpu.dma_semaphore, #tpu.memory_space<semaphore_mem>>
        tpu.wait_indirect_dma semaphore(%dma_wait3A_1203 : memref<!tpu.dma_semaphore, #tpu.memory_space<semaphore_mem>>) src(%dma_wait3A_1198 : memref<16x768xf32, #tpu.memory_space<vmem>>) dst(%dma_wait3A_1201 : memref<50176x768xf32, #tpu.memory_space<hbm>>)
      } else {
      }
      %gt3A_1051 = arith.constant 64 : i32
      %gt3A_1052 = arith.cmpi sgt, %reduce_max3A_808, %gt3A_1051 : i32
      %le3A_1053 = arith.constant 128 : i32
      %le3A_1054 = arith.cmpi sle, %reduce_max3A_808, %le3A_1053 : i32
      %and3A_1055 = arith.andi %gt3A_1052, %le3A_1054 : i1
      %convert_element_type3A_1056 = arith.extui %and3A_1055 : i1 to i32
      %cond3A_1057 = arith.constant 0 : i32
      %cond3A_1058 = arith.cmpi ne, %convert_element_type3A_1056, %cond3A_1057 : i32
      scf.if %cond3A_1058 {
        %get3A_1188 = arith.constant 64 : index
        %get3A_1189 = tpu.vector_load %arg7[%get3A_1188] {strides = array<i32>} : memref<208xi32, #tpu.memory_space<vmem>>, vector<16xi32>,
        %mul3A_1190 = arith.constant 256 : i32
        %mul3A_1191 = vector.broadcast %mul3A_1190 : i32 to vector<16xi32>
        %mul3A_1192 = arith.muli %get3A_1189, %mul3A_1191 : vector<16xi32>
        %add3A_1193 = arith.addi %mul3A_1192, %broadcast_in_dim3A_826 : vector<16xi32>
        %dma_wait3A = arith.constant 0 : i32
        %dma_wait3A_1194 = arith.constant 0 : i32
        %dma_wait3A_1195 = arith.constant 0 : i32
        %dma_wait3A_1196 = arith.constant 0 : i32
        %dma_wait3A_1197 = tpu.memref_slice %arg9[%dma_wait3A, %dma_wait3A_1195, %dma_wait3A_1196] : memref<4x16x768xf32, #tpu.memory_space<vmem>> -> memref<1x16x768xf32, #tpu.memory_space<vmem>>
        %dma_wait3A_1198 = tpu.memref_squeeze %dma_wait3A_1197 : memref<1x16x768xf32, #tpu.memory_space<vmem>> -> memref<16x768xf32, #tpu.memory_space<vmem>>
        %dma_wait3A_1199 = arith.constant 0 : i32
        %dma_wait3A_1200 = arith.constant 0 : i32
        %dma_wait3A_1201 = tpu.memref_slice %arg5[%dma_wait3A_1199, %dma_wait3A_1200] : memref<50176x768xf32, #tpu.memory_space<hbm>> -> memref<50176x768xf32, #tpu.memory_space<hbm>>
        %dma_wait3A_1202 = tpu.memref_slice %arg12[%dma_wait3A_1194] : memref<4x!tpu.dma_semaphore, #tpu.memory_space<semaphore_mem>> -> memref<1x!tpu.dma_semaphore, #tpu.memory_space<semaphore_mem>>
        %dma_wait3A_1203 = tpu.memref_squeeze %dma_wait3A_1202 : memref<1x!tpu.dma_semaphore, #tpu.memory_space<semaphore_mem>> -> memref<!tpu.dma_semaphore, #tpu.memory_space<semaphore_mem>>
        tpu.wait_indirect_dma semaphore(%dma_wait3A_1203 : memref<!tpu.dma_semaphore, #tpu.memory_space<semaphore_mem>>) src(%dma_wait3A_1198 : memref<16x768xf32, #tpu.memory_space<vmem>>) dst(%dma_wait3A_1201 : memref<50176x768xf32, #tpu.memory_space<hbm>>)
      } else {
      }
      %gt3A_1059 = arith.constant 80 : i32
      %gt3A_1060 = arith.cmpi sgt, %reduce_max3A_808, %gt3A_1059 : i32
      %le3A_1061 = arith.constant 144 : i32
      %le3A_1062 = arith.cmpi sle, %reduce_max3A_808, %le3A_1061 : i32
      %and3A_1063 = arith.andi %gt3A_1060, %le3A_1062 : i1
      %convert_element_type3A_1064 = arith.extui %and3A_1063 : i1 to i32
      %cond3A_1065 = arith.constant 0 : i32
      %cond3A_1066 = arith.cmpi ne, %convert_element_type3A_1064, %cond3A_1065 : i32
      scf.if %cond3A_1066 {
        %get3A_1188 = arith.constant 80 : index
        %get3A_1189 = tpu.vector_load %arg7[%get3A_1188] {strides = array<i32>} : memref<208xi32, #tpu.memory_space<vmem>>, vector<16xi32>,
        %mul3A_1190 = arith.constant 256 : i32
        %mul3A_1191 = vector.broadcast %mul3A_1190 : i32 to vector<16xi32>
        %mul3A_1192 = arith.muli %get3A_1189, %mul3A_1191 : vector<16xi32>
        %add3A_1193 = arith.addi %mul3A_1192, %broadcast_in_dim3A_826 : vector<16xi32>
        %dma_wait3A = arith.constant 1 : i32
        %dma_wait3A_1194 = arith.constant 1 : i32
        %dma_wait3A_1195 = arith.constant 0 : i32
        %dma_wait3A_1196 = arith.constant 0 : i32
        %dma_wait3A_1197 = tpu.memref_slice %arg9[%dma_wait3A, %dma_wait3A_1195, %dma_wait3A_1196] : memref<4x16x768xf32, #tpu.memory_space<vmem>> -> memref<1x16x768xf32, #tpu.memory_space<vmem>>
        %dma_wait3A_1198 = tpu.memref_squeeze %dma_wait3A_1197 : memref<1x16x768xf32, #tpu.memory_space<vmem>> -> memref<16x768xf32, #tpu.memory_space<vmem>>
        %dma_wait3A_1199 = arith.constant 0 : i32
        %dma_wait3A_1200 = arith.constant 0 : i32
        %dma_wait3A_1201 = tpu.memref_slice %arg5[%dma_wait3A_1199, %dma_wait3A_1200] : memref<50176x768xf32, #tpu.memory_space<hbm>> -> memref<50176x768xf32, #tpu.memory_space<hbm>>
        %dma_wait3A_1202 = tpu.memref_slice %arg12[%dma_wait3A_1194] : memref<4x!tpu.dma_semaphore, #tpu.memory_space<semaphore_mem>> -> memref<1x!tpu.dma_semaphore, #tpu.memory_space<semaphore_mem>>
        %dma_wait3A_1203 = tpu.memref_squeeze %dma_wait3A_1202 : memref<1x!tpu.dma_semaphore, #tpu.memory_space<semaphore_mem>> -> memref<!tpu.dma_semaphore, #tpu.memory_space<semaphore_mem>>
        tpu.wait_indirect_dma semaphore(%dma_wait3A_1203 : memref<!tpu.dma_semaphore, #tpu.memory_space<semaphore_mem>>) src(%dma_wait3A_1198 : memref<16x768xf32, #tpu.memory_space<vmem>>) dst(%dma_wait3A_1201 : memref<50176x768xf32, #tpu.memory_space<hbm>>)
      } else {
      }
      %gt3A_1067 = arith.constant 96 : i32
      %gt3A_1068 = arith.cmpi sgt, %reduce_max3A_808, %gt3A_1067 : i32
      %le3A_1069 = arith.constant 160 : i32
      %le3A_1070 = arith.cmpi sle, %reduce_max3A_808, %le3A_1069 : i32
      %and3A_1071 = arith.andi %gt3A_1068, %le3A_1070 : i1
      %convert_element_type3A_1072 = arith.extui %and3A_1071 : i1 to i32
      %cond3A_1073 = arith.constant 0 : i32
      %cond3A_1074 = arith.cmpi ne, %convert_element_type3A_1072, %cond3A_1073 : i32
      scf.if %cond3A_1074 {
        %get3A_1188 = arith.constant 96 : index
        %get3A_1189 = tpu.vector_load %arg7[%get3A_1188] {strides = array<i32>} : memref<208xi32, #tpu.memory_space<vmem>>, vector<16xi32>,
        %mul3A_1190 = arith.constant 256 : i32
        %mul3A_1191 = vector.broadcast %mul3A_1190 : i32 to vector<16xi32>
        %mul3A_1192 = arith.muli %get3A_1189, %mul3A_1191 : vector<16xi32>
        %add3A_1193 = arith.addi %mul3A_1192, %broadcast_in_dim3A_826 : vector<16xi32>
        %dma_wait3A = arith.constant 2 : i32
        %dma_wait3A_1194 = arith.constant 2 : i32
        %dma_wait3A_1195 = arith.constant 0 : i32
        %dma_wait3A_1196 = arith.constant 0 : i32
        %dma_wait3A_1197 = tpu.memref_slice %arg9[%dma_wait3A, %dma_wait3A_1195, %dma_wait3A_1196] : memref<4x16x768xf32, #tpu.memory_space<vmem>> -> memref<1x16x768xf32, #tpu.memory_space<vmem>>
        %dma_wait3A_1198 = tpu.memref_squeeze %dma_wait3A_1197 : memref<1x16x768xf32, #tpu.memory_space<vmem>> -> memref<16x768xf32, #tpu.memory_space<vmem>>
        %dma_wait3A_1199 = arith.constant 0 : i32
        %dma_wait3A_1200 = arith.constant 0 : i32
        %dma_wait3A_1201 = tpu.memref_slice %arg5[%dma_wait3A_1199, %dma_wait3A_1200] : memref<50176x768xf32, #tpu.memory_space<hbm>> -> memref<50176x768xf32, #tpu.memory_space<hbm>>
        %dma_wait3A_1202 = tpu.memref_slice %arg12[%dma_wait3A_1194] : memref<4x!tpu.dma_semaphore, #tpu.memory_space<semaphore_mem>> -> memref<1x!tpu.dma_semaphore, #tpu.memory_space<semaphore_mem>>
        %dma_wait3A_1203 = tpu.memref_squeeze %dma_wait3A_1202 : memref<1x!tpu.dma_semaphore, #tpu.memory_space<semaphore_mem>> -> memref<!tpu.dma_semaphore, #tpu.memory_space<semaphore_mem>>
        tpu.wait_indirect_dma semaphore(%dma_wait3A_1203 : memref<!tpu.dma_semaphore, #tpu.memory_space<semaphore_mem>>) src(%dma_wait3A_1198 : memref<16x768xf32, #tpu.memory_space<vmem>>) dst(%dma_wait3A_1201 : memref<50176x768xf32, #tpu.memory_space<hbm>>)
      } else {
      }
      %gt3A_1075 = arith.constant 112 : i32
      %gt3A_1076 = arith.cmpi sgt, %reduce_max3A_808, %gt3A_1075 : i32
      %le3A_1077 = arith.constant 176 : i32
      %le3A_1078 = arith.cmpi sle, %reduce_max3A_808, %le3A_1077 : i32
      %and3A_1079 = arith.andi %gt3A_1076, %le3A_1078 : i1
      %convert_element_type3A_1080 = arith.extui %and3A_1079 : i1 to i32
      %cond3A_1081 = arith.constant 0 : i32
      %cond3A_1082 = arith.cmpi ne, %convert_element_type3A_1080, %cond3A_1081 : i32
      scf.if %cond3A_1082 {
        %get3A_1188 = arith.constant 112 : index
        %get3A_1189 = tpu.vector_load %arg7[%get3A_1188] {strides = array<i32>} : memref<208xi32, #tpu.memory_space<vmem>>, vector<16xi32>,
        %mul3A_1190 = arith.constant 256 : i32
        %mul3A_1191 = vector.broadcast %mul3A_1190 : i32 to vector<16xi32>
        %mul3A_1192 = arith.muli %get3A_1189, %mul3A_1191 : vector<16xi32>
        %add3A_1193 = arith.addi %mul3A_1192, %broadcast_in_dim3A_826 : vector<16xi32>
        %dma_wait3A = arith.constant 3 : i32
        %dma_wait3A_1194 = arith.constant 3 : i32
        %dma_wait3A_1195 = arith.constant 0 : i32
        %dma_wait3A_1196 = arith.constant 0 : i32
        %dma_wait3A_1197 = tpu.memref_slice %arg9[%dma_wait3A, %dma_wait3A_1195, %dma_wait3A_1196] : memref<4x16x768xf32, #tpu.memory_space<vmem>> -> memref<1x16x768xf32, #tpu.memory_space<vmem>>
        %dma_wait3A_1198 = tpu.memref_squeeze %dma_wait3A_1197 : memref<1x16x768xf32, #tpu.memory_space<vmem>> -> memref<16x768xf32, #tpu.memory_space<vmem>>
        %dma_wait3A_1199 = arith.constant 0 : i32
        %dma_wait3A_1200 = arith.constant 0 : i32
        %dma_wait3A_1201 = tpu.memref_slice %arg5[%dma_wait3A_1199, %dma_wait3A_1200] : memref<50176x768xf32, #tpu.memory_space<hbm>> -> memref<50176x768xf32, #tpu.memory_space<hbm>>
        %dma_wait3A_1202 = tpu.memref_slice %arg12[%dma_wait3A_1194] : memref<4x!tpu.dma_semaphore, #tpu.memory_space<semaphore_mem>> -> memref<1x!tpu.dma_semaphore, #tpu.memory_space<semaphore_mem>>
        %dma_wait3A_1203 = tpu.memref_squeeze %dma_wait3A_1202 : memref<1x!tpu.dma_semaphore, #tpu.memory_space<semaphore_mem>> -> memref<!tpu.dma_semaphore, #tpu.memory_space<semaphore_mem>>
        tpu.wait_indirect_dma semaphore(%dma_wait3A_1203 : memref<!tpu.dma_semaphore, #tpu.memory_space<semaphore_mem>>) src(%dma_wait3A_1198 : memref<16x768xf32, #tpu.memory_space<vmem>>) dst(%dma_wait3A_1201 : memref<50176x768xf32, #tpu.memory_space<hbm>>)
      } else {
      }
      %gt3A_1083 = arith.constant 128 : i32
      %gt3A_1084 = arith.cmpi sgt, %reduce_max3A_808, %gt3A_1083 : i32
      %le3A_1085 = arith.constant 192 : i32
      %le3A_1086 = arith.cmpi sle, %reduce_max3A_808, %le3A_1085 : i32
      %and3A_1087 = arith.andi %gt3A_1084, %le3A_1086 : i1
      %convert_element_type3A_1088 = arith.extui %and3A_1087 : i1 to i32
      %cond3A_1089 = arith.constant 0 : i32
      %cond3A_1090 = arith.cmpi ne, %convert_element_type3A_1088, %cond3A_1089 : i32
      scf.if %cond3A_1090 {
        %get3A_1188 = arith.constant 128 : index
        %get3A_1189 = tpu.vector_load %arg7[%get3A_1188] {strides = array<i32>} : memref<208xi32, #tpu.memory_space<vmem>>, vector<16xi32>,
        %mul3A_1190 = arith.constant 256 : i32
        %mul3A_1191 = vector.broadcast %mul3A_1190 : i32 to vector<16xi32>
        %mul3A_1192 = arith.muli %get3A_1189, %mul3A_1191 : vector<16xi32>
        %add3A_1193 = arith.addi %mul3A_1192, %broadcast_in_dim3A_826 : vector<16xi32>
        %dma_wait3A = arith.constant 0 : i32
        %dma_wait3A_1194 = arith.constant 0 : i32
        %dma_wait3A_1195 = arith.constant 0 : i32
        %dma_wait3A_1196 = arith.constant 0 : i32
        %dma_wait3A_1197 = tpu.memref_slice %arg9[%dma_wait3A, %dma_wait3A_1195, %dma_wait3A_1196] : memref<4x16x768xf32, #tpu.memory_space<vmem>> -> memref<1x16x768xf32, #tpu.memory_space<vmem>>
        %dma_wait3A_1198 = tpu.memref_squeeze %dma_wait3A_1197 : memref<1x16x768xf32, #tpu.memory_space<vmem>> -> memref<16x768xf32, #tpu.memory_space<vmem>>
        %dma_wait3A_1199 = arith.constant 0 : i32
        %dma_wait3A_1200 = arith.constant 0 : i32
        %dma_wait3A_1201 = tpu.memref_slice %arg5[%dma_wait3A_1199, %dma_wait3A_1200] : memref<50176x768xf32, #tpu.memory_space<hbm>> -> memref<50176x768xf32, #tpu.memory_space<hbm>>
        %dma_wait3A_1202 = tpu.memref_slice %arg12[%dma_wait3A_1194] : memref<4x!tpu.dma_semaphore, #tpu.memory_space<semaphore_mem>> -> memref<1x!tpu.dma_semaphore, #tpu.memory_space<semaphore_mem>>
        %dma_wait3A_1203 = tpu.memref_squeeze %dma_wait3A_1202 : memref<1x!tpu.dma_semaphore, #tpu.memory_space<semaphore_mem>> -> memref<!tpu.dma_semaphore, #tpu.memory_space<semaphore_mem>>
        tpu.wait_indirect_dma semaphore(%dma_wait3A_1203 : memref<!tpu.dma_semaphore, #tpu.memory_space<semaphore_mem>>) src(%dma_wait3A_1198 : memref<16x768xf32, #tpu.memory_space<vmem>>) dst(%dma_wait3A_1201 : memref<50176x768xf32, #tpu.memory_space<hbm>>)
      } else {
      }
      %gt3A_1091 = arith.constant 144 : i32
      %gt3A_1092 = arith.cmpi sgt, %reduce_max3A_808, %gt3A_1091 : i32
      %le3A_1093 = arith.constant 208 : i32
      %le3A_1094 = arith.cmpi sle, %reduce_max3A_808, %le3A_1093 : i32
      %and3A_1095 = arith.andi %gt3A_1092, %le3A_1094 : i1
      %convert_element_type3A_1096 = arith.extui %and3A_1095 : i1 to i32
      %cond3A_1097 = arith.constant 0 : i32
      %cond3A_1098 = arith.cmpi ne, %convert_element_type3A_1096, %cond3A_1097 : i32
      scf.if %cond3A_1098 {
        %get3A_1188 = arith.constant 144 : index
        %get3A_1189 = tpu.vector_load %arg7[%get3A_1188] {strides = array<i32>} : memref<208xi32, #tpu.memory_space<vmem>>, vector<16xi32>,
        %mul3A_1190 = arith.constant 256 : i32
        %mul3A_1191 = vector.broadcast %mul3A_1190 : i32 to vector<16xi32>
        %mul3A_1192 = arith.muli %get3A_1189, %mul3A_1191 : vector<16xi32>
        %add3A_1193 = arith.addi %mul3A_1192, %broadcast_in_dim3A_826 : vector<16xi32>
        %dma_wait3A = arith.constant 1 : i32
        %dma_wait3A_1194 = arith.constant 1 : i32
        %dma_wait3A_1195 = arith.constant 0 : i32
        %dma_wait3A_1196 = arith.constant 0 : i32
        %dma_wait3A_1197 = tpu.memref_slice %arg9[%dma_wait3A, %dma_wait3A_1195, %dma_wait3A_1196] : memref<4x16x768xf32, #tpu.memory_space<vmem>> -> memref<1x16x768xf32, #tpu.memory_space<vmem>>
        %dma_wait3A_1198 = tpu.memref_squeeze %dma_wait3A_1197 : memref<1x16x768xf32, #tpu.memory_space<vmem>> -> memref<16x768xf32, #tpu.memory_space<vmem>>
        %dma_wait3A_1199 = arith.constant 0 : i32
        %dma_wait3A_1200 = arith.constant 0 : i32
        %dma_wait3A_1201 = tpu.memref_slice %arg5[%dma_wait3A_1199, %dma_wait3A_1200] : memref<50176x768xf32, #tpu.memory_space<hbm>> -> memref<50176x768xf32, #tpu.memory_space<hbm>>
        %dma_wait3A_1202 = tpu.memref_slice %arg12[%dma_wait3A_1194] : memref<4x!tpu.dma_semaphore, #tpu.memory_space<semaphore_mem>> -> memref<1x!tpu.dma_semaphore, #tpu.memory_space<semaphore_mem>>
        %dma_wait3A_1203 = tpu.memref_squeeze %dma_wait3A_1202 : memref<1x!tpu.dma_semaphore, #tpu.memory_space<semaphore_mem>> -> memref<!tpu.dma_semaphore, #tpu.memory_space<semaphore_mem>>
        tpu.wait_indirect_dma semaphore(%dma_wait3A_1203 : memref<!tpu.dma_semaphore, #tpu.memory_space<semaphore_mem>>) src(%dma_wait3A_1198 : memref<16x768xf32, #tpu.memory_space<vmem>>) dst(%dma_wait3A_1201 : memref<50176x768xf32, #tpu.memory_space<hbm>>)
      } else {
      }
      %gt3A_1099 = arith.constant 160 : i32
      %gt3A_1100 = arith.cmpi sgt, %reduce_max3A_808, %gt3A_1099 : i32
      %le3A_1101 = arith.constant 224 : i32
      %le3A_1102 = arith.cmpi sle, %reduce_max3A_808, %le3A_1101 : i32
      %and3A_1103 = arith.andi %gt3A_1100, %le3A_1102 : i1
      %convert_element_type3A_1104 = arith.extui %and3A_1103 : i1 to i32
      %cond3A_1105 = arith.constant 0 : i32
      %cond3A_1106 = arith.cmpi ne, %convert_element_type3A_1104, %cond3A_1105 : i32
      scf.if %cond3A_1106 {
        %get3A_1188 = arith.constant 160 : index
        %get3A_1189 = tpu.vector_load %arg7[%get3A_1188] {strides = array<i32>} : memref<208xi32, #tpu.memory_space<vmem>>, vector<16xi32>,
        %mul3A_1190 = arith.constant 256 : i32
        %mul3A_1191 = vector.broadcast %mul3A_1190 : i32 to vector<16xi32>
        %mul3A_1192 = arith.muli %get3A_1189, %mul3A_1191 : vector<16xi32>
        %add3A_1193 = arith.addi %mul3A_1192, %broadcast_in_dim3A_826 : vector<16xi32>
        %dma_wait3A = arith.constant 2 : i32
        %dma_wait3A_1194 = arith.constant 2 : i32
        %dma_wait3A_1195 = arith.constant 0 : i32
        %dma_wait3A_1196 = arith.constant 0 : i32
        %dma_wait3A_1197 = tpu.memref_slice %arg9[%dma_wait3A, %dma_wait3A_1195, %dma_wait3A_1196] : memref<4x16x768xf32, #tpu.memory_space<vmem>> -> memref<1x16x768xf32, #tpu.memory_space<vmem>>
        %dma_wait3A_1198 = tpu.memref_squeeze %dma_wait3A_1197 : memref<1x16x768xf32, #tpu.memory_space<vmem>> -> memref<16x768xf32, #tpu.memory_space<vmem>>
        %dma_wait3A_1199 = arith.constant 0 : i32
        %dma_wait3A_1200 = arith.constant 0 : i32
        %dma_wait3A_1201 = tpu.memref_slice %arg5[%dma_wait3A_1199, %dma_wait3A_1200] : memref<50176x768xf32, #tpu.memory_space<hbm>> -> memref<50176x768xf32, #tpu.memory_space<hbm>>
        %dma_wait3A_1202 = tpu.memref_slice %arg12[%dma_wait3A_1194] : memref<4x!tpu.dma_semaphore, #tpu.memory_space<semaphore_mem>> -> memref<1x!tpu.dma_semaphore, #tpu.memory_space<semaphore_mem>>
        %dma_wait3A_1203 = tpu.memref_squeeze %dma_wait3A_1202 : memref<1x!tpu.dma_semaphore, #tpu.memory_space<semaphore_mem>> -> memref<!tpu.dma_semaphore, #tpu.memory_space<semaphore_mem>>
        tpu.wait_indirect_dma semaphore(%dma_wait3A_1203 : memref<!tpu.dma_semaphore, #tpu.memory_space<semaphore_mem>>) src(%dma_wait3A_1198 : memref<16x768xf32, #tpu.memory_space<vmem>>) dst(%dma_wait3A_1201 : memref<50176x768xf32, #tpu.memory_space<hbm>>)
      } else {
      }
      %gt3A_1107 = arith.constant 176 : i32
      %gt3A_1108 = arith.cmpi sgt, %reduce_max3A_808, %gt3A_1107 : i32
      %le3A_1109 = arith.constant 240 : i32
      %le3A_1110 = arith.cmpi sle, %reduce_max3A_808, %le3A_1109 : i32
      %and3A_1111 = arith.andi %gt3A_1108, %le3A_1110 : i1
      %convert_element_type3A_1112 = arith.extui %and3A_1111 : i1 to i32
      %cond3A_1113 = arith.constant 0 : i32
      %cond3A_1114 = arith.cmpi ne, %convert_element_type3A_1112, %cond3A_1113 : i32
      scf.if %cond3A_1114 {
        %get3A_1188 = arith.constant 176 : index
        %get3A_1189 = tpu.vector_load %arg7[%get3A_1188] {strides = array<i32>} : memref<208xi32, #tpu.memory_space<vmem>>, vector<16xi32>,
        %mul3A_1190 = arith.constant 256 : i32
        %mul3A_1191 = vector.broadcast %mul3A_1190 : i32 to vector<16xi32>
        %mul3A_1192 = arith.muli %get3A_1189, %mul3A_1191 : vector<16xi32>
        %add3A_1193 = arith.addi %mul3A_1192, %broadcast_in_dim3A_826 : vector<16xi32>
        %dma_wait3A = arith.constant 3 : i32
        %dma_wait3A_1194 = arith.constant 3 : i32
        %dma_wait3A_1195 = arith.constant 0 : i32
        %dma_wait3A_1196 = arith.constant 0 : i32
        %dma_wait3A_1197 = tpu.memref_slice %arg9[%dma_wait3A, %dma_wait3A_1195, %dma_wait3A_1196] : memref<4x16x768xf32, #tpu.memory_space<vmem>> -> memref<1x16x768xf32, #tpu.memory_space<vmem>>
        %dma_wait3A_1198 = tpu.memref_squeeze %dma_wait3A_1197 : memref<1x16x768xf32, #tpu.memory_space<vmem>> -> memref<16x768xf32, #tpu.memory_space<vmem>>
        %dma_wait3A_1199 = arith.constant 0 : i32
        %dma_wait3A_1200 = arith.constant 0 : i32
        %dma_wait3A_1201 = tpu.memref_slice %arg5[%dma_wait3A_1199, %dma_wait3A_1200] : memref<50176x768xf32, #tpu.memory_space<hbm>> -> memref<50176x768xf32, #tpu.memory_space<hbm>>
        %dma_wait3A_1202 = tpu.memref_slice %arg12[%dma_wait3A_1194] : memref<4x!tpu.dma_semaphore, #tpu.memory_space<semaphore_mem>> -> memref<1x!tpu.dma_semaphore, #tpu.memory_space<semaphore_mem>>
        %dma_wait3A_1203 = tpu.memref_squeeze %dma_wait3A_1202 : memref<1x!tpu.dma_semaphore, #tpu.memory_space<semaphore_mem>> -> memref<!tpu.dma_semaphore, #tpu.memory_space<semaphore_mem>>
        tpu.wait_indirect_dma semaphore(%dma_wait3A_1203 : memref<!tpu.dma_semaphore, #tpu.memory_space<semaphore_mem>>) src(%dma_wait3A_1198 : memref<16x768xf32, #tpu.memory_space<vmem>>) dst(%dma_wait3A_1201 : memref<50176x768xf32, #tpu.memory_space<hbm>>)
      } else {
      }
      %gt3A_1115 = arith.constant 192 : i32
      %gt3A_1116 = arith.cmpi sgt, %reduce_max3A_808, %gt3A_1115 : i32
      %le3A_1117 = arith.constant 256 : i32
      %le3A_1118 = arith.cmpi sle, %reduce_max3A_808, %le3A_1117 : i32
      %and3A_1119 = arith.andi %gt3A_1116, %le3A_1118 : i1
      %convert_element_type3A_1120 = arith.extui %and3A_1119 : i1 to i32
      %cond3A_1121 = arith.constant 0 : i32
      %cond3A_1122 = arith.cmpi ne, %convert_element_type3A_1120, %cond3A_1121 : i32
      scf.if %cond3A_1122 {
        %get3A_1188 = arith.constant 192 : index
        %get3A_1189 = tpu.vector_load %arg7[%get3A_1188] {strides = array<i32>} : memref<208xi32, #tpu.memory_space<vmem>>, vector<16xi32>,
        %mul3A_1190 = arith.constant 256 : i32
        %mul3A_1191 = vector.broadcast %mul3A_1190 : i32 to vector<16xi32>
        %mul3A_1192 = arith.muli %get3A_1189, %mul3A_1191 : vector<16xi32>
        %add3A_1193 = arith.addi %mul3A_1192, %broadcast_in_dim3A_826 : vector<16xi32>
        %dma_wait3A = arith.constant 0 : i32
        %dma_wait3A_1194 = arith.constant 0 : i32
        %dma_wait3A_1195 = arith.constant 0 : i32
        %dma_wait3A_1196 = arith.constant 0 : i32
        %dma_wait3A_1197 = tpu.memref_slice %arg9[%dma_wait3A, %dma_wait3A_1195, %dma_wait3A_1196] : memref<4x16x768xf32, #tpu.memory_space<vmem>> -> memref<1x16x768xf32, #tpu.memory_space<vmem>>
        %dma_wait3A_1198 = tpu.memref_squeeze %dma_wait3A_1197 : memref<1x16x768xf32, #tpu.memory_space<vmem>> -> memref<16x768xf32, #tpu.memory_space<vmem>>
        %dma_wait3A_1199 = arith.constant 0 : i32
        %dma_wait3A_1200 = arith.constant 0 : i32
        %dma_wait3A_1201 = tpu.memref_slice %arg5[%dma_wait3A_1199, %dma_wait3A_1200] : memref<50176x768xf32, #tpu.memory_space<hbm>> -> memref<50176x768xf32, #tpu.memory_space<hbm>>
        %dma_wait3A_1202 = tpu.memref_slice %arg12[%dma_wait3A_1194] : memref<4x!tpu.dma_semaphore, #tpu.memory_space<semaphore_mem>> -> memref<1x!tpu.dma_semaphore, #tpu.memory_space<semaphore_mem>>
        %dma_wait3A_1203 = tpu.memref_squeeze %dma_wait3A_1202 : memref<1x!tpu.dma_semaphore, #tpu.memory_space<semaphore_mem>> -> memref<!tpu.dma_semaphore, #tpu.memory_space<semaphore_mem>>
        tpu.wait_indirect_dma semaphore(%dma_wait3A_1203 : memref<!tpu.dma_semaphore, #tpu.memory_space<semaphore_mem>>) src(%dma_wait3A_1198 : memref<16x768xf32, #tpu.memory_space<vmem>>) dst(%dma_wait3A_1201 : memref<50176x768xf32, #tpu.memory_space<hbm>>)
      } else {
      }
      %gt3A_1123 = arith.constant 0 : i32
      %gt3A_1124 = arith.cmpi sgt, %reduce_max3A_816, %gt3A_1123 : i32
      %convert_element_type3A_1125 = arith.extui %gt3A_1124 : i1 to i32
      %cond3A_1126 = arith.constant 0 : i32
      %cond3A_1127 = arith.cmpi ne, %convert_element_type3A_1125, %cond3A_1126 : i32
      scf.if %cond3A_1127 {
        %get3A_1188 = arith.constant 0 : index
        %get3A_1189 = tpu.vector_load %arg8[%get3A_1188] {strides = array<i32>} : memref<208xi32, #tpu.memory_space<vmem>>, vector<16xi32>,
        %mul3A_1190 = arith.constant 256 : i32
        %mul3A_1191 = vector.broadcast %mul3A_1190 : i32 to vector<16xi32>
        %mul3A_1192 = arith.muli %get3A_1189, %mul3A_1191 : vector<16xi32>
        %add3A_1193 = arith.addi %mul3A_1192, %broadcast_in_dim3A_826 : vector<16xi32>
        %dma_wait3A = arith.constant 0 : i32
        %dma_wait3A_1194 = arith.constant 0 : i32
        %dma_wait3A_1195 = tpu.memref_slice %arg5[%dma_wait3A, %dma_wait3A_1194] : memref<50176x768xf32, #tpu.memory_space<hbm>> -> memref<50176x768xf32, #tpu.memory_space<hbm>>
        tpu.wait_indirect_dma semaphore(%arg13 : memref<!tpu.dma_semaphore, #tpu.memory_space<semaphore_mem>>) src(%arg10 : memref<16x768xf32, #tpu.memory_space<vmem>>) dst(%dma_wait3A_1195 : memref<50176x768xf32, #tpu.memory_space<hbm>>)
      } else {
      }
      %gt3A_1128 = arith.constant 16 : i32
      %gt3A_1129 = arith.cmpi sgt, %reduce_max3A_816, %gt3A_1128 : i32
      %convert_element_type3A_1130 = arith.extui %gt3A_1129 : i1 to i32
      %cond3A_1131 = arith.constant 0 : i32
      %cond3A_1132 = arith.cmpi ne, %convert_element_type3A_1130, %cond3A_1131 : i32
      scf.if %cond3A_1132 {
        %get3A_1188 = arith.constant 16 : index
        %get3A_1189 = tpu.vector_load %arg8[%get3A_1188] {strides = array<i32>} : memref<208xi32, #tpu.memory_space<vmem>>, vector<16xi32>,
        %mul3A_1190 = arith.constant 256 : i32
        %mul3A_1191 = vector.broadcast %mul3A_1190 : i32 to vector<16xi32>
        %mul3A_1192 = arith.muli %get3A_1189, %mul3A_1191 : vector<16xi32>
        %add3A_1193 = arith.addi %mul3A_1192, %broadcast_in_dim3A_826 : vector<16xi32>
        %dma_wait3A = arith.constant 0 : i32
        %dma_wait3A_1194 = arith.constant 0 : i32
        %dma_wait3A_1195 = tpu.memref_slice %arg5[%dma_wait3A, %dma_wait3A_1194] : memref<50176x768xf32, #tpu.memory_space<hbm>> -> memref<50176x768xf32, #tpu.memory_space<hbm>>
        tpu.wait_indirect_dma semaphore(%arg13 : memref<!tpu.dma_semaphore, #tpu.memory_space<semaphore_mem>>) src(%arg10 : memref<16x768xf32, #tpu.memory_space<vmem>>) dst(%dma_wait3A_1195 : memref<50176x768xf32, #tpu.memory_space<hbm>>)
      } else {
      }
      %gt3A_1133 = arith.constant 32 : i32
      %gt3A_1134 = arith.cmpi sgt, %reduce_max3A_816, %gt3A_1133 : i32
      %convert_element_type3A_1135 = arith.extui %gt3A_1134 : i1 to i32
      %cond3A_1136 = arith.constant 0 : i32
      %cond3A_1137 = arith.cmpi ne, %convert_element_type3A_1135, %cond3A_1136 : i32
      scf.if %cond3A_1137 {
        %get3A_1188 = arith.constant 32 : index
        %get3A_1189 = tpu.vector_load %arg8[%get3A_1188] {strides = array<i32>} : memref<208xi32, #tpu.memory_space<vmem>>, vector<16xi32>,
        %mul3A_1190 = arith.constant 256 : i32
        %mul3A_1191 = vector.broadcast %mul3A_1190 : i32 to vector<16xi32>
        %mul3A_1192 = arith.muli %get3A_1189, %mul3A_1191 : vector<16xi32>
        %add3A_1193 = arith.addi %mul3A_1192, %broadcast_in_dim3A_826 : vector<16xi32>
        %dma_wait3A = arith.constant 0 : i32
        %dma_wait3A_1194 = arith.constant 0 : i32
        %dma_wait3A_1195 = tpu.memref_slice %arg5[%dma_wait3A, %dma_wait3A_1194] : memref<50176x768xf32, #tpu.memory_space<hbm>> -> memref<50176x768xf32, #tpu.memory_space<hbm>>
        tpu.wait_indirect_dma semaphore(%arg13 : memref<!tpu.dma_semaphore, #tpu.memory_space<semaphore_mem>>) src(%arg10 : memref<16x768xf32, #tpu.memory_space<vmem>>) dst(%dma_wait3A_1195 : memref<50176x768xf32, #tpu.memory_space<hbm>>)
      } else {
      }
      %gt3A_1138 = arith.constant 48 : i32
      %gt3A_1139 = arith.cmpi sgt, %reduce_max3A_816, %gt3A_1138 : i32
      %convert_element_type3A_1140 = arith.extui %gt3A_1139 : i1 to i32
      %cond3A_1141 = arith.constant 0 : i32
      %cond3A_1142 = arith.cmpi ne, %convert_element_type3A_1140, %cond3A_1141 : i32
      scf.if %cond3A_1142 {
        %get3A_1188 = arith.constant 48 : index
        %get3A_1189 = tpu.vector_load %arg8[%get3A_1188] {strides = array<i32>} : memref<208xi32, #tpu.memory_space<vmem>>, vector<16xi32>,
        %mul3A_1190 = arith.constant 256 : i32
        %mul3A_1191 = vector.broadcast %mul3A_1190 : i32 to vector<16xi32>
        %mul3A_1192 = arith.muli %get3A_1189, %mul3A_1191 : vector<16xi32>
        %add3A_1193 = arith.addi %mul3A_1192, %broadcast_in_dim3A_826 : vector<16xi32>
        %dma_wait3A = arith.constant 0 : i32
        %dma_wait3A_1194 = arith.constant 0 : i32
        %dma_wait3A_1195 = tpu.memref_slice %arg5[%dma_wait3A, %dma_wait3A_1194] : memref<50176x768xf32, #tpu.memory_space<hbm>> -> memref<50176x768xf32, #tpu.memory_space<hbm>>
        tpu.wait_indirect_dma semaphore(%arg13 : memref<!tpu.dma_semaphore, #tpu.memory_space<semaphore_mem>>) src(%arg10 : memref<16x768xf32, #tpu.memory_space<vmem>>) dst(%dma_wait3A_1195 : memref<50176x768xf32, #tpu.memory_space<hbm>>)
      } else {
      }
      %gt3A_1143 = arith.constant 64 : i32
      %gt3A_1144 = arith.cmpi sgt, %reduce_max3A_816, %gt3A_1143 : i32
      %convert_element_type3A_1145 = arith.extui %gt3A_1144 : i1 to i32
      %cond3A_1146 = arith.constant 0 : i32
      %cond3A_1147 = arith.cmpi ne, %convert_element_type3A_1145, %cond3A_1146 : i32
      scf.if %cond3A_1147 {
        %get3A_1188 = arith.constant 64 : index
        %get3A_1189 = tpu.vector_load %arg8[%get3A_1188] {strides = array<i32>} : memref<208xi32, #tpu.memory_space<vmem>>, vector<16xi32>,
        %mul3A_1190 = arith.constant 256 : i32
        %mul3A_1191 = vector.broadcast %mul3A_1190 : i32 to vector<16xi32>
        %mul3A_1192 = arith.muli %get3A_1189, %mul3A_1191 : vector<16xi32>
        %add3A_1193 = arith.addi %mul3A_1192, %broadcast_in_dim3A_826 : vector<16xi32>
        %dma_wait3A = arith.constant 0 : i32
        %dma_wait3A_1194 = arith.constant 0 : i32
        %dma_wait3A_1195 = tpu.memref_slice %arg5[%dma_wait3A, %dma_wait3A_1194] : memref<50176x768xf32, #tpu.memory_space<hbm>> -> memref<50176x768xf32, #tpu.memory_space<hbm>>
        tpu.wait_indirect_dma semaphore(%arg13 : memref<!tpu.dma_semaphore, #tpu.memory_space<semaphore_mem>>) src(%arg10 : memref<16x768xf32, #tpu.memory_space<vmem>>) dst(%dma_wait3A_1195 : memref<50176x768xf32, #tpu.memory_space<hbm>>)
      } else {
      }
      %gt3A_1148 = arith.constant 80 : i32
      %gt3A_1149 = arith.cmpi sgt, %reduce_max3A_816, %gt3A_1148 : i32
      %convert_element_type3A_1150 = arith.extui %gt3A_1149 : i1 to i32
      %cond3A_1151 = arith.constant 0 : i32
      %cond3A_1152 = arith.cmpi ne, %convert_element_type3A_1150, %cond3A_1151 : i32
      scf.if %cond3A_1152 {
        %get3A_1188 = arith.constant 80 : index
        %get3A_1189 = tpu.vector_load %arg8[%get3A_1188] {strides = array<i32>} : memref<208xi32, #tpu.memory_space<vmem>>, vector<16xi32>,
        %mul3A_1190 = arith.constant 256 : i32
        %mul3A_1191 = vector.broadcast %mul3A_1190 : i32 to vector<16xi32>
        %mul3A_1192 = arith.muli %get3A_1189, %mul3A_1191 : vector<16xi32>
        %add3A_1193 = arith.addi %mul3A_1192, %broadcast_in_dim3A_826 : vector<16xi32>
        %dma_wait3A = arith.constant 0 : i32
        %dma_wait3A_1194 = arith.constant 0 : i32
        %dma_wait3A_1195 = tpu.memref_slice %arg5[%dma_wait3A, %dma_wait3A_1194] : memref<50176x768xf32, #tpu.memory_space<hbm>> -> memref<50176x768xf32, #tpu.memory_space<hbm>>
        tpu.wait_indirect_dma semaphore(%arg13 : memref<!tpu.dma_semaphore, #tpu.memory_space<semaphore_mem>>) src(%arg10 : memref<16x768xf32, #tpu.memory_space<vmem>>) dst(%dma_wait3A_1195 : memref<50176x768xf32, #tpu.memory_space<hbm>>)
      } else {
      }
      %gt3A_1153 = arith.constant 96 : i32
      %gt3A_1154 = arith.cmpi sgt, %reduce_max3A_816, %gt3A_1153 : i32
      %convert_element_type3A_1155 = arith.extui %gt3A_1154 : i1 to i32
      %cond3A_1156 = arith.constant 0 : i32
      %cond3A_1157 = arith.cmpi ne, %convert_element_type3A_1155, %cond3A_1156 : i32
      scf.if %cond3A_1157 {
        %get3A_1188 = arith.constant 96 : index
        %get3A_1189 = tpu.vector_load %arg8[%get3A_1188] {strides = array<i32>} : memref<208xi32, #tpu.memory_space<vmem>>, vector<16xi32>,
        %mul3A_1190 = arith.constant 256 : i32
        %mul3A_1191 = vector.broadcast %mul3A_1190 : i32 to vector<16xi32>
        %mul3A_1192 = arith.muli %get3A_1189, %mul3A_1191 : vector<16xi32>
        %add3A_1193 = arith.addi %mul3A_1192, %broadcast_in_dim3A_826 : vector<16xi32>
        %dma_wait3A = arith.constant 0 : i32
        %dma_wait3A_1194 = arith.constant 0 : i32
        %dma_wait3A_1195 = tpu.memref_slice %arg5[%dma_wait3A, %dma_wait3A_1194] : memref<50176x768xf32, #tpu.memory_space<hbm>> -> memref<50176x768xf32, #tpu.memory_space<hbm>>
        tpu.wait_indirect_dma semaphore(%arg13 : memref<!tpu.dma_semaphore, #tpu.memory_space<semaphore_mem>>) src(%arg10 : memref<16x768xf32, #tpu.memory_space<vmem>>) dst(%dma_wait3A_1195 : memref<50176x768xf32, #tpu.memory_space<hbm>>)
      } else {
      }
      %gt3A_1158 = arith.constant 112 : i32
      %gt3A_1159 = arith.cmpi sgt, %reduce_max3A_816, %gt3A_1158 : i32
      %convert_element_type3A_1160 = arith.extui %gt3A_1159 : i1 to i32
      %cond3A_1161 = arith.constant 0 : i32
      %cond3A_1162 = arith.cmpi ne, %convert_element_type3A_1160, %cond3A_1161 : i32
      scf.if %cond3A_1162 {
        %get3A_1188 = arith.constant 112 : index
        %get3A_1189 = tpu.vector_load %arg8[%get3A_1188] {strides = array<i32>} : memref<208xi32, #tpu.memory_space<vmem>>, vector<16xi32>,
        %mul3A_1190 = arith.constant 256 : i32
        %mul3A_1191 = vector.broadcast %mul3A_1190 : i32 to vector<16xi32>
        %mul3A_1192 = arith.muli %get3A_1189, %mul3A_1191 : vector<16xi32>
        %add3A_1193 = arith.addi %mul3A_1192, %broadcast_in_dim3A_826 : vector<16xi32>
        %dma_wait3A = arith.constant 0 : i32
        %dma_wait3A_1194 = arith.constant 0 : i32
        %dma_wait3A_1195 = tpu.memref_slice %arg5[%dma_wait3A, %dma_wait3A_1194] : memref<50176x768xf32, #tpu.memory_space<hbm>> -> memref<50176x768xf32, #tpu.memory_space<hbm>>
        tpu.wait_indirect_dma semaphore(%arg13 : memref<!tpu.dma_semaphore, #tpu.memory_space<semaphore_mem>>) src(%arg10 : memref<16x768xf32, #tpu.memory_space<vmem>>) dst(%dma_wait3A_1195 : memref<50176x768xf32, #tpu.memory_space<hbm>>)
      } else {
      }
      %gt3A_1163 = arith.constant 128 : i32
      %gt3A_1164 = arith.cmpi sgt, %reduce_max3A_816, %gt3A_1163 : i32
      %convert_element_type3A_1165 = arith.extui %gt3A_1164 : i1 to i32
      %cond3A_1166 = arith.constant 0 : i32
      %cond3A_1167 = arith.cmpi ne, %convert_element_type3A_1165, %cond3A_1166 : i32
      scf.if %cond3A_1167 {
        %get3A_1188 = arith.constant 128 : index
        %get3A_1189 = tpu.vector_load %arg8[%get3A_1188] {strides = array<i32>} : memref<208xi32, #tpu.memory_space<vmem>>, vector<16xi32>,
        %mul3A_1190 = arith.constant 256 : i32
        %mul3A_1191 = vector.broadcast %mul3A_1190 : i32 to vector<16xi32>
        %mul3A_1192 = arith.muli %get3A_1189, %mul3A_1191 : vector<16xi32>
        %add3A_1193 = arith.addi %mul3A_1192, %broadcast_in_dim3A_826 : vector<16xi32>
        %dma_wait3A = arith.constant 0 : i32
        %dma_wait3A_1194 = arith.constant 0 : i32
        %dma_wait3A_1195 = tpu.memref_slice %arg5[%dma_wait3A, %dma_wait3A_1194] : memref<50176x768xf32, #tpu.memory_space<hbm>> -> memref<50176x768xf32, #tpu.memory_space<hbm>>
        tpu.wait_indirect_dma semaphore(%arg13 : memref<!tpu.dma_semaphore, #tpu.memory_space<semaphore_mem>>) src(%arg10 : memref<16x768xf32, #tpu.memory_space<vmem>>) dst(%dma_wait3A_1195 : memref<50176x768xf32, #tpu.memory_space<hbm>>)
      } else {
      }
      %gt3A_1168 = arith.constant 144 : i32
      %gt3A_1169 = arith.cmpi sgt, %reduce_max3A_816, %gt3A_1168 : i32
      %convert_element_type3A_1170 = arith.extui %gt3A_1169 : i1 to i32
      %cond3A_1171 = arith.constant 0 : i32
      %cond3A_1172 = arith.cmpi ne, %convert_element_type3A_1170, %cond3A_1171 : i32
      scf.if %cond3A_1172 {
        %get3A_1188 = arith.constant 144 : index
        %get3A_1189 = tpu.vector_load %arg8[%get3A_1188] {strides = array<i32>} : memref<208xi32, #tpu.memory_space<vmem>>, vector<16xi32>,
        %mul3A_1190 = arith.constant 256 : i32
        %mul3A_1191 = vector.broadcast %mul3A_1190 : i32 to vector<16xi32>
        %mul3A_1192 = arith.muli %get3A_1189, %mul3A_1191 : vector<16xi32>
        %add3A_1193 = arith.addi %mul3A_1192, %broadcast_in_dim3A_826 : vector<16xi32>
        %dma_wait3A = arith.constant 0 : i32
        %dma_wait3A_1194 = arith.constant 0 : i32
        %dma_wait3A_1195 = tpu.memref_slice %arg5[%dma_wait3A, %dma_wait3A_1194] : memref<50176x768xf32, #tpu.memory_space<hbm>> -> memref<50176x768xf32, #tpu.memory_space<hbm>>
        tpu.wait_indirect_dma semaphore(%arg13 : memref<!tpu.dma_semaphore, #tpu.memory_space<semaphore_mem>>) src(%arg10 : memref<16x768xf32, #tpu.memory_space<vmem>>) dst(%dma_wait3A_1195 : memref<50176x768xf32, #tpu.memory_space<hbm>>)
      } else {
      }
      %gt3A_1173 = arith.constant 160 : i32
      %gt3A_1174 = arith.cmpi sgt, %reduce_max3A_816, %gt3A_1173 : i32
      %convert_element_type3A_1175 = arith.extui %gt3A_1174 : i1 to i32
      %cond3A_1176 = arith.constant 0 : i32
      %cond3A_1177 = arith.cmpi ne, %convert_element_type3A_1175, %cond3A_1176 : i32
      scf.if %cond3A_1177 {
        %get3A_1188 = arith.constant 160 : index
        %get3A_1189 = tpu.vector_load %arg8[%get3A_1188] {strides = array<i32>} : memref<208xi32, #tpu.memory_space<vmem>>, vector<16xi32>,
        %mul3A_1190 = arith.constant 256 : i32
        %mul3A_1191 = vector.broadcast %mul3A_1190 : i32 to vector<16xi32>
        %mul3A_1192 = arith.muli %get3A_1189, %mul3A_1191 : vector<16xi32>
        %add3A_1193 = arith.addi %mul3A_1192, %broadcast_in_dim3A_826 : vector<16xi32>
        %dma_wait3A = arith.constant 0 : i32
        %dma_wait3A_1194 = arith.constant 0 : i32
        %dma_wait3A_1195 = tpu.memref_slice %arg5[%dma_wait3A, %dma_wait3A_1194] : memref<50176x768xf32, #tpu.memory_space<hbm>> -> memref<50176x768xf32, #tpu.memory_space<hbm>>
        tpu.wait_indirect_dma semaphore(%arg13 : memref<!tpu.dma_semaphore, #tpu.memory_space<semaphore_mem>>) src(%arg10 : memref<16x768xf32, #tpu.memory_space<vmem>>) dst(%dma_wait3A_1195 : memref<50176x768xf32, #tpu.memory_space<hbm>>)
      } else {
      }
      %gt3A_1178 = arith.constant 176 : i32
      %gt3A_1179 = arith.cmpi sgt, %reduce_max3A_816, %gt3A_1178 : i32
      %convert_element_type3A_1180 = arith.extui %gt3A_1179 : i1 to i32
      %cond3A_1181 = arith.constant 0 : i32
      %cond3A_1182 = arith.cmpi ne, %convert_element_type3A_1180, %cond3A_1181 : i32
      scf.if %cond3A_1182 {
        %get3A_1188 = arith.constant 176 : index
        %get3A_1189 = tpu.vector_load %arg8[%get3A_1188] {strides = array<i32>} : memref<208xi32, #tpu.memory_space<vmem>>, vector<16xi32>,
        %mul3A_1190 = arith.constant 256 : i32
        %mul3A_1191 = vector.broadcast %mul3A_1190 : i32 to vector<16xi32>
        %mul3A_1192 = arith.muli %get3A_1189, %mul3A_1191 : vector<16xi32>
        %add3A_1193 = arith.addi %mul3A_1192, %broadcast_in_dim3A_826 : vector<16xi32>
        %dma_wait3A = arith.constant 0 : i32
        %dma_wait3A_1194 = arith.constant 0 : i32
        %dma_wait3A_1195 = tpu.memref_slice %arg5[%dma_wait3A, %dma_wait3A_1194] : memref<50176x768xf32, #tpu.memory_space<hbm>> -> memref<50176x768xf32, #tpu.memory_space<hbm>>
        tpu.wait_indirect_dma semaphore(%arg13 : memref<!tpu.dma_semaphore, #tpu.memory_space<semaphore_mem>>) src(%arg10 : memref<16x768xf32, #tpu.memory_space<vmem>>) dst(%dma_wait3A_1195 : memref<50176x768xf32, #tpu.memory_space<hbm>>)
      } else {
      }
      %gt3A_1183 = arith.constant 192 : i32
      %gt3A_1184 = arith.cmpi sgt, %reduce_max3A_816, %gt3A_1183 : i32
      %convert_element_type3A_1185 = arith.extui %gt3A_1184 : i1 to i32
      %cond3A_1186 = arith.constant 0 : i32
      %cond3A_1187 = arith.cmpi ne, %convert_element_type3A_1185, %cond3A_1186 : i32
      scf.if %cond3A_1187 {
        %get3A_1188 = arith.constant 192 : index
        %get3A_1189 = tpu.vector_load %arg8[%get3A_1188] {strides = array<i32>} : memref<208xi32, #tpu.memory_space<vmem>>, vector<16xi32>,
        %mul3A_1190 = arith.constant 256 : i32
        %mul3A_1191 = vector.broadcast %mul3A_1190 : i32 to vector<16xi32>
        %mul3A_1192 = arith.muli %get3A_1189, %mul3A_1191 : vector<16xi32>
        %add3A_1193 = arith.addi %mul3A_1192, %broadcast_in_dim3A_826 : vector<16xi32>
        %dma_wait3A = arith.constant 0 : i32
        %dma_wait3A_1194 = arith.constant 0 : i32
        %dma_wait3A_1195 = tpu.memref_slice %arg5[%dma_wait3A, %dma_wait3A_1194] : memref<50176x768xf32, #tpu.memory_space<hbm>> -> memref<50176x768xf32, #tpu.memory_space<hbm>>
        tpu.wait_indirect_dma semaphore(%arg13 : memref<!tpu.dma_semaphore, #tpu.memory_space<semaphore_mem>>) src(%arg10 : memref<16x768xf32, #tpu.memory_space<vmem>>) dst(%dma_wait3A_1195 : memref<50176x768xf32, #tpu.memory_space<hbm>>)
      } else {
      }
    }
    %scan3A_821 = arith.constant 8 : i32
    return
  }
}

</mosaic_0001>

<sc_bundles>
// kernel: kernel.3.cloned.1.call-start
scs
__scs_entry_jumppad:
0x0: {  	(pc) =	sbr.rel $0x88, $3  }
0x1: {  	(tag) =	ssettag $0x0;
	lr =	simm.s32 $0x1  }
0x2: {  	[smem:$0x3F9F] =	sst lr;
	_ =	strace $0xD0000000  }
0x3: {  	_ = 	snop  }
0x4: {  	_ = 	snop  }
0x5: {  	_ = 	snop  }
0x6: {  	_ = 	snop  }
0x7: {  	_ = 	snop  }
__scs_overlays_trampoline_lowered:
0x8: {  	[smem:$0x3FAE] =	sst s0  }
0x9: {  	[smem:$0x3FAF] =	sst s1  }
0xa: {  	[smem:$0x3FB0] =	sst s2  }
0xb: {  	[smem:$0x3FB1] =	sst s3  }
0xc: {  	[smem:$0x3FB2] =	sst s4  }
0xd: {  	[smem:$0x3FB3] =	sst s5  }
0xe: {  	[smem:$0x3FB4] =	sst s6  }
0xf: {  	[smem:$0x3FB5] =	sst s7  }
0x10: {  	[smem:$0x3FB6] =	sst s8  }
0x11: {  	[smem:$0x3FB7] =	sst s9;
	s0 =	simm.s32 @!p0 $0x0  }
0x12: {  	s1 =	sld [smem:$0x3F9D];
	s0 =	simm.s32 @p0 $0x1  }
0x13: {  	[smem:$0x3FB8] =	sst s0;
	s0 =	simm.s32 @!p1 $0x0  }
0x14: {  	s2 =	sld [smem:$0x3F9C];
	s0 =	simm.s32 @p1 $0x1  }
0x15: {  	[smem:$0x3FB9] =	sst s0;
	s0 =	simm.s32 @!p2 $0x0  }
0x16: {  	s3 =	sld [smem:$0x3FDB];
	s0 =	simm.s32 @p2 $0x1  }
0x17: {  	s4 =	simm.s32 $0x1BF5;
	[smem:$0x3FBB] =	sst s0  }
0x18: {  	s0 =	sld [smem:$0x3F9E];
	_ =	swait.ge [sflag:s4], $0x0  }
0x19: {  	s7 =	sld [smem:$0x3F9F]  }
0x1a: {  	s8 =	sadd.s32 $0xFFFFE003, lr  }
0x1b: {  	s9 =	sadd.s32 $0xFFFFFEF7, lr;
	s5 =	simm.s32 $0xFFFFFFFF;
	p2 =	slt.u32 s8, $0xFFFFF086  }
0x1c: {  	p1 =	slt.u32 s9, $0xF7A;
	s5 =	simm.s32 @!p2 $0x0  }
0x1d: {  	s5 =	simm.s32 @p1 $0x1;
	p0 =	seq.s32 s7, s2  }
0x1e: {  	s7 =	smul.u32 @!p0 $0xF7A, s2;
	p2 =	seq.s32 @!p0 s5, $0x0  }
0x1f: {  	s9 =	smul.u32 $0xF7A, s1;
	s8 =	simm.s32 @!p0 $0x1BF5;
	p2 =	por !p2, p0  }
0x20: {  	[sflag:s8] =	ssyncset.s32 @!p0 $0xFFFFF086;
	s6 =	sadd.s32 @!p0 s3, s7;
	s7 =	simm.s32 @!p0 $0x108  }
0x21: {  	s3 =	sadd.s32 s3, s9;
	s6 =	sadd.s32 @!p0 $0x88, s6;
	s7 =	simm.s32 @p2 $0x1082  }
0x22: {  	[simem:s7], [sflag:s8] =	dma.local @!p0 [hbm:s6], $0xF7A  }
0x23: {  	s9 =	sor.u32 $0xD0000000, s2;
	s6 =	simm.s32 $0x108;
	_ =	swait.ge @!p0 [sflag:s8], $0x0  }
0x24: {  	s3 =	sadd.s32 $0x88, s3;
	s6 =	simm.s32 @!p1 $0x1082;
	[sflag:s4] =	ssyncset.s32 $0xFFFFF086  }
0x25: {  	[simem:s6], [sflag:s4] =	dma.local [hbm:s3], $0xF7A  }
0x26: {  	[smem:$0x3F9F] =	sst s1;
	(tag) =	ssettag s2;
	_ =	strace s9  }
0x27: {  	s1 =	sld [smem:$0x3FAF]  }
0x28: {  	s2 =	sld [smem:$0x3FB0]  }
0x29: {  	s4 =	sld [smem:$0x3FB2]  }
0x2a: {  	p0 =	seq.s32 s5, $0x0;
	s5 =	sld [smem:$0x3FB3]  }
0x2b: {  	s6 =	sld [smem:$0x3FB4]  }
0x2c: {  	s7 =	sld [smem:$0x3FB5]  }
0x2d: {  	s3 =	simm.s32 $0x108;
	s8 =	sld [smem:$0x3FB6]  }
0x2e: {  	s3 =	simm.s32 @!p0 $0x1082;
	s9 =	sld [smem:$0x3FB7]  }
0x2f: {  	lr =	sadd.s32 s0, s3;
	s0 =	sld [smem:$0x3FAE]  }
0x30: {  	s3 =	sld [smem:$0x3FB1]  }
0x31: {  	[smem:$0x3FBA] =	sst s10  }
0x32: {  	s10 =	sld [smem:$0x3FB8];
	_ =	sdelay $0x3  }
0x33: {  	p0 =	seq.s32 s10, $0x1;
	s10 =	sld [smem:$0x3FBA];
	_ =	sdelay $0x3  }
0x34: {  	[smem:$0x3FBA] =	sst s10  }
0x35: {  	s10 =	sld [smem:$0x3FB9];
	_ =	sdelay $0x3  }
0x36: {  	p1 =	seq.s32 s10, $0x1;
	s10 =	sld [smem:$0x3FBA];
	_ =	sdelay $0x3  }
0x37: {  	[smem:$0x3FBA] =	sst s10  }
0x38: {  	s10 =	sld [smem:$0x3FBB]  }
0x39: {  	_ = 	snop;
	(pc) =	sbr.ind lr, $3  }
0x3a: {  	_ = 	snop  }
0x3b: {  	_ = 	snop  }
0x3c: {  	p2 =	seq.s32 s10, $0x1;
	s10 =	sld [smem:$0x3FBA]  }
0x3d: {  	_ =	shalt  }
0x3e: {  	_ =	shalt  }
0x3f: {  	_ =	shalt  }
0x40: {  	_ =	shalt  }
0x41: {  	_ =	shalt  }
0x42: {  	_ =	shalt  }
0x43: {  	_ =	shalt  }
0x44: {  	_ =	shalt  }
0x45: {  	_ =	shalt  }
0x46: {  	_ =	shalt  }
0x47: {  	_ =	shalt  }
0x48: {  	_ =	shalt  }
0x49: {  	_ =	shalt  }
0x4a: {  	_ =	shalt  }
0x4b: {  	_ =	shalt  }
0x4c: {  	_ =	shalt  }
0x4d: {  	_ =	shalt  }
0x4e: {  	_ =	shalt  }
0x4f: {  	_ =	shalt  }
0x50: {  	_ =	shalt  }
0x51: {  	_ =	shalt  }
0x52: {  	_ =	shalt  }
0x53: {  	_ =	shalt  }
0x54: {  	_ =	shalt  }
0x55: {  	_ =	shalt  }
0x56: {  	_ =	shalt  }
0x57: {  	_ =	shalt  }
0x58: {  	_ =	shalt  }
0x59: {  	_ =	shalt  }
0x5a: {  	_ =	shalt  }
0x5b: {  	_ =	shalt  }
0x5c: {  	_ =	shalt  }
0x5d: {  	_ =	shalt  }
0x5e: {  	_ =	shalt  }
0x5f: {  	_ =	shalt  }
0x60: {  	_ =	shalt  }
0x61: {  	_ =	shalt  }
0x62: {  	_ =	shalt  }
0x63: {  	_ =	shalt  }
0x64: {  	_ =	shalt  }
0x65: {  	_ =	shalt  }
0x66: {  	_ =	shalt  }
0x67: {  	_ =	shalt  }
0x68: {  	_ =	shalt  }
0x69: {  	_ =	shalt  }
0x6a: {  	_ =	shalt  }
0x6b: {  	_ =	shalt  }
0x6c: {  	_ =	shalt  }
0x6d: {  	_ =	shalt  }
0x6e: {  	_ =	shalt  }
0x6f: {  	_ =	shalt  }
0x70: {  	_ =	shalt  }
0x71: {  	_ =	shalt  }
0x72: {  	_ =	shalt  }
0x73: {  	_ =	shalt  }
0x74: {  	_ =	shalt  }
0x75: {  	_ =	shalt  }
0x76: {  	_ =	shalt  }
0x77: {  	_ =	shalt  }
0x78: {  	_ =	shalt  }
0x79: {  	_ =	shalt  }
0x7a: {  	_ =	shalt  }
0x7b: {  	_ =	shalt  }
0x7c: {  	_ =	shalt  }
0x7d: {  	_ =	shalt  }
0x7e: {  	_ =	shalt  }
0x7f: {  	_ =	shalt  }
0x80: {  	_ =	shalt  }
0x81: {  	_ =	shalt  }
0x82: {  	_ =	shalt  }
0x83: {  	_ =	shalt  }
0x84: {  	_ =	shalt  }
0x85: {  	_ =	shalt  }
0x86: {  	_ =	shalt  }
0x87: {  	_ =	shalt  }
.Lfunc_end0:
.L_simem_size_0:
called_computation_lowered:
.L_overlay_start_0:
0x88: {  	s2 =	sld [smem:$0x3FD9]  }
0x89: {  	s3 =	sld [smem:$0x3FFE];
	_ =	sdelay $0x1  }
0x8a: {  	s1 =	srdreg.scid  }
0x8b: {  	s0 =	sand.u32 $0x1, s1  }
0x8c: {  	s14 =	sshll.u32 s0, $0xA;
	s2 =	sadd.s32 s3, s2  }
0x8d: {  	s2 =	sadd.s32 s2, s14  }
0x8e: {  	[smem:$0x3FC6] =	sst s2  }
0x8f: {  	_ = 	snop  }
0x90: {  	s2 =	sld [smem:$0x3FD0];
	_ =	sdelay $0x2  }
0x91: {  	s4 =	simm.s32 $0xA;
	s5 =	simm.s32 $0x10;
	s15 =	sld [smem:$0x3FC9]  }
0x92: {  	[smem:s5], [sflag:s4] =	dma.local [hbm:s2], $0x1  }
0x93: {  	_ =	swait.eq [sflag:s4], $0x1  }
0x94: {  	[sflag:s4] =	ssyncset.done $0x0  }
0x95: {  	s16 =	sld [smem:$0x10];
	[sflag:s4] =	ssyncadd.s32 $0xFFFFFFFF  }
0x96: {  	s17 =	sld [smem:$0x11];
	(tm) =	ssettm $0x1  }
0x97: {  	s18 =	sld [smem:$0x3FFB];
	_ =	sdelay $0x3  }
0x98: {  	_ =	strace s18  }
0x99: {  	s5 =	sld [smem:$0x3FFC];
	_ =	sdelay $0x3  }
0x9a: {  	_ =	strace s5  }
0x9b: {  	s5 =	sld [smem:$0x3FFD];
	_ =	sdelay $0x3  }
0x9c: {  	_ =	strace s5  }
0x9d: {  	_ =	strace $0x8FFFFFFF  }
0x9e: {  	s19 =	sld [smem:$0x3FDB];
	_ =	sdelay $0x1  }
0x9f: {  	s6 =	simm.s32 $_scs_section_size  }
0xa0: {  	s7 =	simm.s32 $_size__tile_overlayer_lowered;
	s8 =	simm.s32 $_tile_overlayer_lowered  }
0xa1: {  	s22 =	simm.s32 $0x1BFF;
	s21 =	sshll.u32 s8, $0x1;
	s5 =	sadd.s32 s6, s19  }
0xa2: {  	s9 =	simm.s32 $0x0;
	s20 =	sshll.u32 s7, $0x1;
	s7 =	sadd.s32 s21, s5  }
0xa3: {  	[timem:s9], [sflag:s22] =	dma.local [hbm:s7], s20  }
0xa4: {  	_ =	swait.ge [sflag:s22], s20  }
0xa5: {  	s6 =	ssub.s32 $0x0, s20;
	[sflag:s22] =	ssyncset.done $0x0  }
0xa6: {  	[sflag:s22] =	ssyncadd.s32 s6;
	_ =	sdelay $0x1  }
0xa7: {  	s23 =	simm.s32 $0x1B8B  }
0xa8: {  	_ =	swait.ge [sflag:s23], $0x1  }
0xa9: {  	[sflag:s23] =	ssyncset.done $0x0  }
0xaa: {  	s25 =	simm.s32 $0x1B8E;
	s24 =	sld [smem:$0x3FFE];
	[sflag:s23] =	ssyncadd.s32 $0xFFFFFFFF  }
0xab: {  	s26 =	simm.s32 $execute0_lowered;
	[smem:$0x3FD2] =	sst s25  }
0xac: {  	s7 =	sshll.u32 s26, $0x1;
	_ =	strace $0x80000046;
	[dreg:$0x1] =	wrdreg $0xFFFFFFFF  }
0xad: {  	s28 =	simm.s32 $_size_execute0_lowered;
	s5 =	sadd.s32 s5, s7;
	[dreg:$0x0] =	wrdreg $0x0  }
0xae: {  	s7 =	sshll.u32 s28, $0x1;
	[dreg:$0x2] =	wrdreg s5  }
0xaf: {  	[dreg:$0x3] =	wrdreg s7  }
0xb0: {  	[dreg:$0x4] =	wrdreg $0xC0  }
0xb1: {  	_ =	task [dreg:s9], $0x5FFFF  }
0xb2: {  	[dreg:$0x1] =	wrdreg $0xFFFFFFFF  }
0xb3: {  	[dreg:$0x0] =	wrdreg $0x60  }
0xb4: {  	[dreg:$0x2] =	wrdreg s15  }
0xb5: {  	[dreg:$0x3] =	wrdreg s17  }
0xb6: {  	[dreg:$0x4] =	wrdreg s24  }
0xb7: {  	[dreg:$0x5] =	wrdreg s16  }
0xb8: {  	[dreg:$0x6] =	wrdreg $0x9  }
0xb9: {  	_ =	task.clear_ibuf [dreg:s9], $0x7FFFF;
	_ =	strace $0x90000046  }
0xba: {  	s29 =	simm.s32 $0x9;
	_ =	strace $0x80000048  }
0xbb: {  	_ =	swait.ge [sflag:s29], $0x1  }
0xbc: {  	[sflag:s29] =	ssyncadd.s32 $0xFFFFFFFF  }
0xbd: {  	_ =	strace $0x90000048  }
0xbe: {  	_ =	sfence  }
0xbf: {  	s30 =	sld [smem:$0x0];
	_ =	sdelay $0x2  }
0xc0: {  	s31 =	sshll.u32 s1, $0xD;
	s1 =	sshrl.u32 s1, $0x2  }
0xc1: {  	s3 =	sand.u32 $0x4000, s31;
	s1 =	sadd.s32 s1, s30  }
0xc2: {  	s0 =	sor.u32 s3, s0;
	s1 =	sshll.u32 s1, $0x11  }
0xc3: {  	s0 =	sor.u32 s1, s0  }
0xc4: {  	s0 =	sadd.s32 $0x8F2B, s0  }
0xc5: {  	[sflag:s0] =	ssyncadd.remote.s32 $0x1  }
0xc6: {  	_ =	sfence.sel $0xFFFF  }
0xc7: {  	[dreg:$0x0] =	wrdreg $0xFFFFFFFF;
	(pc) =	sbr.abs _section_cstart, $3  }
0xc8: {  	[dreg:$0x1] =	wrdreg $0xFFFFFFFF  }
0xc9: {  	_ =	task.clear_ibuf [dreg:s9], $0x2FFFF;
	_ =	strace $0x9FFFFFFF  }
0xca: {  	(tm) =	ssettm $0x7FFFFFFF  }
0xcb: {  	_ =	shalt  }
tec
execute0_lowered:
.L_overlay_start_1:
0x0: {  	(tag) =	ssettag $0x1  }
0x1: {  	vm0 =	vcmask $0x3F04;
	v0 =	vlaneseq.u32  }
0x2: {  	v17 =	vimm.s32 $0x80000000;
	vm1 =	vcmask $0x300;
	v22 =	vimm.s32 $0x0  }
0x3: {  	vm2 =	vcmask $0xF0C;
	v1 =	vor.u32 $0x80000000, v0;
	v2 =	vor.u32 $0x10, v0  }
0x4: {  	v3 =	vor.u32 $0x80000010, v0;
	v4 =	vor.u32 $0x20, v0;
	v5 =	vor.u32 $0x80000020, v0  }
0x5: {  	v6 =	vor.u32 $0x30, v0;
	v7 =	vor.u32 $0x80000030, v0;
	v8 =	vor.u32 $0x40, v0  }
0x6: {  	v9 =	vor.u32 $0x80000040, v0;
	v10 =	vor.u32 $0x80000050, v0;
	v11 =	vor.u32 $0x80000060, v0  }
0x7: {  	v12 =	vor.u32 $0x80000070, v0;
	v13 =	vor.u32 $0x80000080, v0;
	v14 =	vor.u32 $0x80000090, v0  }
0x8: {  	s1 =	rddreg [dreg:$0x0];
	v15 =	vor.u32 $0x50, v0;
	v16 =	vor.u32 $0x60, v0;
	v20 =	vsel vm1, $0x800000C0, v17  }
0x9: {  	s0 =	rddreg [dreg:$0x2];
	s2 =	srdreg.scid;
	v17 =	vor.u32 $0x70, v0;
	v18 =	vor.u32 $0x80, v0;
	vm1 =	vcmask $0x704  }
0xa: {  	s3 =	rddreg [dreg:$0x3];
	_ =	strace $0x80000047;
	s6 =	stileid.u32;
	v19 =	vor.u32 $0x800000A0, v0;
	v21 =	vor.u32 $0xA0, v0;
	v23 =	vor.u32 $0x800000B0, v0  }
0xb: {  	s15 =	simm.s32 $0x0;
	s29 =	simm.s32 $0x1;
	s28 =	simm.s32 $0x1300;
	v25 =	vor.u32 $0xC0, v0;
	v27 =	vadd.s32 $0x1, v0;
	v28 =	vadd.s32 $0x11, v0  }
0xc: {  	s2 =	sand.u32 $0x1, s2;
	s0 =	sadd.s32 $0x600, s0;
	s30 =	sshll.u32 s6, $0x4;
	v29 =	vadd.s32 $0x21, v0;
	v30 =	vadd.s32 $0x31, v0;
	v31 =	vadd.s32 $0x41, v0  }
.Ltmp0:
0xd: {  	s6 =	sadd.s32 $0x100, s3;
	v32 =	vadd.s32 $0x51, v0;
	v33 =	vadd.s32 $0x61, v0;
	v34 =	vadd.s32 $0x71, v0;
	s4 =	ssub.s32 $0x2, s2;
	(pc) =	sbr.rel .LBB2_1-.Ltmp0, $4  }
0xe: {  	s7 =	sadd.s32 $0x200, s3;
	v35 =	vadd.s32 $0x81, v0;
	v36 =	vadd.s32 $0x91, v0;
	v37 =	vadd.s32 $0xA1, v0;
	s2 =	sshll.u32 s2, $0x3;
	s5 =	sshrl.u32 s4, $0x1  }
0xf: {  	v38 =	vadd.s32 $0xB1, v0;
	[dreg:$0x5] =	wrdreg s0;
	v24 =	vsel vm1, $0x800000C1, v20;
	vm1 =	vcmask $0xB08;
	s31 =	sor.u32 s2, s30;
	s26 =	ssub.s32 s4, s5  }
0x10: {  	s8 =	sadd.s32 $0x100, s1;
	v39 =	vadd.s32 $0xC1, v0;
	v20 =	vor.u32 $0x90, v0;
	v26 =	vsel vm1, $0x800000C2, v24;
	[dreg:$0x7] =	wrdreg s31;
	s0 =	smax.u32 s26, $0x1  }
0x11: {  	s10 =	sadd.s32 $0x200, s1;
	v24 =	vor.u32 $0xB0, v0;
	vm1 =	vmmov $0xf;
	s2 =	simm.s32 $0x0;
	v26 =	vsel vm2, $0x800000C3, v26;
	[dreg:$0x6] =	wrdreg s0  }
.LBB2_41:
0x12: {  	s2 =	rddreg [dreg:$0x8]  }
0x13: {  	s0 =	rddreg [dreg:$0x6];
	s2 =	sadd.s32 $0x1, s2  }
0x14: {  	p0 =	sne.s32 s2, s0  }
.Ltmp1:
0x15: {  	_ = 	snop;
	(pc) =	sbr.rel @!p0 .LBB2_42-.Ltmp1, $1  }
0x16: {  	_ =	sdelay $0x3  }
.LBB2_1:
0x17: {  	[dreg:$0x8] =	wrdreg s2  }
0x18: {  	s0 =	rddreg [dreg:$0x1];
	s5 =	simm.s32 $0xA  }
0x19: {  	[tilespmem:s15], [sflag:$0xA] =	stream.linear.gather [hbm4b:s0+s15], $0x100, $0x38;
	[tilespmem:$0xF300] =	vst v63  }
0x1a: {  	_ =	swait.ge [sflag:s5], $0x100  }
0x1b: {  	[sflag:s5] =	ssyncset.done $0x0  }
0x1c: {  	s4 =	simm.s32 $0xC300;
	s9 =	rddreg [dreg:$0x5];
	[sflag:s5] =	ssyncadd.s32 $0xFFFFFF00  }
0x1d: {  	[tilespmem:s4], [sflag:$0xA] =	stream.linear.gather [hbm4b:s9+s15], $0x3000, $0x38;
	[tilespmem:$0xF300] =	vst v63  }
0x1e: {  	_ =	swait.ge [sflag:s5], $0x3000  }
0x1f: {  	[sflag:s5] =	ssyncset.done $0x0  }
0x20: {  	[sflag:s5] =	ssyncadd.s32 $0xFFFFD000  }
0x21: {  	v40 =	vld [tilespmem:$0x0];
	_ =	sdelay $0x4  }
0x22: {  	vm2 =	veq.s32 v40, $0x0  }
0x23: {  	vm3 =	vmand vm2, vm0  }
0x24: {  	vm4 =	vmneg vm3;
	v50 =	vsel vm3, $0x1, v22  }
0x25: {  	(xrf0) =	vadd.scan.msk.s32 $0xffff, v50;
	v51 =	vsel vm4, $0x1, v22  }
0x26: {  	(xrf0) =	vadd.scan.msk.s32 $0xffff, v51;
	_ =	sdelay $0x4  }
0x27: {  	v52, _, _ =	vpop (xrf0)  }
0x28: {  	v40 =	vadd.s32 $0xFFFFFFFF, v52;
	v41, _, _ =	vpop (xrf0)  }
0x29: {  	vm5 =	vgt.s32 v40, $0x0;
	v41 =	vadd.s32 $0xFFFFFFFF, v41  }
0x2a: {  	v40 =	vnsel vm5, $0x0, v40;
	vm12 =	vgt.s32 v41, $0x0  }
0x2b: {  	v41 =	vnsel vm12, $0x0, v41;
	_ =	sdelay $0x2  }
0x2c: {  	s5 =	simm.s32 $0x100  }
0x2d: {  	s22 =	simm.s32 $0x200;
	[tilespmem:v40+s5+$0x0] =	vst.idx.msk vm3, v0  }
0x2e: {  	[tilespmem:v41+s22+$0x0] =	vst.idx.msk vm4, v0  }
0x2f: {  	v40 =	vld [tilespmem:$0x10];
	_ =	sdelay $0x4  }
0x30: {  	v53 =	vnsel vm2, $0x80000000, v1;
	vm13 =	veq.s32 v40, $0x0  }
0x31: {  	(xrf0) =	vmax.scan.msk.u32 $0xffff, v53;
	vm6 =	vne.s32 v40, $0x0;
	v54 =	vsel vm13, $0x1, v22  }
0x32: {  	v55 =	vsel vm6, $0x1, v22;
	(xrf0) =	vadd.scan.msk.s32 $0xffff, v54  }
0x33: {  	(xrf0) =	vadd.scan.msk.s32 $0xffff, v55;
	_ =	sdelay $0x3  }
0x34: {  	v42 =	vmpcnt.ones.xlane vm3;
	v40, _, _ =	vpop (xrf0)  }
0x35: {  	v43 =	vmpcnt.ones.xlane vm4;
	v56, _, _ =	vpop (xrf0)  }
0x36: {  	v41 =	vadd.s32 v56, v42;
	v44, _, _ =	vpop (xrf0)  }
0x37: {  	v41 =	vadd.s32 $0xFFFFFFFF, v41;
	v44 =	vadd.s32 v44, v43  }
0x38: {  	vm2 =	vgt.s32 v41, $0x0;
	v44 =	vadd.s32 $0xFFFFFFFF, v44  }
0x39: {  	v41 =	vnsel vm2, $0x0, v41;
	vm2 =	vgt.s32 v44, $0x0  }
0x3a: {  	v44 =	vnsel vm2, $0x0, v44;
	_ =	sdelay $0x3  }
0x3b: {  	[tilespmem:v41+s5+$0x0] =	vst.idx.msk vm13, v2  }
0x3c: {  	[tilespmem:v44+s22+$0x0] =	vst.idx.msk vm6, v2  }
0x3d: {  	v41 =	vld [tilespmem:$0x20];
	_ =	sdelay $0x4  }
0x3e: {  	v57 =	vnsel vm13, $0x80000000, v3;
	vm2 =	veq.s32 v41, $0x0  }
0x3f: {  	(xrf0) =	vmax.scan.msk.u32 $0xffff, v57;
	vm14 =	vne.s32 v41, $0x0;
	v58 =	vsel vm2, $0x1, v22  }
0x40: {  	v59 =	vsel vm14, $0x1, v22;
	(xrf0) =	vadd.scan.msk.s32 $0xffff, v58  }
0x41: {  	(xrf0) =	vadd.scan.msk.s32 $0xffff, v59;
	_ =	sdelay $0x2  }
0x42: {  	v60 =	vmpcnt.ones.xlane vm13  }
0x43: {  	v45 =	vmpcnt.ones.xlane vm6;
	v41, _, _ =	vpop (xrf0)  }
0x44: {  	v44 =	vadd.s32 v42, v60;
	v61, _, _ =	vpop (xrf0)  }
0x45: {  	v43 =	vadd.s32 v43, v45;
	v42 =	vadd.s32 v61, v44;
	v62, _, _ =	vpop (xrf0)  }
0x46: {  	v42 =	vadd.s32 $0xFFFFFFFF, v42;
	v45 =	vadd.s32 v62, v43  }
0x47: {  	vm3 =	vgt.s32 v42, $0x0;
	v45 =	vadd.s32 $0xFFFFFFFF, v45  }
0x48: {  	v42 =	vnsel vm3, $0x0, v42;
	vm3 =	vgt.s32 v45, $0x0  }
0x49: {  	v45 =	vnsel vm3, $0x0, v45;
	_ =	sdelay $0x3  }
0x4a: {  	[tilespmem:v42+s5+$0x0] =	vst.idx.msk vm2, v4  }
0x4b: {  	[tilespmem:v45+s22+$0x0] =	vst.idx.msk vm14, v4  }
0x4c: {  	v42 =	vld [tilespmem:$0x30];
	_ =	sdelay $0x4  }
0x4d: {  	v63 =	vnsel vm2, $0x80000000, v5;
	vm3 =	veq.s32 v42, $0x0  }
0x4e: {  	(xrf0) =	vmax.scan.msk.u32 $0xffff, v63;
	vm15 =	vne.s32 v42, $0x0;
	v46 =	vsel vm3, $0x1, v22  }
0x4f: {  	v47 =	vsel vm15, $0x1, v22;
	(xrf0) =	vadd.scan.msk.s32 $0xffff, v46  }
0x50: {  	(xrf0) =	vadd.scan.msk.s32 $0xffff, v47;
	_ =	sdelay $0x2  }
0x51: {  	v48 =	vmpcnt.ones.xlane vm2  }
0x52: {  	v42, _, _ =	vpop (xrf0);
	v46 =	vmpcnt.ones.xlane vm14  }
0x53: {  	v44 =	vadd.s32 v44, v48;
	v49, _, _ =	vpop (xrf0)  }
0x54: {  	v46 =	vadd.s32 v43, v46;
	v50 =	vadd.s32 v49, v44;
	v51, _, _ =	vpop (xrf0)  }
0x55: {  	v43 =	vadd.s32 $0xFFFFFFFF, v50;
	v45 =	vadd.s32 v51, v46  }
0x56: {  	vm2 =	vgt.s32 v43, $0x0;
	v45 =	vadd.s32 $0xFFFFFFFF, v45  }
0x57: {  	v43 =	vnsel vm2, $0x0, v43;
	vm2 =	vgt.s32 v45, $0x0  }
0x58: {  	v45 =	vnsel vm2, $0x0, v45;
	_ =	sdelay $0x3  }
0x59: {  	[tilespmem:v43+s5+$0x0] =	vst.idx.msk vm3, v6  }
0x5a: {  	[tilespmem:v45+s22+$0x0] =	vst.idx.msk vm15, v6  }
0x5b: {  	v43 =	vld [tilespmem:$0x40];
	_ =	sdelay $0x4  }
0x5c: {  	v52 =	vnsel vm3, $0x80000000, v7;
	vm2 =	veq.s32 v43, $0x0  }
0x5d: {  	(xrf0) =	vmax.scan.msk.u32 $0xffff, v52;
	vm8 =	vne.s32 v43, $0x0;
	v53 =	vsel vm2, $0x1, v22  }
0x5e: {  	v54 =	vsel vm8, $0x1, v22;
	(xrf0) =	vadd.scan.msk.s32 $0xffff, v53  }
0x5f: {  	(xrf0) =	vadd.scan.msk.s32 $0xffff, v54;
	_ =	sdelay $0x2  }
0x60: {  	v55 =	vmpcnt.ones.xlane vm3  }
0x61: {  	v47 =	vmpcnt.ones.xlane vm15;
	v43, _, _ =	vpop (xrf0)  }
0x62: {  	v45 =	vadd.s32 v44, v55;
	v56, _, _ =	vpop (xrf0)  }
0x63: {  	v46 =	vadd.s32 v46, v47;
	v44 =	vadd.s32 v56, v45;
	v57, _, _ =	vpop (xrf0)  }
0x64: {  	v44 =	vadd.s32 $0xFFFFFFFF, v44;
	v47 =	vadd.s32 v57, v46  }
0x65: {  	vm3 =	vgt.s32 v44, $0x0;
	v47 =	vadd.s32 $0xFFFFFFFF, v47  }
0x66: {  	v44 =	vnsel vm3, $0x0, v44;
	vm3 =	vgt.s32 v47, $0x0  }
0x67: {  	v47 =	vnsel vm3, $0x0, v47;
	_ =	sdelay $0x3  }
0x68: {  	[tilespmem:v44+s5+$0x0] =	vst.idx.msk vm2, v8  }
0x69: {  	[tilespmem:v47+s22+$0x0] =	vst.idx.msk vm8, v8  }
0x6a: {  	v44 =	vld [tilespmem:$0x50];
	_ =	sdelay $0x4  }
0x6b: {  	v58 =	vnsel vm2, $0x80000000, v9;
	vm3 =	veq.s32 v44, $0x0  }
0x6c: {  	(xrf0) =	vmax.scan.msk.u32 $0xffff, v58;
	vm9 =	vne.s32 v44, $0x0;
	v59 =	vsel vm3, $0x1, v22  }
0x6d: {  	v60 =	vsel vm9, $0x1, v22;
	(xrf0) =	vadd.scan.msk.s32 $0xffff, v59  }
0x6e: {  	(xrf0) =	vadd.scan.msk.s32 $0xffff, v60;
	_ =	sdelay $0x2  }
0x6f: {  	v61 =	vmpcnt.ones.xlane vm2  }
0x70: {  	v48 =	vmpcnt.ones.xlane vm8;
	v44, _, _ =	vpop (xrf0)  }
0x71: {  	v47 =	vadd.s32 v45, v61;
	v62, _, _ =	vpop (xrf0)  }
0x72: {  	v46 =	vadd.s32 v46, v48;
	v45 =	vadd.s32 v62, v47;
	v63, _, _ =	vpop (xrf0)  }
0x73: {  	v45 =	vadd.s32 $0xFFFFFFFF, v45;
	v48 =	vadd.s32 v63, v46  }
0x74: {  	vm2 =	vgt.s32 v45, $0x0;
	v48 =	vadd.s32 $0xFFFFFFFF, v48  }
0x75: {  	v45 =	vnsel vm2, $0x0, v45;
	vm2 =	vgt.s32 v48, $0x0  }
0x76: {  	v48 =	vnsel vm2, $0x0, v48;
	_ =	sdelay $0x3  }
0x77: {  	[tilespmem:v45+s5+$0x0] =	vst.idx.msk vm3, v15  }
0x78: {  	[tilespmem:v48+s22+$0x0] =	vst.idx.msk vm9, v15  }
0x79: {  	v45 =	vld [tilespmem:$0x60];
	_ =	sdelay $0x4  }
0x7a: {  	v52 =	vnsel vm3, $0x80000000, v10;
	vm2 =	veq.s32 v45, $0x0  }
0x7b: {  	(xrf0) =	vmax.scan.msk.u32 $0xffff, v52;
	vm10 =	vne.s32 v45, $0x0;
	v53 =	vsel vm2, $0x1, v22  }
0x7c: {  	v54 =	vsel vm10, $0x1, v22;
	(xrf0) =	vadd.scan.msk.s32 $0xffff, v53  }
0x7d: {  	(xrf0) =	vadd.scan.msk.s32 $0xffff, v54;
	_ =	sdelay $0x2  }
0x7e: {  	v55 =	vmpcnt.ones.xlane vm3  }
0x7f: {  	v49 =	vmpcnt.ones.xlane vm9;
	v45, _, _ =	vpop (xrf0)  }
0x80: {  	v47 =	vadd.s32 v47, v55;
	v56, _, _ =	vpop (xrf0)  }
0x81: {  	v46 =	vadd.s32 v46, v49;
	v48 =	vadd.s32 v56, v47;
	v57, _, _ =	vpop (xrf0)  }
0x82: {  	v48 =	vadd.s32 $0xFFFFFFFF, v48;
	v49 =	vadd.s32 v57, v46  }
0x83: {  	vm3 =	vgt.s32 v48, $0x0;
	v49 =	vadd.s32 $0xFFFFFFFF, v49  }
0x84: {  	v48 =	vnsel vm3, $0x0, v48;
	vm3 =	vgt.s32 v49, $0x0  }
0x85: {  	v49 =	vnsel vm3, $0x0, v49;
	_ =	sdelay $0x3  }
0x86: {  	[tilespmem:v48+s5+$0x0] =	vst.idx.msk vm2, v16  }
0x87: {  	[tilespmem:v49+s22+$0x0] =	vst.idx.msk vm10, v16  }
0x88: {  	v48 =	vld [tilespmem:$0x70];
	_ =	sdelay $0x4  }
0x89: {  	v58 =	vnsel vm2, $0x80000000, v11;
	vm3 =	veq.s32 v48, $0x0  }
0x8a: {  	(xrf0) =	vmax.scan.msk.u32 $0xffff, v58;
	vm11 =	vne.s32 v48, $0x0;
	v59 =	vsel vm3, $0x1, v22  }
0x8b: {  	v60 =	vsel vm11, $0x1, v22;
	(xrf0) =	vadd.scan.msk.s32 $0xffff, v59  }
0x8c: {  	(xrf0) =	vadd.scan.msk.s32 $0xffff, v60;
	_ =	sdelay $0x2  }
0x8d: {  	v61 =	vmpcnt.ones.xlane vm2  }
0x8e: {  	v62 =	vmpcnt.ones.xlane vm10;
	v50, _, _ =	vpop (xrf0)  }
0x8f: {  	v47 =	vadd.s32 v47, v61;
	v63, _, _ =	vpop (xrf0)  }
0x90: {  	v46 =	vadd.s32 v46, v62;
	v48 =	vadd.s32 v63, v47;
	v52, _, _ =	vpop (xrf0)  }
0x91: {  	v48 =	vadd.s32 $0xFFFFFFFF, v48;
	v49 =	vadd.s32 v52, v46  }
0x92: {  	vm2 =	vgt.s32 v48, $0x0;
	v49 =	vadd.s32 $0xFFFFFFFF, v49  }
0x93: {  	v48 =	vnsel vm2, $0x0, v48;
	vm2 =	vgt.s32 v49, $0x0  }
0x94: {  	v49 =	vnsel vm2, $0x0, v49;
	_ =	sdelay $0x3  }
0x95: {  	[tilespmem:v48+s5+$0x0] =	vst.idx.msk vm3, v17  }
0x96: {  	[tilespmem:v49+s22+$0x0] =	vst.idx.msk vm11, v17  }
0x97: {  	v48 =	vld [tilespmem:$0x80];
	_ =	sdelay $0x4  }
0x98: {  	v53 =	vnsel vm3, $0x80000000, v12;
	vm2 =	veq.s32 v48, $0x0  }
0x99: {  	(xrf0) =	vmax.scan.msk.u32 $0xffff, v53;
	vm12 =	vne.s32 v48, $0x0;
	v54 =	vsel vm2, $0x1, v22  }
0x9a: {  	v55 =	vsel vm12, $0x1, v22;
	(xrf0) =	vadd.scan.msk.s32 $0xffff, v54  }
0x9b: {  	(xrf0) =	vadd.scan.msk.s32 $0xffff, v55;
	_ =	sdelay $0x2  }
0x9c: {  	v56 =	vmpcnt.ones.xlane vm3  }
0x9d: {  	v57 =	vmpcnt.ones.xlane vm11;
	v51, _, _ =	vpop (xrf0)  }
0x9e: {  	v47 =	vadd.s32 v47, v56;
	v58, _, _ =	vpop (xrf0)  }
0x9f: {  	v46 =	vadd.s32 v46, v57;
	v48 =	vadd.s32 v58, v47;
	v59, _, _ =	vpop (xrf0)  }
0xa0: {  	v48 =	vadd.s32 $0xFFFFFFFF, v48;
	v49 =	vadd.s32 v59, v46  }
0xa1: {  	vm3 =	vgt.s32 v48, $0x0;
	v49 =	vadd.s32 $0xFFFFFFFF, v49  }
0xa2: {  	v48 =	vnsel vm3, $0x0, v48;
	vm3 =	vgt.s32 v49, $0x0  }
0xa3: {  	v49 =	vnsel vm3, $0x0, v49;
	_ =	sdelay $0x3  }
0xa4: {  	[tilespmem:v48+s5+$0x0] =	vst.idx.msk vm2, v18  }
0xa5: {  	[tilespmem:v49+s22+$0x0] =	vst.idx.msk vm12, v18  }
0xa6: {  	v48 =	vld [tilespmem:$0x90];
	_ =	sdelay $0x4  }
0xa7: {  	v60 =	vnsel vm2, $0x80000000, v13;
	vm3 =	veq.s32 v48, $0x0  }
0xa8: {  	(xrf0) =	vmax.scan.msk.u32 $0xffff, v60;
	vm13 =	vne.s32 v48, $0x0;
	v61 =	vsel vm3, $0x1, v22  }
0xa9: {  	v62 =	vsel vm13, $0x1, v22;
	(xrf0) =	vadd.scan.msk.s32 $0xffff, v61  }
0xaa: {  	(xrf0) =	vadd.scan.msk.s32 $0xffff, v62;
	_ =	sdelay $0x2  }
0xab: {  	v63 =	vmpcnt.ones.xlane vm2  }
0xac: {  	v56 =	vmpcnt.ones.xlane vm12;
	v52, _, _ =	vpop (xrf0)  }
0xad: {  	v47 =	vadd.s32 v47, v63;
	v57, _, _ =	vpop (xrf0)  }
0xae: {  	v46 =	vadd.s32 v46, v56;
	v48 =	vadd.s32 v57, v47;
	v58, _, _ =	vpop (xrf0)  }
0xaf: {  	v48 =	vadd.s32 $0xFFFFFFFF, v48;
	v49 =	vadd.s32 v58, v46  }
0xb0: {  	vm2 =	vgt.s32 v48, $0x0;
	v49 =	vadd.s32 $0xFFFFFFFF, v49  }
0xb1: {  	v48 =	vnsel vm2, $0x0, v48;
	vm2 =	vgt.s32 v49, $0x0  }
0xb2: {  	v49 =	vnsel vm2, $0x0, v49;
	_ =	sdelay $0x3  }
0xb3: {  	[tilespmem:v48+s5+$0x0] =	vst.idx.msk vm3, v20  }
0xb4: {  	[tilespmem:v49+s22+$0x0] =	vst.idx.msk vm13, v20  }
0xb5: {  	v48 =	vld [tilespmem:$0xA0];
	_ =	sdelay $0x4  }
0xb6: {  	v59 =	vnsel vm3, $0x80000000, v14;
	vm2 =	veq.s32 v48, $0x0  }
0xb7: {  	(xrf0) =	vmax.scan.msk.u32 $0xffff, v59;
	vm14 =	vne.s32 v48, $0x0;
	v60 =	vsel vm2, $0x1, v22  }
0xb8: {  	v61 =	vsel vm14, $0x1, v22;
	(xrf0) =	vadd.scan.msk.s32 $0xffff, v60  }
0xb9: {  	(xrf0) =	vadd.scan.msk.s32 $0xffff, v61;
	_ =	sdelay $0x2  }
0xba: {  	v62 =	vmpcnt.ones.xlane vm3  }
0xbb: {  	v63 =	vmpcnt.ones.xlane vm13;
	v53, _, _ =	vpop (xrf0)  }
0xbc: {  	v47 =	vadd.s32 v47, v62;
	v54, _, _ =	vpop (xrf0)  }
0xbd: {  	v46 =	vadd.s32 v46, v63;
	v48 =	vadd.s32 v54, v47;
	v55, _, _ =	vpop (xrf0)  }
0xbe: {  	v48 =	vadd.s32 $0xFFFFFFFF, v48;
	v49 =	vadd.s32 v55, v46  }
0xbf: {  	vm3 =	vgt.s32 v48, $0x0;
	v49 =	vadd.s32 $0xFFFFFFFF, v49  }
0xc0: {  	v48 =	vnsel vm3, $0x0, v48;
	vm3 =	vgt.s32 v49, $0x0  }
0xc1: {  	v49 =	vnsel vm3, $0x0, v49;
	_ =	sdelay $0x3  }
0xc2: {  	[tilespmem:v48+s5+$0x0] =	vst.idx.msk vm2, v21  }
0xc3: {  	[tilespmem:v49+s22+$0x0] =	vst.idx.msk vm14, v21  }
0xc4: {  	v48 =	vld [tilespmem:$0xB0];
	_ =	sdelay $0x4  }
0xc5: {  	v56 =	vnsel vm2, $0x80000000, v19;
	vm15 =	veq.s32 v48, $0x0  }
0xc6: {  	(xrf0) =	vmax.scan.msk.u32 $0xffff, v56;
	vm9 =	vne.s32 v48, $0x0;
	v57 =	vsel vm15, $0x1, v22  }
0xc7: {  	v58 =	vsel vm9, $0x1, v22;
	(xrf0) =	vadd.scan.msk.s32 $0xffff, v57  }
0xc8: {  	(xrf0) =	vadd.scan.msk.s32 $0xffff, v58;
	_ =	sdelay $0x2  }
0xc9: {  	v59 =	vmpcnt.ones.xlane vm2  }
0xca: {  	v60 =	vmpcnt.ones.xlane vm14;
	v54, _, _ =	vpop (xrf0)  }
0xcb: {  	v47 =	vadd.s32 v47, v59;
	v61, _, _ =	vpop (xrf0)  }
0xcc: {  	(v2sf) =	vpush v40, $0xF;
	v46 =	vadd.s32 v46, v60;
	v48 =	vadd.s32 v61, v47;
	v62, _, _ =	vpop (xrf0)  }
0xcd: {  	v48 =	vadd.s32 $0xFFFFFFFF, v48;
	v49 =	vadd.s32 v62, v46  }
0xce: {  	(v2sf) =	vpush v41, $0xF;
	vm2 =	vgt.s32 v48, $0x0;
	v49 =	vadd.s32 $0xFFFFFFFF, v49  }
0xcf: {  	(v2sf) =	vpush v42, $0xF;
	v48 =	vnsel vm2, $0x0, v48;
	vm2 =	vgt.s32 v49, $0x0  }
0xd0: {  	v63 =	vnsel vm2, $0x0, v49;
	_ =	sdelay $0x3  }
0xd1: {  	[tilespmem:v48+s5+$0x0] =	vst.idx.msk vm15, v24  }
0xd2: {  	[tilespmem:v63+s22+$0x0] =	vst.idx.msk vm9, v24  }
0xd3: {  	(v2sf) =	vpush v43, $0xF;
	v40 =	vld [tilespmem:$0xC0]  }
0xd4: {  	(v2sf) =	vpush v44, $0xF  }
0xd5: {  	(v2sf) =	vpush v45, $0xF  }
0xd6: {  	(v2sf) =	vpush v50, $0xF  }
0xd7: {  	(v2sf) =	vpush v51, $0xF  }
0xd8: {  	s11 =	spop (v2sf);
	(v2sf) =	vpush v52, $0xF;
	vm10 =	veq.s32 v40, $0x0  }
0xd9: {  	v45 =	vnsel vm15, $0x80000000, v23;
	vm2 =	vmand vm10, vm1  }
0xda: {  	s12 =	spop (v2sf);
	(v2sf) =	vpush v53, $0xF;
	(xrf0) =	vmax.scan.msk.u32 $0xffff, v45;
	v48 =	vsel vm2, $0x1, v22  }
0xdb: {  	s13 =	spop (v2sf);
	(v2sf) =	vpush v54, $0xF;
	v51 =	vmpcnt.ones.xlane vm15;
	(xrf0) =	vadd.scan.msk.s32 $0xffff, v48  }
0xdc: {  	v53 =	vmpcnt.ones.xlane vm9;
	vm3 =	vmxor vm2, vm1;
	v54 =	vmpcnt.ones.xlane vm2  }
0xdd: {  	v40 =	vadd.s32 v47, v51;
	v49 =	vsel vm3, $0x1, v22;
	v56 =	vmpcnt.ones.xlane vm3  }
0xde: {  	v42 =	vadd.s32 v46, v53;
	v50 =	vnsel vm10, $0x80000000, v26;
	(xrf0) =	vadd.scan.msk.s32 $0xffff, v49;
	v43 =	vadd.s32 v40, v54  }
0xdf: {  	(xrf0) =	vmax.scan.msk.u32 $0xffff, v50;
	v45 =	vadd.s32 v42, v56;
	v59 =	vxor.u32 $0x80000000, v43  }
0xe0: {  	v52, _, _ =	vpop (xrf0);
	(xrf0) =	vmax.scan.msk.u32 $0xffff, v59;
	v60 =	vxor.u32 $0x80000000, v45  }
0xe1: {  	s0 =	sxor.u32 $0x80000000, s11;
	s2 =	sxor.u32 $0x80000000, s12;
	v55, _, _ =	vpop (xrf0);
	(xrf0) =	vmax.scan.msk.u32 $0xffff, v60  }
0xe2: {  	p0 =	sgt.s32 s0, s2;
	s14 =	spop (v2sf)  }
0xe3: {  	s2 =	smov.u32 @p0 s0;
	s0 =	sxor.u32 $0x80000000, s13;
	s16 =	spop (v2sf)  }
0xe4: {  	p0 =	sgt.s32 s2, s0;
	s17 =	spop (v2sf);
	v57, _, _ =	vpop (xrf0)  }
0xe5: {  	s0 =	smov.u32 @p0 s2;
	s2 =	sxor.u32 $0x80000000, s14;
	s18 =	spop (v2sf);
	(v2sf) =	vpush v52, $0xF;
	v58, _, _ =	vpop (xrf0)  }
0xe6: {  	p0 =	sgt.s32 s0, s2;
	s19 =	spop (v2sf);
	(v2sf) =	vpush v58, $0xF;
	v61, _, _ =	vpop (xrf0)  }
0xe7: {  	s2 =	smov.u32 @p0 s0;
	s0 =	sxor.u32 $0x80000000, s16;
	s20 =	spop (v2sf);
	(v2sf) =	vpush v61, $0xF;
	v62, _, _ =	vpop (xrf0)  }
0xe8: {  	p0 =	sgt.s32 s2, s0;
	(v2sf) =	vpush v62, $0xF  }
0xe9: {  	s0 =	smov.u32 @p0 s2;
	s2 =	sxor.u32 $0x80000000, s17  }
0xea: {  	p0 =	sgt.s32 s0, s2  }
0xeb: {  	s2 =	smov.u32 @p0 s0;
	s0 =	sxor.u32 $0x80000000, s18  }
0xec: {  	p0 =	sgt.s32 s2, s0  }
0xed: {  	s0 =	smov.u32 @p0 s2;
	s2 =	sxor.u32 $0x80000000, s19  }
0xee: {  	p0 =	sgt.s32 s0, s2  }
0xef: {  	s2 =	smov.u32 @p0 s0;
	s0 =	sxor.u32 $0x80000000, s20  }
0xf0: {  	p0 =	sgt.s32 s2, s0;
	s21 =	spop (v2sf)  }
0xf1: {  	s0 =	smov.u32 @p0 s2;
	s2 =	sxor.u32 $0x80000000, s21  }
0xf2: {  	p0 =	sgt.s32 s0, s2;
	s23 =	spop (v2sf)  }
0xf3: {  	s2 =	smov.u32 @p0 s0;
	s0 =	sxor.u32 $0x80000000, s23;
	v40 =	vadd.s32 v55, v40  }
0xf4: {  	p0 =	sgt.s32 s2, s0;
	s24 =	spop (v2sf);
	v41 =	vadd.s32 v57, v42;
	v40 =	vadd.s32 $0xFFFFFFFF, v40  }
0xf5: {  	s0 =	smov.u32 @p0 s2;
	s2 =	sxor.u32 $0x80000000, s24;
	vm11 =	vgt.s32 v40, $0x0;
	v41 =	vadd.s32 $0xFFFFFFFF, v41;
	s25 =	spop (v2sf)  }
0xf6: {  	p0 =	sgt.s32 s0, s2;
	v40 =	vnsel vm11, $0x0, v40;
	vm12 =	vgt.s32 v41, $0x0;
	s11 =	spop (v2sf)  }
0xf7: {  	s2 =	smov.u32 @p0 s0;
	vm13 =	vlt.s32 v43, v27;
	v41 =	vnsel vm12, $0x0, v41;
	s0 =	sxor.u32 $0x80000000, s25;
	s26 =	spop (v2sf)  }
0xf8: {  	vm14 =	vlt.s32 v45, v27;
	p0 =	sgt.s32 s2, s0;
	s13 =	sxor.u32 $0x80000000, s26  }
0xf9: {  	vm15 =	vlt.s32 v43, v28;
	s0 =	smov.u32 @p0 s2;
	p3 =	slt.s32 s13, $0x1  }
0xfa: {  	vm7 =	vlt.s32 v45, v28;
	p0 =	sgt.s32 s0, $0x0;
	p1 =	slt.u32 @!p3 s13, $0x11  }
0xfb: {  	[tilespmem:v40+s5+$0x0] =	vst.idx.msk vm2, v25;
	vm2 =	vlt.s32 v43, v29;
	s0 =	simm.s32 @!p0 $0x0;
	p6 =	por p3, p1  }
0xfc: {  	[tilespmem:v41+s22+$0x0] =	vst.idx.msk vm3, v25;
	vm3 =	vlt.s32 v45, v29;
	v63 =	vmov s0;
	p1 =	slt.u32 @!p6 s13, $0x21  }
0xfd: {  	vm9 =	vlt.s32 v43, v30;
	[tilespmem:v0+s5+$0x0] =	vst.idx.msk vm13, v63;
	p2 =	por p6, p1  }
0xfe: {  	vm10 =	vlt.s32 v45, v30;
	[tilespmem:v0+s22+$0x0] =	vst.idx.msk vm14, v22;
	p1 =	slt.u32 @!p2 s13, $0x31;
	s0 =	simm.s32 @!p2 $0x0  }
0xff: {  	vm11 =	vlt.s32 v43, v31;
	[tilespmem:v2+s5+$0x0] =	vst.idx.msk vm15, v63;
	s0 =	simm.s32 @p2 $0x1;
	p0 =	por p2, p1  }
0x100: {  	vm12 =	vlt.s32 v45, v31;
	[tilespmem:v2+s22+$0x0] =	vst.idx.msk vm7, v22;
	[smem:$0x7F2] =	sst s0;
	p1 =	slt.u32 @!p0 s13, $0x41;
	s0 =	simm.s32 @!p0 $0x0  }
0x101: {  	[tilespmem:v4+s5+$0x0] =	vst.idx.msk vm2, v63;
	vm2 =	vlt.s32 v43, v32;
	s0 =	simm.s32 @p0 $0x1;
	p2 =	por p0, p1  }
0x102: {  	[tilespmem:v4+s22+$0x0] =	vst.idx.msk vm3, v22;
	vm3 =	vlt.s32 v45, v32;
	[smem:$0x7F3] =	sst s0;
	p1 =	slt.u32 @!p2 s13, $0x51;
	s0 =	simm.s32 @!p2 $0x0  }
0x103: {  	s9 =	sadd.s32 $0x7FFFFFFF, s11;
	vm13 =	vlt.s32 v43, v33;
	[tilespmem:v6+s5+$0x0] =	vst.idx.msk vm9, v63;
	s0 =	simm.s32 @p2 $0x1;
	p2 =	por p2, p1  }
0x104: {  	vm14 =	vlt.s32 v45, v33;
	[tilespmem:v6+s22+$0x0] =	vst.idx.msk vm10, v22;
	[smem:$0x7F4] =	sst s0;
	p1 =	slt.u32 @!p2 s13, $0x61;
	s0 =	simm.s32 @!p2 $0x0  }
0x105: {  	s17 =	sadd.s32 $0x7FFFFFEF, s11;
	vm15 =	vlt.s32 v43, v34;
	[tilespmem:v8+s5+$0x0] =	vst.idx.msk vm11, v63;
	s0 =	simm.s32 @p2 $0x1;
	p2 =	por p2, p1  }
0x106: {  	s18 =	sadd.s32 $0x7FFFFFDF, s11;
	vm9 =	vlt.s32 v45, v34;
	p0 =	por p3, p3;
	[tilespmem:v8+s22+$0x0] =	vst.idx.msk vm12, v22;
	p1 =	slt.u32 @!p2 s13, $0x71  }
0x107: {  	[tilespmem:v15+s5+$0x0] =	vst.idx.msk vm2, v63;
	vm2 =	vlt.s32 v43, v35;
	[smem:$0x7F5] =	sst s0;
	s0 =	simm.s32 @!p2 $0x0;
	p3 =	por p2, p1  }
0x108: {  	s19 =	sadd.s32 $0x7FFFFFCF, s11;
	[tilespmem:v15+s22+$0x0] =	vst.idx.msk vm3, v22;
	vm3 =	vlt.s32 v45, v35;
	s0 =	simm.s32 @p2 $0x1;
	p2 =	slt.u32 @!p3 s13, $0x81  }
0x109: {  	vm10 =	vlt.s32 v43, v36;
	[tilespmem:v16+s5+$0x0] =	vst.idx.msk vm13, v63;
	[smem:$0x7F6] =	sst s0;
	s0 =	simm.s32 @!p3 $0x0;
	p4 =	por p3, p2  }
0x10a: {  	s20 =	sadd.s32 $0x7FFFFFBF, s11;
	vm11 =	vlt.s32 v45, v36;
	[tilespmem:v16+s22+$0x0] =	vst.idx.msk vm14, v22;
	s0 =	simm.s32 @p3 $0x1;
	p3 =	slt.u32 @!p4 s13, $0x91  }
0x10b: {  	vm12 =	vlt.s32 v43, v37;
	[tilespmem:v17+s5+$0x0] =	vst.idx.msk vm15, v63;
	[smem:$0x7F7] =	sst s0;
	s0 =	simm.s32 @!p4 $0x0;
	p3 =	por p4, p3  }
0x10c: {  	s21 =	sadd.s32 $0x7FFFFFAF, s11;
	vm13 =	vlt.s32 v45, v37;
	[tilespmem:v17+s22+$0x0] =	vst.idx.msk vm9, v22;
	s0 =	simm.s32 @p4 $0x1;
	p4 =	slt.u32 @!p3 s13, $0xA1  }
0x10d: {  	s30 =	sadd.s32 $0x7FFFFF9F, s11;
	s31 =	sadd.s32 $0x7FFFFF8F, s11;
	[tilespmem:v18+s5+$0x0] =	vst.idx.msk vm2, v63;
	vm2 =	vlt.s32 v43, v38;
	p4 =	por p3, p4  }
0x10e: {  	[dreg:$0x9] =	wrdreg s13;
	[tilespmem:v18+s22+$0x0] =	vst.idx.msk vm3, v22;
	vm3 =	vlt.s32 v45, v38;
	p5 =	slt.u32 @!p4 s13, $0xB1;
	s13 =	simm.s32 @!p4 $0x0  }
0x10f: {  	s4 =	sadd.s32 $0x7FFFFF6F, s11;
	vm14 =	vlt.s32 v43, v39;
	[tilespmem:v20+s5+$0x0] =	vst.idx.msk vm10, v63;
	s13 =	simm.s32 @p4 $0x1;
	p4 =	por p4, p5  }
0x110: {  	vm15 =	vlt.s32 v45, v39;
	s12 =	simm.s32 @!p3 $0x0;
	[tilespmem:v20+s22+$0x0] =	vst.idx.msk vm11, v22;
	[smem:$0x7FA] =	sst s13;
	s13 =	simm.s32 @!p4 $0x0  }
0x111: {  	[smem:$0x7F8] =	sst s0;
	s12 =	simm.s32 @p3 $0x1;
	[tilespmem:v21+s5+$0x0] =	vst.idx.msk vm12, v63;
	s13 =	simm.s32 @p4 $0x1  }
.Ltmp2:
0x112: {  	[tilespmem:v21+s22+$0x0] =	vst.idx.msk vm13, v22;
	[smem:$0x7FB] =	sst s13;
	s13 =	simm.s32 @!p6 $0x0;
	(pc) =	sbr.rel .LBB2_2-.Ltmp2, $4  }
0x113: {  	s2 =	sadd.s32 $0x7FFFFF5F, s11;
	[smem:$0x7F9] =	sst s12;
	[tilespmem:v24+s5+$0x0] =	vst.idx.msk vm2, v63;
	s13 =	simm.s32 @p6 $0x1  }
0x114: {  	s0 =	sadd.s32 $0x7FFFFF7F, s11;
	[tilespmem:v24+s22+$0x0] =	vst.idx.msk vm3, v22;
	[smem:$0x7FC] =	sst s13;
	s13 =	simm.s32 @!p0 $0x0  }
0x115: {  	s12 =	sadd.s32 $0x7FFFFF4F, s11;
	[tilespmem:v25+s5+$0x0] =	vst.idx.msk vm14, v63;
	s5 =	sxor.u32 $0x80000000, s11;
	s13 =	simm.s32 @p0 $0x1  }
0x116: {  	s11 =	sadd.s32 $0x7FFFFF3F, s11;
	[tilespmem:v25+s22+$0x0] =	vst.idx.msk vm15, v22;
	s22 =	simm.s32 $0x0;
	[smem:$0x7FD] =	sst s13  }
.LBB2_37:
0x117: {  	s16 =	simm.s32 $0x5  }
0x118: {  	_ =	swait.ge [sflag:s16], $0x3000  }
0x119: {  	[sflag:s16] =	ssyncset.done $0x0  }
0x11a: {  	[sflag:s16] =	ssyncadd.s32 $0xFFFFD000  }
0x11b: {  	v45 =	vld [tilespmem:$0x1C0];
	_ =	sdelay $0x4  }
0x11c: {  	v45 =	vshll.u32 v45, $0x8  }
0x11d: {  	v45 =	vadd.s32 v40, v45  }
0x11e: {  	v45 =	vshrl.u32 v45, $0x3  }
0x11f: {  	v45 =	vmul.u32 $0x30, v45;
	_ =	sdelay $0x1  }
0x120: {  	v45 =	vor.u32 v41, v45  }
0x121: {  	v46 =	vperm.xlane v45, v43;
	_ =	sdelay $0x1  }
0x122: {  	v46 =	vadd.s32 v42, v46;
	_ =	sdelay $0x3  }
0x123: {  	v45 =	vperm.xlane v45, v44  }
0x124: {  	[tilespmem:s23], [sflag:$0x1] =	stream.indirect_vreg.gather [hbm4b:s1+s15], $0x80, v46, vm2, $0xb8;
	[tilespmem:$0xF300] =	vst v63  }
0x125: {  	v45 =	vadd.s32 v42, v45  }
0x126: {  	[tilespmem:s24], [sflag:$0x1] =	stream.indirect_vreg.gather [hbm4b:s8+s15], $0x80, v46, vm2, $0xb8;
	[tilespmem:$0xF300] =	vst v63  }
0x127: {  	_ = 	snop  }
0x128: {  	[tilespmem:s25], [sflag:$0x1] =	stream.indirect_vreg.gather [hbm4b:s10+s15], $0x80, v46, vm2, $0xb8;
	[tilespmem:$0xF300] =	vst v63  }
0x129: {  	_ = 	snop  }
0x12a: {  	[tilespmem:s26], [sflag:$0x1] =	stream.indirect_vreg.gather [hbm4b:s1+s15], $0x80, v45, vm2, $0xb8;
	[tilespmem:$0xF300] =	vst v63  }
0x12b: {  	_ = 	snop  }
0x12c: {  	[tilespmem:s14], [sflag:$0x1] =	stream.indirect_vreg.gather [hbm4b:s8+s15], $0x80, v45, vm2, $0xb8;
	[tilespmem:$0xF300] =	vst v63  }
0x12d: {  	_ = 	snop  }
0x12e: {  	[tilespmem:s13], [sflag:$0x1] =	stream.indirect_vreg.gather [hbm4b:s10+s15], $0x80, v45, vm2, $0xb8;
	[tilespmem:$0xF300] =	vst v63  }
.LBB2_39:
0x12f: {  	s13 =	simm.s32 $0x4  }
0x130: {  	_ =	swait.ge [sflag:s13], $0x3000  }
0x131: {  	[sflag:s13] =	ssyncset.done $0x0  }
0x132: {  	[sflag:s13] =	ssyncadd.s32 $0xFFFFD000  }
0x133: {  	v45 =	vld [tilespmem:$0x1B0];
	_ =	sdelay $0x4  }
0x134: {  	v45 =	vshll.u32 v45, $0x8  }
0x135: {  	v45 =	vadd.s32 v40, v45  }
0x136: {  	v45 =	vshrl.u32 v45, $0x3  }
0x137: {  	v45 =	vmul.u32 $0x30, v45;
	_ =	sdelay $0x1  }
0x138: {  	v45 =	vor.u32 v41, v45  }
0x139: {  	v43 =	vperm.xlane v45, v43;
	_ =	sdelay $0x1  }
0x13a: {  	v43 =	vadd.s32 v42, v43;
	_ =	sdelay $0x3  }
0x13b: {  	s14 =	simm.s32 $0x9300;
	v44 =	vperm.xlane v45, v44  }
0x13c: {  	[hbm4b:s3+s15] =	stream.indirect_vreg.scatter [tilespmem:s14], [sflag:$0x8], $0x80, v43, vm2, $0xb8;
	[tilespmem:$0xF300] =	vst v63  }
0x13d: {  	s16 =	simm.s32 $0x9B00;
	v63 =	vadd.s32 v42, v44  }
0x13e: {  	[hbm4b:s6+s15] =	stream.indirect_vreg.scatter [tilespmem:s16], [sflag:$0x8], $0x80, v43, vm2, $0xb8;
	[tilespmem:$0xF300] =	vst v63  }
0x13f: {  	s23 =	simm.s32 $0xA300  }
0x140: {  	[hbm4b:s7+s15] =	stream.indirect_vreg.scatter [tilespmem:s23], [sflag:$0x8], $0x80, v43, vm2, $0xb8;
	[tilespmem:$0xF300] =	vst v63  }
0x141: {  	s24 =	simm.s32 $0xAB00  }
0x142: {  	[hbm4b:s3+s15] =	stream.indirect_vreg.scatter [tilespmem:s24], [sflag:$0x8], $0x80, v63, vm2, $0xb8;
	[tilespmem:$0xF300] =	vst v63  }
0x143: {  	s25 =	simm.s32 $0xB300  }
0x144: {  	[hbm4b:s6+s15] =	stream.indirect_vreg.scatter [tilespmem:s25], [sflag:$0x8], $0x80, v63, vm2, $0xb8;
	[tilespmem:$0xF300] =	vst v63  }
0x145: {  	s26 =	simm.s32 $0xBB00;
	s23 =	simm.s32 @!p2 $0x1  }
0x146: {  	[hbm4b:s7+s15] =	stream.indirect_vreg.scatter [tilespmem:s26], [sflag:$0x8], $0x80, v63, vm2, $0xb8;
	[tilespmem:$0xF300] =	vst v63  }
0x147: {  	_ =	swait.ge @!p2 [sflag:s23], $0x3000  }
0x148: {  	[sflag:s23] =	ssyncset.done @!p2 $0x0  }
0x149: {  	[sflag:s23] =	ssyncadd.s32 @!p2 $0xFFFFD000  }
0x14a: {  	v42 =	vld @!p2 [tilespmem:$0x1C0];
	_ =	sdelay $0x4  }
0x14b: {  	v42 =	vshll.u32 @!p2 v42, $0x8  }
0x14c: {  	v40 =	vadd.s32 @!p2 v40, v42  }
0x14d: {  	v40 =	vshrl.u32 @!p2 v40, $0x3  }
0x14e: {  	v40 =	vmul.u32 @!p2 $0x30, v40  }
0x14f: {  	v42 =	vlaneseq.u32 @!p2  }
0x150: {  	v43 =	vshrl.u32 @!p2 v42, $0x3;
	v40 =	vor.u32 @!p2 v41, v40;
	v41 =	vand.u32 @!p2 $0x7, v42  }
0x151: {  	v43 =	vmul.u32 @!p2 $0x8, v43;
	v41 =	vperm.xlane @!p2 v40, v41;
	_ =	sdelay $0x1  }
0x152: {  	v41 =	vadd.s32 @!p2 v43, v41;
	_ =	sdelay $0x2  }
0x153: {  	v42 =	vor.u32 @!p2 $0x8, v42  }
0x154: {  	s24 =	simm.s32 @!p2 $0x300;
	vm2 =	vmmov @!p2 $0xffff;
	s23 =	simm.s32 @!p2 $0x0;
	v40 =	vperm.xlane @!p2 v40, v42  }
0x155: {  	[hbm4b:s3+s23] =	stream.indirect_vreg.scatter @!p2 [tilespmem:s24], [sflag:$0x5], $0x80, v41, vm2, $0xb8;
	[tilespmem:$0xF300] =	vst v63  }
0x156: {  	v40 =	vadd.s32 @!p2 v43, v40;
	s24 =	simm.s32 @!p2 $0xB00  }
0x157: {  	[hbm4b:s6+s23] =	stream.indirect_vreg.scatter @!p2 [tilespmem:s24], [sflag:$0x5], $0x80, v41, vm2, $0xb8;
	[tilespmem:$0xF300] =	vst v63  }
0x158: {  	s24 =	simm.s32 @!p2 $0x1300  }
0x159: {  	[hbm4b:s7+s23] =	stream.indirect_vreg.scatter @!p2 [tilespmem:s24], [sflag:$0x5], $0x80, v41, vm2, $0xb8;
	[tilespmem:$0xF300] =	vst v63  }
0x15a: {  	s24 =	simm.s32 @!p2 $0x1B00  }
0x15b: {  	[hbm4b:s3+s23] =	stream.indirect_vreg.scatter @!p2 [tilespmem:s24], [sflag:$0x5], $0x80, v40, vm2, $0xb8;
	[tilespmem:$0xF300] =	vst v63  }
0x15c: {  	s24 =	simm.s32 @!p2 $0x2300  }
0x15d: {  	[hbm4b:s6+s23] =	stream.indirect_vreg.scatter @!p2 [tilespmem:s24], [sflag:$0x5], $0x80, v40, vm2, $0xb8;
	[tilespmem:$0xF300] =	vst v63  }
0x15e: {  	s24 =	simm.s32 @!p2 $0x2B00  }
0x15f: {  	[hbm4b:s7+s23] =	stream.indirect_vreg.scatter @!p2 [tilespmem:s24], [sflag:$0x5], $0x80, v40, vm2, $0xb8;
	[tilespmem:$0xF300] =	vst v63  }
.LBB2_40:
0x160: {  	p5 =	sgt.u32 s9, $0x3F  }
0x161: {  	s23 =	simm.s32 @!p5 $0x5  }
0x162: {  	_ =	swait.ge @!p5 [sflag:s23], $0x3000  }
0x163: {  	p6 =	sgt.u32 s17, $0x3F;
	[sflag:s23] =	ssyncset.done @!p5 $0x0  }
0x164: {  	[sflag:s23] =	ssyncadd.s32 @!p5 $0xFFFFD000;
	s23 =	simm.s32 @!p6 $0x6  }
0x165: {  	_ =	swait.ge @!p6 [sflag:s23], $0x3000  }
0x166: {  	p5 =	sgt.u32 s18, $0x3F;
	[sflag:s23] =	ssyncset.done @!p6 $0x0  }
0x167: {  	[sflag:s23] =	ssyncadd.s32 @!p6 $0xFFFFD000;
	s23 =	simm.s32 @!p5 $0x7  }
0x168: {  	_ =	swait.ge @!p5 [sflag:s23], $0x3000  }
0x169: {  	p6 =	sgt.u32 s19, $0x3F;
	[sflag:s23] =	ssyncset.done @!p5 $0x0  }
0x16a: {  	[sflag:s23] =	ssyncadd.s32 @!p5 $0xFFFFD000;
	s23 =	simm.s32 @!p6 $0x8  }
0x16b: {  	_ =	swait.ge @!p6 [sflag:s23], $0x3000  }
0x16c: {  	p5 =	sgt.u32 s20, $0x3F;
	[sflag:s23] =	ssyncset.done @!p6 $0x0  }
0x16d: {  	[sflag:s23] =	ssyncadd.s32 @!p6 $0xFFFFD000;
	s23 =	simm.s32 @!p5 $0x5  }
0x16e: {  	_ =	swait.ge @!p5 [sflag:s23], $0x3000  }
0x16f: {  	p6 =	sgt.u32 s21, $0x3F;
	[sflag:s23] =	ssyncset.done @!p5 $0x0  }
0x170: {  	[sflag:s23] =	ssyncadd.s32 @!p5 $0xFFFFD000;
	s23 =	simm.s32 @!p6 $0x6  }
0x171: {  	_ =	swait.ge @!p6 [sflag:s23], $0x3000  }
0x172: {  	p5 =	sgt.u32 s30, $0x3F;
	[sflag:s23] =	ssyncset.done @!p6 $0x0  }
0x173: {  	[sflag:s23] =	ssyncadd.s32 @!p6 $0xFFFFD000;
	s23 =	simm.s32 @!p5 $0x7  }
0x174: {  	_ =	swait.ge @!p5 [sflag:s23], $0x3000  }
0x175: {  	p6 =	sgt.u32 s31, $0x3F;
	[sflag:s23] =	ssyncset.done @!p5 $0x0  }
0x176: {  	[sflag:s23] =	ssyncadd.s32 @!p5 $0xFFFFD000;
	s23 =	simm.s32 @!p6 $0x8  }
0x177: {  	_ =	swait.ge @!p6 [sflag:s23], $0x3000  }
0x178: {  	p5 =	sgt.u32 s0, $0x3F;
	[sflag:s23] =	ssyncset.done @!p6 $0x0  }
0x179: {  	[sflag:s23] =	ssyncadd.s32 @!p6 $0xFFFFD000;
	s23 =	simm.s32 @!p5 $0x5  }
0x17a: {  	_ =	swait.ge @!p5 [sflag:s23], $0x3000  }
0x17b: {  	p6 =	sgt.u32 s4, $0x3F;
	[sflag:s23] =	ssyncset.done @!p5 $0x0  }
0x17c: {  	[sflag:s23] =	ssyncadd.s32 @!p5 $0xFFFFD000;
	s23 =	simm.s32 @!p6 $0x6  }
0x17d: {  	_ =	swait.ge @!p6 [sflag:s23], $0x3000  }
0x17e: {  	p5 =	sgt.u32 s2, $0x3F;
	[sflag:s23] =	ssyncset.done @!p6 $0x0  }
0x17f: {  	[sflag:s23] =	ssyncadd.s32 @!p6 $0xFFFFD000;
	s23 =	simm.s32 @!p5 $0x7  }
0x180: {  	_ =	swait.ge @!p5 [sflag:s23], $0x3000  }
0x181: {  	p6 =	sgt.u32 s12, $0x3F;
	[sflag:s23] =	ssyncset.done @!p5 $0x0  }
0x182: {  	[sflag:s23] =	ssyncadd.s32 @!p5 $0xFFFFD000;
	s23 =	simm.s32 @!p6 $0x8  }
0x183: {  	_ =	swait.ge @!p6 [sflag:s23], $0x3000  }
0x184: {  	p5 =	sgt.u32 s11, $0x3F;
	[sflag:s23] =	ssyncset.done @!p6 $0x0  }
0x185: {  	[sflag:s23] =	ssyncadd.s32 @!p6 $0xFFFFD000;
	s23 =	simm.s32 @!p5 $0x5  }
0x186: {  	_ =	swait.ge @!p5 [sflag:s23], $0x3000  }
0x187: {  	[sflag:s23] =	ssyncset.done @!p5 $0x0  }
0x188: {  	[sflag:s23] =	ssyncadd.s32 @!p5 $0xFFFFD000;
	s23 =	simm.s32 @!p0 $0x9  }
0x189: {  	_ =	swait.ge @!p0 [sflag:s23], $0x3000  }
0x18a: {  	[sflag:s23] =	ssyncset.done @!p0 $0x0  }
0x18b: {  	[sflag:s23] =	ssyncadd.s32 @!p0 $0xFFFFD000;
	s23 =	simm.s32 @p1 $0x9  }
0x18c: {  	_ =	swait.ge @p1 [sflag:s23], $0x3000  }
0x18d: {  	s13 =	sld [smem:$0x7EB];
	_ =	sdelay $0x2  }
0x18e: {  	[sflag:s23] =	ssyncset.done @p1 $0x0;
	p3 =	seq.s32 s13, $0x1  }
0x18f: {  	[sflag:s23] =	ssyncadd.s32 @p1 $0xFFFFD000;
	s23 =	simm.s32 @p3 $0x9  }
0x190: {  	_ =	swait.ge @p3 [sflag:s23], $0x3000  }
0x191: {  	s16 =	sld [smem:$0x7EC];
	_ =	sdelay $0x2  }
0x192: {  	[sflag:s23] =	ssyncset.done @p3 $0x0;
	p2 =	seq.s32 s16, $0x1  }
0x193: {  	[sflag:s23] =	ssyncadd.s32 @p3 $0xFFFFD000;
	s23 =	simm.s32 @p2 $0x9  }
0x194: {  	_ =	swait.ge @p2 [sflag:s23], $0x3000  }
0x195: {  	[sflag:s23] =	ssyncset.done @p2 $0x0  }
0x196: {  	[sflag:s23] =	ssyncadd.s32 @p2 $0xFFFFD000;
	s23 =	sld [smem:$0x7EA];
	_ =	sdelay $0x2  }
0x197: {  	p2 =	seq.s32 s23, $0x1  }
0x198: {  	s23 =	simm.s32 @p2 $0x9  }
0x199: {  	_ =	swait.ge @p2 [sflag:s23], $0x3000  }
0x19a: {  	s24 =	sld [smem:$0x7ED];
	_ =	sdelay $0x2  }
0x19b: {  	[sflag:s23] =	ssyncset.done @p2 $0x0;
	p1 =	seq.s32 s24, $0x1  }
0x19c: {  	[sflag:s23] =	ssyncadd.s32 @p2 $0xFFFFD000;
	s23 =	simm.s32 @p1 $0x9  }
0x19d: {  	_ =	swait.ge @p1 [sflag:s23], $0x3000  }
0x19e: {  	s25 =	sld [smem:$0x7E9];
	_ =	sdelay $0x1  }
0x19f: {  	[sflag:s23] =	ssyncset.done @p1 $0x0  }
0x1a0: {  	[sflag:s23] =	ssyncadd.s32 @p1 $0xFFFFD000;
	p1 =	seq.s32 s25, $0x1  }
0x1a1: {  	s23 =	simm.s32 @p1 $0x9  }
0x1a2: {  	_ =	swait.ge @p1 [sflag:s23], $0x3000  }
0x1a3: {  	s26 =	sld [smem:$0x7EE];
	_ =	sdelay $0x1  }
0x1a4: {  	[sflag:s23] =	ssyncset.done @p1 $0x0  }
0x1a5: {  	[sflag:s23] =	ssyncadd.s32 @p1 $0xFFFFD000;
	p1 =	seq.s32 s26, $0x1  }
0x1a6: {  	s23 =	simm.s32 @p1 $0x9  }
0x1a7: {  	_ =	swait.ge @p1 [sflag:s23], $0x3000  }
0x1a8: {  	s14 =	sld [smem:$0x7E8];
	_ =	sdelay $0x1  }
0x1a9: {  	[sflag:s23] =	ssyncset.done @p1 $0x0  }
0x1aa: {  	[sflag:s23] =	ssyncadd.s32 @p1 $0xFFFFD000;
	p1 =	seq.s32 s14, $0x1  }
0x1ab: {  	s23 =	simm.s32 @p1 $0x9  }
0x1ac: {  	_ =	swait.ge @p1 [sflag:s23], $0x3000  }
0x1ad: {  	s16 =	sld [smem:$0x7EF];
	_ =	sdelay $0x1  }
0x1ae: {  	[sflag:s23] =	ssyncset.done @p1 $0x0  }
0x1af: {  	[sflag:s23] =	ssyncadd.s32 @p1 $0xFFFFD000;
	p1 =	seq.s32 s16, $0x1  }
0x1b0: {  	s23 =	simm.s32 @p1 $0x9  }
0x1b1: {  	_ =	swait.ge @p1 [sflag:s23], $0x3000  }
0x1b2: {  	[sflag:s23] =	ssyncset.done @p1 $0x0  }
0x1b3: {  	[sflag:s23] =	ssyncadd.s32 @p1 $0xFFFFD000;
	s23 =	sld [smem:$0x7E7];
	_ =	sdelay $0x2  }
0x1b4: {  	p1 =	seq.s32 s23, $0x1  }
0x1b5: {  	s23 =	simm.s32 @p1 $0x9  }
0x1b6: {  	_ =	swait.ge @p1 [sflag:s23], $0x3000  }
0x1b7: {  	s24 =	sld [smem:$0x7F1];
	_ =	sdelay $0x1  }
0x1b8: {  	[sflag:s23] =	ssyncset.done @p1 $0x0  }
0x1b9: {  	[sflag:s23] =	ssyncadd.s32 @p1 $0xFFFFD000;
	p1 =	seq.s32 s24, $0x1  }
0x1ba: {  	s23 =	simm.s32 @p1 $0x9  }
0x1bb: {  	_ =	swait.ge @p1 [sflag:s23], $0x3000  }
0x1bc: {  	s25 =	sld [smem:$0x7F0];
	_ =	sdelay $0x1  }
0x1bd: {  	[sflag:s23] =	ssyncset.done @p1 $0x0  }
0x1be: {  	s22 =	sadd.s32 $0x1, s22;
	[sflag:s23] =	ssyncadd.s32 @p1 $0xFFFFD000;
	p1 =	seq.s32 s25, $0x1  }
0x1bf: {  	p5 =	sne.s32 s22, $0x8;
	s23 =	simm.s32 @p1 $0x9  }
.Ltmp3:
0x1c0: {  	_ =	swait.ge @p1 [sflag:s23], $0x3000;
	(pc) =	sbr.rel @!p5 .LBB2_41-.Ltmp3, $3  }
0x1c1: {  	s26 =	sld [smem:$0x7FC];
	_ =	sdelay $0x1  }
0x1c2: {  	[sflag:s23] =	ssyncset.done @p1 $0x0  }
0x1c3: {  	[sflag:s23] =	ssyncadd.s32 @p1 $0xFFFFD000;
	p6 =	seq.s32 s26, $0x1  }
.LBB2_2:
0x1c4: {  	v41 =	vld @!p0 [tilespmem:$0x200];
	_ =	sdelay $0x2  }
0x1c5: {  	s14 =	rddreg [dreg:$0x7]  }
0x1c6: {  	s23 =	sadd.s32 s22, s14  }
0x1c7: {  	v40 =	vmov s23;
	v41 =	vshll.u32 @!p0 v41, $0x8  }
0x1c8: {  	v41 =	vadd.s32 @!p0 v40, v41  }
0x1c9: {  	v41 =	vshrl.u32 @!p0 v41, $0x3  }
0x1ca: {  	v42 =	vmul.u32 @!p0 $0x30, v41  }
0x1cb: {  	v43 =	vlaneseq.u32 @!p0;
	v41 =	vand.u32 @!p0 $0x7, v40  }
0x1cc: {  	v44 =	vand.u32 @!p0 $0x7, v43;
	v45 =	vshrl.u32 @!p0 v43, $0x3;
	v42 =	vor.u32 @!p0 v41, v42  }
0x1cd: {  	v45 =	vmul.u32 @!p0 $0x8, v45;
	v44 =	vperm.xlane @!p0 v42, v44;
	_ =	sdelay $0x1  }
0x1ce: {  	v44 =	vadd.s32 @!p0 v45, v44;
	_ =	sdelay $0x2  }
0x1cf: {  	v43 =	vor.u32 @!p0 $0x8, v43  }
0x1d0: {  	vm2 =	vmmov @!p0 $0xffff;
	s24 =	simm.s32 @!p0 $0xC300;
	s23 =	simm.s32 @!p0 $0x0;
	v42 =	vperm.xlane @!p0 v42, v43  }
0x1d1: {  	[hbm4b:s3+s23] =	stream.indirect_vreg.scatter @!p0 [tilespmem:s24], [sflag:$0x9], $0x80, v44, vm2, $0xb8;
	[tilespmem:$0xF300] =	vst v63  }
0x1d2: {  	v42 =	vadd.s32 @!p0 v45, v42;
	s24 =	simm.s32 @!p0 $0xCB00  }
0x1d3: {  	[hbm4b:s6+s23] =	stream.indirect_vreg.scatter @!p0 [tilespmem:s24], [sflag:$0x9], $0x80, v44, vm2, $0xb8;
	[tilespmem:$0xF300] =	vst v63  }
0x1d4: {  	s24 =	simm.s32 @!p0 $0xD300  }
0x1d5: {  	[hbm4b:s7+s23] =	stream.indirect_vreg.scatter @!p0 [tilespmem:s24], [sflag:$0x9], $0x80, v44, vm2, $0xb8;
	[tilespmem:$0xF300] =	vst v63  }
0x1d6: {  	s24 =	simm.s32 @!p0 $0xDB00  }
0x1d7: {  	[hbm4b:s3+s23] =	stream.indirect_vreg.scatter @!p0 [tilespmem:s24], [sflag:$0x9], $0x80, v42, vm2, $0xb8;
	[tilespmem:$0xF300] =	vst v63  }
0x1d8: {  	s24 =	simm.s32 @!p0 $0xE300  }
0x1d9: {  	[hbm4b:s6+s23] =	stream.indirect_vreg.scatter @!p0 [tilespmem:s24], [sflag:$0x9], $0x80, v42, vm2, $0xb8;
	[tilespmem:$0xF300] =	vst v63  }
0x1da: {  	s24 =	simm.s32 @!p0 $0xEB00  }
0x1db: {  	[hbm4b:s7+s23] =	stream.indirect_vreg.scatter @!p0 [tilespmem:s24], [sflag:$0x9], $0x80, v42, vm2, $0xb8;
	[tilespmem:$0xF300] =	vst v63  }
0x1dc: {  	v42 =	vld @!p6 [tilespmem:$0x210];
	_ =	sdelay $0x4  }
0x1dd: {  	v42 =	vshll.u32 @!p6 v42, $0x8  }
0x1de: {  	v42 =	vadd.s32 @!p6 v40, v42  }
0x1df: {  	v42 =	vshrl.u32 @!p6 v42, $0x3  }
0x1e0: {  	v42 =	vmul.u32 @!p6 $0x30, v42  }
0x1e1: {  	v43 =	vlaneseq.u32 @!p6  }
0x1e2: {  	v45 =	vshrl.u32 @!p6 v43, $0x3;
	v44 =	vand.u32 @!p6 $0x7, v43;
	v42 =	vor.u32 @!p6 v41, v42  }
0x1e3: {  	v45 =	vmul.u32 @!p6 $0x8, v45;
	v44 =	vperm.xlane @!p6 v42, v44;
	_ =	sdelay $0x1  }
0x1e4: {  	v44 =	vadd.s32 @!p6 v45, v44;
	_ =	sdelay $0x2  }
0x1e5: {  	v43 =	vor.u32 @!p6 $0x8, v43  }
0x1e6: {  	vm2 =	vmmov @!p6 $0xffff;
	s23 =	simm.s32 @!p6 $0x0;
	s24 =	simm.s32 @!p6 $0xC300;
	v42 =	vperm.xlane @!p6 v42, v43  }
0x1e7: {  	[hbm4b:s3+s23] =	stream.indirect_vreg.scatter @!p6 [tilespmem:s24], [sflag:$0x9], $0x80, v44, vm2, $0xb8;
	[tilespmem:$0xF300] =	vst v63  }
0x1e8: {  	v42 =	vadd.s32 @!p6 v45, v42;
	s24 =	simm.s32 @!p6 $0xCB00  }
0x1e9: {  	[hbm4b:s6+s23] =	stream.indirect_vreg.scatter @!p6 [tilespmem:s24], [sflag:$0x9], $0x80, v44, vm2, $0xb8;
	[tilespmem:$0xF300] =	vst v63  }
0x1ea: {  	s24 =	simm.s32 @!p6 $0xD300  }
0x1eb: {  	[hbm4b:s7+s23] =	stream.indirect_vreg.scatter @!p6 [tilespmem:s24], [sflag:$0x9], $0x80, v44, vm2, $0xb8;
	[tilespmem:$0xF300] =	vst v63  }
0x1ec: {  	s13 =	sld [smem:$0x7F2];
	s24 =	simm.s32 @!p6 $0xDB00  }
0x1ed: {  	[hbm4b:s3+s23] =	stream.indirect_vreg.scatter @!p6 [tilespmem:s24], [sflag:$0x9], $0x80, v42, vm2, $0xb8;
	[tilespmem:$0xF300] =	vst v63  }
0x1ee: {  	s24 =	simm.s32 @!p6 $0xE300  }
0x1ef: {  	[hbm4b:s6+s23] =	stream.indirect_vreg.scatter @!p6 [tilespmem:s24], [sflag:$0x9], $0x80, v42, vm2, $0xb8;
	[tilespmem:$0xF300] =	vst v63  }
0x1f0: {  	p1 =	seq.s32 s13, $0x1;
	s24 =	simm.s32 @!p6 $0xEB00  }
0x1f1: {  	[hbm4b:s7+s23] =	stream.indirect_vreg.scatter @!p6 [tilespmem:s24], [sflag:$0x9], $0x80, v42, vm2, $0xb8;
	[tilespmem:$0xF300] =	vst v63  }
0x1f2: {  	v42 =	vld @!p1 [tilespmem:$0x220];
	_ =	sdelay $0x4  }
0x1f3: {  	v42 =	vshll.u32 @!p1 v42, $0x8  }
0x1f4: {  	v42 =	vadd.s32 @!p1 v40, v42  }
0x1f5: {  	v42 =	vshrl.u32 @!p1 v42, $0x3  }
0x1f6: {  	v42 =	vmul.u32 @!p1 $0x30, v42  }
0x1f7: {  	v43 =	vlaneseq.u32 @!p1  }
0x1f8: {  	v45 =	vshrl.u32 @!p1 v43, $0x3;
	v44 =	vand.u32 @!p1 $0x7, v43;
	v42 =	vor.u32 @!p1 v41, v42  }
0x1f9: {  	v45 =	vmul.u32 @!p1 $0x8, v45;
	v44 =	vperm.xlane @!p1 v42, v44;
	_ =	sdelay $0x1  }
0x1fa: {  	v44 =	vadd.s32 @!p1 v45, v44;
	_ =	sdelay $0x2  }
0x1fb: {  	v43 =	vor.u32 @!p1 $0x8, v43  }
0x1fc: {  	vm2 =	vmmov @!p1 $0xffff;
	s23 =	simm.s32 @!p1 $0x0;
	s24 =	simm.s32 @!p1 $0xC300;
	v42 =	vperm.xlane @!p1 v42, v43  }
0x1fd: {  	[hbm4b:s3+s23] =	stream.indirect_vreg.scatter @!p1 [tilespmem:s24], [sflag:$0x9], $0x80, v44, vm2, $0xb8;
	[tilespmem:$0xF300] =	vst v63  }
0x1fe: {  	v42 =	vadd.s32 @!p1 v45, v42;
	s24 =	simm.s32 @!p1 $0xCB00  }
0x1ff: {  	[hbm4b:s6+s23] =	stream.indirect_vreg.scatter @!p1 [tilespmem:s24], [sflag:$0x9], $0x80, v44, vm2, $0xb8;
	[tilespmem:$0xF300] =	vst v63  }
0x200: {  	s24 =	simm.s32 @!p1 $0xD300  }
0x201: {  	[hbm4b:s7+s23] =	stream.indirect_vreg.scatter @!p1 [tilespmem:s24], [sflag:$0x9], $0x80, v44, vm2, $0xb8;
	[tilespmem:$0xF300] =	vst v63  }
0x202: {  	s24 =	simm.s32 @!p1 $0xDB00  }
0x203: {  	[hbm4b:s3+s23] =	stream.indirect_vreg.scatter @!p1 [tilespmem:s24], [sflag:$0x9], $0x80, v42, vm2, $0xb8;
	[tilespmem:$0xF300] =	vst v63  }
0x204: {  	s24 =	simm.s32 @!p1 $0xE300  }
0x205: {  	[hbm4b:s6+s23] =	stream.indirect_vreg.scatter @!p1 [tilespmem:s24], [sflag:$0x9], $0x80, v42, vm2, $0xb8;
	[tilespmem:$0xF300] =	vst v63  }
0x206: {  	s24 =	simm.s32 @!p1 $0xEB00  }
0x207: {  	[hbm4b:s7+s23] =	stream.indirect_vreg.scatter @!p1 [tilespmem:s24], [sflag:$0x9], $0x80, v42, vm2, $0xb8;
	[tilespmem:$0xF300] =	vst v63  }
0x208: {  	s24 =	sld [smem:$0x7F3];
	_ =	sdelay $0x2  }
0x209: {  	p0 =	seq.s32 s24, $0x1  }
0x20a: {  	v42 =	vld @!p0 [tilespmem:$0x230];
	_ =	sdelay $0x4  }
0x20b: {  	v42 =	vshll.u32 @!p0 v42, $0x8  }
0x20c: {  	v42 =	vadd.s32 @!p0 v40, v42  }
0x20d: {  	v42 =	vshrl.u32 @!p0 v42, $0x3  }
0x20e: {  	v42 =	vmul.u32 @!p0 $0x30, v42  }
0x20f: {  	v43 =	vlaneseq.u32 @!p0  }
0x210: {  	v44 =	vand.u32 @!p0 $0x7, v43;
	v45 =	vshrl.u32 @!p0 v43, $0x3;
	v42 =	vor.u32 @!p0 v41, v42  }
0x211: {  	v45 =	vmul.u32 @!p0 $0x8, v45;
	v44 =	vperm.xlane @!p0 v42, v44;
	_ =	sdelay $0x1  }
0x212: {  	v44 =	vadd.s32 @!p0 v45, v44;
	_ =	sdelay $0x2  }
0x213: {  	v43 =	vor.u32 @!p0 $0x8, v43  }
0x214: {  	vm2 =	vmmov @!p0 $0xffff;
	s23 =	simm.s32 @!p0 $0x0;
	s24 =	simm.s32 @!p0 $0xC300;
	v42 =	vperm.xlane @!p0 v42, v43  }
0x215: {  	[hbm4b:s3+s23] =	stream.indirect_vreg.scatter @!p0 [tilespmem:s24], [sflag:$0x9], $0x80, v44, vm2, $0xb8;
	[tilespmem:$0xF300] =	vst v63  }
0x216: {  	v42 =	vadd.s32 @!p0 v45, v42;
	s24 =	simm.s32 @!p0 $0xCB00  }
0x217: {  	[hbm4b:s6+s23] =	stream.indirect_vreg.scatter @!p0 [tilespmem:s24], [sflag:$0x9], $0x80, v44, vm2, $0xb8;
	[tilespmem:$0xF300] =	vst v63  }
0x218: {  	s24 =	simm.s32 @!p0 $0xD300  }
0x219: {  	[hbm4b:s7+s23] =	stream.indirect_vreg.scatter @!p0 [tilespmem:s24], [sflag:$0x9], $0x80, v44, vm2, $0xb8;
	[tilespmem:$0xF300] =	vst v63  }
0x21a: {  	s26 =	sld [smem:$0x7F4];
	s24 =	simm.s32 @!p0 $0xDB00  }
0x21b: {  	[hbm4b:s3+s23] =	stream.indirect_vreg.scatter @!p0 [tilespmem:s24], [sflag:$0x9], $0x80, v42, vm2, $0xb8;
	[tilespmem:$0xF300] =	vst v63  }
0x21c: {  	s24 =	simm.s32 @!p0 $0xE300  }
0x21d: {  	[hbm4b:s6+s23] =	stream.indirect_vreg.scatter @!p0 [tilespmem:s24], [sflag:$0x9], $0x80, v42, vm2, $0xb8;
	[tilespmem:$0xF300] =	vst v63  }
0x21e: {  	p1 =	seq.s32 s26, $0x1;
	s24 =	simm.s32 @!p0 $0xEB00  }
0x21f: {  	[hbm4b:s7+s23] =	stream.indirect_vreg.scatter @!p0 [tilespmem:s24], [sflag:$0x9], $0x80, v42, vm2, $0xb8;
	[tilespmem:$0xF300] =	vst v63  }
0x220: {  	v42 =	vld @!p1 [tilespmem:$0x240];
	_ =	sdelay $0x4  }
0x221: {  	v42 =	vshll.u32 @!p1 v42, $0x8  }
0x222: {  	v42 =	vadd.s32 @!p1 v40, v42  }
0x223: {  	v42 =	vshrl.u32 @!p1 v42, $0x3  }
0x224: {  	v42 =	vmul.u32 @!p1 $0x30, v42  }
0x225: {  	v43 =	vlaneseq.u32 @!p1  }
0x226: {  	v45 =	vshrl.u32 @!p1 v43, $0x3;
	v44 =	vand.u32 @!p1 $0x7, v43;
	v42 =	vor.u32 @!p1 v41, v42  }
0x227: {  	v45 =	vmul.u32 @!p1 $0x8, v45;
	v44 =	vperm.xlane @!p1 v42, v44;
	_ =	sdelay $0x1  }
0x228: {  	v44 =	vadd.s32 @!p1 v45, v44;
	_ =	sdelay $0x2  }
0x229: {  	v43 =	vor.u32 @!p1 $0x8, v43  }
0x22a: {  	vm2 =	vmmov @!p1 $0xffff;
	s23 =	simm.s32 @!p1 $0x0;
	s24 =	simm.s32 @!p1 $0xC300;
	v42 =	vperm.xlane @!p1 v42, v43  }
0x22b: {  	[hbm4b:s3+s23] =	stream.indirect_vreg.scatter @!p1 [tilespmem:s24], [sflag:$0x9], $0x80, v44, vm2, $0xb8;
	[tilespmem:$0xF300] =	vst v63  }
0x22c: {  	v42 =	vadd.s32 @!p1 v45, v42;
	s24 =	simm.s32 @!p1 $0xCB00  }
0x22d: {  	[hbm4b:s6+s23] =	stream.indirect_vreg.scatter @!p1 [tilespmem:s24], [sflag:$0x9], $0x80, v44, vm2, $0xb8;
	[tilespmem:$0xF300] =	vst v63  }
0x22e: {  	s24 =	simm.s32 @!p1 $0xD300  }
0x22f: {  	[hbm4b:s7+s23] =	stream.indirect_vreg.scatter @!p1 [tilespmem:s24], [sflag:$0x9], $0x80, v44, vm2, $0xb8;
	[tilespmem:$0xF300] =	vst v63  }
0x230: {  	s16 =	sld [smem:$0x7F5];
	s24 =	simm.s32 @!p1 $0xDB00  }
0x231: {  	[hbm4b:s3+s23] =	stream.indirect_vreg.scatter @!p1 [tilespmem:s24], [sflag:$0x9], $0x80, v42, vm2, $0xb8;
	[tilespmem:$0xF300] =	vst v63  }
0x232: {  	s24 =	simm.s32 @!p1 $0xE300  }
0x233: {  	[hbm4b:s6+s23] =	stream.indirect_vreg.scatter @!p1 [tilespmem:s24], [sflag:$0x9], $0x80, v42, vm2, $0xb8;
	[tilespmem:$0xF300] =	vst v63  }
0x234: {  	p2 =	seq.s32 s16, $0x1;
	s24 =	simm.s32 @!p1 $0xEB00  }
0x235: {  	[hbm4b:s7+s23] =	stream.indirect_vreg.scatter @!p1 [tilespmem:s24], [sflag:$0x9], $0x80, v42, vm2, $0xb8;
	[tilespmem:$0xF300] =	vst v63  }
0x236: {  	v42 =	vld @!p2 [tilespmem:$0x250];
	_ =	sdelay $0x4  }
0x237: {  	v42 =	vshll.u32 @!p2 v42, $0x8  }
0x238: {  	v42 =	vadd.s32 @!p2 v40, v42  }
0x239: {  	v42 =	vshrl.u32 @!p2 v42, $0x3  }
0x23a: {  	v42 =	vmul.u32 @!p2 $0x30, v42  }
0x23b: {  	v43 =	vlaneseq.u32 @!p2  }
0x23c: {  	v45 =	vshrl.u32 @!p2 v43, $0x3;
	v44 =	vand.u32 @!p2 $0x7, v43;
	v42 =	vor.u32 @!p2 v41, v42  }
0x23d: {  	v45 =	vmul.u32 @!p2 $0x8, v45;
	v44 =	vperm.xlane @!p2 v42, v44;
	_ =	sdelay $0x1  }
0x23e: {  	v44 =	vadd.s32 @!p2 v45, v44;
	_ =	sdelay $0x2  }
0x23f: {  	v43 =	vor.u32 @!p2 $0x8, v43  }
0x240: {  	vm2 =	vmmov @!p2 $0xffff;
	s23 =	simm.s32 @!p2 $0x0;
	s24 =	simm.s32 @!p2 $0xC300;
	v42 =	vperm.xlane @!p2 v42, v43  }
0x241: {  	[hbm4b:s3+s23] =	stream.indirect_vreg.scatter @!p2 [tilespmem:s24], [sflag:$0x9], $0x80, v44, vm2, $0xb8;
	[tilespmem:$0xF300] =	vst v63  }
0x242: {  	v42 =	vadd.s32 @!p2 v45, v42;
	s24 =	simm.s32 @!p2 $0xCB00  }
0x243: {  	[hbm4b:s6+s23] =	stream.indirect_vreg.scatter @!p2 [tilespmem:s24], [sflag:$0x9], $0x80, v44, vm2, $0xb8;
	[tilespmem:$0xF300] =	vst v63  }
0x244: {  	s24 =	simm.s32 @!p2 $0xD300  }
0x245: {  	[hbm4b:s7+s23] =	stream.indirect_vreg.scatter @!p2 [tilespmem:s24], [sflag:$0x9], $0x80, v44, vm2, $0xb8;
	[tilespmem:$0xF300] =	vst v63  }
0x246: {  	s25 =	sld [smem:$0x7F6];
	s24 =	simm.s32 @!p2 $0xDB00  }
0x247: {  	[hbm4b:s3+s23] =	stream.indirect_vreg.scatter @!p2 [tilespmem:s24], [sflag:$0x9], $0x80, v42, vm2, $0xb8;
	[tilespmem:$0xF300] =	vst v63  }
0x248: {  	s24 =	simm.s32 @!p2 $0xE300  }
0x249: {  	[hbm4b:s6+s23] =	stream.indirect_vreg.scatter @!p2 [tilespmem:s24], [sflag:$0x9], $0x80, v42, vm2, $0xb8;
	[tilespmem:$0xF300] =	vst v63  }
0x24a: {  	p0 =	seq.s32 s25, $0x1;
	s24 =	simm.s32 @!p2 $0xEB00  }
0x24b: {  	[hbm4b:s7+s23] =	stream.indirect_vreg.scatter @!p2 [tilespmem:s24], [sflag:$0x9], $0x80, v42, vm2, $0xb8;
	[tilespmem:$0xF300] =	vst v63  }
0x24c: {  	v42 =	vld @!p0 [tilespmem:$0x260];
	_ =	sdelay $0x4  }
0x24d: {  	v42 =	vshll.u32 @!p0 v42, $0x8  }
0x24e: {  	v42 =	vadd.s32 @!p0 v40, v42  }
0x24f: {  	v42 =	vshrl.u32 @!p0 v42, $0x3  }
0x250: {  	v42 =	vmul.u32 @!p0 $0x30, v42  }
0x251: {  	v43 =	vlaneseq.u32 @!p0  }
0x252: {  	v45 =	vshrl.u32 @!p0 v43, $0x3;
	v44 =	vand.u32 @!p0 $0x7, v43;
	v42 =	vor.u32 @!p0 v41, v42  }
0x253: {  	v45 =	vmul.u32 @!p0 $0x8, v45;
	v44 =	vperm.xlane @!p0 v42, v44;
	_ =	sdelay $0x1  }
0x254: {  	v44 =	vadd.s32 @!p0 v45, v44;
	_ =	sdelay $0x2  }
0x255: {  	v43 =	vor.u32 @!p0 $0x8, v43  }
0x256: {  	vm2 =	vmmov @!p0 $0xffff;
	s23 =	simm.s32 @!p0 $0x0;
	s24 =	simm.s32 @!p0 $0xC300;
	v42 =	vperm.xlane @!p0 v42, v43  }
0x257: {  	[hbm4b:s3+s23] =	stream.indirect_vreg.scatter @!p0 [tilespmem:s24], [sflag:$0x9], $0x80, v44, vm2, $0xb8;
	[tilespmem:$0xF300] =	vst v63  }
0x258: {  	v42 =	vadd.s32 @!p0 v45, v42;
	s24 =	simm.s32 @!p0 $0xCB00  }
0x259: {  	[hbm4b:s6+s23] =	stream.indirect_vreg.scatter @!p0 [tilespmem:s24], [sflag:$0x9], $0x80, v44, vm2, $0xb8;
	[tilespmem:$0xF300] =	vst v63  }
0x25a: {  	s24 =	simm.s32 @!p0 $0xD300  }
0x25b: {  	[hbm4b:s7+s23] =	stream.indirect_vreg.scatter @!p0 [tilespmem:s24], [sflag:$0x9], $0x80, v44, vm2, $0xb8;
	[tilespmem:$0xF300] =	vst v63  }
0x25c: {  	s14 =	sld [smem:$0x7F7];
	s24 =	simm.s32 @!p0 $0xDB00  }
0x25d: {  	[hbm4b:s3+s23] =	stream.indirect_vreg.scatter @!p0 [tilespmem:s24], [sflag:$0x9], $0x80, v42, vm2, $0xb8;
	[tilespmem:$0xF300] =	vst v63  }
0x25e: {  	s24 =	simm.s32 @!p0 $0xE300  }
0x25f: {  	[hbm4b:s6+s23] =	stream.indirect_vreg.scatter @!p0 [tilespmem:s24], [sflag:$0x9], $0x80, v42, vm2, $0xb8;
	[tilespmem:$0xF300] =	vst v63  }
0x260: {  	p3 =	seq.s32 s14, $0x1;
	s24 =	simm.s32 @!p0 $0xEB00  }
0x261: {  	[hbm4b:s7+s23] =	stream.indirect_vreg.scatter @!p0 [tilespmem:s24], [sflag:$0x9], $0x80, v42, vm2, $0xb8;
	[tilespmem:$0xF300] =	vst v63  }
0x262: {  	v42 =	vld @!p3 [tilespmem:$0x270];
	_ =	sdelay $0x4  }
0x263: {  	v42 =	vshll.u32 @!p3 v42, $0x8  }
0x264: {  	v42 =	vadd.s32 @!p3 v40, v42  }
0x265: {  	v42 =	vshrl.u32 @!p3 v42, $0x3  }
0x266: {  	v42 =	vmul.u32 @!p3 $0x30, v42  }
0x267: {  	v43 =	vlaneseq.u32 @!p3  }
0x268: {  	v45 =	vshrl.u32 @!p3 v43, $0x3;
	v44 =	vand.u32 @!p3 $0x7, v43;
	v42 =	vor.u32 @!p3 v41, v42  }
0x269: {  	v45 =	vmul.u32 @!p3 $0x8, v45;
	v44 =	vperm.xlane @!p3 v42, v44;
	_ =	sdelay $0x1  }
0x26a: {  	v44 =	vadd.s32 @!p3 v45, v44;
	_ =	sdelay $0x2  }
0x26b: {  	v43 =	vor.u32 @!p3 $0x8, v43  }
0x26c: {  	vm2 =	vmmov @!p3 $0xffff;
	s23 =	simm.s32 @!p3 $0x0;
	s24 =	simm.s32 @!p3 $0xC300;
	v42 =	vperm.xlane @!p3 v42, v43  }
0x26d: {  	[hbm4b:s3+s23] =	stream.indirect_vreg.scatter @!p3 [tilespmem:s24], [sflag:$0x9], $0x80, v44, vm2, $0xb8;
	[tilespmem:$0xF300] =	vst v63  }
0x26e: {  	v42 =	vadd.s32 @!p3 v45, v42;
	s24 =	simm.s32 @!p3 $0xCB00  }
0x26f: {  	[hbm4b:s6+s23] =	stream.indirect_vreg.scatter @!p3 [tilespmem:s24], [sflag:$0x9], $0x80, v44, vm2, $0xb8;
	[tilespmem:$0xF300] =	vst v63  }
0x270: {  	s24 =	simm.s32 @!p3 $0xD300  }
0x271: {  	[hbm4b:s7+s23] =	stream.indirect_vreg.scatter @!p3 [tilespmem:s24], [sflag:$0x9], $0x80, v44, vm2, $0xb8;
	[tilespmem:$0xF300] =	vst v63  }
0x272: {  	s24 =	simm.s32 @!p3 $0xDB00  }
0x273: {  	[hbm4b:s3+s23] =	stream.indirect_vreg.scatter @!p3 [tilespmem:s24], [sflag:$0x9], $0x80, v42, vm2, $0xb8;
	[tilespmem:$0xF300] =	vst v63  }
0x274: {  	s24 =	simm.s32 @!p3 $0xE300  }
0x275: {  	[hbm4b:s6+s23] =	stream.indirect_vreg.scatter @!p3 [tilespmem:s24], [sflag:$0x9], $0x80, v42, vm2, $0xb8;
	[tilespmem:$0xF300] =	vst v63  }
0x276: {  	s24 =	simm.s32 @!p3 $0xEB00  }
0x277: {  	[hbm4b:s7+s23] =	stream.indirect_vreg.scatter @!p3 [tilespmem:s24], [sflag:$0x9], $0x80, v42, vm2, $0xb8;
	[tilespmem:$0xF300] =	vst v63  }
0x278: {  	s24 =	sld [smem:$0x7F8];
	_ =	sdelay $0x2  }
0x279: {  	p3 =	seq.s32 s24, $0x1  }
0x27a: {  	v42 =	vld @!p3 [tilespmem:$0x280];
	_ =	sdelay $0x4  }
0x27b: {  	v42 =	vshll.u32 @!p3 v42, $0x8  }
0x27c: {  	v42 =	vadd.s32 @!p3 v40, v42  }
0x27d: {  	v42 =	vshrl.u32 @!p3 v42, $0x3  }
0x27e: {  	v42 =	vmul.u32 @!p3 $0x30, v42  }
0x27f: {  	v43 =	vlaneseq.u32 @!p3  }
0x280: {  	v44 =	vand.u32 @!p3 $0x7, v43;
	v45 =	vshrl.u32 @!p3 v43, $0x3;
	v42 =	vor.u32 @!p3 v41, v42  }
0x281: {  	v45 =	vmul.u32 @!p3 $0x8, v45;
	v44 =	vperm.xlane @!p3 v42, v44;
	_ =	sdelay $0x1  }
0x282: {  	v44 =	vadd.s32 @!p3 v45, v44  }
0x283: {  	s23 =	sld [smem:$0x7F9];
	_ =	sdelay $0x1  }
0x284: {  	v43 =	vor.u32 @!p3 $0x8, v43  }
0x285: {  	p4 =	seq.s32 s23, $0x1;
	vm2 =	vmmov @!p3 $0xffff;
	s23 =	simm.s32 @!p3 $0x0;
	s24 =	simm.s32 @!p3 $0xC300;
	v42 =	vperm.xlane @!p3 v42, v43  }
0x286: {  	[hbm4b:s3+s23] =	stream.indirect_vreg.scatter @!p3 [tilespmem:s24], [sflag:$0x9], $0x80, v44, vm2, $0xb8;
	[tilespmem:$0xF300] =	vst v63  }
0x287: {  	v42 =	vadd.s32 @!p3 v45, v42;
	s24 =	simm.s32 @!p3 $0xCB00  }
0x288: {  	[hbm4b:s6+s23] =	stream.indirect_vreg.scatter @!p3 [tilespmem:s24], [sflag:$0x9], $0x80, v44, vm2, $0xb8;
	[tilespmem:$0xF300] =	vst v63  }
0x289: {  	s24 =	simm.s32 @!p3 $0xD300  }
0x28a: {  	[hbm4b:s7+s23] =	stream.indirect_vreg.scatter @!p3 [tilespmem:s24], [sflag:$0x9], $0x80, v44, vm2, $0xb8;
	[tilespmem:$0xF300] =	vst v63  }
0x28b: {  	s24 =	simm.s32 @!p3 $0xDB00  }
0x28c: {  	[hbm4b:s3+s23] =	stream.indirect_vreg.scatter @!p3 [tilespmem:s24], [sflag:$0x9], $0x80, v42, vm2, $0xb8;
	[tilespmem:$0xF300] =	vst v63  }
0x28d: {  	s24 =	simm.s32 @!p3 $0xE300  }
0x28e: {  	[hbm4b:s6+s23] =	stream.indirect_vreg.scatter @!p3 [tilespmem:s24], [sflag:$0x9], $0x80, v42, vm2, $0xb8;
	[tilespmem:$0xF300] =	vst v63  }
0x28f: {  	s24 =	simm.s32 @!p3 $0xEB00  }
0x290: {  	[hbm4b:s7+s23] =	stream.indirect_vreg.scatter @!p3 [tilespmem:s24], [sflag:$0x9], $0x80, v42, vm2, $0xb8;
	[tilespmem:$0xF300] =	vst v63  }
0x291: {  	v42 =	vld @!p4 [tilespmem:$0x290];
	_ =	sdelay $0x4  }
0x292: {  	v42 =	vshll.u32 @!p4 v42, $0x8  }
0x293: {  	v42 =	vadd.s32 @!p4 v40, v42  }
0x294: {  	v42 =	vshrl.u32 @!p4 v42, $0x3  }
0x295: {  	v42 =	vmul.u32 @!p4 $0x30, v42  }
0x296: {  	v43 =	vlaneseq.u32 @!p4  }
0x297: {  	v45 =	vshrl.u32 @!p4 v43, $0x3;
	v44 =	vand.u32 @!p4 $0x7, v43;
	v42 =	vor.u32 @!p4 v41, v42  }
0x298: {  	v45 =	vmul.u32 @!p4 $0x8, v45;
	v44 =	vperm.xlane @!p4 v42, v44;
	_ =	sdelay $0x1  }
0x299: {  	v44 =	vadd.s32 @!p4 v45, v44;
	_ =	sdelay $0x2  }
0x29a: {  	v43 =	vor.u32 @!p4 $0x8, v43  }
0x29b: {  	vm2 =	vmmov @!p4 $0xffff;
	s23 =	simm.s32 @!p4 $0x0;
	s24 =	simm.s32 @!p4 $0xC300;
	v42 =	vperm.xlane @!p4 v42, v43  }
0x29c: {  	[hbm4b:s3+s23] =	stream.indirect_vreg.scatter @!p4 [tilespmem:s24], [sflag:$0x9], $0x80, v44, vm2, $0xb8;
	[tilespmem:$0xF300] =	vst v63  }
0x29d: {  	v42 =	vadd.s32 @!p4 v45, v42;
	s24 =	simm.s32 @!p4 $0xCB00  }
0x29e: {  	[hbm4b:s6+s23] =	stream.indirect_vreg.scatter @!p4 [tilespmem:s24], [sflag:$0x9], $0x80, v44, vm2, $0xb8;
	[tilespmem:$0xF300] =	vst v63  }
0x29f: {  	s24 =	simm.s32 @!p4 $0xD300  }
0x2a0: {  	[hbm4b:s7+s23] =	stream.indirect_vreg.scatter @!p4 [tilespmem:s24], [sflag:$0x9], $0x80, v44, vm2, $0xb8;
	[tilespmem:$0xF300] =	vst v63  }
0x2a1: {  	s25 =	sld [smem:$0x7FA];
	s24 =	simm.s32 @!p4 $0xDB00  }
0x2a2: {  	[hbm4b:s3+s23] =	stream.indirect_vreg.scatter @!p4 [tilespmem:s24], [sflag:$0x9], $0x80, v42, vm2, $0xb8;
	[tilespmem:$0xF300] =	vst v63  }
0x2a3: {  	s24 =	simm.s32 @!p4 $0xE300  }
0x2a4: {  	[hbm4b:s6+s23] =	stream.indirect_vreg.scatter @!p4 [tilespmem:s24], [sflag:$0x9], $0x80, v42, vm2, $0xb8;
	[tilespmem:$0xF300] =	vst v63  }
0x2a5: {  	p0 =	seq.s32 s25, $0x1;
	s24 =	simm.s32 @!p4 $0xEB00  }
0x2a6: {  	[hbm4b:s7+s23] =	stream.indirect_vreg.scatter @!p4 [tilespmem:s24], [sflag:$0x9], $0x80, v42, vm2, $0xb8;
	[tilespmem:$0xF300] =	vst v63  }
0x2a7: {  	v42 =	vld @!p0 [tilespmem:$0x2A0];
	_ =	sdelay $0x4  }
0x2a8: {  	v42 =	vshll.u32 @!p0 v42, $0x8  }
0x2a9: {  	v42 =	vadd.s32 @!p0 v40, v42  }
0x2aa: {  	v42 =	vshrl.u32 @!p0 v42, $0x3  }
0x2ab: {  	v42 =	vmul.u32 @!p0 $0x30, v42  }
0x2ac: {  	v43 =	vlaneseq.u32 @!p0  }
0x2ad: {  	v45 =	vshrl.u32 @!p0 v43, $0x3;
	v44 =	vand.u32 @!p0 $0x7, v43;
	v42 =	vor.u32 @!p0 v41, v42  }
0x2ae: {  	v45 =	vmul.u32 @!p0 $0x8, v45;
	v44 =	vperm.xlane @!p0 v42, v44;
	_ =	sdelay $0x1  }
0x2af: {  	v44 =	vadd.s32 @!p0 v45, v44;
	_ =	sdelay $0x2  }
0x2b0: {  	v43 =	vor.u32 @!p0 $0x8, v43  }
0x2b1: {  	vm2 =	vmmov @!p0 $0xffff;
	s23 =	simm.s32 @!p0 $0x0;
	s24 =	simm.s32 @!p0 $0xC300;
	v42 =	vperm.xlane @!p0 v42, v43  }
0x2b2: {  	[hbm4b:s3+s23] =	stream.indirect_vreg.scatter @!p0 [tilespmem:s24], [sflag:$0x9], $0x80, v44, vm2, $0xb8;
	[tilespmem:$0xF300] =	vst v63  }
0x2b3: {  	s26 =	sld [smem:$0x7FB];
	v42 =	vadd.s32 @!p0 v45, v42;
	s24 =	simm.s32 @!p0 $0xCB00  }
0x2b4: {  	[hbm4b:s6+s23] =	stream.indirect_vreg.scatter @!p0 [tilespmem:s24], [sflag:$0x9], $0x80, v44, vm2, $0xb8;
	[tilespmem:$0xF300] =	vst v63  }
0x2b5: {  	s24 =	simm.s32 @!p0 $0xD300  }
0x2b6: {  	[hbm4b:s7+s23] =	stream.indirect_vreg.scatter @!p0 [tilespmem:s24], [sflag:$0x9], $0x80, v44, vm2, $0xb8;
	[tilespmem:$0xF300] =	vst v63  }
0x2b7: {  	p6 =	seq.s32 s26, $0x1;
	s24 =	simm.s32 @!p0 $0xDB00  }
0x2b8: {  	[hbm4b:s3+s23] =	stream.indirect_vreg.scatter @!p0 [tilespmem:s24], [sflag:$0x9], $0x80, v42, vm2, $0xb8;
	[tilespmem:$0xF300] =	vst v63  }
.Ltmp4:
0x2b9: {  	_ = 	snop;
	(pc) =	sbr.rel @p6 .LBB2_3-.Ltmp4, $4  }
0x2ba: {  	s24 =	simm.s32 @!p0 $0xE300  }
0x2bb: {  	[hbm4b:s6+s23] =	stream.indirect_vreg.scatter @!p0 [tilespmem:s24], [sflag:$0x9], $0x80, v42, vm2, $0xb8;
	[tilespmem:$0xF300] =	vst v63  }
0x2bc: {  	s24 =	simm.s32 @!p0 $0xEB00  }
0x2bd: {  	[hbm4b:s7+s23] =	stream.indirect_vreg.scatter @!p0 [tilespmem:s24], [sflag:$0x9], $0x80, v42, vm2, $0xb8;
	[tilespmem:$0xF300] =	vst v63  }
0x2be: {  	v42 =	vld [tilespmem:$0x2B0];
	_ =	sdelay $0x4  }
0x2bf: {  	v42 =	vshll.u32 v42, $0x8  }
0x2c0: {  	v42 =	vadd.s32 v40, v42  }
0x2c1: {  	v42 =	vshrl.u32 v42, $0x3  }
0x2c2: {  	v42 =	vmul.u32 $0x30, v42;
	_ =	sdelay $0x1  }
0x2c3: {  	v43 =	vand.u32 $0x7, v0;
	v44 =	vshrl.u32 v0, $0x3;
	v42 =	vor.u32 v41, v42  }
0x2c4: {  	v44 =	vmul.u32 $0x8, v44;
	v43 =	vperm.xlane v42, v43;
	_ =	sdelay $0x1  }
0x2c5: {  	v43 =	vadd.s32 v44, v43;
	_ =	sdelay $0x2  }
0x2c6: {  	v45 =	vor.u32 $0x8, v0;
	s13 =	rddreg [dreg:$0x9]  }
0x2c7: {  	vm2 =	vmmov $0xffff;
	s23 =	simm.s32 $0xC300;
	p5 =	slt.u32 s13, $0xC1;
	v42 =	vperm.xlane v42, v45  }
0x2c8: {  	[hbm4b:s3+s15] =	stream.indirect_vreg.scatter [tilespmem:s23], [sflag:$0x9], $0x80, v43, vm2, $0xb8;
	[tilespmem:$0xF300] =	vst v63  }
0x2c9: {  	s14 =	simm.s32 $0xCB00;
	p0 =	por $0x0, $0x0;
	p6 =	por @!p5 $0x1, $0x1;
	v42 =	vadd.s32 v44, v42  }
0x2ca: {  	[hbm4b:s6+s15] =	stream.indirect_vreg.scatter [tilespmem:s14], [sflag:$0x9], $0x80, v43, vm2, $0xb8;
	[tilespmem:$0xF300] =	vst v63  }
0x2cb: {  	s16 =	simm.s32 $0xD300;
	s24 =	simm.s32 $0xDB00;
	p0 =	por @!p5 p6, p6  }
0x2cc: {  	[hbm4b:s7+s15] =	stream.indirect_vreg.scatter [tilespmem:s16], [sflag:$0x9], $0x80, v43, vm2, $0xb8;
	[tilespmem:$0xF300] =	vst v63  }
0x2cd: {  	s25 =	simm.s32 $0xE300;
	p1 =	por $0x1, $0x1;
	s13 =	simm.s32 @!p0 $0x0  }
0x2ce: {  	[hbm4b:s3+s15] =	stream.indirect_vreg.scatter [tilespmem:s24], [sflag:$0x9], $0x80, v42, vm2, $0xb8;
	[tilespmem:$0xF300] =	vst v63  }
0x2cf: {  	s26 =	simm.s32 $0xEB00;
	p1 =	por @!p5 p6, p6;
	s13 =	simm.s32 @p0 $0x1  }
0x2d0: {  	[hbm4b:s6+s15] =	stream.indirect_vreg.scatter [tilespmem:s25], [sflag:$0x9], $0x80, v42, vm2, $0xb8;
	[tilespmem:$0xF300] =	vst v63  }
0x2d1: {  	p0 =	por $0x1, $0x1;
	[smem:$0x7F0] =	sst s13;
	s13 =	simm.s32 @!p1 $0x0  }
0x2d2: {  	[hbm4b:s7+s15] =	stream.indirect_vreg.scatter [tilespmem:s26], [sflag:$0x9], $0x80, v42, vm2, $0xb8;
	[tilespmem:$0xF300] =	vst v63  }
0x2d3: {  	p0 =	por @!p5 p6, p6;
	s13 =	simm.s32 @p1 $0x1;
	v42 =	vld @!p5 [tilespmem:$0x2C0]  }
0x2d4: {  	[smem:$0x7E7] =	sst s13;
	s13 =	simm.s32 @!p0 $0x0  }
0x2d5: {  	s13 =	simm.s32 @p0 $0x1;
	p0 =	por $0x1, $0x1  }
0x2d6: {  	p0 =	por @!p5 p6, p6  }
0x2d7: {  	[smem:$0x7E8] =	sst s13;
	s13 =	simm.s32 @!p0 $0x0  }
0x2d8: {  	s13 =	simm.s32 @p0 $0x1;
	p0 =	por $0x1, $0x1;
	v42 =	vshll.u32 @!p5 v42, $0x8  }
0x2d9: {  	p0 =	por @!p5 p6, p6;
	v42 =	vadd.s32 @!p5 v40, v42  }
0x2da: {  	p1 =	por $0x1, $0x1;
	[smem:$0x7E9] =	sst s13;
	s13 =	simm.s32 @!p0 $0x0;
	v42 =	vshrl.u32 @!p5 v42, $0x3  }
0x2db: {  	p1 =	por @!p5 p6, p6;
	s13 =	simm.s32 @p0 $0x1;
	v42 =	vmul.u32 @!p5 $0x30, v42  }
0x2dc: {  	p2 =	por $0x1, $0x1;
	[smem:$0x7EA] =	sst s13;
	s13 =	simm.s32 @!p1 $0x0;
	v43 =	vlaneseq.u32 @!p5  }
0x2dd: {  	p2 =	por @!p5 p6, p6;
	s13 =	simm.s32 @p1 $0x1;
	v44 =	vshrl.u32 @!p5 v43, $0x3;
	v41 =	vor.u32 @!p5 v41, v42;
	v42 =	vand.u32 @!p5 $0x7, v43  }
0x2de: {  	p0 =	por $0x1, $0x1;
	[smem:$0x7EB] =	sst s13;
	s13 =	simm.s32 @!p2 $0x0;
	v44 =	vmul.u32 @!p5 $0x8, v44;
	v42 =	vperm.xlane @!p5 v41, v42  }
0x2df: {  	p0 =	por @!p5 p6, p6;
	s13 =	simm.s32 @p2 $0x1  }
0x2e0: {  	[smem:$0x7EC] =	sst s13;
	s13 =	simm.s32 @!p0 $0x0;
	v42 =	vadd.s32 @!p5 v44, v42  }
0x2e1: {  	s13 =	simm.s32 @p0 $0x1;
	p0 =	por $0x1, $0x1  }
0x2e2: {  	p0 =	por @!p5 p6, p6  }
0x2e3: {  	s23 =	simm.s32 @!p5 $0x0;
	[smem:$0x7ED] =	sst s13;
	s13 =	simm.s32 @!p0 $0x0;
	v43 =	vor.u32 @!p5 $0x8, v43  }
0x2e4: {  	s24 =	simm.s32 @!p5 $0xC300;
	s13 =	simm.s32 @p0 $0x1;
	p0 =	por $0x1, $0x1;
	vm2 =	vmmov @!p5 $0xffff;
	v41 =	vperm.xlane @!p5 v41, v43  }
0x2e5: {  	[hbm4b:s3+s23] =	stream.indirect_vreg.scatter @!p5 [tilespmem:s24], [sflag:$0x9], $0x80, v42, vm2, $0xb8;
	[tilespmem:$0xF300] =	vst v63  }
0x2e6: {  	p2 =	por $0x1, $0x1;
	p0 =	por @!p5 p6, p6;
	v41 =	vadd.s32 @!p5 v44, v41;
	s24 =	simm.s32 @!p5 $0xCB00  }
0x2e7: {  	[hbm4b:s6+s23] =	stream.indirect_vreg.scatter @!p5 [tilespmem:s24], [sflag:$0x9], $0x80, v42, vm2, $0xb8;
	[tilespmem:$0xF300] =	vst v63  }
0x2e8: {  	[smem:$0x7EE] =	sst s13;
	s13 =	simm.s32 @!p0 $0x0;
	s24 =	simm.s32 @!p5 $0xD300  }
0x2e9: {  	[hbm4b:s7+s23] =	stream.indirect_vreg.scatter @!p5 [tilespmem:s24], [sflag:$0x9], $0x80, v42, vm2, $0xb8;
	[tilespmem:$0xF300] =	vst v63  }
0x2ea: {  	p2 =	por @!p5 p6, p6;
	s13 =	simm.s32 @p0 $0x1;
	s24 =	simm.s32 @!p5 $0xDB00  }
0x2eb: {  	[hbm4b:s3+s23] =	stream.indirect_vreg.scatter @!p5 [tilespmem:s24], [sflag:$0x9], $0x80, v41, vm2, $0xb8;
	[tilespmem:$0xF300] =	vst v63  }
.Ltmp5:
0x2ec: {  	[smem:$0x7EF] =	sst s13;
	s13 =	simm.s32 @!p2 $0x0;
	(pc) =	sbr.rel .LBB2_5-.Ltmp5, $4  }
0x2ed: {  	p1 =	por $0x1, $0x1;
	s13 =	simm.s32 @p2 $0x1;
	s24 =	simm.s32 @!p5 $0xE300  }
0x2ee: {  	[hbm4b:s6+s23] =	stream.indirect_vreg.scatter @!p5 [tilespmem:s24], [sflag:$0x9], $0x80, v41, vm2, $0xb8;
	[tilespmem:$0xF300] =	vst v63  }
0x2ef: {  	p1 =	por @!p5 p6, p6;
	[smem:$0x7F1] =	sst s13;
	s24 =	simm.s32 @!p5 $0xEB00  }
0x2f0: {  	[hbm4b:s7+s23] =	stream.indirect_vreg.scatter @!p5 [tilespmem:s24], [sflag:$0x9], $0x80, v41, vm2, $0xb8;
	[tilespmem:$0xF300] =	vst v63  }
.LBB2_3:
0x2f1: {  	s13 =	sld [smem:$0x7FD];
	_ =	sdelay $0x2  }
0x2f2: {  	p1 =	seq.s32 s13, $0x1  }
0x2f3: {  	p5 =	por @!p1 $0x0, $0x0  }
0x2f4: {  	s13 =	simm.s32 @!p5 $0x0  }
0x2f5: {  	s13 =	simm.s32 @p5 $0x1  }
0x2f6: {  	[smem:$0x7E0] =	sst s13  }
0x2f7: {  	s13 =	sld [smem:$0x7E0];
	_ =	sdelay $0x2  }
0x2f8: {  	p6 =	por $0x0, $0x0;
	s24 =	sld [smem:$0x7FC];
	p5 =	seq.s32 s13, $0x1  }
0x2f9: {  	p6 =	por @!p1 p5, p5  }
0x2fa: {  	s13 =	simm.s32 @!p6 $0x0  }
0x2fb: {  	s13 =	simm.s32 @p6 $0x1;
	p6 =	seq.s32 s24, $0x1  }
0x2fc: {  	s26 =	sld [smem:$0x7FC];
	p5 =	por @!p6 $0x0, $0x0  }
0x2fd: {  	[smem:$0x7E6] =	sst s13;
	s13 =	simm.s32 @!p5 $0x0  }
0x2fe: {  	s25 =	sld [smem:$0x7E6];
	s13 =	simm.s32 @p5 $0x1  }
0x2ff: {  	[smem:$0x7E1] =	sst s13  }
0x300: {  	s14 =	sld [smem:$0x7E1]  }
0x301: {  	s16 =	sld [smem:$0x7F2]  }
0x302: {  	s23 =	sld [smem:$0x7FC]  }
0x303: {  	p6 =	seq.s32 s26, $0x1;
	p1 =	seq.s32 s25, $0x1;
	p5 =	seq.s32 s14, $0x1  }
0x304: {  	s24 =	sld [smem:$0x7F2];
	p1 =	por @!p6 p5, p5  }
0x305: {  	s14 =	sld [smem:$0x7F2];
	p6 =	seq.s32 s16, $0x1;
	s13 =	simm.s32 @!p1 $0x0  }
0x306: {  	s16 =	sld [smem:$0x7E6];
	p6 =	por @!p6 $0x0, $0x0;
	s13 =	simm.s32 @p1 $0x1  }
0x307: {  	[smem:$0x7EB] =	sst s13;
	s13 =	simm.s32 @!p6 $0x0  }
0x308: {  	p5 =	seq.s32 s23, $0x1;
	s23 =	sld [smem:$0x7FC];
	s13 =	simm.s32 @p6 $0x1  }
0x309: {  	[smem:$0x7E2] =	sst s13  }
0x30a: {  	p5 =	por @!p5 $0x1, $0x1;
	s13 =	simm.s32 @!p1 $0x0;
	s26 =	sld [smem:$0x7E2]  }
0x30b: {  	s13 =	simm.s32 @p1 $0x1;
	p1 =	seq.s32 s14, $0x1;
	s14 =	sld [smem:$0x7F2]  }
0x30c: {  	[smem:$0x7EC] =	sst s13;
	s13 =	simm.s32 @!p5 $0x0  }
0x30d: {  	s13 =	simm.s32 @p5 $0x1;
	p5 =	seq.s32 s24, $0x1;
	s25 =	sld [smem:$0x7EC]  }
0x30e: {  	[smem:$0x7E3] =	sst s13;
	p6 =	por @!p5 $0x1, $0x1  }
0x30f: {  	p5 =	seq.s32 s26, $0x1;
	s13 =	simm.s32 @!p6 $0x0;
	s24 =	sld [smem:$0x7E3]  }
0x310: {  	s13 =	simm.s32 @p6 $0x1;
	p6 =	seq.s32 s25, $0x1;
	s25 =	sld [smem:$0x7EB]  }
0x311: {  	[smem:$0x7E4] =	sst s13;
	p6 =	por @!p1 p5, p5  }
0x312: {  	s13 =	simm.s32 @!p6 $0x0;
	s26 =	sld [smem:$0x7E4]  }
0x313: {  	s13 =	simm.s32 @p6 $0x1;
	p6 =	seq.s32 s23, $0x1;
	s23 =	sld [smem:$0x7E4]  }
0x314: {  	p5 =	seq.s32 s16, $0x1;
	p1 =	seq.s32 s24, $0x1;
	[smem:$0x7EC] =	sst s13  }
0x315: {  	p4 =	seq.s32 s14, $0x1;
	p5 =	por @!p6 p1, p1;
	s16 =	sld [smem:$0x7EC]  }
0x316: {  	s13 =	simm.s32 @!p5 $0x0;
	p6 =	seq.s32 s26, $0x1;
	s26 =	sld [smem:$0x7F3]  }
0x317: {  	s13 =	simm.s32 @p5 $0x1;
	p5 =	seq.s32 s25, $0x1;
	s25 =	sld [smem:$0x7F2]  }
0x318: {  	[smem:$0x7E6] =	sst s13;
	p5 =	por @!p4 p6, p6  }
0x319: {  	s13 =	simm.s32 @!p5 $0x0;
	s24 =	sld [smem:$0x7E6]  }
0x31a: {  	s13 =	simm.s32 @p5 $0x1;
	p5 =	seq.s32 s16, $0x1;
	s16 =	sld [smem:$0x7F3]  }
0x31b: {  	[smem:$0x7EB] =	sst s13;
	s13 =	simm.s32 @!p5 $0x0  }
0x31c: {  	s13 =	simm.s32 @p5 $0x1;
	p5 =	seq.s32 s23, $0x1;
	s23 =	sld [smem:$0x7F3]  }
0x31d: {  	p6 =	seq.s32 s24, $0x1;
	s24 =	sld [smem:$0x7F3]  }
0x31e: {  	p4 =	seq.s32 s25, $0x1;
	[smem:$0x7EA] =	sst s13  }
0x31f: {  	p6 =	por @!p4 p5, p5;
	s14 =	sld [smem:$0x7EA]  }
0x320: {  	s25 =	sld [smem:$0x7EB];
	p4 =	seq.s32 s26, $0x1;
	s13 =	simm.s32 @!p6 $0x0  }
0x321: {  	p1 =	por @!p4 $0x1, $0x1;
	p4 =	seq.s32 s16, $0x1;
	s13 =	simm.s32 @p6 $0x1  }
0x322: {  	p4 =	por @!p4 $0x0, $0x0;
	p6 =	seq.s32 s23, $0x1;
	p5 =	seq.s32 s14, $0x1  }
0x323: {  	[smem:$0x7E6] =	sst s13;
	p5 =	por @!p6 p4, p4  }
0x324: {  	s26 =	sld [smem:$0x7E6];
	s13 =	simm.s32 @!p5 $0x0  }
0x325: {  	p6 =	seq.s32 s24, $0x1;
	s13 =	simm.s32 @p5 $0x1;
	p5 =	seq.s32 s25, $0x1  }
0x326: {  	s14 =	sld [smem:$0x7EC];
	p5 =	por @!p6 p1, p1  }
0x327: {  	[smem:$0x7EA] =	sst s13;
	s13 =	simm.s32 @!p5 $0x0  }
0x328: {  	s13 =	simm.s32 @p5 $0x1;
	p5 =	por p6, p6;
	p6 =	seq.s32 s26, $0x1  }
0x329: {  	s16 =	sld [smem:$0x7F4];
	p6 =	por @!p5 p1, p1  }
0x32a: {  	[smem:$0x7EB] =	sst s13;
	s13 =	simm.s32 @!p6 $0x0  }
0x32b: {  	s23 =	sld [smem:$0x7EA];
	s13 =	simm.s32 @p6 $0x1;
	p6 =	seq.s32 s14, $0x1  }
0x32c: {  	p6 =	por @!p5 p1, p1  }
0x32d: {  	[smem:$0x7E6] =	sst s13;
	s13 =	simm.s32 @!p6 $0x0  }
0x32e: {  	p1 =	seq.s32 s16, $0x1;
	s13 =	simm.s32 @p6 $0x1;
	p6 =	seq.s32 s23, $0x1  }
0x32f: {  	p4 =	por @!p1 $0x0, $0x0;
	p5 =	por p6, p6  }
0x330: {  	p5 =	por @!p1 p4, p4  }
0x331: {  	[smem:$0x7EC] =	sst s13;
	s13 =	simm.s32 @!p5 $0x0  }
0x332: {  	s24 =	sld [smem:$0x7EB];
	s13 =	simm.s32 @p5 $0x1;
	p5 =	por @!p1 $0x1, $0x1  }
0x333: {  	s25 =	sld [smem:$0x7E6];
	p6 =	por @!p1 p5, p5  }
0x334: {  	[smem:$0x7ED] =	sst s13;
	s13 =	simm.s32 @!p6 $0x0  }
0x335: {  	p5 =	por @!p1 $0x1, $0x1;
	s13 =	simm.s32 @p6 $0x1;
	p6 =	seq.s32 s24, $0x1  }
0x336: {  	s26 =	sld [smem:$0x7ED];
	p6 =	por @!p1 p5, p5  }
0x337: {  	[smem:$0x7EA] =	sst s13;
	s13 =	simm.s32 @!p6 $0x0  }
0x338: {  	p5 =	por @!p1 $0x1, $0x1;
	s13 =	simm.s32 @p6 $0x1;
	p6 =	seq.s32 s25, $0x1  }
0x339: {  	p6 =	por @!p1 p5, p5  }
0x33a: {  	[smem:$0x7EB] =	sst s13;
	s13 =	simm.s32 @!p6 $0x0  }
0x33b: {  	p5 =	seq.s32 s26, $0x1;
	s13 =	simm.s32 @p6 $0x1  }
0x33c: {  	[smem:$0x7E6] =	sst s13;
	s13 =	simm.s32 @!p5 $0x0  }
0x33d: {  	s14 =	sld [smem:$0x7EC];
	s13 =	simm.s32 @p5 $0x1  }
0x33e: {  	[smem:$0x7E9] =	sst s13  }
0x33f: {  	s16 =	sld [smem:$0x7E9]  }
0x340: {  	p6 =	por @!p1 $0x1, $0x1;
	p5 =	seq.s32 s14, $0x1  }
0x341: {  	p4 =	por @!p2 $0x0, $0x0;
	p5 =	por @!p1 p6, p6  }
0x342: {  	s23 =	sld [smem:$0x7EA];
	s13 =	simm.s32 @!p5 $0x0;
	p1 =	seq.s32 s16, $0x1  }
0x343: {  	s25 =	sld [smem:$0x7E6];
	s13 =	simm.s32 @p5 $0x1;
	p1 =	por @!p2 p4, p4  }
0x344: {  	[smem:$0x7EC] =	sst s13;
	s13 =	simm.s32 @!p1 $0x0  }
0x345: {  	p4 =	por @!p2 $0x1, $0x1;
	s13 =	simm.s32 @p1 $0x1;
	p1 =	seq.s32 s23, $0x1  }
0x346: {  	s26 =	sld [smem:$0x7EC];
	p1 =	por @!p2 p4, p4  }
0x347: {  	p5 =	seq.s32 s25, $0x1;
	[smem:$0x7E9] =	sst s13;
	s13 =	simm.s32 @!p1 $0x0  }
0x348: {  	p5 =	por @!p2 p4, p4;
	s13 =	simm.s32 @p1 $0x1  }
0x349: {  	[smem:$0x7EA] =	sst s13;
	s13 =	simm.s32 @!p5 $0x0  }
0x34a: {  	s14 =	sld [smem:$0x7ED];
	s13 =	simm.s32 @p5 $0x1;
	p5 =	seq.s32 s26, $0x1  }
0x34b: {  	s24 =	sld [smem:$0x7EB];
	p5 =	por @!p2 p4, p4  }
0x34c: {  	[smem:$0x7E6] =	sst s13;
	s13 =	simm.s32 @!p5 $0x0  }
0x34d: {  	s16 =	sld [smem:$0x7F6];
	s13 =	simm.s32 @p5 $0x1;
	p5 =	seq.s32 s14, $0x1  }
0x34e: {  	s23 =	sld [smem:$0x7E9];
	p5 =	por @!p2 p4, p4  }
0x34f: {  	p1 =	seq.s32 s24, $0x1;
	[smem:$0x7EC] =	sst s13;
	s13 =	simm.s32 @!p5 $0x0  }
0x350: {  	s24 =	sld [smem:$0x7E9];
	s13 =	simm.s32 @p5 $0x1;
	p5 =	seq.s32 s16, $0x1  }
0x351: {  	p1 =	por @!p2 p4, p4;
	p2 =	seq.s32 s23, $0x1;
	p4 =	por @!p5 $0x1, $0x1  }
0x352: {  	[smem:$0x7ED] =	sst s13;
	p6 =	por @!p5 $0x0, $0x0;
	s13 =	simm.s32 @!p4 $0x0  }
0x353: {  	s25 =	sld [smem:$0x7EA];
	p2 =	por @!p5 p6, p6;
	s13 =	simm.s32 @p4 $0x1  }
0x354: {  	[smem:$0x7E5] =	sst s13;
	s13 =	simm.s32 @!p2 $0x0  }
0x355: {  	s26 =	sld [smem:$0x7E6];
	s13 =	simm.s32 @p2 $0x1;
	p2 =	seq.s32 s24, $0x1  }
0x356: {  	s14 =	sld [smem:$0x7EC];
	p2 =	por @!p5 p4, p4  }
0x357: {  	[smem:$0x7EE] =	sst s13;
	s13 =	simm.s32 @!p2 $0x0  }
0x358: {  	s16 =	sld [smem:$0x7F7];
	s13 =	simm.s32 @p2 $0x1;
	p2 =	seq.s32 s25, $0x1  }
0x359: {  	s24 =	sld [smem:$0x7ED];
	p2 =	por @!p5 p4, p4  }
0x35a: {  	[smem:$0x7E9] =	sst s13;
	s13 =	simm.s32 @!p2 $0x0  }
0x35b: {  	p1 =	por @!p5 p4, p4;
	s23 =	sld [smem:$0x7EE];
	s13 =	simm.s32 @p2 $0x1  }
0x35c: {  	[smem:$0x7EA] =	sst s13;
	s13 =	simm.s32 @!p1 $0x0  }
0x35d: {  	s25 =	sld [smem:$0x7F6];
	s13 =	simm.s32 @p1 $0x1;
	p1 =	seq.s32 s26, $0x1  }
0x35e: {  	s26 =	sld [smem:$0x7E5];
	p1 =	por @!p5 p4, p4  }
0x35f: {  	[smem:$0x7EB] =	sst s13;
	s13 =	simm.s32 @!p1 $0x0  }
0x360: {  	p6 =	seq.s32 s23, $0x1;
	s13 =	simm.s32 @p1 $0x1;
	p1 =	seq.s32 s14, $0x1  }
0x361: {  	p2 =	seq.s32 s24, $0x1;
	[smem:$0x7E6] =	sst s13;
	p1 =	por @!p5 p4, p4  }
0x362: {  	p4 =	seq.s32 s25, $0x1;
	p5 =	seq.s32 s26, $0x1;
	s13 =	simm.s32 @!p1 $0x0  }
0x363: {  	s14 =	sld [smem:$0x7E9];
	p2 =	por @!p4 p5, p5;
	s13 =	simm.s32 @p1 $0x1  }
0x364: {  	p1 =	seq.s32 s16, $0x1;
	[smem:$0x7EC] =	sst s13;
	s13 =	simm.s32 @!p2 $0x0  }
0x365: {  	s16 =	sld [smem:$0x7EA];
	s13 =	simm.s32 @p2 $0x1;
	p2 =	por @!p1 $0x0, $0x0  }
0x366: {  	p4 =	por @!p1 $0x1, $0x1;
	p6 =	por @!p1 p2, p2;
	p2 =	seq.s32 s14, $0x1  }
0x367: {  	p2 =	por @!p1 p4, p4  }
0x368: {  	[smem:$0x7ED] =	sst s13;
	s13 =	simm.s32 @!p2 $0x0  }
0x369: {  	s23 =	sld [smem:$0x7EB];
	s13 =	simm.s32 @p2 $0x1;
	p2 =	seq.s32 s16, $0x1  }
0x36a: {  	p2 =	por @!p1 p4, p4  }
0x36b: {  	[smem:$0x7E9] =	sst s13;
	s13 =	simm.s32 @!p2 $0x0  }
0x36c: {  	s24 =	sld [smem:$0x7E6];
	s13 =	simm.s32 @p2 $0x1;
	p2 =	seq.s32 s23, $0x1  }
0x36d: {  	s25 =	sld [smem:$0x7EC];
	p2 =	por @!p1 p4, p4  }
0x36e: {  	[smem:$0x7EA] =	sst s13;
	s13 =	simm.s32 @!p2 $0x0  }
0x36f: {  	p4 =	seq.s32 s24, $0x1;
	s13 =	simm.s32 @p2 $0x1;
	p2 =	por @!p1 $0x1, $0x1  }
0x370: {  	s26 =	sld [smem:$0x7ED];
	p4 =	por @!p1 p2, p2  }
0x371: {  	p5 =	seq.s32 s25, $0x1;
	[smem:$0x7EB] =	sst s13;
	s13 =	simm.s32 @!p4 $0x0  }
0x372: {  	s14 =	sld [smem:$0x7EE];
	p5 =	por @!p1 p2, p2;
	s13 =	simm.s32 @p4 $0x1  }
0x373: {  	[smem:$0x7E6] =	sst s13;
	s13 =	simm.s32 @!p5 $0x0  }
0x374: {  	s16 =	sld [smem:$0x7E9];
	s13 =	simm.s32 @p5 $0x1;
	p5 =	seq.s32 s26, $0x1  }
0x375: {  	s23 =	sld [smem:$0x7EA];
	p5 =	por @!p1 p2, p2  }
0x376: {  	[smem:$0x7EC] =	sst s13;
	s13 =	simm.s32 @!p5 $0x0  }
0x377: {  	s24 =	sld [smem:$0x7EB];
	s13 =	simm.s32 @p5 $0x1;
	p5 =	seq.s32 s14, $0x1  }
0x378: {  	p4 =	por @!p3 $0x0, $0x0;
	s25 =	sld [smem:$0x7E6];
	p5 =	por @!p1 p2, p2  }
0x379: {  	[smem:$0x7ED] =	sst s13;
	p1 =	por p6, p6;
	s13 =	simm.s32 @!p5 $0x0  }
0x37a: {  	p2 =	por @!p3 $0x1, $0x1;
	p1 =	por @!p3 p4, p4;
	s13 =	simm.s32 @p5 $0x1  }
0x37b: {  	p5 =	seq.s32 s16, $0x1;
	[smem:$0x7EE] =	sst s13;
	s13 =	simm.s32 @!p1 $0x0  }
0x37c: {  	s26 =	sld [smem:$0x7EC];
	p5 =	por @!p3 p2, p2;
	s13 =	simm.s32 @p1 $0x1  }
0x37d: {  	[smem:$0x7EF] =	sst s13;
	s13 =	simm.s32 @!p5 $0x0  }
0x37e: {  	p1 =	seq.s32 s23, $0x1;
	s13 =	simm.s32 @p5 $0x1;
	p5 =	por @!p3 $0x1, $0x1  }
0x37f: {  	p6 =	por @!p3 p2, p2;
	s14 =	sld [smem:$0x7ED];
	p1 =	por @!p3 p5, p5  }
0x380: {  	p4 =	por @!p3 $0x1, $0x1;
	[smem:$0x7E9] =	sst s13;
	s13 =	simm.s32 @!p1 $0x0  }
0x381: {  	p2 =	seq.s32 s24, $0x1;
	s13 =	simm.s32 @p1 $0x1;
	p1 =	seq.s32 s25, $0x1  }
0x382: {  	s16 =	sld [smem:$0x7EE];
	p2 =	por @!p3 p5, p5;
	p1 =	por @!p3 p5, p5  }
0x383: {  	[smem:$0x7EA] =	sst s13;
	p5 =	seq.s32 s26, $0x1;
	s13 =	simm.s32 @!p1 $0x0  }
0x384: {  	s23 =	sld [smem:$0x7F9];
	p5 =	por @!p3 p4, p4;
	s13 =	simm.s32 @p1 $0x1  }
0x385: {  	p1 =	seq.s32 s14, $0x1;
	[smem:$0x7E6] =	sst s13;
	s13 =	simm.s32 @!p5 $0x0  }
0x386: {  	s24 =	sld [smem:$0x7EF];
	p1 =	por @!p3 p4, p4;
	s13 =	simm.s32 @p5 $0x1  }
0x387: {  	[smem:$0x7EC] =	sst s13;
	s13 =	simm.s32 @!p1 $0x0  }
0x388: {  	s13 =	simm.s32 @p1 $0x1;
	p1 =	seq.s32 s16, $0x1  }
0x389: {  	s25 =	sld [smem:$0x7E9];
	p1 =	por @!p3 p4, p4;
	p4 =	seq.s32 s23, $0x1  }
0x38a: {  	s26 =	sld [smem:$0x7EA];
	p5 =	seq.s32 s24, $0x1;
	p3 =	por @!p4 $0x0, $0x0  }
0x38b: {  	s14 =	sld [smem:$0x7E6];
	p5 =	por @!p4 p3, p3  }
0x38c: {  	[smem:$0x7ED] =	sst s13;
	s13 =	simm.s32 @!p5 $0x0  }
0x38d: {  	p3 =	por @!p4 $0x1, $0x1;
	s13 =	simm.s32 @p5 $0x1;
	p5 =	seq.s32 s25, $0x1  }
0x38e: {  	s24 =	sld [smem:$0x7EF];
	p5 =	por @!p4 p3, p3  }
0x38f: {  	[smem:$0x7F1] =	sst s13;
	s13 =	simm.s32 @!p5 $0x0  }
0x390: {  	s16 =	sld [smem:$0x7EC];
	s13 =	simm.s32 @p5 $0x1;
	p5 =	seq.s32 s26, $0x1  }
0x391: {  	s23 =	sld [smem:$0x7ED];
	p5 =	por @!p4 p3, p3  }
0x392: {  	p6 =	por @!p4 p3, p3;
	[smem:$0x7E9] =	sst s13;
	s13 =	simm.s32 @!p5 $0x0  }
0x393: {  	p2 =	por @!p4 p3, p3;
	p1 =	por @!p4 p3, p3;
	s13 =	simm.s32 @p5 $0x1  }
0x394: {  	p5 =	seq.s32 s16, $0x1;
	[smem:$0x7EA] =	sst s13;
	s13 =	simm.s32 @!p2 $0x0  }
0x395: {  	s25 =	sld [smem:$0x7F1];
	p5 =	por @!p4 p3, p3;
	s13 =	simm.s32 @p2 $0x1  }
0x396: {  	p2 =	seq.s32 s14, $0x1;
	[smem:$0x7EB] =	sst s13;
	s13 =	simm.s32 @!p5 $0x0  }
0x397: {  	p2 =	por @!p4 p3, p3;
	s13 =	simm.s32 @p5 $0x1;
	p5 =	seq.s32 s23, $0x1  }
0x398: {  	[smem:$0x7EC] =	sst s13;
	p5 =	por @!p4 p3, p3;
	s13 =	simm.s32 @!p1 $0x0  }
0x399: {  	p3 =	por @!p4 $0x1, $0x1;
	s13 =	simm.s32 @p1 $0x1;
	p1 =	seq.s32 s24, $0x1  }
0x39a: {  	p1 =	por @!p4 p3, p3  }
0x39b: {  	[smem:$0x7EE] =	sst s13;
	s13 =	simm.s32 @!p1 $0x0  }
0x39c: {  	p3 =	seq.s32 s25, $0x1;
	s13 =	simm.s32 @p1 $0x1;
	p1 =	por @!p0 $0x1, $0x1  }
0x39d: {  	s26 =	sld [smem:$0x7E9];
	p3 =	por @!p0 p1, p1  }
0x39e: {  	[smem:$0x7EF] =	sst s13;
	s13 =	simm.s32 @!p3 $0x0  }
0x39f: {  	s14 =	sld [smem:$0x7EA];
	p6 =	por @!p0 p1, p1;
	s13 =	simm.s32 @p3 $0x1  }
0x3a0: {  	[smem:$0x7E7] =	sst s13;
	s13 =	simm.s32 @!p6 $0x0  }
0x3a1: {  	p1 =	seq.s32 s26, $0x1;
	s13 =	simm.s32 @p6 $0x1;
	p6 =	por @!p0 $0x1, $0x1  }
0x3a2: {  	p1 =	por @!p0 p6, p6  }
0x3a3: {  	[smem:$0x7E8] =	sst s13;
	s13 =	simm.s32 @!p1 $0x0  }
0x3a4: {  	s16 =	sld [smem:$0x7EB];
	s13 =	simm.s32 @p1 $0x1;
	p1 =	seq.s32 s14, $0x1  }
0x3a5: {  	s23 =	sld [smem:$0x7EC];
	p1 =	por @!p0 p6, p6  }
0x3a6: {  	[smem:$0x7E9] =	sst s13;
	s13 =	simm.s32 @!p1 $0x0  }
0x3a7: {  	s13 =	simm.s32 @p1 $0x1;
	p1 =	seq.s32 s16, $0x1  }
0x3a8: {  	p1 =	por @!p0 p6, p6  }
0x3a9: {  	p3 =	seq.s32 s23, $0x1;
	[smem:$0x7EA] =	sst s13;
	s13 =	simm.s32 @!p1 $0x0  }
0x3aa: {  	s24 =	sld [smem:$0x7EE];
	p3 =	por @!p0 p6, p6;
	s13 =	simm.s32 @p1 $0x1  }
0x3ab: {  	[smem:$0x7EB] =	sst s13;
	s13 =	simm.s32 @!p3 $0x0  }
0x3ac: {  	s13 =	simm.s32 @p3 $0x1;
	p3 =	por p5, p5  }
0x3ad: {  	s25 =	sld [smem:$0x7EF];
	p1 =	por p2, p2;
	p3 =	por @!p0 p6, p6  }
0x3ae: {  	p2 =	seq.s32 s24, $0x1;
	[smem:$0x7EC] =	sst s13;
	s13 =	simm.s32 @!p3 $0x0  }
0x3af: {  	s26 =	sld [smem:$0x7F1];
	p2 =	por @!p0 p6, p6;
	s13 =	simm.s32 @p3 $0x1  }
0x3b0: {  	[smem:$0x7ED] =	sst s13;
	s13 =	simm.s32 @!p2 $0x0  }
0x3b1: {  	p3 =	por @!p0 $0x1, $0x1;
	s13 =	simm.s32 @p2 $0x1;
	p2 =	seq.s32 s25, $0x1  }
0x3b2: {  	p2 =	por @!p0 p3, p3  }
0x3b3: {  	[smem:$0x7EE] =	sst s13;
	p3 =	seq.s32 s26, $0x1;
	s13 =	simm.s32 @!p2 $0x0  }
0x3b4: {  	p5 =	por @!p0 $0x0, $0x0;
	s13 =	simm.s32 @p2 $0x1;
	p2 =	por p3, p3  }
0x3b5: {  	p2 =	por @!p0 p5, p5  }
0x3b6: {  	[smem:$0x7EF] =	sst s13;
	s13 =	simm.s32 @!p2 $0x0  }
0x3b7: {  	p3 =	por @!p0 p5, p5;
	s13 =	simm.s32 @p2 $0x1  }
0x3b8: {  	[smem:$0x7F0] =	sst s13;
	s13 =	simm.s32 @!p3 $0x0  }
0x3b9: {  	s13 =	simm.s32 @p3 $0x1  }
0x3ba: {  	p1 =	por @!p0 p6, p6;
	[smem:$0x7F1] =	sst s13  }
.LBB2_5:
0x3bb: {  	p5 =	slt.s32 s5, $0x1  }
.Ltmp6:
0x3bc: {  	_ = 	snop;
	(pc) =	sbr.rel @p5 .LBB2_40-.Ltmp6, $2  }
0x3bd: {  	s13 =	sld [smem:$0x7FD];
	_ =	sdelay $0x2  }
0x3be: {  	p0 =	seq.s32 s13, $0x1  }
0x3bf: {  	v41 =	vld [tilespmem:$0x100];
	_ =	sdelay $0x4  }
0x3c0: {  	v41 =	vshll.u32 v41, $0x8  }
0x3c1: {  	v41 =	vadd.s32 v40, v41  }
0x3c2: {  	v41 =	vshrl.u32 v41, $0x3  }
0x3c3: {  	v42 =	vmul.u32 $0x30, v41  }
0x3c4: {  	v41 =	vand.u32 $0x7, v40  }
0x3c5: {  	v43 =	vand.u32 $0x7, v0;
	v61 =	vshrl.u32 v0, $0x3;
	v45 =	vor.u32 v41, v42  }
0x3c6: {  	v42 =	vmul.u32 $0x8, v61;
	v44 =	vperm.xlane v45, v43;
	_ =	sdelay $0x1  }
0x3c7: {  	v46 =	vadd.s32 v42, v44;
	_ =	sdelay $0x2  }
0x3c8: {  	v44 =	vor.u32 $0x8, v0  }
0x3c9: {  	vm2 =	vmmov $0xffff;
	s25 =	simm.s32 $0x300;
	v45 =	vperm.xlane v45, v44  }
0x3ca: {  	[tilespmem:s25], [sflag:$0x1] =	stream.indirect_vreg.gather [hbm4b:s1+s15], $0x80, v46, vm2, $0xb8;
	[tilespmem:$0xF300] =	vst v63  }
0x3cb: {  	s26 =	simm.s32 $0xB00;
	v45 =	vadd.s32 v42, v45  }
0x3cc: {  	[tilespmem:s26], [sflag:$0x1] =	stream.indirect_vreg.gather [hbm4b:s8+s15], $0x80, v46, vm2, $0xb8;
	[tilespmem:$0xF300] =	vst v63  }
0x3cd: {  	_ = 	snop  }
0x3ce: {  	[tilespmem:s28], [sflag:$0x1] =	stream.indirect_vreg.gather [hbm4b:s10+s15], $0x80, v46, vm2, $0xb8;
	[tilespmem:$0xF300] =	vst v63  }
0x3cf: {  	s14 =	simm.s32 $0x1B00  }
0x3d0: {  	[tilespmem:s14], [sflag:$0x1] =	stream.indirect_vreg.gather [hbm4b:s1+s15], $0x80, v45, vm2, $0xb8;
	[tilespmem:$0xF300] =	vst v63  }
0x3d1: {  	s13 =	simm.s32 $0x2300  }
0x3d2: {  	[tilespmem:s13], [sflag:$0x1] =	stream.indirect_vreg.gather [hbm4b:s8+s15], $0x80, v45, vm2, $0xb8;
	[tilespmem:$0xF300] =	vst v63  }
0x3d3: {  	p5 =	slt.u32 s5, $0x11;
	s16 =	simm.s32 $0x2B00  }
0x3d4: {  	[tilespmem:s16], [sflag:$0x1] =	stream.indirect_vreg.gather [hbm4b:s10+s15], $0x80, v45, vm2, $0xb8;
	[tilespmem:$0xF300] =	vst v63  }
0x3d5: {  	v45 =	vld @!p5 [tilespmem:$0x110];
	_ =	sdelay $0x4  }
0x3d6: {  	v45 =	vshll.u32 @!p5 v45, $0x8  }
0x3d7: {  	v45 =	vadd.s32 @!p5 v40, v45  }
0x3d8: {  	v45 =	vshrl.u32 @!p5 v45, $0x3  }
0x3d9: {  	v45 =	vmul.u32 @!p5 $0x30, v45  }
0x3da: {  	v46 =	vlaneseq.u32 @!p5  }
0x3db: {  	v47 =	vand.u32 @!p5 $0x7, v46;
	v48 =	vshrl.u32 @!p5 v46, $0x3;
	v45 =	vor.u32 @!p5 v41, v45  }
0x3dc: {  	v48 =	vmul.u32 @!p5 $0x8, v48;
	v47 =	vperm.xlane @!p5 v45, v47;
	_ =	sdelay $0x1  }
0x3dd: {  	v47 =	vadd.s32 @!p5 v48, v47;
	_ =	sdelay $0x2  }
0x3de: {  	v46 =	vor.u32 @!p5 $0x8, v46  }
0x3df: {  	vm3 =	vmmov @!p5 $0xffff;
	s23 =	simm.s32 @!p5 $0x0;
	s24 =	simm.s32 @!p5 $0x3300;
	v45 =	vperm.xlane @!p5 v45, v46  }
0x3e0: {  	[tilespmem:s24], [sflag:$0x2] =	stream.indirect_vreg.gather @!p5 [hbm4b:s1+s23], $0x80, v47, vm3, $0xb8;
	[tilespmem:$0xF300] =	vst v63  }
0x3e1: {  	v45 =	vadd.s32 @!p5 v48, v45;
	s24 =	simm.s32 @!p5 $0x3B00  }
0x3e2: {  	[tilespmem:s24], [sflag:$0x2] =	stream.indirect_vreg.gather @!p5 [hbm4b:s8+s23], $0x80, v47, vm3, $0xb8;
	[tilespmem:$0xF300] =	vst v63  }
0x3e3: {  	s24 =	simm.s32 @!p5 $0x4300  }
0x3e4: {  	[tilespmem:s24], [sflag:$0x2] =	stream.indirect_vreg.gather @!p5 [hbm4b:s10+s23], $0x80, v47, vm3, $0xb8;
	[tilespmem:$0xF300] =	vst v63  }
0x3e5: {  	s24 =	simm.s32 @!p5 $0x4B00  }
0x3e6: {  	[tilespmem:s24], [sflag:$0x2] =	stream.indirect_vreg.gather @!p5 [hbm4b:s1+s23], $0x80, v45, vm3, $0xb8;
	[tilespmem:$0xF300] =	vst v63  }
0x3e7: {  	s24 =	simm.s32 @!p5 $0x5300  }
0x3e8: {  	[tilespmem:s24], [sflag:$0x2] =	stream.indirect_vreg.gather @!p5 [hbm4b:s8+s23], $0x80, v45, vm3, $0xb8;
	[tilespmem:$0xF300] =	vst v63  }
0x3e9: {  	s24 =	simm.s32 @!p5 $0x5B00  }
0x3ea: {  	[tilespmem:s24], [sflag:$0x2] =	stream.indirect_vreg.gather @!p5 [hbm4b:s10+s23], $0x80, v45, vm3, $0xb8;
	[tilespmem:$0xF300] =	vst v63  }
0x3eb: {  	_ =	swait.ge [sflag:s29], $0x3000  }
0x3ec: {  	[sflag:s29] =	ssyncset.done $0x0  }
0x3ed: {  	[sflag:s29] =	ssyncadd.s32 $0xFFFFD000  }
0x3ee: {  	v62 =	vld [tilespmem:$0x100];
	_ =	sdelay $0x4  }
0x3ef: {  	v45 =	vshll.u32 v62, $0x8  }
0x3f0: {  	v45 =	vadd.s32 v40, v45  }
0x3f1: {  	v45 =	vshrl.u32 v45, $0x3  }
0x3f2: {  	v45 =	vmul.u32 $0x30, v45;
	_ =	sdelay $0x1  }
0x3f3: {  	v45 =	vor.u32 v41, v45  }
0x3f4: {  	v63 =	vperm.xlane v45, v43;
	_ =	sdelay $0x1  }
0x3f5: {  	v46 =	vadd.s32 v42, v63;
	_ =	sdelay $0x3  }
0x3f6: {  	v45 =	vperm.xlane v45, v44  }
0x3f7: {  	[hbm4b:s3+s15] =	stream.indirect_vreg.scatter [tilespmem:s25], [sflag:$0x5], $0x80, v46, vm2, $0xb8;
	[tilespmem:$0xF300] =	vst v63  }
0x3f8: {  	v45 =	vadd.s32 v42, v45  }
0x3f9: {  	[hbm4b:s6+s15] =	stream.indirect_vreg.scatter [tilespmem:s26], [sflag:$0x5], $0x80, v46, vm2, $0xb8;
	[tilespmem:$0xF300] =	vst v63  }
0x3fa: {  	_ = 	snop  }
0x3fb: {  	[hbm4b:s7+s15] =	stream.indirect_vreg.scatter [tilespmem:s28], [sflag:$0x5], $0x80, v46, vm2, $0xb8;
	[tilespmem:$0xF300] =	vst v63  }
0x3fc: {  	p2 =	slt.u32 s5, $0x21  }
0x3fd: {  	[hbm4b:s3+s15] =	stream.indirect_vreg.scatter [tilespmem:s14], [sflag:$0x5], $0x80, v45, vm2, $0xb8;
	[tilespmem:$0xF300] =	vst v63  }
.Ltmp7:
0x3fe: {  	_ = 	snop;
	(pc) =	sbr.rel @p2 .LBB2_8-.Ltmp7, $4  }
0x3ff: {  	s23 =	simm.s32 $0x300;
	s24 =	simm.s32 $0xB00;
	s25 =	simm.s32 $0x1300  }
0x400: {  	[hbm4b:s6+s15] =	stream.indirect_vreg.scatter [tilespmem:s13], [sflag:$0x5], $0x80, v45, vm2, $0xb8;
	[tilespmem:$0xF300] =	vst v63  }
0x401: {  	s26 =	simm.s32 $0x1B00;
	s14 =	simm.s32 $0x2300;
	s13 =	simm.s32 $0x2B00  }
0x402: {  	[hbm4b:s7+s15] =	stream.indirect_vreg.scatter [tilespmem:s16], [sflag:$0x5], $0x80, v45, vm2, $0xb8;
	[tilespmem:$0xF300] =	vst v63  }
0x403: {  	v45 =	vld [tilespmem:$0x120];
	_ =	sdelay $0x4  }
0x404: {  	v45 =	vshll.u32 v45, $0x8  }
0x405: {  	v45 =	vadd.s32 v40, v45  }
0x406: {  	v45 =	vshrl.u32 v45, $0x3  }
0x407: {  	v45 =	vmul.u32 $0x30, v45;
	_ =	sdelay $0x1  }
0x408: {  	v45 =	vor.u32 v41, v45  }
0x409: {  	v46 =	vperm.xlane v45, v43;
	_ =	sdelay $0x1  }
0x40a: {  	v46 =	vadd.s32 v42, v46;
	_ =	sdelay $0x3  }
0x40b: {  	s16 =	simm.s32 $0x6300;
	v45 =	vperm.xlane v45, v44  }
0x40c: {  	[tilespmem:s16], [sflag:$0x3] =	stream.indirect_vreg.gather [hbm4b:s1+s15], $0x80, v46, vm2, $0xb8;
	[tilespmem:$0xF300] =	vst v63  }
0x40d: {  	v45 =	vadd.s32 v42, v45;
	s16 =	simm.s32 $0x6B00  }
0x40e: {  	[tilespmem:s16], [sflag:$0x3] =	stream.indirect_vreg.gather [hbm4b:s8+s15], $0x80, v46, vm2, $0xb8;
	[tilespmem:$0xF300] =	vst v63  }
0x40f: {  	s16 =	simm.s32 $0x7300  }
0x410: {  	[tilespmem:s16], [sflag:$0x3] =	stream.indirect_vreg.gather [hbm4b:s10+s15], $0x80, v46, vm2, $0xb8;
	[tilespmem:$0xF300] =	vst v63  }
0x411: {  	s16 =	simm.s32 $0x7B00  }
0x412: {  	[tilespmem:s16], [sflag:$0x3] =	stream.indirect_vreg.gather [hbm4b:s1+s15], $0x80, v45, vm2, $0xb8;
	[tilespmem:$0xF300] =	vst v63  }
.Ltmp8:
0x413: {  	_ = 	snop;
	(pc) =	sbr.rel .LBB2_9-.Ltmp8, $4  }
0x414: {  	s16 =	simm.s32 $0x8300  }
0x415: {  	[tilespmem:s16], [sflag:$0x3] =	stream.indirect_vreg.gather [hbm4b:s8+s15], $0x80, v45, vm2, $0xb8;
	[tilespmem:$0xF300] =	vst v63  }
0x416: {  	s16 =	simm.s32 $0x8B00  }
0x417: {  	[tilespmem:s16], [sflag:$0x3] =	stream.indirect_vreg.gather [hbm4b:s10+s15], $0x80, v45, vm2, $0xb8;
	[tilespmem:$0xF300] =	vst v63  }
.LBB2_8:
.Ltmp9:
0x418: {  	(pc) =	sbr.rel @p5 .LBB2_40-.Ltmp9, $1  }
0x419: {  	_ =	sdelay $0x3  }
.LBB2_9:
0x41a: {  	s16 =	simm.s32 $0x2  }
0x41b: {  	_ =	swait.ge [sflag:s16], $0x3000  }
0x41c: {  	[sflag:s16] =	ssyncset.done $0x0  }
0x41d: {  	[sflag:s16] =	ssyncadd.s32 $0xFFFFD000  }
0x41e: {  	v45 =	vld [tilespmem:$0x110];
	_ =	sdelay $0x4  }
0x41f: {  	v45 =	vshll.u32 v45, $0x8  }
0x420: {  	v45 =	vadd.s32 v40, v45  }
0x421: {  	v45 =	vshrl.u32 v45, $0x3  }
0x422: {  	v45 =	vmul.u32 $0x30, v45;
	_ =	sdelay $0x1  }
0x423: {  	v45 =	vor.u32 v41, v45  }
0x424: {  	v46 =	vperm.xlane v45, v43;
	_ =	sdelay $0x1  }
0x425: {  	v46 =	vadd.s32 v42, v46;
	_ =	sdelay $0x3  }
0x426: {  	s16 =	simm.s32 $0x3300;
	v45 =	vperm.xlane v45, v44  }
0x427: {  	[hbm4b:s3+s15] =	stream.indirect_vreg.scatter [tilespmem:s16], [sflag:$0x6], $0x80, v46, vm2, $0xb8;
	[tilespmem:$0xF300] =	vst v63  }
0x428: {  	v45 =	vadd.s32 v42, v45;
	s16 =	simm.s32 $0x3B00  }
0x429: {  	[hbm4b:s6+s15] =	stream.indirect_vreg.scatter [tilespmem:s16], [sflag:$0x6], $0x80, v46, vm2, $0xb8;
	[tilespmem:$0xF300] =	vst v63  }
0x42a: {  	s16 =	simm.s32 $0x4300  }
0x42b: {  	[hbm4b:s7+s15] =	stream.indirect_vreg.scatter [tilespmem:s16], [sflag:$0x6], $0x80, v46, vm2, $0xb8;
	[tilespmem:$0xF300] =	vst v63  }
0x42c: {  	p5 =	slt.u32 s5, $0x31;
	s16 =	simm.s32 $0x4B00  }
0x42d: {  	[hbm4b:s3+s15] =	stream.indirect_vreg.scatter [tilespmem:s16], [sflag:$0x6], $0x80, v45, vm2, $0xb8;
	[tilespmem:$0xF300] =	vst v63  }
.Ltmp10:
0x42e: {  	_ = 	snop;
	(pc) =	sbr.rel @p5 .LBB2_11-.Ltmp10, $4  }
0x42f: {  	s16 =	simm.s32 $0x5300  }
0x430: {  	[hbm4b:s6+s15] =	stream.indirect_vreg.scatter [tilespmem:s16], [sflag:$0x6], $0x80, v45, vm2, $0xb8;
	[tilespmem:$0xF300] =	vst v63  }
0x431: {  	s16 =	simm.s32 $0x5B00  }
0x432: {  	[hbm4b:s7+s15] =	stream.indirect_vreg.scatter [tilespmem:s16], [sflag:$0x6], $0x80, v45, vm2, $0xb8;
	[tilespmem:$0xF300] =	vst v63  }
0x433: {  	v45 =	vld [tilespmem:$0x130];
	_ =	sdelay $0x4  }
0x434: {  	v45 =	vshll.u32 v45, $0x8  }
0x435: {  	v45 =	vadd.s32 v40, v45  }
0x436: {  	v45 =	vshrl.u32 v45, $0x3  }
0x437: {  	v45 =	vmul.u32 $0x30, v45;
	_ =	sdelay $0x1  }
0x438: {  	v45 =	vor.u32 v41, v45  }
0x439: {  	v46 =	vperm.xlane v45, v43;
	_ =	sdelay $0x1  }
0x43a: {  	v46 =	vadd.s32 v42, v46;
	_ =	sdelay $0x3  }
0x43b: {  	s16 =	simm.s32 $0x9300;
	v45 =	vperm.xlane v45, v44  }
0x43c: {  	[tilespmem:s16], [sflag:$0x4] =	stream.indirect_vreg.gather [hbm4b:s1+s15], $0x80, v46, vm2, $0xb8;
	[tilespmem:$0xF300] =	vst v63  }
0x43d: {  	v45 =	vadd.s32 v42, v45;
	s16 =	simm.s32 $0x9B00  }
0x43e: {  	[tilespmem:s16], [sflag:$0x4] =	stream.indirect_vreg.gather [hbm4b:s8+s15], $0x80, v46, vm2, $0xb8;
	[tilespmem:$0xF300] =	vst v63  }
0x43f: {  	s16 =	simm.s32 $0xA300  }
0x440: {  	[tilespmem:s16], [sflag:$0x4] =	stream.indirect_vreg.gather [hbm4b:s10+s15], $0x80, v46, vm2, $0xb8;
	[tilespmem:$0xF300] =	vst v63  }
0x441: {  	s16 =	simm.s32 $0xAB00  }
0x442: {  	[tilespmem:s16], [sflag:$0x4] =	stream.indirect_vreg.gather [hbm4b:s1+s15], $0x80, v45, vm2, $0xb8;
	[tilespmem:$0xF300] =	vst v63  }
.Ltmp11:
0x443: {  	_ = 	snop;
	(pc) =	sbr.rel .LBB2_12-.Ltmp11, $4  }
0x444: {  	s16 =	simm.s32 $0xB300  }
0x445: {  	[tilespmem:s16], [sflag:$0x4] =	stream.indirect_vreg.gather [hbm4b:s8+s15], $0x80, v45, vm2, $0xb8;
	[tilespmem:$0xF300] =	vst v63  }
0x446: {  	s16 =	simm.s32 $0xBB00  }
0x447: {  	[tilespmem:s16], [sflag:$0x4] =	stream.indirect_vreg.gather [hbm4b:s10+s15], $0x80, v45, vm2, $0xb8;
	[tilespmem:$0xF300] =	vst v63  }
.LBB2_11:
.Ltmp12:
0x448: {  	(pc) =	sbr.rel @p2 .LBB2_40-.Ltmp12, $1  }
0x449: {  	_ =	sdelay $0x3  }
.LBB2_12:
0x44a: {  	s16 =	simm.s32 $0x3  }
0x44b: {  	_ =	swait.ge [sflag:s16], $0x3000  }
0x44c: {  	[sflag:s16] =	ssyncset.done $0x0  }
0x44d: {  	[sflag:s16] =	ssyncadd.s32 $0xFFFFD000  }
0x44e: {  	v45 =	vld [tilespmem:$0x120];
	_ =	sdelay $0x4  }
0x44f: {  	v45 =	vshll.u32 v45, $0x8  }
0x450: {  	v45 =	vadd.s32 v40, v45  }
0x451: {  	v45 =	vshrl.u32 v45, $0x3  }
0x452: {  	v45 =	vmul.u32 $0x30, v45;
	_ =	sdelay $0x1  }
0x453: {  	v45 =	vor.u32 v41, v45  }
0x454: {  	v46 =	vperm.xlane v45, v43;
	_ =	sdelay $0x1  }
0x455: {  	v46 =	vadd.s32 v42, v46;
	_ =	sdelay $0x3  }
0x456: {  	s16 =	simm.s32 $0x6300;
	v45 =	vperm.xlane v45, v44  }
0x457: {  	[hbm4b:s3+s15] =	stream.indirect_vreg.scatter [tilespmem:s16], [sflag:$0x7], $0x80, v46, vm2, $0xb8;
	[tilespmem:$0xF300] =	vst v63  }
0x458: {  	v45 =	vadd.s32 v42, v45;
	s16 =	simm.s32 $0x6B00  }
0x459: {  	[hbm4b:s6+s15] =	stream.indirect_vreg.scatter [tilespmem:s16], [sflag:$0x7], $0x80, v46, vm2, $0xb8;
	[tilespmem:$0xF300] =	vst v63  }
0x45a: {  	s16 =	simm.s32 $0x7300  }
0x45b: {  	[hbm4b:s7+s15] =	stream.indirect_vreg.scatter [tilespmem:s16], [sflag:$0x7], $0x80, v46, vm2, $0xb8;
	[tilespmem:$0xF300] =	vst v63  }
0x45c: {  	p2 =	slt.u32 s5, $0x41;
	s16 =	simm.s32 $0x7B00  }
0x45d: {  	[hbm4b:s3+s15] =	stream.indirect_vreg.scatter [tilespmem:s16], [sflag:$0x7], $0x80, v45, vm2, $0xb8;
	[tilespmem:$0xF300] =	vst v63  }
.Ltmp13:
0x45e: {  	_ = 	snop;
	(pc) =	sbr.rel @p2 .LBB2_14-.Ltmp13, $4  }
0x45f: {  	s16 =	simm.s32 $0x8300  }
0x460: {  	[hbm4b:s6+s15] =	stream.indirect_vreg.scatter [tilespmem:s16], [sflag:$0x7], $0x80, v45, vm2, $0xb8;
	[tilespmem:$0xF300] =	vst v63  }
0x461: {  	s16 =	simm.s32 $0x8B00  }
0x462: {  	[hbm4b:s7+s15] =	stream.indirect_vreg.scatter [tilespmem:s16], [sflag:$0x7], $0x80, v45, vm2, $0xb8;
	[tilespmem:$0xF300] =	vst v63  }
0x463: {  	s16 =	simm.s32 $0x5  }
0x464: {  	_ =	swait.ge [sflag:s16], $0x3000  }
0x465: {  	[sflag:s16] =	ssyncset.done $0x0  }
0x466: {  	[sflag:s16] =	ssyncadd.s32 $0xFFFFD000  }
0x467: {  	v45 =	vld [tilespmem:$0x140];
	_ =	sdelay $0x4  }
0x468: {  	v45 =	vshll.u32 v45, $0x8  }
0x469: {  	v45 =	vadd.s32 v40, v45  }
0x46a: {  	v45 =	vshrl.u32 v45, $0x3  }
0x46b: {  	v45 =	vmul.u32 $0x30, v45;
	_ =	sdelay $0x1  }
0x46c: {  	v45 =	vor.u32 v41, v45  }
0x46d: {  	v46 =	vperm.xlane v45, v43;
	_ =	sdelay $0x1  }
0x46e: {  	v46 =	vadd.s32 v42, v46;
	_ =	sdelay $0x3  }
0x46f: {  	v45 =	vperm.xlane v45, v44  }
0x470: {  	[tilespmem:s23], [sflag:$0x1] =	stream.indirect_vreg.gather [hbm4b:s1+s15], $0x80, v46, vm2, $0xb8;
	[tilespmem:$0xF300] =	vst v63  }
0x471: {  	v45 =	vadd.s32 v42, v45  }
0x472: {  	[tilespmem:s24], [sflag:$0x1] =	stream.indirect_vreg.gather [hbm4b:s8+s15], $0x80, v46, vm2, $0xb8;
	[tilespmem:$0xF300] =	vst v63  }
0x473: {  	_ = 	snop  }
0x474: {  	[tilespmem:s25], [sflag:$0x1] =	stream.indirect_vreg.gather [hbm4b:s10+s15], $0x80, v46, vm2, $0xb8;
	[tilespmem:$0xF300] =	vst v63  }
0x475: {  	_ = 	snop  }
0x476: {  	[tilespmem:s26], [sflag:$0x1] =	stream.indirect_vreg.gather [hbm4b:s1+s15], $0x80, v45, vm2, $0xb8;
	[tilespmem:$0xF300] =	vst v63  }
.Ltmp14:
0x477: {  	_ = 	snop;
	(pc) =	sbr.rel .LBB2_15-.Ltmp14, $4  }
0x478: {  	_ = 	snop  }
0x479: {  	[tilespmem:s14], [sflag:$0x1] =	stream.indirect_vreg.gather [hbm4b:s8+s15], $0x80, v45, vm2, $0xb8;
	[tilespmem:$0xF300] =	vst v63  }
0x47a: {  	_ = 	snop  }
0x47b: {  	[tilespmem:s13], [sflag:$0x1] =	stream.indirect_vreg.gather [hbm4b:s10+s15], $0x80, v45, vm2, $0xb8;
	[tilespmem:$0xF300] =	vst v63  }
.LBB2_14:
.Ltmp15:
0x47c: {  	(pc) =	sbr.rel @p5 .LBB2_40-.Ltmp15, $1  }
0x47d: {  	_ =	sdelay $0x3  }
.LBB2_15:
0x47e: {  	s16 =	simm.s32 $0x4  }
0x47f: {  	_ =	swait.ge [sflag:s16], $0x3000  }
0x480: {  	[sflag:s16] =	ssyncset.done $0x0  }
0x481: {  	[sflag:s16] =	ssyncadd.s32 $0xFFFFD000  }
0x482: {  	v45 =	vld [tilespmem:$0x130];
	_ =	sdelay $0x4  }
0x483: {  	v45 =	vshll.u32 v45, $0x8  }
0x484: {  	v45 =	vadd.s32 v40, v45  }
0x485: {  	v45 =	vshrl.u32 v45, $0x3  }
0x486: {  	v45 =	vmul.u32 $0x30, v45;
	_ =	sdelay $0x1  }
0x487: {  	v45 =	vor.u32 v41, v45  }
0x488: {  	v46 =	vperm.xlane v45, v43;
	_ =	sdelay $0x1  }
0x489: {  	v46 =	vadd.s32 v42, v46;
	_ =	sdelay $0x3  }
0x48a: {  	s16 =	simm.s32 $0x9300;
	v45 =	vperm.xlane v45, v44  }
0x48b: {  	[hbm4b:s3+s15] =	stream.indirect_vreg.scatter [tilespmem:s16], [sflag:$0x8], $0x80, v46, vm2, $0xb8;
	[tilespmem:$0xF300] =	vst v63  }
0x48c: {  	v45 =	vadd.s32 v42, v45;
	s16 =	simm.s32 $0x9B00  }
0x48d: {  	[hbm4b:s6+s15] =	stream.indirect_vreg.scatter [tilespmem:s16], [sflag:$0x8], $0x80, v46, vm2, $0xb8;
	[tilespmem:$0xF300] =	vst v63  }
0x48e: {  	s16 =	simm.s32 $0xA300  }
0x48f: {  	[hbm4b:s7+s15] =	stream.indirect_vreg.scatter [tilespmem:s16], [sflag:$0x8], $0x80, v46, vm2, $0xb8;
	[tilespmem:$0xF300] =	vst v63  }
0x490: {  	p3 =	slt.s32 s5, $0x51;
	s16 =	simm.s32 $0xAB00  }
0x491: {  	[hbm4b:s3+s15] =	stream.indirect_vreg.scatter [tilespmem:s16], [sflag:$0x8], $0x80, v45, vm2, $0xb8;
	[tilespmem:$0xF300] =	vst v63  }
.Ltmp16:
0x492: {  	_ = 	snop;
	(pc) =	sbr.rel @p3 .LBB2_17-.Ltmp16, $4  }
0x493: {  	s16 =	simm.s32 $0xB300  }
0x494: {  	[hbm4b:s6+s15] =	stream.indirect_vreg.scatter [tilespmem:s16], [sflag:$0x8], $0x80, v45, vm2, $0xb8;
	[tilespmem:$0xF300] =	vst v63  }
0x495: {  	s16 =	simm.s32 $0xBB00  }
0x496: {  	[hbm4b:s7+s15] =	stream.indirect_vreg.scatter [tilespmem:s16], [sflag:$0x8], $0x80, v45, vm2, $0xb8;
	[tilespmem:$0xF300] =	vst v63  }
0x497: {  	s16 =	simm.s32 $0x6  }
0x498: {  	_ =	swait.ge [sflag:s16], $0x3000  }
0x499: {  	[sflag:s16] =	ssyncset.done $0x0  }
0x49a: {  	[sflag:s16] =	ssyncadd.s32 $0xFFFFD000  }
0x49b: {  	v45 =	vld [tilespmem:$0x150];
	_ =	sdelay $0x4  }
0x49c: {  	v45 =	vshll.u32 v45, $0x8  }
0x49d: {  	v45 =	vadd.s32 v40, v45  }
0x49e: {  	v45 =	vshrl.u32 v45, $0x3  }
0x49f: {  	v45 =	vmul.u32 $0x30, v45;
	_ =	sdelay $0x1  }
0x4a0: {  	v45 =	vor.u32 v41, v45  }
0x4a1: {  	v46 =	vperm.xlane v45, v43;
	_ =	sdelay $0x1  }
0x4a2: {  	v46 =	vadd.s32 v42, v46;
	_ =	sdelay $0x3  }
0x4a3: {  	s16 =	simm.s32 $0x3300;
	v45 =	vperm.xlane v45, v44  }
0x4a4: {  	[tilespmem:s16], [sflag:$0x2] =	stream.indirect_vreg.gather [hbm4b:s1+s15], $0x80, v46, vm2, $0xb8;
	[tilespmem:$0xF300] =	vst v63  }
0x4a5: {  	v45 =	vadd.s32 v42, v45;
	s16 =	simm.s32 $0x3B00  }
0x4a6: {  	[tilespmem:s16], [sflag:$0x2] =	stream.indirect_vreg.gather [hbm4b:s8+s15], $0x80, v46, vm2, $0xb8;
	[tilespmem:$0xF300] =	vst v63  }
0x4a7: {  	s16 =	simm.s32 $0x4300  }
0x4a8: {  	[tilespmem:s16], [sflag:$0x2] =	stream.indirect_vreg.gather [hbm4b:s10+s15], $0x80, v46, vm2, $0xb8;
	[tilespmem:$0xF300] =	vst v63  }
0x4a9: {  	s16 =	simm.s32 $0x4B00  }
0x4aa: {  	[tilespmem:s16], [sflag:$0x2] =	stream.indirect_vreg.gather [hbm4b:s1+s15], $0x80, v45, vm2, $0xb8;
	[tilespmem:$0xF300] =	vst v63  }
.Ltmp17:
0x4ab: {  	_ = 	snop;
	(pc) =	sbr.rel .LBB2_18-.Ltmp17, $4  }
0x4ac: {  	s16 =	simm.s32 $0x5300  }
0x4ad: {  	[tilespmem:s16], [sflag:$0x2] =	stream.indirect_vreg.gather [hbm4b:s8+s15], $0x80, v45, vm2, $0xb8;
	[tilespmem:$0xF300] =	vst v63  }
0x4ae: {  	s16 =	simm.s32 $0x5B00  }
0x4af: {  	[tilespmem:s16], [sflag:$0x2] =	stream.indirect_vreg.gather [hbm4b:s10+s15], $0x80, v45, vm2, $0xb8;
	[tilespmem:$0xF300] =	vst v63  }
.LBB2_17:
.Ltmp18:
0x4b0: {  	(pc) =	sbr.rel @p2 .LBB2_40-.Ltmp18, $1  }
0x4b1: {  	_ =	sdelay $0x3  }
.LBB2_18:
0x4b2: {  	_ =	swait.ge [sflag:s29], $0x3000  }
0x4b3: {  	[sflag:s29] =	ssyncset.done $0x0  }
0x4b4: {  	[sflag:s29] =	ssyncadd.s32 $0xFFFFD000  }
0x4b5: {  	v45 =	vld [tilespmem:$0x140];
	_ =	sdelay $0x4  }
0x4b6: {  	v45 =	vshll.u32 v45, $0x8  }
0x4b7: {  	v45 =	vadd.s32 v40, v45  }
0x4b8: {  	v45 =	vshrl.u32 v45, $0x3  }
0x4b9: {  	v45 =	vmul.u32 $0x30, v45;
	_ =	sdelay $0x1  }
0x4ba: {  	v45 =	vor.u32 v41, v45  }
0x4bb: {  	v46 =	vperm.xlane v45, v43;
	_ =	sdelay $0x1  }
0x4bc: {  	v46 =	vadd.s32 v42, v46;
	_ =	sdelay $0x3  }
0x4bd: {  	v45 =	vperm.xlane v45, v44  }
0x4be: {  	[hbm4b:s3+s15] =	stream.indirect_vreg.scatter [tilespmem:s23], [sflag:$0x5], $0x80, v46, vm2, $0xb8;
	[tilespmem:$0xF300] =	vst v63  }
0x4bf: {  	v45 =	vadd.s32 v42, v45  }
0x4c0: {  	[hbm4b:s6+s15] =	stream.indirect_vreg.scatter [tilespmem:s24], [sflag:$0x5], $0x80, v46, vm2, $0xb8;
	[tilespmem:$0xF300] =	vst v63  }
0x4c1: {  	_ = 	snop  }
0x4c2: {  	[hbm4b:s7+s15] =	stream.indirect_vreg.scatter [tilespmem:s25], [sflag:$0x5], $0x80, v46, vm2, $0xb8;
	[tilespmem:$0xF300] =	vst v63  }
0x4c3: {  	p5 =	slt.s32 s5, $0x61  }
0x4c4: {  	[hbm4b:s3+s15] =	stream.indirect_vreg.scatter [tilespmem:s26], [sflag:$0x5], $0x80, v45, vm2, $0xb8;
	[tilespmem:$0xF300] =	vst v63  }
.Ltmp19:
0x4c5: {  	_ = 	snop;
	(pc) =	sbr.rel @p5 .LBB2_20-.Ltmp19, $4  }
0x4c6: {  	_ = 	snop  }
0x4c7: {  	[hbm4b:s6+s15] =	stream.indirect_vreg.scatter [tilespmem:s14], [sflag:$0x5], $0x80, v45, vm2, $0xb8;
	[tilespmem:$0xF300] =	vst v63  }
0x4c8: {  	_ = 	snop  }
0x4c9: {  	[hbm4b:s7+s15] =	stream.indirect_vreg.scatter [tilespmem:s13], [sflag:$0x5], $0x80, v45, vm2, $0xb8;
	[tilespmem:$0xF300] =	vst v63  }
0x4ca: {  	s16 =	simm.s32 $0x7  }
0x4cb: {  	_ =	swait.ge [sflag:s16], $0x3000  }
0x4cc: {  	[sflag:s16] =	ssyncset.done $0x0  }
0x4cd: {  	[sflag:s16] =	ssyncadd.s32 $0xFFFFD000  }
0x4ce: {  	v45 =	vld [tilespmem:$0x160];
	_ =	sdelay $0x4  }
0x4cf: {  	v45 =	vshll.u32 v45, $0x8  }
0x4d0: {  	v45 =	vadd.s32 v40, v45  }
0x4d1: {  	v45 =	vshrl.u32 v45, $0x3  }
0x4d2: {  	v45 =	vmul.u32 $0x30, v45;
	_ =	sdelay $0x1  }
0x4d3: {  	v45 =	vor.u32 v41, v45  }
0x4d4: {  	v46 =	vperm.xlane v45, v43;
	_ =	sdelay $0x1  }
0x4d5: {  	v46 =	vadd.s32 v42, v46;
	_ =	sdelay $0x3  }
0x4d6: {  	s16 =	simm.s32 $0x6300;
	v45 =	vperm.xlane v45, v44  }
0x4d7: {  	[tilespmem:s16], [sflag:$0x3] =	stream.indirect_vreg.gather [hbm4b:s1+s15], $0x80, v46, vm2, $0xb8;
	[tilespmem:$0xF300] =	vst v63  }
0x4d8: {  	v45 =	vadd.s32 v42, v45;
	s16 =	simm.s32 $0x6B00  }
0x4d9: {  	[tilespmem:s16], [sflag:$0x3] =	stream.indirect_vreg.gather [hbm4b:s8+s15], $0x80, v46, vm2, $0xb8;
	[tilespmem:$0xF300] =	vst v63  }
0x4da: {  	s16 =	simm.s32 $0x7300  }
0x4db: {  	[tilespmem:s16], [sflag:$0x3] =	stream.indirect_vreg.gather [hbm4b:s10+s15], $0x80, v46, vm2, $0xb8;
	[tilespmem:$0xF300] =	vst v63  }
0x4dc: {  	s16 =	simm.s32 $0x7B00  }
0x4dd: {  	[tilespmem:s16], [sflag:$0x3] =	stream.indirect_vreg.gather [hbm4b:s1+s15], $0x80, v45, vm2, $0xb8;
	[tilespmem:$0xF300] =	vst v63  }
.Ltmp20:
0x4de: {  	_ = 	snop;
	(pc) =	sbr.rel .LBB2_21-.Ltmp20, $4  }
0x4df: {  	s16 =	simm.s32 $0x8300  }
0x4e0: {  	[tilespmem:s16], [sflag:$0x3] =	stream.indirect_vreg.gather [hbm4b:s8+s15], $0x80, v45, vm2, $0xb8;
	[tilespmem:$0xF300] =	vst v63  }
0x4e1: {  	s16 =	simm.s32 $0x8B00  }
0x4e2: {  	[tilespmem:s16], [sflag:$0x3] =	stream.indirect_vreg.gather [hbm4b:s10+s15], $0x80, v45, vm2, $0xb8;
	[tilespmem:$0xF300] =	vst v63  }
.LBB2_20:
.Ltmp21:
0x4e3: {  	(pc) =	sbr.rel @p3 .LBB2_40-.Ltmp21, $1  }
0x4e4: {  	_ =	sdelay $0x3  }
.LBB2_21:
0x4e5: {  	s16 =	simm.s32 $0x2  }
0x4e6: {  	_ =	swait.ge [sflag:s16], $0x3000  }
0x4e7: {  	[sflag:s16] =	ssyncset.done $0x0  }
0x4e8: {  	[sflag:s16] =	ssyncadd.s32 $0xFFFFD000  }
0x4e9: {  	v45 =	vld [tilespmem:$0x150];
	_ =	sdelay $0x4  }
0x4ea: {  	v45 =	vshll.u32 v45, $0x8  }
0x4eb: {  	v45 =	vadd.s32 v40, v45  }
0x4ec: {  	v45 =	vshrl.u32 v45, $0x3  }
0x4ed: {  	v45 =	vmul.u32 $0x30, v45;
	_ =	sdelay $0x1  }
0x4ee: {  	v45 =	vor.u32 v41, v45  }
0x4ef: {  	v46 =	vperm.xlane v45, v43;
	_ =	sdelay $0x1  }
0x4f0: {  	v46 =	vadd.s32 v42, v46;
	_ =	sdelay $0x3  }
0x4f1: {  	s16 =	simm.s32 $0x3300;
	v45 =	vperm.xlane v45, v44  }
0x4f2: {  	[hbm4b:s3+s15] =	stream.indirect_vreg.scatter [tilespmem:s16], [sflag:$0x6], $0x80, v46, vm2, $0xb8;
	[tilespmem:$0xF300] =	vst v63  }
0x4f3: {  	v45 =	vadd.s32 v42, v45;
	s16 =	simm.s32 $0x3B00  }
0x4f4: {  	[hbm4b:s6+s15] =	stream.indirect_vreg.scatter [tilespmem:s16], [sflag:$0x6], $0x80, v46, vm2, $0xb8;
	[tilespmem:$0xF300] =	vst v63  }
0x4f5: {  	s16 =	simm.s32 $0x4300  }
0x4f6: {  	[hbm4b:s7+s15] =	stream.indirect_vreg.scatter [tilespmem:s16], [sflag:$0x6], $0x80, v46, vm2, $0xb8;
	[tilespmem:$0xF300] =	vst v63  }
0x4f7: {  	p2 =	slt.s32 s5, $0x71;
	s16 =	simm.s32 $0x4B00  }
0x4f8: {  	[hbm4b:s3+s15] =	stream.indirect_vreg.scatter [tilespmem:s16], [sflag:$0x6], $0x80, v45, vm2, $0xb8;
	[tilespmem:$0xF300] =	vst v63  }
.Ltmp22:
0x4f9: {  	_ = 	snop;
	(pc) =	sbr.rel @p2 .LBB2_23-.Ltmp22, $4  }
0x4fa: {  	s16 =	simm.s32 $0x5300  }
0x4fb: {  	[hbm4b:s6+s15] =	stream.indirect_vreg.scatter [tilespmem:s16], [sflag:$0x6], $0x80, v45, vm2, $0xb8;
	[tilespmem:$0xF300] =	vst v63  }
0x4fc: {  	s16 =	simm.s32 $0x5B00  }
0x4fd: {  	[hbm4b:s7+s15] =	stream.indirect_vreg.scatter [tilespmem:s16], [sflag:$0x6], $0x80, v45, vm2, $0xb8;
	[tilespmem:$0xF300] =	vst v63  }
0x4fe: {  	s16 =	simm.s32 $0x8  }
0x4ff: {  	_ =	swait.ge [sflag:s16], $0x3000  }
0x500: {  	[sflag:s16] =	ssyncset.done $0x0  }
0x501: {  	[sflag:s16] =	ssyncadd.s32 $0xFFFFD000  }
0x502: {  	v45 =	vld [tilespmem:$0x170];
	_ =	sdelay $0x4  }
0x503: {  	v45 =	vshll.u32 v45, $0x8  }
0x504: {  	v45 =	vadd.s32 v40, v45  }
0x505: {  	v45 =	vshrl.u32 v45, $0x3  }
0x506: {  	v45 =	vmul.u32 $0x30, v45;
	_ =	sdelay $0x1  }
0x507: {  	v45 =	vor.u32 v41, v45  }
0x508: {  	v46 =	vperm.xlane v45, v43;
	_ =	sdelay $0x1  }
0x509: {  	v46 =	vadd.s32 v42, v46;
	_ =	sdelay $0x3  }
0x50a: {  	s16 =	simm.s32 $0x9300;
	v45 =	vperm.xlane v45, v44  }
0x50b: {  	[tilespmem:s16], [sflag:$0x4] =	stream.indirect_vreg.gather [hbm4b:s1+s15], $0x80, v46, vm2, $0xb8;
	[tilespmem:$0xF300] =	vst v63  }
0x50c: {  	v45 =	vadd.s32 v42, v45;
	s16 =	simm.s32 $0x9B00  }
0x50d: {  	[tilespmem:s16], [sflag:$0x4] =	stream.indirect_vreg.gather [hbm4b:s8+s15], $0x80, v46, vm2, $0xb8;
	[tilespmem:$0xF300] =	vst v63  }
0x50e: {  	s16 =	simm.s32 $0xA300  }
0x50f: {  	[tilespmem:s16], [sflag:$0x4] =	stream.indirect_vreg.gather [hbm4b:s10+s15], $0x80, v46, vm2, $0xb8;
	[tilespmem:$0xF300] =	vst v63  }
0x510: {  	s16 =	simm.s32 $0xAB00  }
0x511: {  	[tilespmem:s16], [sflag:$0x4] =	stream.indirect_vreg.gather [hbm4b:s1+s15], $0x80, v45, vm2, $0xb8;
	[tilespmem:$0xF300] =	vst v63  }
.Ltmp23:
0x512: {  	_ = 	snop;
	(pc) =	sbr.rel .LBB2_24-.Ltmp23, $4  }
0x513: {  	s16 =	simm.s32 $0xB300  }
0x514: {  	[tilespmem:s16], [sflag:$0x4] =	stream.indirect_vreg.gather [hbm4b:s8+s15], $0x80, v45, vm2, $0xb8;
	[tilespmem:$0xF300] =	vst v63  }
0x515: {  	s16 =	simm.s32 $0xBB00  }
0x516: {  	[tilespmem:s16], [sflag:$0x4] =	stream.indirect_vreg.gather [hbm4b:s10+s15], $0x80, v45, vm2, $0xb8;
	[tilespmem:$0xF300] =	vst v63  }
.LBB2_23:
.Ltmp24:
0x517: {  	(pc) =	sbr.rel @p5 .LBB2_40-.Ltmp24, $1  }
0x518: {  	_ =	sdelay $0x3  }
.LBB2_24:
0x519: {  	s16 =	simm.s32 $0x3  }
0x51a: {  	_ =	swait.ge [sflag:s16], $0x3000  }
0x51b: {  	[sflag:s16] =	ssyncset.done $0x0  }
0x51c: {  	[sflag:s16] =	ssyncadd.s32 $0xFFFFD000  }
0x51d: {  	v45 =	vld [tilespmem:$0x160];
	_ =	sdelay $0x4  }
0x51e: {  	v45 =	vshll.u32 v45, $0x8  }
0x51f: {  	v45 =	vadd.s32 v40, v45  }
0x520: {  	v45 =	vshrl.u32 v45, $0x3  }
0x521: {  	v45 =	vmul.u32 $0x30, v45;
	_ =	sdelay $0x1  }
0x522: {  	v45 =	vor.u32 v41, v45  }
0x523: {  	v46 =	vperm.xlane v45, v43;
	_ =	sdelay $0x1  }
0x524: {  	v46 =	vadd.s32 v42, v46;
	_ =	sdelay $0x3  }
0x525: {  	s16 =	simm.s32 $0x6300;
	v45 =	vperm.xlane v45, v44  }
0x526: {  	[hbm4b:s3+s15] =	stream.indirect_vreg.scatter [tilespmem:s16], [sflag:$0x7], $0x80, v46, vm2, $0xb8;
	[tilespmem:$0xF300] =	vst v63  }
0x527: {  	v45 =	vadd.s32 v42, v45;
	s16 =	simm.s32 $0x6B00  }
0x528: {  	[hbm4b:s6+s15] =	stream.indirect_vreg.scatter [tilespmem:s16], [sflag:$0x7], $0x80, v46, vm2, $0xb8;
	[tilespmem:$0xF300] =	vst v63  }
0x529: {  	s16 =	simm.s32 $0x7300  }
0x52a: {  	[hbm4b:s7+s15] =	stream.indirect_vreg.scatter [tilespmem:s16], [sflag:$0x7], $0x80, v46, vm2, $0xb8;
	[tilespmem:$0xF300] =	vst v63  }
0x52b: {  	p5 =	slt.u32 s5, $0x81;
	s16 =	simm.s32 $0x7B00  }
0x52c: {  	[hbm4b:s3+s15] =	stream.indirect_vreg.scatter [tilespmem:s16], [sflag:$0x7], $0x80, v45, vm2, $0xb8;
	[tilespmem:$0xF300] =	vst v63  }
.Ltmp25:
0x52d: {  	_ = 	snop;
	(pc) =	sbr.rel @p5 .LBB2_26-.Ltmp25, $4  }
0x52e: {  	s16 =	simm.s32 $0x8300  }
0x52f: {  	[hbm4b:s6+s15] =	stream.indirect_vreg.scatter [tilespmem:s16], [sflag:$0x7], $0x80, v45, vm2, $0xb8;
	[tilespmem:$0xF300] =	vst v63  }
0x530: {  	s16 =	simm.s32 $0x8B00  }
0x531: {  	[hbm4b:s7+s15] =	stream.indirect_vreg.scatter [tilespmem:s16], [sflag:$0x7], $0x80, v45, vm2, $0xb8;
	[tilespmem:$0xF300] =	vst v63  }
0x532: {  	s16 =	simm.s32 $0x5  }
0x533: {  	_ =	swait.ge [sflag:s16], $0x3000  }
0x534: {  	[sflag:s16] =	ssyncset.done $0x0  }
0x535: {  	[sflag:s16] =	ssyncadd.s32 $0xFFFFD000  }
0x536: {  	v45 =	vld [tilespmem:$0x180];
	_ =	sdelay $0x4  }
0x537: {  	v45 =	vshll.u32 v45, $0x8  }
0x538: {  	v45 =	vadd.s32 v40, v45  }
0x539: {  	v45 =	vshrl.u32 v45, $0x3  }
0x53a: {  	v45 =	vmul.u32 $0x30, v45;
	_ =	sdelay $0x1  }
0x53b: {  	v45 =	vor.u32 v41, v45  }
0x53c: {  	v46 =	vperm.xlane v45, v43;
	_ =	sdelay $0x1  }
0x53d: {  	v46 =	vadd.s32 v42, v46;
	_ =	sdelay $0x3  }
0x53e: {  	v45 =	vperm.xlane v45, v44  }
0x53f: {  	[tilespmem:s23], [sflag:$0x1] =	stream.indirect_vreg.gather [hbm4b:s1+s15], $0x80, v46, vm2, $0xb8;
	[tilespmem:$0xF300] =	vst v63  }
0x540: {  	v45 =	vadd.s32 v42, v45  }
0x541: {  	[tilespmem:s24], [sflag:$0x1] =	stream.indirect_vreg.gather [hbm4b:s8+s15], $0x80, v46, vm2, $0xb8;
	[tilespmem:$0xF300] =	vst v63  }
0x542: {  	_ = 	snop  }
0x543: {  	[tilespmem:s25], [sflag:$0x1] =	stream.indirect_vreg.gather [hbm4b:s10+s15], $0x80, v46, vm2, $0xb8;
	[tilespmem:$0xF300] =	vst v63  }
0x544: {  	_ = 	snop  }
0x545: {  	[tilespmem:s26], [sflag:$0x1] =	stream.indirect_vreg.gather [hbm4b:s1+s15], $0x80, v45, vm2, $0xb8;
	[tilespmem:$0xF300] =	vst v63  }
.Ltmp26:
0x546: {  	_ = 	snop;
	(pc) =	sbr.rel .LBB2_27-.Ltmp26, $4  }
0x547: {  	_ = 	snop  }
0x548: {  	[tilespmem:s14], [sflag:$0x1] =	stream.indirect_vreg.gather [hbm4b:s8+s15], $0x80, v45, vm2, $0xb8;
	[tilespmem:$0xF300] =	vst v63  }
0x549: {  	_ = 	snop  }
0x54a: {  	[tilespmem:s13], [sflag:$0x1] =	stream.indirect_vreg.gather [hbm4b:s10+s15], $0x80, v45, vm2, $0xb8;
	[tilespmem:$0xF300] =	vst v63  }
.LBB2_26:
.Ltmp27:
0x54b: {  	(pc) =	sbr.rel @p2 .LBB2_40-.Ltmp27, $1  }
0x54c: {  	_ =	sdelay $0x3  }
.LBB2_27:
0x54d: {  	s16 =	simm.s32 $0x4  }
0x54e: {  	_ =	swait.ge [sflag:s16], $0x3000  }
0x54f: {  	[sflag:s16] =	ssyncset.done $0x0  }
0x550: {  	[sflag:s16] =	ssyncadd.s32 $0xFFFFD000  }
0x551: {  	v45 =	vld [tilespmem:$0x170];
	_ =	sdelay $0x4  }
0x552: {  	v45 =	vshll.u32 v45, $0x8  }
0x553: {  	v45 =	vadd.s32 v40, v45  }
0x554: {  	v45 =	vshrl.u32 v45, $0x3  }
0x555: {  	v45 =	vmul.u32 $0x30, v45;
	_ =	sdelay $0x1  }
0x556: {  	v45 =	vor.u32 v41, v45  }
0x557: {  	v46 =	vperm.xlane v45, v43;
	_ =	sdelay $0x1  }
0x558: {  	v46 =	vadd.s32 v42, v46;
	_ =	sdelay $0x3  }
0x559: {  	s16 =	simm.s32 $0x9300;
	v45 =	vperm.xlane v45, v44  }
0x55a: {  	[hbm4b:s3+s15] =	stream.indirect_vreg.scatter [tilespmem:s16], [sflag:$0x8], $0x80, v46, vm2, $0xb8;
	[tilespmem:$0xF300] =	vst v63  }
0x55b: {  	v45 =	vadd.s32 v42, v45;
	s16 =	simm.s32 $0x9B00  }
0x55c: {  	[hbm4b:s6+s15] =	stream.indirect_vreg.scatter [tilespmem:s16], [sflag:$0x8], $0x80, v46, vm2, $0xb8;
	[tilespmem:$0xF300] =	vst v63  }
0x55d: {  	s16 =	simm.s32 $0xA300  }
0x55e: {  	[hbm4b:s7+s15] =	stream.indirect_vreg.scatter [tilespmem:s16], [sflag:$0x8], $0x80, v46, vm2, $0xb8;
	[tilespmem:$0xF300] =	vst v63  }
0x55f: {  	p2 =	slt.u32 s5, $0x91;
	s16 =	simm.s32 $0xAB00  }
0x560: {  	[hbm4b:s3+s15] =	stream.indirect_vreg.scatter [tilespmem:s16], [sflag:$0x8], $0x80, v45, vm2, $0xb8;
	[tilespmem:$0xF300] =	vst v63  }
.Ltmp28:
0x561: {  	_ = 	snop;
	(pc) =	sbr.rel @p2 .LBB2_29-.Ltmp28, $4  }
0x562: {  	s16 =	simm.s32 $0xB300  }
0x563: {  	[hbm4b:s6+s15] =	stream.indirect_vreg.scatter [tilespmem:s16], [sflag:$0x8], $0x80, v45, vm2, $0xb8;
	[tilespmem:$0xF300] =	vst v63  }
0x564: {  	s16 =	simm.s32 $0xBB00  }
0x565: {  	[hbm4b:s7+s15] =	stream.indirect_vreg.scatter [tilespmem:s16], [sflag:$0x8], $0x80, v45, vm2, $0xb8;
	[tilespmem:$0xF300] =	vst v63  }
0x566: {  	s16 =	simm.s32 $0x6  }
0x567: {  	_ =	swait.ge [sflag:s16], $0x3000  }
0x568: {  	[sflag:s16] =	ssyncset.done $0x0  }
0x569: {  	[sflag:s16] =	ssyncadd.s32 $0xFFFFD000  }
0x56a: {  	v45 =	vld [tilespmem:$0x190];
	_ =	sdelay $0x4  }
0x56b: {  	v45 =	vshll.u32 v45, $0x8  }
0x56c: {  	v45 =	vadd.s32 v40, v45  }
0x56d: {  	v45 =	vshrl.u32 v45, $0x3  }
0x56e: {  	v45 =	vmul.u32 $0x30, v45;
	_ =	sdelay $0x1  }
0x56f: {  	v45 =	vor.u32 v41, v45  }
0x570: {  	v46 =	vperm.xlane v45, v43;
	_ =	sdelay $0x1  }
0x571: {  	v46 =	vadd.s32 v42, v46;
	_ =	sdelay $0x3  }
0x572: {  	s16 =	simm.s32 $0x3300;
	v45 =	vperm.xlane v45, v44  }
0x573: {  	[tilespmem:s16], [sflag:$0x2] =	stream.indirect_vreg.gather [hbm4b:s1+s15], $0x80, v46, vm2, $0xb8;
	[tilespmem:$0xF300] =	vst v63  }
0x574: {  	v45 =	vadd.s32 v42, v45;
	s16 =	simm.s32 $0x3B00  }
0x575: {  	[tilespmem:s16], [sflag:$0x2] =	stream.indirect_vreg.gather [hbm4b:s8+s15], $0x80, v46, vm2, $0xb8;
	[tilespmem:$0xF300] =	vst v63  }
0x576: {  	s16 =	simm.s32 $0x4300  }
0x577: {  	[tilespmem:s16], [sflag:$0x2] =	stream.indirect_vreg.gather [hbm4b:s10+s15], $0x80, v46, vm2, $0xb8;
	[tilespmem:$0xF300] =	vst v63  }
0x578: {  	s16 =	simm.s32 $0x4B00  }
0x579: {  	[tilespmem:s16], [sflag:$0x2] =	stream.indirect_vreg.gather [hbm4b:s1+s15], $0x80, v45, vm2, $0xb8;
	[tilespmem:$0xF300] =	vst v63  }
.Ltmp29:
0x57a: {  	_ = 	snop;
	(pc) =	sbr.rel .LBB2_30-.Ltmp29, $4  }
0x57b: {  	s16 =	simm.s32 $0x5300  }
0x57c: {  	[tilespmem:s16], [sflag:$0x2] =	stream.indirect_vreg.gather [hbm4b:s8+s15], $0x80, v45, vm2, $0xb8;
	[tilespmem:$0xF300] =	vst v63  }
0x57d: {  	s16 =	simm.s32 $0x5B00  }
0x57e: {  	[tilespmem:s16], [sflag:$0x2] =	stream.indirect_vreg.gather [hbm4b:s10+s15], $0x80, v45, vm2, $0xb8;
	[tilespmem:$0xF300] =	vst v63  }
.LBB2_29:
.Ltmp30:
0x57f: {  	(pc) =	sbr.rel @p5 .LBB2_40-.Ltmp30, $1  }
0x580: {  	_ =	sdelay $0x3  }
.LBB2_30:
0x581: {  	_ =	swait.ge [sflag:s29], $0x3000  }
0x582: {  	[sflag:s29] =	ssyncset.done $0x0  }
0x583: {  	[sflag:s29] =	ssyncadd.s32 $0xFFFFD000  }
0x584: {  	v45 =	vld [tilespmem:$0x180];
	_ =	sdelay $0x4  }
0x585: {  	v45 =	vshll.u32 v45, $0x8  }
0x586: {  	v45 =	vadd.s32 v40, v45  }
0x587: {  	v45 =	vshrl.u32 v45, $0x3  }
0x588: {  	v45 =	vmul.u32 $0x30, v45;
	_ =	sdelay $0x1  }
0x589: {  	v45 =	vor.u32 v41, v45  }
0x58a: {  	v46 =	vperm.xlane v45, v43;
	_ =	sdelay $0x1  }
0x58b: {  	v46 =	vadd.s32 v42, v46;
	_ =	sdelay $0x3  }
0x58c: {  	v45 =	vperm.xlane v45, v44  }
0x58d: {  	[hbm4b:s3+s15] =	stream.indirect_vreg.scatter [tilespmem:s23], [sflag:$0x5], $0x80, v46, vm2, $0xb8;
	[tilespmem:$0xF300] =	vst v63  }
0x58e: {  	v45 =	vadd.s32 v42, v45  }
0x58f: {  	[hbm4b:s6+s15] =	stream.indirect_vreg.scatter [tilespmem:s24], [sflag:$0x5], $0x80, v46, vm2, $0xb8;
	[tilespmem:$0xF300] =	vst v63  }
0x590: {  	_ = 	snop  }
0x591: {  	[hbm4b:s7+s15] =	stream.indirect_vreg.scatter [tilespmem:s25], [sflag:$0x5], $0x80, v46, vm2, $0xb8;
	[tilespmem:$0xF300] =	vst v63  }
0x592: {  	p5 =	slt.s32 s5, $0xA1  }
0x593: {  	[hbm4b:s3+s15] =	stream.indirect_vreg.scatter [tilespmem:s26], [sflag:$0x5], $0x80, v45, vm2, $0xb8;
	[tilespmem:$0xF300] =	vst v63  }
.Ltmp31:
0x594: {  	_ = 	snop;
	(pc) =	sbr.rel @p5 .LBB2_32-.Ltmp31, $4  }
0x595: {  	_ = 	snop  }
0x596: {  	[hbm4b:s6+s15] =	stream.indirect_vreg.scatter [tilespmem:s14], [sflag:$0x5], $0x80, v45, vm2, $0xb8;
	[tilespmem:$0xF300] =	vst v63  }
0x597: {  	_ = 	snop  }
0x598: {  	[hbm4b:s7+s15] =	stream.indirect_vreg.scatter [tilespmem:s13], [sflag:$0x5], $0x80, v45, vm2, $0xb8;
	[tilespmem:$0xF300] =	vst v63  }
0x599: {  	s16 =	simm.s32 $0x7  }
0x59a: {  	_ =	swait.ge [sflag:s16], $0x3000  }
0x59b: {  	[sflag:s16] =	ssyncset.done $0x0  }
0x59c: {  	[sflag:s16] =	ssyncadd.s32 $0xFFFFD000  }
0x59d: {  	v45 =	vld [tilespmem:$0x1A0];
	_ =	sdelay $0x4  }
0x59e: {  	v45 =	vshll.u32 v45, $0x8  }
0x59f: {  	v45 =	vadd.s32 v40, v45  }
0x5a0: {  	v45 =	vshrl.u32 v45, $0x3  }
0x5a1: {  	v45 =	vmul.u32 $0x30, v45;
	_ =	sdelay $0x1  }
0x5a2: {  	v45 =	vor.u32 v41, v45  }
0x5a3: {  	v46 =	vperm.xlane v45, v43;
	_ =	sdelay $0x1  }
0x5a4: {  	v46 =	vadd.s32 v42, v46;
	_ =	sdelay $0x3  }
0x5a5: {  	s16 =	simm.s32 $0x6300;
	v45 =	vperm.xlane v45, v44  }
0x5a6: {  	[tilespmem:s16], [sflag:$0x3] =	stream.indirect_vreg.gather [hbm4b:s1+s15], $0x80, v46, vm2, $0xb8;
	[tilespmem:$0xF300] =	vst v63  }
0x5a7: {  	v45 =	vadd.s32 v42, v45;
	s16 =	simm.s32 $0x6B00  }
0x5a8: {  	[tilespmem:s16], [sflag:$0x3] =	stream.indirect_vreg.gather [hbm4b:s8+s15], $0x80, v46, vm2, $0xb8;
	[tilespmem:$0xF300] =	vst v63  }
0x5a9: {  	s16 =	simm.s32 $0x7300  }
0x5aa: {  	[tilespmem:s16], [sflag:$0x3] =	stream.indirect_vreg.gather [hbm4b:s10+s15], $0x80, v46, vm2, $0xb8;
	[tilespmem:$0xF300] =	vst v63  }
0x5ab: {  	s16 =	simm.s32 $0x7B00  }
0x5ac: {  	[tilespmem:s16], [sflag:$0x3] =	stream.indirect_vreg.gather [hbm4b:s1+s15], $0x80, v45, vm2, $0xb8;
	[tilespmem:$0xF300] =	vst v63  }
.Ltmp32:
0x5ad: {  	_ = 	snop;
	(pc) =	sbr.rel .LBB2_33-.Ltmp32, $4  }
0x5ae: {  	s16 =	simm.s32 $0x8300  }
0x5af: {  	[tilespmem:s16], [sflag:$0x3] =	stream.indirect_vreg.gather [hbm4b:s8+s15], $0x80, v45, vm2, $0xb8;
	[tilespmem:$0xF300] =	vst v63  }
0x5b0: {  	s16 =	simm.s32 $0x8B00  }
0x5b1: {  	[tilespmem:s16], [sflag:$0x3] =	stream.indirect_vreg.gather [hbm4b:s10+s15], $0x80, v45, vm2, $0xb8;
	[tilespmem:$0xF300] =	vst v63  }
.LBB2_32:
.Ltmp33:
0x5b2: {  	(pc) =	sbr.rel @p2 .LBB2_40-.Ltmp33, $1  }
0x5b3: {  	_ =	sdelay $0x3  }
.LBB2_33:
0x5b4: {  	s16 =	simm.s32 $0x2  }
0x5b5: {  	_ =	swait.ge [sflag:s16], $0x3000  }
0x5b6: {  	[sflag:s16] =	ssyncset.done $0x0  }
0x5b7: {  	[sflag:s16] =	ssyncadd.s32 $0xFFFFD000  }
0x5b8: {  	v45 =	vld [tilespmem:$0x190];
	_ =	sdelay $0x4  }
0x5b9: {  	v45 =	vshll.u32 v45, $0x8  }
0x5ba: {  	v45 =	vadd.s32 v40, v45  }
0x5bb: {  	v45 =	vshrl.u32 v45, $0x3  }
0x5bc: {  	v45 =	vmul.u32 $0x30, v45;
	_ =	sdelay $0x1  }
0x5bd: {  	v45 =	vor.u32 v41, v45  }
0x5be: {  	v46 =	vperm.xlane v45, v43;
	_ =	sdelay $0x1  }
0x5bf: {  	v46 =	vadd.s32 v42, v46;
	_ =	sdelay $0x3  }
0x5c0: {  	s16 =	simm.s32 $0x3300;
	v45 =	vperm.xlane v45, v44  }
0x5c1: {  	[hbm4b:s3+s15] =	stream.indirect_vreg.scatter [tilespmem:s16], [sflag:$0x6], $0x80, v46, vm2, $0xb8;
	[tilespmem:$0xF300] =	vst v63  }
0x5c2: {  	v45 =	vadd.s32 v42, v45;
	s16 =	simm.s32 $0x3B00  }
0x5c3: {  	[hbm4b:s6+s15] =	stream.indirect_vreg.scatter [tilespmem:s16], [sflag:$0x6], $0x80, v46, vm2, $0xb8;
	[tilespmem:$0xF300] =	vst v63  }
0x5c4: {  	s16 =	simm.s32 $0x4300  }
0x5c5: {  	[hbm4b:s7+s15] =	stream.indirect_vreg.scatter [tilespmem:s16], [sflag:$0x6], $0x80, v46, vm2, $0xb8;
	[tilespmem:$0xF300] =	vst v63  }
0x5c6: {  	p3 =	slt.s32 s5, $0xB1;
	s16 =	simm.s32 $0x4B00  }
0x5c7: {  	[hbm4b:s3+s15] =	stream.indirect_vreg.scatter [tilespmem:s16], [sflag:$0x6], $0x80, v45, vm2, $0xb8;
	[tilespmem:$0xF300] =	vst v63  }
.Ltmp34:
0x5c8: {  	_ = 	snop;
	(pc) =	sbr.rel @p3 .LBB2_35-.Ltmp34, $4  }
0x5c9: {  	s16 =	simm.s32 $0x5300  }
0x5ca: {  	[hbm4b:s6+s15] =	stream.indirect_vreg.scatter [tilespmem:s16], [sflag:$0x6], $0x80, v45, vm2, $0xb8;
	[tilespmem:$0xF300] =	vst v63  }
0x5cb: {  	s16 =	simm.s32 $0x5B00  }
0x5cc: {  	[hbm4b:s7+s15] =	stream.indirect_vreg.scatter [tilespmem:s16], [sflag:$0x6], $0x80, v45, vm2, $0xb8;
	[tilespmem:$0xF300] =	vst v63  }
0x5cd: {  	s16 =	simm.s32 $0x8  }
0x5ce: {  	_ =	swait.ge [sflag:s16], $0x3000  }
0x5cf: {  	[sflag:s16] =	ssyncset.done $0x0  }
0x5d0: {  	[sflag:s16] =	ssyncadd.s32 $0xFFFFD000  }
0x5d1: {  	v45 =	vld [tilespmem:$0x1B0];
	_ =	sdelay $0x4  }
0x5d2: {  	v45 =	vshll.u32 v45, $0x8  }
0x5d3: {  	v45 =	vadd.s32 v40, v45  }
0x5d4: {  	v45 =	vshrl.u32 v45, $0x3  }
0x5d5: {  	v45 =	vmul.u32 $0x30, v45;
	_ =	sdelay $0x1  }
0x5d6: {  	v45 =	vor.u32 v41, v45  }
0x5d7: {  	v46 =	vperm.xlane v45, v43;
	_ =	sdelay $0x1  }
0x5d8: {  	v46 =	vadd.s32 v42, v46;
	_ =	sdelay $0x3  }
0x5d9: {  	s16 =	simm.s32 $0x9300;
	v45 =	vperm.xlane v45, v44  }
0x5da: {  	[tilespmem:s16], [sflag:$0x4] =	stream.indirect_vreg.gather [hbm4b:s1+s15], $0x80, v46, vm2, $0xb8;
	[tilespmem:$0xF300] =	vst v63  }
0x5db: {  	v45 =	vadd.s32 v42, v45;
	s16 =	simm.s32 $0x9B00  }
0x5dc: {  	[tilespmem:s16], [sflag:$0x4] =	stream.indirect_vreg.gather [hbm4b:s8+s15], $0x80, v46, vm2, $0xb8;
	[tilespmem:$0xF300] =	vst v63  }
0x5dd: {  	s16 =	simm.s32 $0xA300  }
0x5de: {  	[tilespmem:s16], [sflag:$0x4] =	stream.indirect_vreg.gather [hbm4b:s10+s15], $0x80, v46, vm2, $0xb8;
	[tilespmem:$0xF300] =	vst v63  }
0x5df: {  	s16 =	simm.s32 $0xAB00  }
0x5e0: {  	[tilespmem:s16], [sflag:$0x4] =	stream.indirect_vreg.gather [hbm4b:s1+s15], $0x80, v45, vm2, $0xb8;
	[tilespmem:$0xF300] =	vst v63  }
.Ltmp35:
0x5e1: {  	_ = 	snop;
	(pc) =	sbr.rel .LBB2_36-.Ltmp35, $4  }
0x5e2: {  	s16 =	simm.s32 $0xB300  }
0x5e3: {  	[tilespmem:s16], [sflag:$0x4] =	stream.indirect_vreg.gather [hbm4b:s8+s15], $0x80, v45, vm2, $0xb8;
	[tilespmem:$0xF300] =	vst v63  }
0x5e4: {  	s16 =	simm.s32 $0xBB00  }
0x5e5: {  	[tilespmem:s16], [sflag:$0x4] =	stream.indirect_vreg.gather [hbm4b:s10+s15], $0x80, v45, vm2, $0xb8;
	[tilespmem:$0xF300] =	vst v63  }
.LBB2_35:
.Ltmp36:
0x5e6: {  	(pc) =	sbr.rel @p5 .LBB2_40-.Ltmp36, $1  }
0x5e7: {  	_ =	sdelay $0x3  }
.LBB2_36:
0x5e8: {  	s16 =	simm.s32 $0x3  }
0x5e9: {  	_ =	swait.ge [sflag:s16], $0x3000  }
0x5ea: {  	[sflag:s16] =	ssyncset.done $0x0  }
0x5eb: {  	[sflag:s16] =	ssyncadd.s32 $0xFFFFD000  }
0x5ec: {  	v45 =	vld [tilespmem:$0x1A0];
	_ =	sdelay $0x4  }
0x5ed: {  	v45 =	vshll.u32 v45, $0x8  }
0x5ee: {  	v45 =	vadd.s32 v40, v45  }
0x5ef: {  	v45 =	vshrl.u32 v45, $0x3  }
0x5f0: {  	v45 =	vmul.u32 $0x30, v45;
	_ =	sdelay $0x1  }
0x5f1: {  	v45 =	vor.u32 v41, v45  }
0x5f2: {  	v46 =	vperm.xlane v45, v43;
	_ =	sdelay $0x1  }
0x5f3: {  	v46 =	vadd.s32 v42, v46;
	_ =	sdelay $0x3  }
0x5f4: {  	s16 =	simm.s32 $0x6300;
	v45 =	vperm.xlane v45, v44  }
0x5f5: {  	[hbm4b:s3+s15] =	stream.indirect_vreg.scatter [tilespmem:s16], [sflag:$0x7], $0x80, v46, vm2, $0xb8;
	[tilespmem:$0xF300] =	vst v63  }
0x5f6: {  	v45 =	vadd.s32 v42, v45;
	s16 =	simm.s32 $0x6B00  }
0x5f7: {  	[hbm4b:s6+s15] =	stream.indirect_vreg.scatter [tilespmem:s16], [sflag:$0x7], $0x80, v46, vm2, $0xb8;
	[tilespmem:$0xF300] =	vst v63  }
0x5f8: {  	s16 =	simm.s32 $0x7300  }
0x5f9: {  	[hbm4b:s7+s15] =	stream.indirect_vreg.scatter [tilespmem:s16], [sflag:$0x7], $0x80, v46, vm2, $0xb8;
	[tilespmem:$0xF300] =	vst v63  }
0x5fa: {  	p2 =	slt.s32 s5, $0xC1;
	s16 =	simm.s32 $0x7B00  }
0x5fb: {  	[hbm4b:s3+s15] =	stream.indirect_vreg.scatter [tilespmem:s16], [sflag:$0x7], $0x80, v45, vm2, $0xb8;
	[tilespmem:$0xF300] =	vst v63  }
.Ltmp37:
0x5fc: {  	_ = 	snop;
	(pc) =	sbr.rel @!p2 .LBB2_37-.Ltmp37, $4  }
0x5fd: {  	s16 =	simm.s32 $0x8300  }
0x5fe: {  	[hbm4b:s6+s15] =	stream.indirect_vreg.scatter [tilespmem:s16], [sflag:$0x7], $0x80, v45, vm2, $0xb8;
	[tilespmem:$0xF300] =	vst v63  }
0x5ff: {  	s16 =	simm.s32 $0x8B00  }
0x600: {  	[hbm4b:s7+s15] =	stream.indirect_vreg.scatter [tilespmem:s16], [sflag:$0x7], $0x80, v45, vm2, $0xb8;
	[tilespmem:$0xF300] =	vst v63  }
.Ltmp38:
0x601: {  	(pc) =	sbr.rel @p3 .LBB2_40-.Ltmp38, $4  }
.Ltmp39:
0x602: {  	(pc) =	sbr.rel @!p3 .LBB2_39-.Ltmp39, $4  }
0x603: {  	_ = 	snop  }
0x604: {  	_ = 	snop  }
0x605: {  	_ = 	snop  }
0x606: {  	_ = 	snop  }
.LBB2_42:
0x607: {  	_ =	sfence.sel $0x180000  }
0x608: {  	[bflag:$0x0] =	sbarrier.arrive $0xFFFF  }
0x609: {  	_ =	strace $0x90000047  }
0x60a: {  	s0 =	stileid.u32;
	[bflag:$0x2] =	sbarrier.arrive $0xFFFF  }
0x60b: {  	p0 =	sne.s32 s0, $0x0;
	s0 =	rddreg [dreg:$0x4]  }
0x60c: {  	s0 =	sadd.s32 @!p0 $0x100000, s0  }
0x60d: {  	[sflag:s0] =	ssyncadd.tile.s32 @!p0 $0x1;
	_ =	shalt  }
.Lfunc_end2:
_tile_overlayer_lowered:
.L_overlay_start_2:
0x60e: {  	(tag) =	ssettag $0x2  }
0x60f: {  	s0 =	rddreg [dreg:$0x0];
	s2 =	stileid.u32  }
0x610: {  	s1 =	rddreg [dreg:$0x1];
	p0 =	sne.s32 s2, $0x0  }
0x611: {  	s3 =	rddreg [dreg:$0x2];
	[bflag:$0x3] =	sbarrier.arrive $0xFFFF;
	s2 =	simm.s32 @!p0 $0x1C0A  }
0x612: {  	[timem:s3], [sflag:s2] =	dma.local @!p0 [hbm:s0], s1  }
0x613: {  	s0 =	simm.s32 @!p0 $0xA  }
0x614: {  	_ =	swait.ge @!p0 [sflag:s0], s1  }
0x615: {  	s1 =	ssub.s32 @!p0 $0x0, s1;
	[sflag:s0] =	ssyncset.done @!p0 $0x0  }
0x616: {  	[sflag:s0] =	ssyncadd.s32 @!p0 s1  }
0x617: {  	[bflag:$0x3] =	sbarrier.arrive $0xFFFF  }
0x618: {  	_ =	shalt  }

</sc_bundles>
